<compile_context>
chip_gen: v7x
topology: tpu7x:2x2x1
jax: 0.10.2.dev20260603
libtpu: 0.0.44.dev20260713+nightly
codegen_flags: <defaults>
</compile_context>

<pallas_src>
import functools

import jax
import jax.numpy as jnp
import numpy as _np
from jax import lax
from jax._src import config as _config
from jax.experimental import pallas as pl
from jax.experimental.pallas import tpu as pltpu
from jax.experimental.pallas import tpu_sc as plsc

N = 10000
E = 320000
D = 128
H = 8
DH = 16
ALPHA = 0.2

NC = 2
NS = 16
NW = NC * NS
EPW = E // NW
C = 80
NCHUNK = EPW // C
NPAD = 10240
ROWS_PER_TILE = NPAD // NS
TD = 144

_PERM = _np.empty(128, dtype=_np.int32)
for _p in range(4):
    for _j in range(16):
        _PERM[32 * _p + 2 * _j] = 32 * _p + _j
        _PERM[32 * _p + 2 * _j + 1] = 32 * _p + 16 + _j



def _proj_body(x_ref, w_ref, a1_ref, a2_ref, tdf_ref, ts1_ref, ts2_ref):
    xb = x_ref[...]
    hf = jnp.dot(xb, w_ref[...], preferred_element_type=jnp.float32)
    s1 = jnp.dot(hf, a1_ref[...], preferred_element_type=jnp.float32)
    s2 = jnp.dot(hf, a2_ref[...], preferred_element_type=jnp.float32)
    z8 = jnp.zeros((xb.shape[0], 8), jnp.float32)
    tdf_ref[...] = hf.astype(jnp.bfloat16)
    ts1_ref[...] = jnp.concatenate([s1, z8], axis=1)
    ts2_ref[...] = jnp.concatenate([s2, z8], axis=1)


def _finish_body(p_ref, r_ref, node_ref):
    s = p_ref[0] + p_ref[1]
    hp = s[:, :128]
    rs = s[:, 128:136]
    denom = jnp.dot(rs, r_ref[...], preferred_element_type=jnp.float32) + 1e-16
    v = hp / denom
    node_ref[...] = jnp.where(v > 0, v, jnp.exp(v) - 1.0)


def _finish_proj_body(p_ref, r_ref, w_ref, a1_ref, a2_ref,
                      tdf_ref, ts1_ref, ts2_ref):
    s = p_ref[0] + p_ref[1]
    hp = s[:, :128]
    rs = s[:, 128:136]
    denom = jnp.dot(rs, r_ref[...], preferred_element_type=jnp.float32) + 1e-16
    v = hp / denom
    node = jnp.where(v > 0, v, jnp.exp(v) - 1.0)
    hf = jnp.dot(node, w_ref[...], preferred_element_type=jnp.float32)
    s1 = jnp.dot(hf, a1_ref[...], preferred_element_type=jnp.float32)
    s2 = jnp.dot(hf, a2_ref[...], preferred_element_type=jnp.float32)
    z8 = jnp.zeros((node.shape[0], 8), jnp.float32)
    tdf_ref[...] = hf.astype(jnp.bfloat16)
    ts1_ref[...] = jnp.concatenate([s1, z8], axis=1)
    ts2_ref[...] = jnp.concatenate([s2, z8], axis=1)


BN = 1000


def _tc_proj(x, wflat, a1m, a2m):
    return pl.pallas_call(
        _proj_body,
        grid=(N // BN,),
        in_specs=[
            pl.BlockSpec((BN, D), lambda i: (i, 0)),
            pl.BlockSpec((D, D), lambda i: (0, 0)),
            pl.BlockSpec((D, H), lambda i: (0, 0)),
            pl.BlockSpec((D, H), lambda i: (0, 0)),
        ],
        out_specs=[
            pl.BlockSpec((BN, D), lambda i: (i, 0)),
            pl.BlockSpec((BN, 16), lambda i: (i, 0)),
            pl.BlockSpec((BN, 16), lambda i: (i, 0)),
        ],
        out_shape=[
            jax.ShapeDtypeStruct((N, D), jnp.bfloat16),
            jax.ShapeDtypeStruct((N, 16), jnp.float32),
            jax.ShapeDtypeStruct((N, 16), jnp.float32),
        ],
    )(x, wflat, a1m, a2m)


def _tc_finish_proj(p, rmat, wflat, a1m, a2m):
    return pl.pallas_call(
        _finish_proj_body,
        grid=(N // BN,),
        in_specs=[
            pl.BlockSpec((2, BN, TD), lambda i: (0, i, 0)),
            pl.BlockSpec((H, D), lambda i: (0, 0)),
            pl.BlockSpec((D, D), lambda i: (0, 0)),
            pl.BlockSpec((D, H), lambda i: (0, 0)),
            pl.BlockSpec((D, H), lambda i: (0, 0)),
        ],
        out_specs=[
            pl.BlockSpec((BN, D), lambda i: (i, 0)),
            pl.BlockSpec((BN, 16), lambda i: (i, 0)),
            pl.BlockSpec((BN, 16), lambda i: (i, 0)),
        ],
        out_shape=[
            jax.ShapeDtypeStruct((N, D), jnp.bfloat16),
            jax.ShapeDtypeStruct((N, 16), jnp.float32),
            jax.ShapeDtypeStruct((N, 16), jnp.float32),
        ],
    )(p, rmat, wflat, a1m, a2m)


def _tc_finish(p, rmat):
    return pl.pallas_call(
        _finish_body,
        grid=(N // BN,),
        in_specs=[
            pl.BlockSpec((2, BN, TD), lambda i: (0, i, 0)),
            pl.BlockSpec((H, D), lambda i: (0, 0)),
        ],
        out_specs=pl.BlockSpec((BN, D), lambda i: (i, 0)),
        out_shape=jax.ShapeDtypeStruct((N, D), jnp.float32),
    )(p, rmat)



def _sc_edges_body(src_hbm, dst_hbm, tdf_hbm, ts1_hbm, ts2_hbm, zero_hbm,
                   out_hbm,
                   s_idx0, d_idx0, rdf0, rs1_0, rs2_0, wrow0, c_idx0,
                   s_idx1, d_idx1, rdf1, rs1_1, rs2_1, wrow1, c_idx1,
                   acc,
                   semi0, semf0, sem10, sem20, semw0,
                   semi1, semf1, sem11, sem21, semw1):
    cid = lax.axis_index("c")
    sid = lax.axis_index("s")
    wid = cid * jnp.int32(NS) + sid
    row0 = sid * jnp.int32(ROWS_PER_TILE)

    bufs = ((s_idx0, d_idx0, rdf0, rs1_0, rs2_0, wrow0, c_idx0,
             semi0, semf0, sem10, sem20, semw0),
            (s_idx1, d_idx1, rdf1, rs1_1, rs2_1, wrow1, c_idx1,
             semi1, semf1, sem11, sem21, semw1))

    def issue_idx(k, b):
        s_idx, d_idx = bufs[b][0], bufs[b][1]
        semi = bufs[b][7]
        base = wid * jnp.int32(EPW) + k * jnp.int32(C)
        pltpu.async_copy(src_hbm.at[pl.ds(base, C)], s_idx, semi)
        pltpu.async_copy(dst_hbm.at[pl.ds(base, C)], d_idx, semi)

    def wait_idx(b):
        s_idx, d_idx = bufs[b][0], bufs[b][1]
        semi = bufs[b][7]
        pltpu.make_async_copy(src_hbm.at[pl.ds(0, C)], s_idx, semi).wait()
        pltpu.make_async_copy(dst_hbm.at[pl.ds(0, C)], d_idx, semi).wait()

    def issue_rows(b):
        s_idx, d_idx, rdf, rs1, rs2 = bufs[b][:5]
        semf, sem1, sem2 = bufs[b][8], bufs[b][9], bufs[b][10]
        pltpu.async_copy(tdf_hbm.at[d_idx], rdf, semf)
        pltpu.async_copy(ts1_hbm.at[s_idx], rs1, sem1)
        pltpu.async_copy(ts2_hbm.at[d_idx], rs2, sem2)

    def wait_rows(b):
        s_idx, d_idx, rdf, rs1, rs2 = bufs[b][:5]
        semf, sem1, sem2 = bufs[b][8], bufs[b][9], bufs[b][10]
        pltpu.make_async_copy(tdf_hbm.at[d_idx], rdf, semf).wait()
        pltpu.make_async_copy(ts1_hbm.at[s_idx], rs1, sem1).wait()
        pltpu.make_async_copy(ts2_hbm.at[d_idx], rs2, sem2).wait()

    def wait_scatter(b):
        wrow, c_idx, semw = bufs[b][5], bufs[b][6], bufs[b][11]
        pltpu.make_async_copy(wrow, acc.at[c_idx], semw).wait()

    def copy_scatter_idx(b):
        s_idx, c_idx = bufs[b][0], bufs[b][6]
        for r in range(C // 16):
            c_idx[pl.ds(r * 16, 16)] = s_idx[pl.ds(r * 16, 16)]

    def compute_scatter(b):
        _, _, rdf, rs1, rs2, wrow, c_idx = bufs[b][:7]
        semw = bufs[b][11]

        @plsc.parallel_loop(0, C)
        def edge(i):
            t = rs1[i, :] + rs2[i, :]
            lr = jnp.where(t >= 0, t, ALPHA * t)
            e = jnp.exp(-lr)
            wrow[i, pl.ds(128, 16)] = e
            for p in range(4):
                pair = rdf[i, pl.ds(p * 32, 32)]
                fa, fb = plsc.unpack(pair, format=plsc.PackFormat.INTERLEAVED)
                wrow[i, pl.ds(p * 32, 16)] = fa * e[2 * p]
                wrow[i, pl.ds(p * 32 + 16, 16)] = fb * e[2 * p + 1]

        pltpu.async_copy(wrow, acc.at[c_idx], semw, add=True)

    pltpu.sync_copy(zero_hbm, acc.at[pl.ds(row0, ROWS_PER_TILE)])
    plsc.subcore_barrier()

    issue_idx(jnp.int32(0), 0)
    issue_idx(jnp.int32(1), 1)
    wait_idx(0)
    issue_rows(0)

    def body2(j, carry):
        k = j * jnp.int32(2)

        wait_idx(1)
        issue_rows(1)
        wait_rows(0)

        @pl.when(j > 0)
        def _():
            wait_scatter(0)

        copy_scatter_idx(0)

        @pl.when(k + 2 < NCHUNK)
        def _():
            issue_idx(k + 2, 0)

        compute_scatter(0)

        @pl.when(k + 2 < NCHUNK)
        def _():
            wait_idx(0)
            issue_rows(0)

        wait_rows(1)

        @pl.when(j > 0)
        def _():
            wait_scatter(1)

        copy_scatter_idx(1)

        @pl.when(k + 3 < NCHUNK)
        def _():
            issue_idx(k + 3, 1)

        compute_scatter(1)
        return carry

    lax.fori_loop(jnp.int32(0), jnp.int32(NCHUNK // 2), body2, jnp.int32(0))
    wait_rows(0)
    wait_scatter(0)
    copy_scatter_idx(0)
    compute_scatter(0)
    wait_scatter(0)
    wait_scatter(1)
    plsc.subcore_barrier()
    pltpu.sync_copy(acc.at[pl.ds(row0, ROWS_PER_TILE)],
                    out_hbm.at[cid, pl.ds(row0, ROWS_PER_TILE)])


_sc_edges = functools.partial(
    pl.kernel,
    out_type=jax.ShapeDtypeStruct((NC, NPAD, TD), jnp.float32),
    mesh=plsc.VectorSubcoreMesh(core_axis_name="c", subcore_axis_name="s"),
    compiler_params=pltpu.CompilerParams(use_tc_tiling_on_sc=False,
                                         needs_layout_passes=False),
    scratch_types=[
        pltpu.VMEM((C,), jnp.int32),
        pltpu.VMEM((C,), jnp.int32),
        pltpu.VMEM((C, D), jnp.bfloat16),
        pltpu.VMEM((C, 16), jnp.float32),
        pltpu.VMEM((C, 16), jnp.float32),
        pltpu.VMEM((C, TD), jnp.float32),
        pltpu.VMEM((C,), jnp.int32),
        pltpu.VMEM((C,), jnp.int32),
        pltpu.VMEM((C,), jnp.int32),
        pltpu.VMEM((C, D), jnp.bfloat16),
        pltpu.VMEM((C, 16), jnp.float32),
        pltpu.VMEM((C, 16), jnp.float32),
        pltpu.VMEM((C, TD), jnp.float32),
        pltpu.VMEM((C,), jnp.int32),
        pltpu.VMEM_SHARED((NPAD, TD), jnp.float32),
        pltpu.SemaphoreType.DMA,
        pltpu.SemaphoreType.DMA,
        pltpu.SemaphoreType.DMA,
        pltpu.SemaphoreType.DMA,
        pltpu.SemaphoreType.DMA,
        pltpu.SemaphoreType.DMA,
        pltpu.SemaphoreType.DMA,
        pltpu.SemaphoreType.DMA,
        pltpu.SemaphoreType.DMA,
        pltpu.SemaphoreType.DMA,
    ],
)(_sc_edges_body)



def _layer_weights(Wl, al):
    wflat = jnp.transpose(Wl, (1, 0, 2)).reshape(D, H * DH)[:, _PERM]
    a1 = al[:, :DH]
    a2 = al[:, DH:]
    eye = jnp.eye(H, dtype=jnp.float32)
    a1m = (a1[:, :, None] * eye[:, None, :]).reshape(H * DH, H)[_PERM, :]
    a2m = (a2[:, :, None] * eye[:, None, :]).reshape(H * DH, H)[_PERM, :]
    return wflat, a1m, a2m


def kernel(x, adj, W, a):
    with _config.enable_x64(False):
        x = x.astype(jnp.float32)
        src = adj[0].astype(jnp.int32)
        dst = adj[1].astype(jnp.int32)
        W = W.astype(jnp.float32)
        a = a.astype(jnp.float32)
        zero = jnp.zeros((ROWS_PER_TILE, TD), jnp.float32)
        rmat = jnp.repeat(jnp.eye(H, dtype=jnp.float32), DH, axis=1)

        w0, a1m0, a2m0 = _layer_weights(W[0], a[0])
        w1, a1m1, a2m1 = _layer_weights(W[1], a[1])

        tdf, ts1, ts2 = _tc_proj(x, w0, a1m0, a2m0)
        p = _sc_edges(src, dst, tdf, ts1, ts2, zero)
        tdf, ts1, ts2 = _tc_finish_proj(p, rmat, w1, a1m1, a2m1)
        p = _sc_edges(src, dst, tdf, ts1, ts2, zero)
        return _tc_finish(p, rmat)

# --- scband reference (transcript-rebuilt; emitter-appended) ---
"""Pipeline reference for scband-sp-gat-24223615549476 (READ-ONLY COPY).

The authoritative reference and input builder live on the scoring server;
editing this copy changes nothing except your own understanding.
"""

import jax
jax.config.update('jax_enable_x64', True)
import jax.numpy as jnp
import numpy as np

N = 10000
E = 320000
D = 128
H = 8
DH = 16  # dim_out // nheads = 128 // 8
L = 2
ALPHA = 0.2


def setup_inputs(seed: int = 0) -> dict:
    key = jax.random.key(seed)
    k1, k2, k3, k4 = jax.random.split(key, 4)
    x = jax.random.normal(k1, (N, D), dtype=jnp.float32)
    adj = jax.random.randint(k2, (2, E), 0, N, dtype=jnp.int64)
    # Per-layer, per-head projection weights W[l,h]: [D, DH] and attention vectors a[l,h]: [2*DH]
    # (layer 0 and layer 1 both have dim_in = 128 since dim_out = 128)
    W = jax.random.normal(k3, (L, H, D, DH), dtype=jnp.float32) * 0.1
    a = jax.random.normal(k4, (L, H, 2 * DH), dtype=jnp.float32) * 0.1
    return {"x": x, "adj": adj, "W": W, "a": a}


def _sp_att_layer(x, Wl, al, src, dst):
    # Sparse multi-head GAT layer (pyGAT SpGraphAttentionLayer, concat=True)
    outs = []
    for hi in range(H):
        h = x @ Wl[hi]                                        # [N, DH]
        edge_h = jnp.concatenate([h[src], h[dst]], axis=1)    # [E, 2*DH] gather
        e = jnp.exp(-jax.nn.leaky_relu(edge_h @ al[hi], ALPHA))  # [E]
        rowsum = jax.ops.segment_sum(e, src, num_segments=N)  # [N] scatter-add
        hp = jax.ops.segment_sum(e[:, None] * h[dst], src, num_segments=N)  # [N, DH]
        hp = hp / (rowsum[:, None] + 1e-16)
        outs.append(jax.nn.elu(hp))
    return jnp.concatenate(outs, axis=1)                      # [N, H*DH] = [N, 128]


def reference(x, adj, W, a):
    # dropout_rate = 0.0 -> dropout is identity
    src = adj[0]
    dst = adj[1]
    out = x
    for l in range(L):
        out = _sp_att_layer(out, W[l], a[l], src, dst)
    return out

if __name__ == "__main__":
    import jax
    _d = setup_inputs()
    print(jax.jit(kernel)(*tuple(_d.values())))

</pallas_src>

<mosaic_0001>
#map = affine_map<(d0, d1) -> (0)>
#map1 = affine_map<(d0, d1) -> (0, 0)>
#map2 = affine_map<(d0, d1) -> (0, 0, 0)>
module attributes {stable_mosaic.version = 14 : i64} {
  func.func @_sc_edges_body(%arg0: i32, %arg1: i32, %arg2: memref<320000xi32, #tpu.memory_space<hbm>>, %arg3: memref<320000xi32, #tpu.memory_space<hbm>>, %arg4: memref<10000x128xbf16, #tpu.memory_space<hbm>>, %arg5: memref<10000x16xf32, #tpu.memory_space<hbm>>, %arg6: memref<10000x16xf32, #tpu.memory_space<hbm>>, %arg7: memref<640x144xf32, #tpu.memory_space<hbm>>, %arg8: memref<2x10240x144xf32, #tpu.memory_space<hbm>>, %arg9: memref<80xi32, #tpu.memory_space<vmem>>, %arg10: memref<80xi32, #tpu.memory_space<vmem>>, %arg11: memref<80x128xbf16, #tpu.memory_space<vmem>>, %arg12: memref<80x16xf32, #tpu.memory_space<vmem>>, %arg13: memref<80x16xf32, #tpu.memory_space<vmem>>, %arg14: memref<80x144xf32, #tpu.memory_space<vmem>>, %arg15: memref<80xi32, #tpu.memory_space<vmem>>, %arg16: memref<80xi32, #tpu.memory_space<vmem>>, %arg17: memref<80xi32, #tpu.memory_space<vmem>>, %arg18: memref<80x128xbf16, #tpu.memory_space<vmem>>, %arg19: memref<80x16xf32, #tpu.memory_space<vmem>>, %arg20: memref<80x16xf32, #tpu.memory_space<vmem>>, %arg21: memref<80x144xf32, #tpu.memory_space<vmem>>, %arg22: memref<80xi32, #tpu.memory_space<vmem>>, %arg23: memref<10240x144xf32, #tpu.memory_space<vmem_shared>>, %arg24: memref<!tpu.dma_semaphore, #tpu.memory_space<semaphore_mem>>, %arg25: memref<!tpu.dma_semaphore, #tpu.memory_space<semaphore_mem>>, %arg26: memref<!tpu.dma_semaphore, #tpu.memory_space<semaphore_mem>>, %arg27: memref<!tpu.dma_semaphore, #tpu.memory_space<semaphore_mem>>, %arg28: memref<!tpu.dma_semaphore, #tpu.memory_space<semaphore_mem>>, %arg29: memref<!tpu.dma_semaphore, #tpu.memory_space<semaphore_mem>>, %arg30: memref<!tpu.dma_semaphore, #tpu.memory_space<semaphore_mem>>, %arg31: memref<!tpu.dma_semaphore, #tpu.memory_space<semaphore_mem>>, %arg32: memref<!tpu.dma_semaphore, #tpu.memory_space<semaphore_mem>>, %arg33: memref<!tpu.dma_semaphore, #tpu.memory_space<semaphore_mem>>) attributes {dimension_semantics = [#tpu.dimension_semantics<core_parallel>, #tpu.dimension_semantics<subcore_parallel>], iteration_bounds = array<i64: 2, 16>, scalar_prefetch = 0 : i64, scratch_operands = 25 : i64, tpu.core_type = #tpu.core_type<sc_vector_subcore>, window_params = [{transform_indices = #map}, {transform_indices = #map}, {transform_indices = #map1}, {transform_indices = #map1}, {transform_indices = #map1}, {transform_indices = #map1}, {transform_indices = #map2}]} {
    %mul3A = arith.constant 16 : i32
    %mul3A_0 = arith.muli %arg0, %mul3A : i32
    %add3A = arith.addi %mul3A_0, %arg1 : i32
    %mul3A_1 = arith.constant 640 : i32
    %mul3A_2 = arith.muli %arg1, %mul3A_1 : i32
    "tpu.region"() ({
      %run_scoped3A = tpu.sem_alloc : memref<!tpu.dma_semaphore, #tpu.memory_space<semaphore_mem>>
      %dma_start3A_90 = arith.constant 0 : i32
      %dma_start3A_91 = tpu.memref_slice %arg23[%mul3A_2, %dma_start3A_90] : memref<10240x144xf32, #tpu.memory_space<vmem_shared>> -> memref<640x144xf32, #tpu.memory_space<vmem_shared>>
      tpu.enqueue_dma source(%arg7 : memref<640x144xf32, #tpu.memory_space<hbm>>) target(%dma_start3A_91 : memref<640x144xf32, #tpu.memory_space<vmem_shared>>) target_semaphore(%run_scoped3A : memref<!tpu.dma_semaphore, #tpu.memory_space<semaphore_mem>>)
      %dma_wait3A_92 = arith.constant 0 : i32
      %dma_wait3A_93 = tpu.memref_slice %arg23[%mul3A_2, %dma_wait3A_92] : memref<10240x144xf32, #tpu.memory_space<vmem_shared>> -> memref<640x144xf32, #tpu.memory_space<vmem_shared>>
      tpu.wait_dma2 semaphore(%run_scoped3A : memref<!tpu.dma_semaphore, #tpu.memory_space<semaphore_mem>>) src(%arg7 : memref<640x144xf32, #tpu.memory_space<hbm>>) dst(%dma_wait3A_93 : memref<640x144xf32, #tpu.memory_space<vmem_shared>>)
      tpu.yield
    }) : () -> ()
    %barrier3A = arith.constant 0 : index
    tpu.barrier barrier_id(%barrier3A)
    %mul3A_3 = arith.constant 10000 : i32
    %mul3A_4 = arith.muli %add3A, %mul3A_3 : i32
    %mul3A_5 = arith.constant 0 : i32
    %mul3A_6 = arith.constant 80 : i32
    %mul3A_7 = arith.muli %mul3A_5, %mul3A_6 : i32
    %add3A_8 = arith.addi %mul3A_4, %mul3A_7 : i32
    %dma_start3A = tpu.memref_slice %arg2[%add3A_8] : memref<320000xi32, #tpu.memory_space<hbm>> -> memref<80xi32, #tpu.memory_space<hbm>>
    %dma_start3A_9 = tpu.memref_slice %arg2[%add3A_8] : memref<320000xi32, #tpu.memory_space<hbm>> -> memref<80xi32, #tpu.memory_space<hbm>>
    tpu.enqueue_dma source(%dma_start3A_9 : memref<80xi32, #tpu.memory_space<hbm>>) target(%arg9 : memref<80xi32, #tpu.memory_space<vmem>>) target_semaphore(%arg24 : memref<!tpu.dma_semaphore, #tpu.memory_space<semaphore_mem>>)
    %dma_start3A_10 = tpu.memref_slice %arg3[%add3A_8] : memref<320000xi32, #tpu.memory_space<hbm>> -> memref<80xi32, #tpu.memory_space<hbm>>
    %dma_start3A_11 = tpu.memref_slice %arg3[%add3A_8] : memref<320000xi32, #tpu.memory_space<hbm>> -> memref<80xi32, #tpu.memory_space<hbm>>
    tpu.enqueue_dma source(%dma_start3A_11 : memref<80xi32, #tpu.memory_space<hbm>>) target(%arg10 : memref<80xi32, #tpu.memory_space<vmem>>) target_semaphore(%arg24 : memref<!tpu.dma_semaphore, #tpu.memory_space<semaphore_mem>>)
    %mul3A_12 = arith.constant 10000 : i32
    %mul3A_13 = arith.muli %add3A, %mul3A_12 : i32
    %mul3A_14 = arith.constant 1 : i32
    %mul3A_15 = arith.constant 80 : i32
    %mul3A_16 = arith.muli %mul3A_14, %mul3A_15 : i32
    %add3A_17 = arith.addi %mul3A_13, %mul3A_16 : i32
    %dma_start3A_18 = tpu.memref_slice %arg2[%add3A_17] : memref<320000xi32, #tpu.memory_space<hbm>> -> memref<80xi32, #tpu.memory_space<hbm>>
    %dma_start3A_19 = tpu.memref_slice %arg2[%add3A_17] : memref<320000xi32, #tpu.memory_space<hbm>> -> memref<80xi32, #tpu.memory_space<hbm>>
    tpu.enqueue_dma source(%dma_start3A_19 : memref<80xi32, #tpu.memory_space<hbm>>) target(%arg16 : memref<80xi32, #tpu.memory_space<vmem>>) target_semaphore(%arg29 : memref<!tpu.dma_semaphore, #tpu.memory_space<semaphore_mem>>)
    %dma_start3A_20 = tpu.memref_slice %arg3[%add3A_17] : memref<320000xi32, #tpu.memory_space<hbm>> -> memref<80xi32, #tpu.memory_space<hbm>>
    %dma_start3A_21 = tpu.memref_slice %arg3[%add3A_17] : memref<320000xi32, #tpu.memory_space<hbm>> -> memref<80xi32, #tpu.memory_space<hbm>>
    tpu.enqueue_dma source(%dma_start3A_21 : memref<80xi32, #tpu.memory_space<hbm>>) target(%arg17 : memref<80xi32, #tpu.memory_space<vmem>>) target_semaphore(%arg29 : memref<!tpu.dma_semaphore, #tpu.memory_space<semaphore_mem>>)
    %dma_wait3A = arith.constant 0 : i32
    %dma_wait3A_22 = tpu.memref_slice %arg2[%dma_wait3A] : memref<320000xi32, #tpu.memory_space<hbm>> -> memref<80xi32, #tpu.memory_space<hbm>>
    %dma_wait3A_23 = arith.constant 0 : i32
    %dma_wait3A_24 = tpu.memref_slice %arg2[%dma_wait3A_23] : memref<320000xi32, #tpu.memory_space<hbm>> -> memref<80xi32, #tpu.memory_space<hbm>>
    tpu.wait_dma2 semaphore(%arg24 : memref<!tpu.dma_semaphore, #tpu.memory_space<semaphore_mem>>) src(%dma_wait3A_24 : memref<80xi32, #tpu.memory_space<hbm>>) dst(%arg9 : memref<80xi32, #tpu.memory_space<vmem>>)
    %dma_wait3A_25 = arith.constant 0 : i32
    %dma_wait3A_26 = tpu.memref_slice %arg3[%dma_wait3A_25] : memref<320000xi32, #tpu.memory_space<hbm>> -> memref<80xi32, #tpu.memory_space<hbm>>
    %dma_wait3A_27 = arith.constant 0 : i32
    %dma_wait3A_28 = tpu.memref_slice %arg3[%dma_wait3A_27] : memref<320000xi32, #tpu.memory_space<hbm>> -> memref<80xi32, #tpu.memory_space<hbm>>
    tpu.wait_dma2 semaphore(%arg24 : memref<!tpu.dma_semaphore, #tpu.memory_space<semaphore_mem>>) src(%dma_wait3A_28 : memref<80xi32, #tpu.memory_space<hbm>>) dst(%arg10 : memref<80xi32, #tpu.memory_space<vmem>>)
    %dma_start3A_29 = arith.constant 0 : i32
    %dma_start3A_30 = arith.constant 0 : i32
    %dma_start3A_31 = tpu.memref_slice %arg4[%dma_start3A_29, %dma_start3A_30] : memref<10000x128xbf16, #tpu.memory_space<hbm>> -> memref<10000x128xbf16, #tpu.memory_space<hbm>>
    tpu.enqueue_indirect_dma source(%dma_start3A_31 : memref<10000x128xbf16, #tpu.memory_space<hbm>>) target(%arg11 : memref<80x128xbf16, #tpu.memory_space<vmem>>) offsets(%arg10 : memref<80xi32, #tpu.memory_space<vmem>>) semaphore(%arg25 : memref<!tpu.dma_semaphore, #tpu.memory_space<semaphore_mem>>)
    %dma_start3A_32 = arith.constant 0 : i32
    %dma_start3A_33 = arith.constant 0 : i32
    %dma_start3A_34 = tpu.memref_slice %arg5[%dma_start3A_32, %dma_start3A_33] : memref<10000x16xf32, #tpu.memory_space<hbm>> -> memref<10000x16xf32, #tpu.memory_space<hbm>>
    tpu.enqueue_indirect_dma source(%dma_start3A_34 : memref<10000x16xf32, #tpu.memory_space<hbm>>) target(%arg12 : memref<80x16xf32, #tpu.memory_space<vmem>>) offsets(%arg9 : memref<80xi32, #tpu.memory_space<vmem>>) semaphore(%arg26 : memref<!tpu.dma_semaphore, #tpu.memory_space<semaphore_mem>>)
    %dma_start3A_35 = arith.constant 0 : i32
    %dma_start3A_36 = arith.constant 0 : i32
    %dma_start3A_37 = tpu.memref_slice %arg6[%dma_start3A_35, %dma_start3A_36] : memref<10000x16xf32, #tpu.memory_space<hbm>> -> memref<10000x16xf32, #tpu.memory_space<hbm>>
    tpu.enqueue_indirect_dma source(%dma_start3A_37 : memref<10000x16xf32, #tpu.memory_space<hbm>>) target(%arg13 : memref<80x16xf32, #tpu.memory_space<vmem>>) offsets(%arg10 : memref<80xi32, #tpu.memory_space<vmem>>) semaphore(%arg27 : memref<!tpu.dma_semaphore, #tpu.memory_space<semaphore_mem>>)
    %while3A = arith.constant 0 : i32
    %while3A_38 = arith.constant 0 : i32
    %while3A_39 = arith.constant 62 : i32
    %while3A_40 = arith.subi %while3A_39, %while3A_38 : i32
    %while3A_41 = arith.addi %while3A_38, %while3A_40 : i32
    %while3A_42 = arith.constant 1 : i32
    %while3A_43 = arith.divsi %while3A_40, %while3A_42 : i32
    %while3A_44 = arith.muli %while3A_43, %while3A_42 : i32
    %while3A_45 = arith.addi %while3A_38, %while3A_44 : i32
    %while3A_46 = arith.constant 1 : i32
    scf.for %while3A_90 = %while3A_38 to %while3A_45 step %while3A_46  : i32 {
      %mul3A_91 = arith.constant 2 : i32
      %mul3A_92 = arith.muli %while3A_90, %mul3A_91 : i32
      %dma_wait3A_93 = arith.constant 0 : i32
      %dma_wait3A_94 = tpu.memref_slice %arg2[%dma_wait3A_93] : memref<320000xi32, #tpu.memory_space<hbm>> -> memref<80xi32, #tpu.memory_space<hbm>>
      %dma_wait3A_95 = arith.constant 0 : i32
      %dma_wait3A_96 = tpu.memref_slice %arg2[%dma_wait3A_95] : memref<320000xi32, #tpu.memory_space<hbm>> -> memref<80xi32, #tpu.memory_space<hbm>>
      tpu.wait_dma2 semaphore(%arg29 : memref<!tpu.dma_semaphore, #tpu.memory_space<semaphore_mem>>) src(%dma_wait3A_96 : memref<80xi32, #tpu.memory_space<hbm>>) dst(%arg16 : memref<80xi32, #tpu.memory_space<vmem>>)
      %dma_wait3A_97 = arith.constant 0 : i32
      %dma_wait3A_98 = tpu.memref_slice %arg3[%dma_wait3A_97] : memref<320000xi32, #tpu.memory_space<hbm>> -> memref<80xi32, #tpu.memory_space<hbm>>
      %dma_wait3A_99 = arith.constant 0 : i32
      %dma_wait3A_100 = tpu.memref_slice %arg3[%dma_wait3A_99] : memref<320000xi32, #tpu.memory_space<hbm>> -> memref<80xi32, #tpu.memory_space<hbm>>
      tpu.wait_dma2 semaphore(%arg29 : memref<!tpu.dma_semaphore, #tpu.memory_space<semaphore_mem>>) src(%dma_wait3A_100 : memref<80xi32, #tpu.memory_space<hbm>>) dst(%arg17 : memref<80xi32, #tpu.memory_space<vmem>>)
      %dma_start3A_101 = arith.constant 0 : i32
      %dma_start3A_102 = arith.constant 0 : i32
      %dma_start3A_103 = tpu.memref_slice %arg4[%dma_start3A_101, %dma_start3A_102] : memref<10000x128xbf16, #tpu.memory_space<hbm>> -> memref<10000x128xbf16, #tpu.memory_space<hbm>>
      tpu.enqueue_indirect_dma source(%dma_start3A_103 : memref<10000x128xbf16, #tpu.memory_space<hbm>>) target(%arg18 : memref<80x128xbf16, #tpu.memory_space<vmem>>) offsets(%arg17 : memref<80xi32, #tpu.memory_space<vmem>>) semaphore(%arg30 : memref<!tpu.dma_semaphore, #tpu.memory_space<semaphore_mem>>)
      %dma_start3A_104 = arith.constant 0 : i32
      %dma_start3A_105 = arith.constant 0 : i32
      %dma_start3A_106 = tpu.memref_slice %arg5[%dma_start3A_104, %dma_start3A_105] : memref<10000x16xf32, #tpu.memory_space<hbm>> -> memref<10000x16xf32, #tpu.memory_space<hbm>>
      tpu.enqueue_indirect_dma source(%dma_start3A_106 : memref<10000x16xf32, #tpu.memory_space<hbm>>) target(%arg19 : memref<80x16xf32, #tpu.memory_space<vmem>>) offsets(%arg16 : memref<80xi32, #tpu.memory_space<vmem>>) semaphore(%arg31 : memref<!tpu.dma_semaphore, #tpu.memory_space<semaphore_mem>>)
      %dma_start3A_107 = arith.constant 0 : i32
      %dma_start3A_108 = arith.constant 0 : i32
      %dma_start3A_109 = tpu.memref_slice %arg6[%dma_start3A_107, %dma_start3A_108] : memref<10000x16xf32, #tpu.memory_space<hbm>> -> memref<10000x16xf32, #tpu.memory_space<hbm>>
      tpu.enqueue_indirect_dma source(%dma_start3A_109 : memref<10000x16xf32, #tpu.memory_space<hbm>>) target(%arg20 : memref<80x16xf32, #tpu.memory_space<vmem>>) offsets(%arg17 : memref<80xi32, #tpu.memory_space<vmem>>) semaphore(%arg32 : memref<!tpu.dma_semaphore, #tpu.memory_space<semaphore_mem>>)
      %dma_wait3A_110 = arith.constant 0 : i32
      %dma_wait3A_111 = arith.constant 0 : i32
      %dma_wait3A_112 = tpu.memref_slice %arg4[%dma_wait3A_110, %dma_wait3A_111] : memref<10000x128xbf16, #tpu.memory_space<hbm>> -> memref<10000x128xbf16, #tpu.memory_space<hbm>>
      tpu.wait_indirect_dma semaphore(%arg25 : memref<!tpu.dma_semaphore, #tpu.memory_space<semaphore_mem>>) src(%dma_wait3A_112 : memref<10000x128xbf16, #tpu.memory_space<hbm>>) dst(%arg11 : memref<80x128xbf16, #tpu.memory_space<vmem>>)
      %dma_wait3A_113 = arith.constant 0 : i32
      %dma_wait3A_114 = arith.constant 0 : i32
      %dma_wait3A_115 = tpu.memref_slice %arg5[%dma_wait3A_113, %dma_wait3A_114] : memref<10000x16xf32, #tpu.memory_space<hbm>> -> memref<10000x16xf32, #tpu.memory_space<hbm>>
      tpu.wait_indirect_dma semaphore(%arg26 : memref<!tpu.dma_semaphore, #tpu.memory_space<semaphore_mem>>) src(%dma_wait3A_115 : memref<10000x16xf32, #tpu.memory_space<hbm>>) dst(%arg12 : memref<80x16xf32, #tpu.memory_space<vmem>>)
      %dma_wait3A_116 = arith.constant 0 : i32
      %dma_wait3A_117 = arith.constant 0 : i32
      %dma_wait3A_118 = tpu.memref_slice %arg6[%dma_wait3A_116, %dma_wait3A_117] : memref<10000x16xf32, #tpu.memory_space<hbm>> -> memref<10000x16xf32, #tpu.memory_space<hbm>>
      tpu.wait_indirect_dma semaphore(%arg27 : memref<!tpu.dma_semaphore, #tpu.memory_space<semaphore_mem>>) src(%dma_wait3A_118 : memref<10000x16xf32, #tpu.memory_space<hbm>>) dst(%arg13 : memref<80x16xf32, #tpu.memory_space<vmem>>)
      %gt3A = arith.constant 0 : i32
      %gt3A_119 = arith.cmpi sgt, %while3A_90, %gt3A : i32
      %convert_element_type3A = arith.extui %gt3A_119 : i1 to i32
      %cond3A = arith.constant 0 : i32
      %cond3A_120 = arith.cmpi ne, %convert_element_type3A, %cond3A : i32
      scf.if %cond3A_120 {
        %dma_wait3A_207 = arith.constant 0 : i32
        %dma_wait3A_208 = arith.constant 0 : i32
        %dma_wait3A_209 = tpu.memref_slice %arg23[%dma_wait3A_207, %dma_wait3A_208] : memref<10240x144xf32, #tpu.memory_space<vmem_shared>> -> memref<10240x144xf32, #tpu.memory_space<vmem_shared>>
        tpu.wait_indirect_dma semaphore(%arg28 : memref<!tpu.dma_semaphore, #tpu.memory_space<semaphore_mem>>) src(%arg14 : memref<80x144xf32, #tpu.memory_space<vmem>>) dst(%dma_wait3A_209 : memref<10240x144xf32, #tpu.memory_space<vmem_shared>>)
      } else {
      }
      %get3A_121 = arith.constant 0 : index
      %get3A_122 = tpu.vector_load %arg9[%get3A_121] {strides = array<i32>} : memref<80xi32, #tpu.memory_space<vmem>>, vector<16xi32>,
      %swap3A_123 = arith.constant 0 : index
      %swap3A_124 = tpu.vector_load %arg15[%swap3A_123] {strides = array<i32>} : memref<80xi32, #tpu.memory_space<vmem>>, vector<16xi32>,
      tpu.vector_store %arg15[%swap3A_123], %get3A_122 {strides = array<i32>} : memref<80xi32, #tpu.memory_space<vmem>>, vector<16xi32>,
      %get3A_125 = arith.constant 16 : index
      %get3A_126 = tpu.vector_load %arg9[%get3A_125] {strides = array<i32>} : memref<80xi32, #tpu.memory_space<vmem>>, vector<16xi32>,
      %swap3A_127 = arith.constant 16 : index
      %swap3A_128 = tpu.vector_load %arg15[%swap3A_127] {strides = array<i32>} : memref<80xi32, #tpu.memory_space<vmem>>, vector<16xi32>,
      tpu.vector_store %arg15[%swap3A_127], %get3A_126 {strides = array<i32>} : memref<80xi32, #tpu.memory_space<vmem>>, vector<16xi32>,
      %get3A_129 = arith.constant 32 : index
      %get3A_130 = tpu.vector_load %arg9[%get3A_129] {strides = array<i32>} : memref<80xi32, #tpu.memory_space<vmem>>, vector<16xi32>,
      %swap3A_131 = arith.constant 32 : index
      %swap3A_132 = tpu.vector_load %arg15[%swap3A_131] {strides = array<i32>} : memref<80xi32, #tpu.memory_space<vmem>>, vector<16xi32>,
      tpu.vector_store %arg15[%swap3A_131], %get3A_130 {strides = array<i32>} : memref<80xi32, #tpu.memory_space<vmem>>, vector<16xi32>,
      %get3A_133 = arith.constant 48 : index
      %get3A_134 = tpu.vector_load %arg9[%get3A_133] {strides = array<i32>} : memref<80xi32, #tpu.memory_space<vmem>>, vector<16xi32>,
      %swap3A_135 = arith.constant 48 : index
      %swap3A_136 = tpu.vector_load %arg15[%swap3A_135] {strides = array<i32>} : memref<80xi32, #tpu.memory_space<vmem>>, vector<16xi32>,
      tpu.vector_store %arg15[%swap3A_135], %get3A_134 {strides = array<i32>} : memref<80xi32, #tpu.memory_space<vmem>>, vector<16xi32>,
      %get3A_137 = arith.constant 64 : index
      %get3A_138 = tpu.vector_load %arg9[%get3A_137] {strides = array<i32>} : memref<80xi32, #tpu.memory_space<vmem>>, vector<16xi32>,
      %swap3A_139 = arith.constant 64 : index
      %swap3A_140 = tpu.vector_load %arg15[%swap3A_139] {strides = array<i32>} : memref<80xi32, #tpu.memory_space<vmem>>, vector<16xi32>,
      tpu.vector_store %arg15[%swap3A_139], %get3A_138 {strides = array<i32>} : memref<80xi32, #tpu.memory_space<vmem>>, vector<16xi32>,
      %add3A_141 = arith.constant 2 : i32
      %add3A_142 = arith.addi %mul3A_92, %add3A_141 : i32
      %lt3A = arith.constant 125 : i32
      %lt3A_143 = arith.cmpi slt, %add3A_142, %lt3A : i32
      %convert_element_type3A_144 = arith.extui %lt3A_143 : i1 to i32
      %cond3A_145 = arith.constant 0 : i32
      %cond3A_146 = arith.cmpi ne, %convert_element_type3A_144, %cond3A_145 : i32
      scf.if %cond3A_146 {
        %add3A_207 = arith.constant 2 : i32
        %add3A_208 = arith.addi %mul3A_92, %add3A_207 : i32
        %mul3A_209 = arith.constant 10000 : i32
        %mul3A_210 = arith.muli %add3A, %mul3A_209 : i32
        %mul3A_211 = arith.constant 80 : i32
        %mul3A_212 = arith.muli %add3A_208, %mul3A_211 : i32
        %add3A_213 = arith.addi %mul3A_210, %mul3A_212 : i32
        %dma_start3A_214 = tpu.memref_slice %arg2[%add3A_213] : memref<320000xi32, #tpu.memory_space<hbm>> -> memref<80xi32, #tpu.memory_space<hbm>>
        %dma_start3A_215 = tpu.memref_slice %arg2[%add3A_213] : memref<320000xi32, #tpu.memory_space<hbm>> -> memref<80xi32, #tpu.memory_space<hbm>>
        tpu.enqueue_dma source(%dma_start3A_215 : memref<80xi32, #tpu.memory_space<hbm>>) target(%arg9 : memref<80xi32, #tpu.memory_space<vmem>>) target_semaphore(%arg24 : memref<!tpu.dma_semaphore, #tpu.memory_space<semaphore_mem>>)
        %dma_start3A_216 = tpu.memref_slice %arg3[%add3A_213] : memref<320000xi32, #tpu.memory_space<hbm>> -> memref<80xi32, #tpu.memory_space<hbm>>
        %dma_start3A_217 = tpu.memref_slice %arg3[%add3A_213] : memref<320000xi32, #tpu.memory_space<hbm>> -> memref<80xi32, #tpu.memory_space<hbm>>
        tpu.enqueue_dma source(%dma_start3A_217 : memref<80xi32, #tpu.memory_space<hbm>>) target(%arg10 : memref<80xi32, #tpu.memory_space<vmem>>) target_semaphore(%arg24 : memref<!tpu.dma_semaphore, #tpu.memory_space<semaphore_mem>>)
      } else {
      }
      %parallel_loop3A_147 = arith.constant 0 : i32
      %parallel_loop3A_148 = arith.constant 80 : i32
      %parallel_loop3A_149 = arith.constant 1 : i32
      scf.for %parallel_loop3A_207 = %parallel_loop3A_147 to %parallel_loop3A_148 step %parallel_loop3A_149  : i32 {
        %parallel_loop3A_208 = arith.index_cast %parallel_loop3A_207 : i32 to index
        %parallel_loop3A_209 = arith.constant 0 : index
        %parallel_loop3A_210 = tpu.vector_load %arg12[%parallel_loop3A_208, %parallel_loop3A_209] {strides = array<i32>} : memref<80x16xf32, #tpu.memory_space<vmem>>, vector<16xf32>,
        %parallel_loop3A_211 = arith.index_cast %parallel_loop3A_207 : i32 to index
        %parallel_loop3A_212 = arith.constant 0 : index
        %parallel_loop3A_213 = tpu.vector_load %arg13[%parallel_loop3A_211, %parallel_loop3A_212] {strides = array<i32>} : memref<80x16xf32, #tpu.memory_space<vmem>>, vector<16xf32>,
        %parallel_loop3A_214 = arith.addf %parallel_loop3A_210, %parallel_loop3A_213 : vector<16xf32>
        %parallel_loop3A_215 = arith.constant 0.000000e+00 : f32
        %parallel_loop3A_216 = vector.broadcast %parallel_loop3A_215 : f32 to vector<16xf32>
        %parallel_loop3A_217 = arith.cmpf oge, %parallel_loop3A_214, %parallel_loop3A_216 : vector<16xf32>
        %parallel_loop3A_218 = arith.constant 2.000000e-01 : f32
        %parallel_loop3A_219 = vector.broadcast %parallel_loop3A_218 : f32 to vector<16xf32>
        %parallel_loop3A_220 = arith.mulf %parallel_loop3A_219, %parallel_loop3A_214 : vector<16xf32>
        %parallel_loop3A_221 = arith.select %parallel_loop3A_217, %parallel_loop3A_214, %parallel_loop3A_220 : vector<16xi1>, vector<16xf32>
        %parallel_loop3A_222 = arith.constant 0.000000e+00 : f32
        %parallel_loop3A_223 = vector.broadcast %parallel_loop3A_222 : f32 to vector<16xf32>
        %parallel_loop3A_224 = arith.subf %parallel_loop3A_223, %parallel_loop3A_221 : vector<16xf32>
        %parallel_loop3A_225 = math.exp %parallel_loop3A_224 : vector<16xf32>
        %parallel_loop3A_226 = arith.index_cast %parallel_loop3A_207 : i32 to index
        %parallel_loop3A_227 = arith.constant 128 : index
        %parallel_loop3A_228 = tpu.vector_load %arg14[%parallel_loop3A_226, %parallel_loop3A_227] {strides = array<i32>} : memref<80x144xf32, #tpu.memory_space<vmem>>, vector<16xf32>,
        tpu.vector_store %arg14[%parallel_loop3A_226, %parallel_loop3A_227], %parallel_loop3A_225 {strides = array<i32>} : memref<80x144xf32, #tpu.memory_space<vmem>>, vector<16xf32>,
        %parallel_loop3A_229 = arith.index_cast %parallel_loop3A_207 : i32 to index
        %parallel_loop3A_230 = arith.constant 0 : index
        %parallel_loop3A_231 = tpu.vector_load %arg11[%parallel_loop3A_229, %parallel_loop3A_230] {strides = array<i32>} : memref<80x128xbf16, #tpu.memory_space<vmem>>, vector<32xbf16>,
        %parallel_loop3A_232 = tpu.unpack_subelements %parallel_loop3A_231, 0 {pack_format = #tpu.pack_format<interleaved>} : vector<32xbf16> -> vector<16xf32>
        %parallel_loop3A_233 = tpu.unpack_subelements %parallel_loop3A_231, 1 {pack_format = #tpu.pack_format<interleaved>} : vector<32xbf16> -> vector<16xf32>
        %parallel_loop3A_234 = vector.extract_strided_slice %parallel_loop3A_225 {offsets = [0], sizes = [1], strides = [1]} : vector<16xf32> to vector<1xf32>
        %parallel_loop3A_235 = vector.extract %parallel_loop3A_234[0] : f32 from vector<1xf32>
        %parallel_loop3A_236 = vector.broadcast %parallel_loop3A_235 : f32 to vector<16xf32>
        %parallel_loop3A_237 = arith.mulf %parallel_loop3A_232, %parallel_loop3A_236 : vector<16xf32>
        %parallel_loop3A_238 = arith.index_cast %parallel_loop3A_207 : i32 to index
        %parallel_loop3A_239 = arith.constant 0 : index
        %parallel_loop3A_240 = tpu.vector_load %arg14[%parallel_loop3A_238, %parallel_loop3A_239] {strides = array<i32>} : memref<80x144xf32, #tpu.memory_space<vmem>>, vector<16xf32>,
        tpu.vector_store %arg14[%parallel_loop3A_238, %parallel_loop3A_239], %parallel_loop3A_237 {strides = array<i32>} : memref<80x144xf32, #tpu.memory_space<vmem>>, vector<16xf32>,
        %parallel_loop3A_241 = vector.extract_strided_slice %parallel_loop3A_225 {offsets = [1], sizes = [1], strides = [1]} : vector<16xf32> to vector<1xf32>
        %parallel_loop3A_242 = vector.extract %parallel_loop3A_241[0] : f32 from vector<1xf32>
        %parallel_loop3A_243 = vector.broadcast %parallel_loop3A_242 : f32 to vector<16xf32>
        %parallel_loop3A_244 = arith.mulf %parallel_loop3A_233, %parallel_loop3A_243 : vector<16xf32>
        %parallel_loop3A_245 = arith.index_cast %parallel_loop3A_207 : i32 to index
        %parallel_loop3A_246 = arith.constant 16 : index
        %parallel_loop3A_247 = tpu.vector_load %arg14[%parallel_loop3A_245, %parallel_loop3A_246] {strides = array<i32>} : memref<80x144xf32, #tpu.memory_space<vmem>>, vector<16xf32>,
        tpu.vector_store %arg14[%parallel_loop3A_245, %parallel_loop3A_246], %parallel_loop3A_244 {strides = array<i32>} : memref<80x144xf32, #tpu.memory_space<vmem>>, vector<16xf32>,
        %parallel_loop3A_248 = arith.index_cast %parallel_loop3A_207 : i32 to index
        %parallel_loop3A_249 = arith.constant 32 : index
        %parallel_loop3A_250 = tpu.vector_load %arg11[%parallel_loop3A_248, %parallel_loop3A_249] {strides = array<i32>} : memref<80x128xbf16, #tpu.memory_space<vmem>>, vector<32xbf16>,
        %parallel_loop3A_251 = tpu.unpack_subelements %parallel_loop3A_250, 0 {pack_format = #tpu.pack_format<interleaved>} : vector<32xbf16> -> vector<16xf32>
        %parallel_loop3A_252 = tpu.unpack_subelements %parallel_loop3A_250, 1 {pack_format = #tpu.pack_format<interleaved>} : vector<32xbf16> -> vector<16xf32>
        %parallel_loop3A_253 = vector.extract_strided_slice %parallel_loop3A_225 {offsets = [2], sizes = [1], strides = [1]} : vector<16xf32> to vector<1xf32>
        %parallel_loop3A_254 = vector.extract %parallel_loop3A_253[0] : f32 from vector<1xf32>
        %parallel_loop3A_255 = vector.broadcast %parallel_loop3A_254 : f32 to vector<16xf32>
        %parallel_loop3A_256 = arith.mulf %parallel_loop3A_251, %parallel_loop3A_255 : vector<16xf32>
        %parallel_loop3A_257 = arith.index_cast %parallel_loop3A_207 : i32 to index
        %parallel_loop3A_258 = arith.constant 32 : index
        %parallel_loop3A_259 = tpu.vector_load %arg14[%parallel_loop3A_257, %parallel_loop3A_258] {strides = array<i32>} : memref<80x144xf32, #tpu.memory_space<vmem>>, vector<16xf32>,
        tpu.vector_store %arg14[%parallel_loop3A_257, %parallel_loop3A_258], %parallel_loop3A_256 {strides = array<i32>} : memref<80x144xf32, #tpu.memory_space<vmem>>, vector<16xf32>,
        %parallel_loop3A_260 = vector.extract_strided_slice %parallel_loop3A_225 {offsets = [3], sizes = [1], strides = [1]} : vector<16xf32> to vector<1xf32>
        %parallel_loop3A_261 = vector.extract %parallel_loop3A_260[0] : f32 from vector<1xf32>
        %parallel_loop3A_262 = vector.broadcast %parallel_loop3A_261 : f32 to vector<16xf32>
        %parallel_loop3A_263 = arith.mulf %parallel_loop3A_252, %parallel_loop3A_262 : vector<16xf32>
        %parallel_loop3A_264 = arith.index_cast %parallel_loop3A_207 : i32 to index
        %parallel_loop3A_265 = arith.constant 48 : index
        %parallel_loop3A_266 = tpu.vector_load %arg14[%parallel_loop3A_264, %parallel_loop3A_265] {strides = array<i32>} : memref<80x144xf32, #tpu.memory_space<vmem>>, vector<16xf32>,
        tpu.vector_store %arg14[%parallel_loop3A_264, %parallel_loop3A_265], %parallel_loop3A_263 {strides = array<i32>} : memref<80x144xf32, #tpu.memory_space<vmem>>, vector<16xf32>,
        %parallel_loop3A_267 = arith.index_cast %parallel_loop3A_207 : i32 to index
        %parallel_loop3A_268 = arith.constant 64 : index
        %parallel_loop3A_269 = tpu.vector_load %arg11[%parallel_loop3A_267, %parallel_loop3A_268] {strides = array<i32>} : memref<80x128xbf16, #tpu.memory_space<vmem>>, vector<32xbf16>,
        %parallel_loop3A_270 = tpu.unpack_subelements %parallel_loop3A_269, 0 {pack_format = #tpu.pack_format<interleaved>} : vector<32xbf16> -> vector<16xf32>
        %parallel_loop3A_271 = tpu.unpack_subelements %parallel_loop3A_269, 1 {pack_format = #tpu.pack_format<interleaved>} : vector<32xbf16> -> vector<16xf32>
        %parallel_loop3A_272 = vector.extract_strided_slice %parallel_loop3A_225 {offsets = [4], sizes = [1], strides = [1]} : vector<16xf32> to vector<1xf32>
        %parallel_loop3A_273 = vector.extract %parallel_loop3A_272[0] : f32 from vector<1xf32>
        %parallel_loop3A_274 = vector.broadcast %parallel_loop3A_273 : f32 to vector<16xf32>
        %parallel_loop3A_275 = arith.mulf %parallel_loop3A_270, %parallel_loop3A_274 : vector<16xf32>
        %parallel_loop3A_276 = arith.index_cast %parallel_loop3A_207 : i32 to index
        %parallel_loop3A_277 = arith.constant 64 : index
        %parallel_loop3A_278 = tpu.vector_load %arg14[%parallel_loop3A_276, %parallel_loop3A_277] {strides = array<i32>} : memref<80x144xf32, #tpu.memory_space<vmem>>, vector<16xf32>,
        tpu.vector_store %arg14[%parallel_loop3A_276, %parallel_loop3A_277], %parallel_loop3A_275 {strides = array<i32>} : memref<80x144xf32, #tpu.memory_space<vmem>>, vector<16xf32>,
        %parallel_loop3A_279 = vector.extract_strided_slice %parallel_loop3A_225 {offsets = [5], sizes = [1], strides = [1]} : vector<16xf32> to vector<1xf32>
        %parallel_loop3A_280 = vector.extract %parallel_loop3A_279[0] : f32 from vector<1xf32>
        %parallel_loop3A_281 = vector.broadcast %parallel_loop3A_280 : f32 to vector<16xf32>
        %parallel_loop3A_282 = arith.mulf %parallel_loop3A_271, %parallel_loop3A_281 : vector<16xf32>
        %parallel_loop3A_283 = arith.index_cast %parallel_loop3A_207 : i32 to index
        %parallel_loop3A_284 = arith.constant 80 : index
        %parallel_loop3A_285 = tpu.vector_load %arg14[%parallel_loop3A_283, %parallel_loop3A_284] {strides = array<i32>} : memref<80x144xf32, #tpu.memory_space<vmem>>, vector<16xf32>,
        tpu.vector_store %arg14[%parallel_loop3A_283, %parallel_loop3A_284], %parallel_loop3A_282 {strides = array<i32>} : memref<80x144xf32, #tpu.memory_space<vmem>>, vector<16xf32>,
        %parallel_loop3A_286 = arith.index_cast %parallel_loop3A_207 : i32 to index
        %parallel_loop3A_287 = arith.constant 96 : index
        %parallel_loop3A_288 = tpu.vector_load %arg11[%parallel_loop3A_286, %parallel_loop3A_287] {strides = array<i32>} : memref<80x128xbf16, #tpu.memory_space<vmem>>, vector<32xbf16>,
        %parallel_loop3A_289 = tpu.unpack_subelements %parallel_loop3A_288, 0 {pack_format = #tpu.pack_format<interleaved>} : vector<32xbf16> -> vector<16xf32>
        %parallel_loop3A_290 = tpu.unpack_subelements %parallel_loop3A_288, 1 {pack_format = #tpu.pack_format<interleaved>} : vector<32xbf16> -> vector<16xf32>
        %parallel_loop3A_291 = vector.extract_strided_slice %parallel_loop3A_225 {offsets = [6], sizes = [1], strides = [1]} : vector<16xf32> to vector<1xf32>
        %parallel_loop3A_292 = vector.extract %parallel_loop3A_291[0] : f32 from vector<1xf32>
        %parallel_loop3A_293 = vector.broadcast %parallel_loop3A_292 : f32 to vector<16xf32>
        %parallel_loop3A_294 = arith.mulf %parallel_loop3A_289, %parallel_loop3A_293 : vector<16xf32>
        %parallel_loop3A_295 = arith.index_cast %parallel_loop3A_207 : i32 to index
        %parallel_loop3A_296 = arith.constant 96 : index
        %parallel_loop3A_297 = tpu.vector_load %arg14[%parallel_loop3A_295, %parallel_loop3A_296] {strides = array<i32>} : memref<80x144xf32, #tpu.memory_space<vmem>>, vector<16xf32>,
        tpu.vector_store %arg14[%parallel_loop3A_295, %parallel_loop3A_296], %parallel_loop3A_294 {strides = array<i32>} : memref<80x144xf32, #tpu.memory_space<vmem>>, vector<16xf32>,
        %parallel_loop3A_298 = vector.extract_strided_slice %parallel_loop3A_225 {offsets = [7], sizes = [1], strides = [1]} : vector<16xf32> to vector<1xf32>
        %parallel_loop3A_299 = vector.extract %parallel_loop3A_298[0] : f32 from vector<1xf32>
        %parallel_loop3A_300 = vector.broadcast %parallel_loop3A_299 : f32 to vector<16xf32>
        %parallel_loop3A_301 = arith.mulf %parallel_loop3A_290, %parallel_loop3A_300 : vector<16xf32>
        %parallel_loop3A_302 = arith.index_cast %parallel_loop3A_207 : i32 to index
        %parallel_loop3A_303 = arith.constant 112 : index
        %parallel_loop3A_304 = tpu.vector_load %arg14[%parallel_loop3A_302, %parallel_loop3A_303] {strides = array<i32>} : memref<80x144xf32, #tpu.memory_space<vmem>>, vector<16xf32>,
        tpu.vector_store %arg14[%parallel_loop3A_302, %parallel_loop3A_303], %parallel_loop3A_301 {strides = array<i32>} : memref<80x144xf32, #tpu.memory_space<vmem>>, vector<16xf32>,
      } {sc.loop_unroll_factor = 1 : i64, sc.parallel_access}
      %dma_start3A_150 = arith.constant 0 : i32
      %dma_start3A_151 = arith.constant 0 : i32
      %dma_start3A_152 = tpu.memref_slice %arg23[%dma_start3A_150, %dma_start3A_151] : memref<10240x144xf32, #tpu.memory_space<vmem_shared>> -> memref<10240x144xf32, #tpu.memory_space<vmem_shared>>
      tpu.enqueue_indirect_dma source(%arg14 : memref<80x144xf32, #tpu.memory_space<vmem>>) target(%dma_start3A_152 : memref<10240x144xf32, #tpu.memory_space<vmem_shared>>) offsets(%arg15 : memref<80xi32, #tpu.memory_space<vmem>>) semaphore(%arg28 : memref<!tpu.dma_semaphore, #tpu.memory_space<semaphore_mem>>) {add = true}
      %add3A_153 = arith.constant 2 : i32
      %add3A_154 = arith.addi %mul3A_92, %add3A_153 : i32
      %lt3A_155 = arith.constant 125 : i32
      %lt3A_156 = arith.cmpi slt, %add3A_154, %lt3A_155 : i32
      %convert_element_type3A_157 = arith.extui %lt3A_156 : i1 to i32
      %cond3A_158 = arith.constant 0 : i32
      %cond3A_159 = arith.cmpi ne, %convert_element_type3A_157, %cond3A_158 : i32
      scf.if %cond3A_159 {
        %dma_wait3A_207 = arith.constant 0 : i32
        %dma_wait3A_208 = tpu.memref_slice %arg2[%dma_wait3A_207] : memref<320000xi32, #tpu.memory_space<hbm>> -> memref<80xi32, #tpu.memory_space<hbm>>
        %dma_wait3A_209 = arith.constant 0 : i32
        %dma_wait3A_210 = tpu.memref_slice %arg2[%dma_wait3A_209] : memref<320000xi32, #tpu.memory_space<hbm>> -> memref<80xi32, #tpu.memory_space<hbm>>
        tpu.wait_dma2 semaphore(%arg24 : memref<!tpu.dma_semaphore, #tpu.memory_space<semaphore_mem>>) src(%dma_wait3A_210 : memref<80xi32, #tpu.memory_space<hbm>>) dst(%arg9 : memref<80xi32, #tpu.memory_space<vmem>>)
        %dma_wait3A_211 = arith.constant 0 : i32
        %dma_wait3A_212 = tpu.memref_slice %arg3[%dma_wait3A_211] : memref<320000xi32, #tpu.memory_space<hbm>> -> memref<80xi32, #tpu.memory_space<hbm>>
        %dma_wait3A_213 = arith.constant 0 : i32
        %dma_wait3A_214 = tpu.memref_slice %arg3[%dma_wait3A_213] : memref<320000xi32, #tpu.memory_space<hbm>> -> memref<80xi32, #tpu.memory_space<hbm>>
        tpu.wait_dma2 semaphore(%arg24 : memref<!tpu.dma_semaphore, #tpu.memory_space<semaphore_mem>>) src(%dma_wait3A_214 : memref<80xi32, #tpu.memory_space<hbm>>) dst(%arg10 : memref<80xi32, #tpu.memory_space<vmem>>)
        %dma_start3A_215 = arith.constant 0 : i32
        %dma_start3A_216 = arith.constant 0 : i32
        %dma_start3A_217 = tpu.memref_slice %arg4[%dma_start3A_215, %dma_start3A_216] : memref<10000x128xbf16, #tpu.memory_space<hbm>> -> memref<10000x128xbf16, #tpu.memory_space<hbm>>
        tpu.enqueue_indirect_dma source(%dma_start3A_217 : memref<10000x128xbf16, #tpu.memory_space<hbm>>) target(%arg11 : memref<80x128xbf16, #tpu.memory_space<vmem>>) offsets(%arg10 : memref<80xi32, #tpu.memory_space<vmem>>) semaphore(%arg25 : memref<!tpu.dma_semaphore, #tpu.memory_space<semaphore_mem>>)
        %dma_start3A_218 = arith.constant 0 : i32
        %dma_start3A_219 = arith.constant 0 : i32
        %dma_start3A_220 = tpu.memref_slice %arg5[%dma_start3A_218, %dma_start3A_219] : memref<10000x16xf32, #tpu.memory_space<hbm>> -> memref<10000x16xf32, #tpu.memory_space<hbm>>
        tpu.enqueue_indirect_dma source(%dma_start3A_220 : memref<10000x16xf32, #tpu.memory_space<hbm>>) target(%arg12 : memref<80x16xf32, #tpu.memory_space<vmem>>) offsets(%arg9 : memref<80xi32, #tpu.memory_space<vmem>>) semaphore(%arg26 : memref<!tpu.dma_semaphore, #tpu.memory_space<semaphore_mem>>)
        %dma_start3A_221 = arith.constant 0 : i32
        %dma_start3A_222 = arith.constant 0 : i32
        %dma_start3A_223 = tpu.memref_slice %arg6[%dma_start3A_221, %dma_start3A_222] : memref<10000x16xf32, #tpu.memory_space<hbm>> -> memref<10000x16xf32, #tpu.memory_space<hbm>>
        tpu.enqueue_indirect_dma source(%dma_start3A_223 : memref<10000x16xf32, #tpu.memory_space<hbm>>) target(%arg13 : memref<80x16xf32, #tpu.memory_space<vmem>>) offsets(%arg10 : memref<80xi32, #tpu.memory_space<vmem>>) semaphore(%arg27 : memref<!tpu.dma_semaphore, #tpu.memory_space<semaphore_mem>>)
      } else {
      }
      %dma_wait3A_160 = arith.constant 0 : i32
      %dma_wait3A_161 = arith.constant 0 : i32
      %dma_wait3A_162 = tpu.memref_slice %arg4[%dma_wait3A_160, %dma_wait3A_161] : memref<10000x128xbf16, #tpu.memory_space<hbm>> -> memref<10000x128xbf16, #tpu.memory_space<hbm>>
      tpu.wait_indirect_dma semaphore(%arg30 : memref<!tpu.dma_semaphore, #tpu.memory_space<semaphore_mem>>) src(%dma_wait3A_162 : memref<10000x128xbf16, #tpu.memory_space<hbm>>) dst(%arg18 : memref<80x128xbf16, #tpu.memory_space<vmem>>)
      %dma_wait3A_163 = arith.constant 0 : i32
      %dma_wait3A_164 = arith.constant 0 : i32
      %dma_wait3A_165 = tpu.memref_slice %arg5[%dma_wait3A_163, %dma_wait3A_164] : memref<10000x16xf32, #tpu.memory_space<hbm>> -> memref<10000x16xf32, #tpu.memory_space<hbm>>
      tpu.wait_indirect_dma semaphore(%arg31 : memref<!tpu.dma_semaphore, #tpu.memory_space<semaphore_mem>>) src(%dma_wait3A_165 : memref<10000x16xf32, #tpu.memory_space<hbm>>) dst(%arg19 : memref<80x16xf32, #tpu.memory_space<vmem>>)
      %dma_wait3A_166 = arith.constant 0 : i32
      %dma_wait3A_167 = arith.constant 0 : i32
      %dma_wait3A_168 = tpu.memref_slice %arg6[%dma_wait3A_166, %dma_wait3A_167] : memref<10000x16xf32, #tpu.memory_space<hbm>> -> memref<10000x16xf32, #tpu.memory_space<hbm>>
      tpu.wait_indirect_dma semaphore(%arg32 : memref<!tpu.dma_semaphore, #tpu.memory_space<semaphore_mem>>) src(%dma_wait3A_168 : memref<10000x16xf32, #tpu.memory_space<hbm>>) dst(%arg20 : memref<80x16xf32, #tpu.memory_space<vmem>>)
      %gt3A_169 = arith.constant 0 : i32
      %gt3A_170 = arith.cmpi sgt, %while3A_90, %gt3A_169 : i32
      %convert_element_type3A_171 = arith.extui %gt3A_170 : i1 to i32
      %cond3A_172 = arith.constant 0 : i32
      %cond3A_173 = arith.cmpi ne, %convert_element_type3A_171, %cond3A_172 : i32
      scf.if %cond3A_173 {
        %dma_wait3A_207 = arith.constant 0 : i32
        %dma_wait3A_208 = arith.constant 0 : i32
        %dma_wait3A_209 = tpu.memref_slice %arg23[%dma_wait3A_207, %dma_wait3A_208] : memref<10240x144xf32, #tpu.memory_space<vmem_shared>> -> memref<10240x144xf32, #tpu.memory_space<vmem_shared>>
        tpu.wait_indirect_dma semaphore(%arg33 : memref<!tpu.dma_semaphore, #tpu.memory_space<semaphore_mem>>) src(%arg21 : memref<80x144xf32, #tpu.memory_space<vmem>>) dst(%dma_wait3A_209 : memref<10240x144xf32, #tpu.memory_space<vmem_shared>>)
      } else {
      }
      %get3A_174 = arith.constant 0 : index
      %get3A_175 = tpu.vector_load %arg16[%get3A_174] {strides = array<i32>} : memref<80xi32, #tpu.memory_space<vmem>>, vector<16xi32>,
      %swap3A_176 = arith.constant 0 : index
      %swap3A_177 = tpu.vector_load %arg22[%swap3A_176] {strides = array<i32>} : memref<80xi32, #tpu.memory_space<vmem>>, vector<16xi32>,
      tpu.vector_store %arg22[%swap3A_176], %get3A_175 {strides = array<i32>} : memref<80xi32, #tpu.memory_space<vmem>>, vector<16xi32>,
      %get3A_178 = arith.constant 16 : index
      %get3A_179 = tpu.vector_load %arg16[%get3A_178] {strides = array<i32>} : memref<80xi32, #tpu.memory_space<vmem>>, vector<16xi32>,
      %swap3A_180 = arith.constant 16 : index
      %swap3A_181 = tpu.vector_load %arg22[%swap3A_180] {strides = array<i32>} : memref<80xi32, #tpu.memory_space<vmem>>, vector<16xi32>,
      tpu.vector_store %arg22[%swap3A_180], %get3A_179 {strides = array<i32>} : memref<80xi32, #tpu.memory_space<vmem>>, vector<16xi32>,
      %get3A_182 = arith.constant 32 : index
      %get3A_183 = tpu.vector_load %arg16[%get3A_182] {strides = array<i32>} : memref<80xi32, #tpu.memory_space<vmem>>, vector<16xi32>,
      %swap3A_184 = arith.constant 32 : index
      %swap3A_185 = tpu.vector_load %arg22[%swap3A_184] {strides = array<i32>} : memref<80xi32, #tpu.memory_space<vmem>>, vector<16xi32>,
      tpu.vector_store %arg22[%swap3A_184], %get3A_183 {strides = array<i32>} : memref<80xi32, #tpu.memory_space<vmem>>, vector<16xi32>,
      %get3A_186 = arith.constant 48 : index
      %get3A_187 = tpu.vector_load %arg16[%get3A_186] {strides = array<i32>} : memref<80xi32, #tpu.memory_space<vmem>>, vector<16xi32>,
      %swap3A_188 = arith.constant 48 : index
      %swap3A_189 = tpu.vector_load %arg22[%swap3A_188] {strides = array<i32>} : memref<80xi32, #tpu.memory_space<vmem>>, vector<16xi32>,
      tpu.vector_store %arg22[%swap3A_188], %get3A_187 {strides = array<i32>} : memref<80xi32, #tpu.memory_space<vmem>>, vector<16xi32>,
      %get3A_190 = arith.constant 64 : index
      %get3A_191 = tpu.vector_load %arg16[%get3A_190] {strides = array<i32>} : memref<80xi32, #tpu.memory_space<vmem>>, vector<16xi32>,
      %swap3A_192 = arith.constant 64 : index
      %swap3A_193 = tpu.vector_load %arg22[%swap3A_192] {strides = array<i32>} : memref<80xi32, #tpu.memory_space<vmem>>, vector<16xi32>,
      tpu.vector_store %arg22[%swap3A_192], %get3A_191 {strides = array<i32>} : memref<80xi32, #tpu.memory_space<vmem>>, vector<16xi32>,
      %add3A_194 = arith.constant 3 : i32
      %add3A_195 = arith.addi %mul3A_92, %add3A_194 : i32
      %lt3A_196 = arith.constant 125 : i32
      %lt3A_197 = arith.cmpi slt, %add3A_195, %lt3A_196 : i32
      %convert_element_type3A_198 = arith.extui %lt3A_197 : i1 to i32
      %cond3A_199 = arith.constant 0 : i32
      %cond3A_200 = arith.cmpi ne, %convert_element_type3A_198, %cond3A_199 : i32
      scf.if %cond3A_200 {
        %add3A_207 = arith.constant 3 : i32
        %add3A_208 = arith.addi %mul3A_92, %add3A_207 : i32
        %mul3A_209 = arith.constant 10000 : i32
        %mul3A_210 = arith.muli %add3A, %mul3A_209 : i32
        %mul3A_211 = arith.constant 80 : i32
        %mul3A_212 = arith.muli %add3A_208, %mul3A_211 : i32
        %add3A_213 = arith.addi %mul3A_210, %mul3A_212 : i32
        %dma_start3A_214 = tpu.memref_slice %arg2[%add3A_213] : memref<320000xi32, #tpu.memory_space<hbm>> -> memref<80xi32, #tpu.memory_space<hbm>>
        %dma_start3A_215 = tpu.memref_slice %arg2[%add3A_213] : memref<320000xi32, #tpu.memory_space<hbm>> -> memref<80xi32, #tpu.memory_space<hbm>>
        tpu.enqueue_dma source(%dma_start3A_215 : memref<80xi32, #tpu.memory_space<hbm>>) target(%arg16 : memref<80xi32, #tpu.memory_space<vmem>>) target_semaphore(%arg29 : memref<!tpu.dma_semaphore, #tpu.memory_space<semaphore_mem>>)
        %dma_start3A_216 = tpu.memref_slice %arg3[%add3A_213] : memref<320000xi32, #tpu.memory_space<hbm>> -> memref<80xi32, #tpu.memory_space<hbm>>
        %dma_start3A_217 = tpu.memref_slice %arg3[%add3A_213] : memref<320000xi32, #tpu.memory_space<hbm>> -> memref<80xi32, #tpu.memory_space<hbm>>
        tpu.enqueue_dma source(%dma_start3A_217 : memref<80xi32, #tpu.memory_space<hbm>>) target(%arg17 : memref<80xi32, #tpu.memory_space<vmem>>) target_semaphore(%arg29 : memref<!tpu.dma_semaphore, #tpu.memory_space<semaphore_mem>>)
      } else {
      }
      %parallel_loop3A_201 = arith.constant 0 : i32
      %parallel_loop3A_202 = arith.constant 80 : i32
      %parallel_loop3A_203 = arith.constant 1 : i32
      scf.for %parallel_loop3A_207 = %parallel_loop3A_201 to %parallel_loop3A_202 step %parallel_loop3A_203  : i32 {
        %parallel_loop3A_208 = arith.index_cast %parallel_loop3A_207 : i32 to index
        %parallel_loop3A_209 = arith.constant 0 : index
        %parallel_loop3A_210 = tpu.vector_load %arg19[%parallel_loop3A_208, %parallel_loop3A_209] {strides = array<i32>} : memref<80x16xf32, #tpu.memory_space<vmem>>, vector<16xf32>,
        %parallel_loop3A_211 = arith.index_cast %parallel_loop3A_207 : i32 to index
        %parallel_loop3A_212 = arith.constant 0 : index
        %parallel_loop3A_213 = tpu.vector_load %arg20[%parallel_loop3A_211, %parallel_loop3A_212] {strides = array<i32>} : memref<80x16xf32, #tpu.memory_space<vmem>>, vector<16xf32>,
        %parallel_loop3A_214 = arith.addf %parallel_loop3A_210, %parallel_loop3A_213 : vector<16xf32>
        %parallel_loop3A_215 = arith.constant 0.000000e+00 : f32
        %parallel_loop3A_216 = vector.broadcast %parallel_loop3A_215 : f32 to vector<16xf32>
        %parallel_loop3A_217 = arith.cmpf oge, %parallel_loop3A_214, %parallel_loop3A_216 : vector<16xf32>
        %parallel_loop3A_218 = arith.constant 2.000000e-01 : f32
        %parallel_loop3A_219 = vector.broadcast %parallel_loop3A_218 : f32 to vector<16xf32>
        %parallel_loop3A_220 = arith.mulf %parallel_loop3A_219, %parallel_loop3A_214 : vector<16xf32>
        %parallel_loop3A_221 = arith.select %parallel_loop3A_217, %parallel_loop3A_214, %parallel_loop3A_220 : vector<16xi1>, vector<16xf32>
        %parallel_loop3A_222 = arith.constant 0.000000e+00 : f32
        %parallel_loop3A_223 = vector.broadcast %parallel_loop3A_222 : f32 to vector<16xf32>
        %parallel_loop3A_224 = arith.subf %parallel_loop3A_223, %parallel_loop3A_221 : vector<16xf32>
        %parallel_loop3A_225 = math.exp %parallel_loop3A_224 : vector<16xf32>
        %parallel_loop3A_226 = arith.index_cast %parallel_loop3A_207 : i32 to index
        %parallel_loop3A_227 = arith.constant 128 : index
        %parallel_loop3A_228 = tpu.vector_load %arg21[%parallel_loop3A_226, %parallel_loop3A_227] {strides = array<i32>} : memref<80x144xf32, #tpu.memory_space<vmem>>, vector<16xf32>,
        tpu.vector_store %arg21[%parallel_loop3A_226, %parallel_loop3A_227], %parallel_loop3A_225 {strides = array<i32>} : memref<80x144xf32, #tpu.memory_space<vmem>>, vector<16xf32>,
        %parallel_loop3A_229 = arith.index_cast %parallel_loop3A_207 : i32 to index
        %parallel_loop3A_230 = arith.constant 0 : index
        %parallel_loop3A_231 = tpu.vector_load %arg18[%parallel_loop3A_229, %parallel_loop3A_230] {strides = array<i32>} : memref<80x128xbf16, #tpu.memory_space<vmem>>, vector<32xbf16>,
        %parallel_loop3A_232 = tpu.unpack_subelements %parallel_loop3A_231, 0 {pack_format = #tpu.pack_format<interleaved>} : vector<32xbf16> -> vector<16xf32>
        %parallel_loop3A_233 = tpu.unpack_subelements %parallel_loop3A_231, 1 {pack_format = #tpu.pack_format<interleaved>} : vector<32xbf16> -> vector<16xf32>
        %parallel_loop3A_234 = vector.extract_strided_slice %parallel_loop3A_225 {offsets = [0], sizes = [1], strides = [1]} : vector<16xf32> to vector<1xf32>
        %parallel_loop3A_235 = vector.extract %parallel_loop3A_234[0] : f32 from vector<1xf32>
        %parallel_loop3A_236 = vector.broadcast %parallel_loop3A_235 : f32 to vector<16xf32>
        %parallel_loop3A_237 = arith.mulf %parallel_loop3A_232, %parallel_loop3A_236 : vector<16xf32>
        %parallel_loop3A_238 = arith.index_cast %parallel_loop3A_207 : i32 to index
        %parallel_loop3A_239 = arith.constant 0 : index
        %parallel_loop3A_240 = tpu.vector_load %arg21[%parallel_loop3A_238, %parallel_loop3A_239] {strides = array<i32>} : memref<80x144xf32, #tpu.memory_space<vmem>>, vector<16xf32>,
        tpu.vector_store %arg21[%parallel_loop3A_238, %parallel_loop3A_239], %parallel_loop3A_237 {strides = array<i32>} : memref<80x144xf32, #tpu.memory_space<vmem>>, vector<16xf32>,
        %parallel_loop3A_241 = vector.extract_strided_slice %parallel_loop3A_225 {offsets = [1], sizes = [1], strides = [1]} : vector<16xf32> to vector<1xf32>
        %parallel_loop3A_242 = vector.extract %parallel_loop3A_241[0] : f32 from vector<1xf32>
        %parallel_loop3A_243 = vector.broadcast %parallel_loop3A_242 : f32 to vector<16xf32>
        %parallel_loop3A_244 = arith.mulf %parallel_loop3A_233, %parallel_loop3A_243 : vector<16xf32>
        %parallel_loop3A_245 = arith.index_cast %parallel_loop3A_207 : i32 to index
        %parallel_loop3A_246 = arith.constant 16 : index
        %parallel_loop3A_247 = tpu.vector_load %arg21[%parallel_loop3A_245, %parallel_loop3A_246] {strides = array<i32>} : memref<80x144xf32, #tpu.memory_space<vmem>>, vector<16xf32>,
        tpu.vector_store %arg21[%parallel_loop3A_245, %parallel_loop3A_246], %parallel_loop3A_244 {strides = array<i32>} : memref<80x144xf32, #tpu.memory_space<vmem>>, vector<16xf32>,
        %parallel_loop3A_248 = arith.index_cast %parallel_loop3A_207 : i32 to index
        %parallel_loop3A_249 = arith.constant 32 : index
        %parallel_loop3A_250 = tpu.vector_load %arg18[%parallel_loop3A_248, %parallel_loop3A_249] {strides = array<i32>} : memref<80x128xbf16, #tpu.memory_space<vmem>>, vector<32xbf16>,
        %parallel_loop3A_251 = tpu.unpack_subelements %parallel_loop3A_250, 0 {pack_format = #tpu.pack_format<interleaved>} : vector<32xbf16> -> vector<16xf32>
        %parallel_loop3A_252 = tpu.unpack_subelements %parallel_loop3A_250, 1 {pack_format = #tpu.pack_format<interleaved>} : vector<32xbf16> -> vector<16xf32>
        %parallel_loop3A_253 = vector.extract_strided_slice %parallel_loop3A_225 {offsets = [2], sizes = [1], strides = [1]} : vector<16xf32> to vector<1xf32>
        %parallel_loop3A_254 = vector.extract %parallel_loop3A_253[0] : f32 from vector<1xf32>
        %parallel_loop3A_255 = vector.broadcast %parallel_loop3A_254 : f32 to vector<16xf32>
        %parallel_loop3A_256 = arith.mulf %parallel_loop3A_251, %parallel_loop3A_255 : vector<16xf32>
        %parallel_loop3A_257 = arith.index_cast %parallel_loop3A_207 : i32 to index
        %parallel_loop3A_258 = arith.constant 32 : index
        %parallel_loop3A_259 = tpu.vector_load %arg21[%parallel_loop3A_257, %parallel_loop3A_258] {strides = array<i32>} : memref<80x144xf32, #tpu.memory_space<vmem>>, vector<16xf32>,
        tpu.vector_store %arg21[%parallel_loop3A_257, %parallel_loop3A_258], %parallel_loop3A_256 {strides = array<i32>} : memref<80x144xf32, #tpu.memory_space<vmem>>, vector<16xf32>,
        %parallel_loop3A_260 = vector.extract_strided_slice %parallel_loop3A_225 {offsets = [3], sizes = [1], strides = [1]} : vector<16xf32> to vector<1xf32>
        %parallel_loop3A_261 = vector.extract %parallel_loop3A_260[0] : f32 from vector<1xf32>
        %parallel_loop3A_262 = vector.broadcast %parallel_loop3A_261 : f32 to vector<16xf32>
        %parallel_loop3A_263 = arith.mulf %parallel_loop3A_252, %parallel_loop3A_262 : vector<16xf32>
        %parallel_loop3A_264 = arith.index_cast %parallel_loop3A_207 : i32 to index
        %parallel_loop3A_265 = arith.constant 48 : index
        %parallel_loop3A_266 = tpu.vector_load %arg21[%parallel_loop3A_264, %parallel_loop3A_265] {strides = array<i32>} : memref<80x144xf32, #tpu.memory_space<vmem>>, vector<16xf32>,
        tpu.vector_store %arg21[%parallel_loop3A_264, %parallel_loop3A_265], %parallel_loop3A_263 {strides = array<i32>} : memref<80x144xf32, #tpu.memory_space<vmem>>, vector<16xf32>,
        %parallel_loop3A_267 = arith.index_cast %parallel_loop3A_207 : i32 to index
        %parallel_loop3A_268 = arith.constant 64 : index
        %parallel_loop3A_269 = tpu.vector_load %arg18[%parallel_loop3A_267, %parallel_loop3A_268] {strides = array<i32>} : memref<80x128xbf16, #tpu.memory_space<vmem>>, vector<32xbf16>,
        %parallel_loop3A_270 = tpu.unpack_subelements %parallel_loop3A_269, 0 {pack_format = #tpu.pack_format<interleaved>} : vector<32xbf16> -> vector<16xf32>
        %parallel_loop3A_271 = tpu.unpack_subelements %parallel_loop3A_269, 1 {pack_format = #tpu.pack_format<interleaved>} : vector<32xbf16> -> vector<16xf32>
        %parallel_loop3A_272 = vector.extract_strided_slice %parallel_loop3A_225 {offsets = [4], sizes = [1], strides = [1]} : vector<16xf32> to vector<1xf32>
        %parallel_loop3A_273 = vector.extract %parallel_loop3A_272[0] : f32 from vector<1xf32>
        %parallel_loop3A_274 = vector.broadcast %parallel_loop3A_273 : f32 to vector<16xf32>
        %parallel_loop3A_275 = arith.mulf %parallel_loop3A_270, %parallel_loop3A_274 : vector<16xf32>
        %parallel_loop3A_276 = arith.index_cast %parallel_loop3A_207 : i32 to index
        %parallel_loop3A_277 = arith.constant 64 : index
        %parallel_loop3A_278 = tpu.vector_load %arg21[%parallel_loop3A_276, %parallel_loop3A_277] {strides = array<i32>} : memref<80x144xf32, #tpu.memory_space<vmem>>, vector<16xf32>,
        tpu.vector_store %arg21[%parallel_loop3A_276, %parallel_loop3A_277], %parallel_loop3A_275 {strides = array<i32>} : memref<80x144xf32, #tpu.memory_space<vmem>>, vector<16xf32>,
        %parallel_loop3A_279 = vector.extract_strided_slice %parallel_loop3A_225 {offsets = [5], sizes = [1], strides = [1]} : vector<16xf32> to vector<1xf32>
        %parallel_loop3A_280 = vector.extract %parallel_loop3A_279[0] : f32 from vector<1xf32>
        %parallel_loop3A_281 = vector.broadcast %parallel_loop3A_280 : f32 to vector<16xf32>
        %parallel_loop3A_282 = arith.mulf %parallel_loop3A_271, %parallel_loop3A_281 : vector<16xf32>
        %parallel_loop3A_283 = arith.index_cast %parallel_loop3A_207 : i32 to index
        %parallel_loop3A_284 = arith.constant 80 : index
        %parallel_loop3A_285 = tpu.vector_load %arg21[%parallel_loop3A_283, %parallel_loop3A_284] {strides = array<i32>} : memref<80x144xf32, #tpu.memory_space<vmem>>, vector<16xf32>,
        tpu.vector_store %arg21[%parallel_loop3A_283, %parallel_loop3A_284], %parallel_loop3A_282 {strides = array<i32>} : memref<80x144xf32, #tpu.memory_space<vmem>>, vector<16xf32>,
        %parallel_loop3A_286 = arith.index_cast %parallel_loop3A_207 : i32 to index
        %parallel_loop3A_287 = arith.constant 96 : index
        %parallel_loop3A_288 = tpu.vector_load %arg18[%parallel_loop3A_286, %parallel_loop3A_287] {strides = array<i32>} : memref<80x128xbf16, #tpu.memory_space<vmem>>, vector<32xbf16>,
        %parallel_loop3A_289 = tpu.unpack_subelements %parallel_loop3A_288, 0 {pack_format = #tpu.pack_format<interleaved>} : vector<32xbf16> -> vector<16xf32>
        %parallel_loop3A_290 = tpu.unpack_subelements %parallel_loop3A_288, 1 {pack_format = #tpu.pack_format<interleaved>} : vector<32xbf16> -> vector<16xf32>
        %parallel_loop3A_291 = vector.extract_strided_slice %parallel_loop3A_225 {offsets = [6], sizes = [1], strides = [1]} : vector<16xf32> to vector<1xf32>
        %parallel_loop3A_292 = vector.extract %parallel_loop3A_291[0] : f32 from vector<1xf32>
        %parallel_loop3A_293 = vector.broadcast %parallel_loop3A_292 : f32 to vector<16xf32>
        %parallel_loop3A_294 = arith.mulf %parallel_loop3A_289, %parallel_loop3A_293 : vector<16xf32>
        %parallel_loop3A_295 = arith.index_cast %parallel_loop3A_207 : i32 to index
        %parallel_loop3A_296 = arith.constant 96 : index
        %parallel_loop3A_297 = tpu.vector_load %arg21[%parallel_loop3A_295, %parallel_loop3A_296] {strides = array<i32>} : memref<80x144xf32, #tpu.memory_space<vmem>>, vector<16xf32>,
        tpu.vector_store %arg21[%parallel_loop3A_295, %parallel_loop3A_296], %parallel_loop3A_294 {strides = array<i32>} : memref<80x144xf32, #tpu.memory_space<vmem>>, vector<16xf32>,
        %parallel_loop3A_298 = vector.extract_strided_slice %parallel_loop3A_225 {offsets = [7], sizes = [1], strides = [1]} : vector<16xf32> to vector<1xf32>
        %parallel_loop3A_299 = vector.extract %parallel_loop3A_298[0] : f32 from vector<1xf32>
        %parallel_loop3A_300 = vector.broadcast %parallel_loop3A_299 : f32 to vector<16xf32>
        %parallel_loop3A_301 = arith.mulf %parallel_loop3A_290, %parallel_loop3A_300 : vector<16xf32>
        %parallel_loop3A_302 = arith.index_cast %parallel_loop3A_207 : i32 to index
        %parallel_loop3A_303 = arith.constant 112 : index
        %parallel_loop3A_304 = tpu.vector_load %arg21[%parallel_loop3A_302, %parallel_loop3A_303] {strides = array<i32>} : memref<80x144xf32, #tpu.memory_space<vmem>>, vector<16xf32>,
        tpu.vector_store %arg21[%parallel_loop3A_302, %parallel_loop3A_303], %parallel_loop3A_301 {strides = array<i32>} : memref<80x144xf32, #tpu.memory_space<vmem>>, vector<16xf32>,
      } {sc.loop_unroll_factor = 1 : i64, sc.parallel_access}
      %dma_start3A_204 = arith.constant 0 : i32
      %dma_start3A_205 = arith.constant 0 : i32
      %dma_start3A_206 = tpu.memref_slice %arg23[%dma_start3A_204, %dma_start3A_205] : memref<10240x144xf32, #tpu.memory_space<vmem_shared>> -> memref<10240x144xf32, #tpu.memory_space<vmem_shared>>
      tpu.enqueue_indirect_dma source(%arg21 : memref<80x144xf32, #tpu.memory_space<vmem>>) target(%dma_start3A_206 : memref<10240x144xf32, #tpu.memory_space<vmem_shared>>) offsets(%arg22 : memref<80xi32, #tpu.memory_space<vmem>>) semaphore(%arg33 : memref<!tpu.dma_semaphore, #tpu.memory_space<semaphore_mem>>) {add = true}
    }
    %while3A_47 = arith.constant 1 : i32
    scf.for %while3A_90 = %while3A_45 to %while3A_41 step %while3A_47  : i32 {
      %mul3A_91 = arith.constant 2 : i32
      %mul3A_92 = arith.muli %while3A_90, %mul3A_91 : i32
      %dma_wait3A_93 = arith.constant 0 : i32
      %dma_wait3A_94 = tpu.memref_slice %arg2[%dma_wait3A_93] : memref<320000xi32, #tpu.memory_space<hbm>> -> memref<80xi32, #tpu.memory_space<hbm>>
      %dma_wait3A_95 = arith.constant 0 : i32
      %dma_wait3A_96 = tpu.memref_slice %arg2[%dma_wait3A_95] : memref<320000xi32, #tpu.memory_space<hbm>> -> memref<80xi32, #tpu.memory_space<hbm>>
      tpu.wait_dma2 semaphore(%arg29 : memref<!tpu.dma_semaphore, #tpu.memory_space<semaphore_mem>>) src(%dma_wait3A_96 : memref<80xi32, #tpu.memory_space<hbm>>) dst(%arg16 : memref<80xi32, #tpu.memory_space<vmem>>)
      %dma_wait3A_97 = arith.constant 0 : i32
      %dma_wait3A_98 = tpu.memref_slice %arg3[%dma_wait3A_97] : memref<320000xi32, #tpu.memory_space<hbm>> -> memref<80xi32, #tpu.memory_space<hbm>>
      %dma_wait3A_99 = arith.constant 0 : i32
      %dma_wait3A_100 = tpu.memref_slice %arg3[%dma_wait3A_99] : memref<320000xi32, #tpu.memory_space<hbm>> -> memref<80xi32, #tpu.memory_space<hbm>>
      tpu.wait_dma2 semaphore(%arg29 : memref<!tpu.dma_semaphore, #tpu.memory_space<semaphore_mem>>) src(%dma_wait3A_100 : memref<80xi32, #tpu.memory_space<hbm>>) dst(%arg17 : memref<80xi32, #tpu.memory_space<vmem>>)
      %dma_start3A_101 = arith.constant 0 : i32
      %dma_start3A_102 = arith.constant 0 : i32
      %dma_start3A_103 = tpu.memref_slice %arg4[%dma_start3A_101, %dma_start3A_102] : memref<10000x128xbf16, #tpu.memory_space<hbm>> -> memref<10000x128xbf16, #tpu.memory_space<hbm>>
      tpu.enqueue_indirect_dma source(%dma_start3A_103 : memref<10000x128xbf16, #tpu.memory_space<hbm>>) target(%arg18 : memref<80x128xbf16, #tpu.memory_space<vmem>>) offsets(%arg17 : memref<80xi32, #tpu.memory_space<vmem>>) semaphore(%arg30 : memref<!tpu.dma_semaphore, #tpu.memory_space<semaphore_mem>>)
      %dma_start3A_104 = arith.constant 0 : i32
      %dma_start3A_105 = arith.constant 0 : i32
      %dma_start3A_106 = tpu.memref_slice %arg5[%dma_start3A_104, %dma_start3A_105] : memref<10000x16xf32, #tpu.memory_space<hbm>> -> memref<10000x16xf32, #tpu.memory_space<hbm>>
      tpu.enqueue_indirect_dma source(%dma_start3A_106 : memref<10000x16xf32, #tpu.memory_space<hbm>>) target(%arg19 : memref<80x16xf32, #tpu.memory_space<vmem>>) offsets(%arg16 : memref<80xi32, #tpu.memory_space<vmem>>) semaphore(%arg31 : memref<!tpu.dma_semaphore, #tpu.memory_space<semaphore_mem>>)
      %dma_start3A_107 = arith.constant 0 : i32
      %dma_start3A_108 = arith.constant 0 : i32
      %dma_start3A_109 = tpu.memref_slice %arg6[%dma_start3A_107, %dma_start3A_108] : memref<10000x16xf32, #tpu.memory_space<hbm>> -> memref<10000x16xf32, #tpu.memory_space<hbm>>
      tpu.enqueue_indirect_dma source(%dma_start3A_109 : memref<10000x16xf32, #tpu.memory_space<hbm>>) target(%arg20 : memref<80x16xf32, #tpu.memory_space<vmem>>) offsets(%arg17 : memref<80xi32, #tpu.memory_space<vmem>>) semaphore(%arg32 : memref<!tpu.dma_semaphore, #tpu.memory_space<semaphore_mem>>)
      %dma_wait3A_110 = arith.constant 0 : i32
      %dma_wait3A_111 = arith.constant 0 : i32
      %dma_wait3A_112 = tpu.memref_slice %arg4[%dma_wait3A_110, %dma_wait3A_111] : memref<10000x128xbf16, #tpu.memory_space<hbm>> -> memref<10000x128xbf16, #tpu.memory_space<hbm>>
      tpu.wait_indirect_dma semaphore(%arg25 : memref<!tpu.dma_semaphore, #tpu.memory_space<semaphore_mem>>) src(%dma_wait3A_112 : memref<10000x128xbf16, #tpu.memory_space<hbm>>) dst(%arg11 : memref<80x128xbf16, #tpu.memory_space<vmem>>)
      %dma_wait3A_113 = arith.constant 0 : i32
      %dma_wait3A_114 = arith.constant 0 : i32
      %dma_wait3A_115 = tpu.memref_slice %arg5[%dma_wait3A_113, %dma_wait3A_114] : memref<10000x16xf32, #tpu.memory_space<hbm>> -> memref<10000x16xf32, #tpu.memory_space<hbm>>
      tpu.wait_indirect_dma semaphore(%arg26 : memref<!tpu.dma_semaphore, #tpu.memory_space<semaphore_mem>>) src(%dma_wait3A_115 : memref<10000x16xf32, #tpu.memory_space<hbm>>) dst(%arg12 : memref<80x16xf32, #tpu.memory_space<vmem>>)
      %dma_wait3A_116 = arith.constant 0 : i32
      %dma_wait3A_117 = arith.constant 0 : i32
      %dma_wait3A_118 = tpu.memref_slice %arg6[%dma_wait3A_116, %dma_wait3A_117] : memref<10000x16xf32, #tpu.memory_space<hbm>> -> memref<10000x16xf32, #tpu.memory_space<hbm>>
      tpu.wait_indirect_dma semaphore(%arg27 : memref<!tpu.dma_semaphore, #tpu.memory_space<semaphore_mem>>) src(%dma_wait3A_118 : memref<10000x16xf32, #tpu.memory_space<hbm>>) dst(%arg13 : memref<80x16xf32, #tpu.memory_space<vmem>>)
      %gt3A = arith.constant 0 : i32
      %gt3A_119 = arith.cmpi sgt, %while3A_90, %gt3A : i32
      %convert_element_type3A = arith.extui %gt3A_119 : i1 to i32
      %cond3A = arith.constant 0 : i32
      %cond3A_120 = arith.cmpi ne, %convert_element_type3A, %cond3A : i32
      scf.if %cond3A_120 {
        %dma_wait3A_207 = arith.constant 0 : i32
        %dma_wait3A_208 = arith.constant 0 : i32
        %dma_wait3A_209 = tpu.memref_slice %arg23[%dma_wait3A_207, %dma_wait3A_208] : memref<10240x144xf32, #tpu.memory_space<vmem_shared>> -> memref<10240x144xf32, #tpu.memory_space<vmem_shared>>
        tpu.wait_indirect_dma semaphore(%arg28 : memref<!tpu.dma_semaphore, #tpu.memory_space<semaphore_mem>>) src(%arg14 : memref<80x144xf32, #tpu.memory_space<vmem>>) dst(%dma_wait3A_209 : memref<10240x144xf32, #tpu.memory_space<vmem_shared>>)
      } else {
      }
      %get3A_121 = arith.constant 0 : index
      %get3A_122 = tpu.vector_load %arg9[%get3A_121] {strides = array<i32>} : memref<80xi32, #tpu.memory_space<vmem>>, vector<16xi32>,
      %swap3A_123 = arith.constant 0 : index
      %swap3A_124 = tpu.vector_load %arg15[%swap3A_123] {strides = array<i32>} : memref<80xi32, #tpu.memory_space<vmem>>, vector<16xi32>,
      tpu.vector_store %arg15[%swap3A_123], %get3A_122 {strides = array<i32>} : memref<80xi32, #tpu.memory_space<vmem>>, vector<16xi32>,
      %get3A_125 = arith.constant 16 : index
      %get3A_126 = tpu.vector_load %arg9[%get3A_125] {strides = array<i32>} : memref<80xi32, #tpu.memory_space<vmem>>, vector<16xi32>,
      %swap3A_127 = arith.constant 16 : index
      %swap3A_128 = tpu.vector_load %arg15[%swap3A_127] {strides = array<i32>} : memref<80xi32, #tpu.memory_space<vmem>>, vector<16xi32>,
      tpu.vector_store %arg15[%swap3A_127], %get3A_126 {strides = array<i32>} : memref<80xi32, #tpu.memory_space<vmem>>, vector<16xi32>,
      %get3A_129 = arith.constant 32 : index
      %get3A_130 = tpu.vector_load %arg9[%get3A_129] {strides = array<i32>} : memref<80xi32, #tpu.memory_space<vmem>>, vector<16xi32>,
      %swap3A_131 = arith.constant 32 : index
      %swap3A_132 = tpu.vector_load %arg15[%swap3A_131] {strides = array<i32>} : memref<80xi32, #tpu.memory_space<vmem>>, vector<16xi32>,
      tpu.vector_store %arg15[%swap3A_131], %get3A_130 {strides = array<i32>} : memref<80xi32, #tpu.memory_space<vmem>>, vector<16xi32>,
      %get3A_133 = arith.constant 48 : index
      %get3A_134 = tpu.vector_load %arg9[%get3A_133] {strides = array<i32>} : memref<80xi32, #tpu.memory_space<vmem>>, vector<16xi32>,
      %swap3A_135 = arith.constant 48 : index
      %swap3A_136 = tpu.vector_load %arg15[%swap3A_135] {strides = array<i32>} : memref<80xi32, #tpu.memory_space<vmem>>, vector<16xi32>,
      tpu.vector_store %arg15[%swap3A_135], %get3A_134 {strides = array<i32>} : memref<80xi32, #tpu.memory_space<vmem>>, vector<16xi32>,
      %get3A_137 = arith.constant 64 : index
      %get3A_138 = tpu.vector_load %arg9[%get3A_137] {strides = array<i32>} : memref<80xi32, #tpu.memory_space<vmem>>, vector<16xi32>,
      %swap3A_139 = arith.constant 64 : index
      %swap3A_140 = tpu.vector_load %arg15[%swap3A_139] {strides = array<i32>} : memref<80xi32, #tpu.memory_space<vmem>>, vector<16xi32>,
      tpu.vector_store %arg15[%swap3A_139], %get3A_138 {strides = array<i32>} : memref<80xi32, #tpu.memory_space<vmem>>, vector<16xi32>,
      %add3A_141 = arith.constant 2 : i32
      %add3A_142 = arith.addi %mul3A_92, %add3A_141 : i32
      %lt3A = arith.constant 125 : i32
      %lt3A_143 = arith.cmpi slt, %add3A_142, %lt3A : i32
      %convert_element_type3A_144 = arith.extui %lt3A_143 : i1 to i32
      %cond3A_145 = arith.constant 0 : i32
      %cond3A_146 = arith.cmpi ne, %convert_element_type3A_144, %cond3A_145 : i32
      scf.if %cond3A_146 {
        %add3A_207 = arith.constant 2 : i32
        %add3A_208 = arith.addi %mul3A_92, %add3A_207 : i32
        %mul3A_209 = arith.constant 10000 : i32
        %mul3A_210 = arith.muli %add3A, %mul3A_209 : i32
        %mul3A_211 = arith.constant 80 : i32
        %mul3A_212 = arith.muli %add3A_208, %mul3A_211 : i32
        %add3A_213 = arith.addi %mul3A_210, %mul3A_212 : i32
        %dma_start3A_214 = tpu.memref_slice %arg2[%add3A_213] : memref<320000xi32, #tpu.memory_space<hbm>> -> memref<80xi32, #tpu.memory_space<hbm>>
        %dma_start3A_215 = tpu.memref_slice %arg2[%add3A_213] : memref<320000xi32, #tpu.memory_space<hbm>> -> memref<80xi32, #tpu.memory_space<hbm>>
        tpu.enqueue_dma source(%dma_start3A_215 : memref<80xi32, #tpu.memory_space<hbm>>) target(%arg9 : memref<80xi32, #tpu.memory_space<vmem>>) target_semaphore(%arg24 : memref<!tpu.dma_semaphore, #tpu.memory_space<semaphore_mem>>)
        %dma_start3A_216 = tpu.memref_slice %arg3[%add3A_213] : memref<320000xi32, #tpu.memory_space<hbm>> -> memref<80xi32, #tpu.memory_space<hbm>>
        %dma_start3A_217 = tpu.memref_slice %arg3[%add3A_213] : memref<320000xi32, #tpu.memory_space<hbm>> -> memref<80xi32, #tpu.memory_space<hbm>>
        tpu.enqueue_dma source(%dma_start3A_217 : memref<80xi32, #tpu.memory_space<hbm>>) target(%arg10 : memref<80xi32, #tpu.memory_space<vmem>>) target_semaphore(%arg24 : memref<!tpu.dma_semaphore, #tpu.memory_space<semaphore_mem>>)
      } else {
      }
      %parallel_loop3A_147 = arith.constant 0 : i32
      %parallel_loop3A_148 = arith.constant 80 : i32
      %parallel_loop3A_149 = arith.constant 1 : i32
      scf.for %parallel_loop3A_207 = %parallel_loop3A_147 to %parallel_loop3A_148 step %parallel_loop3A_149  : i32 {
        %parallel_loop3A_208 = arith.index_cast %parallel_loop3A_207 : i32 to index
        %parallel_loop3A_209 = arith.constant 0 : index
        %parallel_loop3A_210 = tpu.vector_load %arg12[%parallel_loop3A_208, %parallel_loop3A_209] {strides = array<i32>} : memref<80x16xf32, #tpu.memory_space<vmem>>, vector<16xf32>,
        %parallel_loop3A_211 = arith.index_cast %parallel_loop3A_207 : i32 to index
        %parallel_loop3A_212 = arith.constant 0 : index
        %parallel_loop3A_213 = tpu.vector_load %arg13[%parallel_loop3A_211, %parallel_loop3A_212] {strides = array<i32>} : memref<80x16xf32, #tpu.memory_space<vmem>>, vector<16xf32>,
        %parallel_loop3A_214 = arith.addf %parallel_loop3A_210, %parallel_loop3A_213 : vector<16xf32>
        %parallel_loop3A_215 = arith.constant 0.000000e+00 : f32
        %parallel_loop3A_216 = vector.broadcast %parallel_loop3A_215 : f32 to vector<16xf32>
        %parallel_loop3A_217 = arith.cmpf oge, %parallel_loop3A_214, %parallel_loop3A_216 : vector<16xf32>
        %parallel_loop3A_218 = arith.constant 2.000000e-01 : f32
        %parallel_loop3A_219 = vector.broadcast %parallel_loop3A_218 : f32 to vector<16xf32>
        %parallel_loop3A_220 = arith.mulf %parallel_loop3A_219, %parallel_loop3A_214 : vector<16xf32>
        %parallel_loop3A_221 = arith.select %parallel_loop3A_217, %parallel_loop3A_214, %parallel_loop3A_220 : vector<16xi1>, vector<16xf32>
        %parallel_loop3A_222 = arith.constant 0.000000e+00 : f32
        %parallel_loop3A_223 = vector.broadcast %parallel_loop3A_222 : f32 to vector<16xf32>
        %parallel_loop3A_224 = arith.subf %parallel_loop3A_223, %parallel_loop3A_221 : vector<16xf32>
        %parallel_loop3A_225 = math.exp %parallel_loop3A_224 : vector<16xf32>
        %parallel_loop3A_226 = arith.index_cast %parallel_loop3A_207 : i32 to index
        %parallel_loop3A_227 = arith.constant 128 : index
        %parallel_loop3A_228 = tpu.vector_load %arg14[%parallel_loop3A_226, %parallel_loop3A_227] {strides = array<i32>} : memref<80x144xf32, #tpu.memory_space<vmem>>, vector<16xf32>,
        tpu.vector_store %arg14[%parallel_loop3A_226, %parallel_loop3A_227], %parallel_loop3A_225 {strides = array<i32>} : memref<80x144xf32, #tpu.memory_space<vmem>>, vector<16xf32>,
        %parallel_loop3A_229 = arith.index_cast %parallel_loop3A_207 : i32 to index
        %parallel_loop3A_230 = arith.constant 0 : index
        %parallel_loop3A_231 = tpu.vector_load %arg11[%parallel_loop3A_229, %parallel_loop3A_230] {strides = array<i32>} : memref<80x128xbf16, #tpu.memory_space<vmem>>, vector<32xbf16>,
        %parallel_loop3A_232 = tpu.unpack_subelements %parallel_loop3A_231, 0 {pack_format = #tpu.pack_format<interleaved>} : vector<32xbf16> -> vector<16xf32>
        %parallel_loop3A_233 = tpu.unpack_subelements %parallel_loop3A_231, 1 {pack_format = #tpu.pack_format<interleaved>} : vector<32xbf16> -> vector<16xf32>
        %parallel_loop3A_234 = vector.extract_strided_slice %parallel_loop3A_225 {offsets = [0], sizes = [1], strides = [1]} : vector<16xf32> to vector<1xf32>
        %parallel_loop3A_235 = vector.extract %parallel_loop3A_234[0] : f32 from vector<1xf32>
        %parallel_loop3A_236 = vector.broadcast %parallel_loop3A_235 : f32 to vector<16xf32>
        %parallel_loop3A_237 = arith.mulf %parallel_loop3A_232, %parallel_loop3A_236 : vector<16xf32>
        %parallel_loop3A_238 = arith.index_cast %parallel_loop3A_207 : i32 to index
        %parallel_loop3A_239 = arith.constant 0 : index
        %parallel_loop3A_240 = tpu.vector_load %arg14[%parallel_loop3A_238, %parallel_loop3A_239] {strides = array<i32>} : memref<80x144xf32, #tpu.memory_space<vmem>>, vector<16xf32>,
        tpu.vector_store %arg14[%parallel_loop3A_238, %parallel_loop3A_239], %parallel_loop3A_237 {strides = array<i32>} : memref<80x144xf32, #tpu.memory_space<vmem>>, vector<16xf32>,
        %parallel_loop3A_241 = vector.extract_strided_slice %parallel_loop3A_225 {offsets = [1], sizes = [1], strides = [1]} : vector<16xf32> to vector<1xf32>
        %parallel_loop3A_242 = vector.extract %parallel_loop3A_241[0] : f32 from vector<1xf32>
        %parallel_loop3A_243 = vector.broadcast %parallel_loop3A_242 : f32 to vector<16xf32>
        %parallel_loop3A_244 = arith.mulf %parallel_loop3A_233, %parallel_loop3A_243 : vector<16xf32>
        %parallel_loop3A_245 = arith.index_cast %parallel_loop3A_207 : i32 to index
        %parallel_loop3A_246 = arith.constant 16 : index
        %parallel_loop3A_247 = tpu.vector_load %arg14[%parallel_loop3A_245, %parallel_loop3A_246] {strides = array<i32>} : memref<80x144xf32, #tpu.memory_space<vmem>>, vector<16xf32>,
        tpu.vector_store %arg14[%parallel_loop3A_245, %parallel_loop3A_246], %parallel_loop3A_244 {strides = array<i32>} : memref<80x144xf32, #tpu.memory_space<vmem>>, vector<16xf32>,
        %parallel_loop3A_248 = arith.index_cast %parallel_loop3A_207 : i32 to index
        %parallel_loop3A_249 = arith.constant 32 : index
        %parallel_loop3A_250 = tpu.vector_load %arg11[%parallel_loop3A_248, %parallel_loop3A_249] {strides = array<i32>} : memref<80x128xbf16, #tpu.memory_space<vmem>>, vector<32xbf16>,
        %parallel_loop3A_251 = tpu.unpack_subelements %parallel_loop3A_250, 0 {pack_format = #tpu.pack_format<interleaved>} : vector<32xbf16> -> vector<16xf32>
        %parallel_loop3A_252 = tpu.unpack_subelements %parallel_loop3A_250, 1 {pack_format = #tpu.pack_format<interleaved>} : vector<32xbf16> -> vector<16xf32>
        %parallel_loop3A_253 = vector.extract_strided_slice %parallel_loop3A_225 {offsets = [2], sizes = [1], strides = [1]} : vector<16xf32> to vector<1xf32>
        %parallel_loop3A_254 = vector.extract %parallel_loop3A_253[0] : f32 from vector<1xf32>
        %parallel_loop3A_255 = vector.broadcast %parallel_loop3A_254 : f32 to vector<16xf32>
        %parallel_loop3A_256 = arith.mulf %parallel_loop3A_251, %parallel_loop3A_255 : vector<16xf32>
        %parallel_loop3A_257 = arith.index_cast %parallel_loop3A_207 : i32 to index
        %parallel_loop3A_258 = arith.constant 32 : index
        %parallel_loop3A_259 = tpu.vector_load %arg14[%parallel_loop3A_257, %parallel_loop3A_258] {strides = array<i32>} : memref<80x144xf32, #tpu.memory_space<vmem>>, vector<16xf32>,
        tpu.vector_store %arg14[%parallel_loop3A_257, %parallel_loop3A_258], %parallel_loop3A_256 {strides = array<i32>} : memref<80x144xf32, #tpu.memory_space<vmem>>, vector<16xf32>,
        %parallel_loop3A_260 = vector.extract_strided_slice %parallel_loop3A_225 {offsets = [3], sizes = [1], strides = [1]} : vector<16xf32> to vector<1xf32>
        %parallel_loop3A_261 = vector.extract %parallel_loop3A_260[0] : f32 from vector<1xf32>
        %parallel_loop3A_262 = vector.broadcast %parallel_loop3A_261 : f32 to vector<16xf32>
        %parallel_loop3A_263 = arith.mulf %parallel_loop3A_252, %parallel_loop3A_262 : vector<16xf32>
        %parallel_loop3A_264 = arith.index_cast %parallel_loop3A_207 : i32 to index
        %parallel_loop3A_265 = arith.constant 48 : index
        %parallel_loop3A_266 = tpu.vector_load %arg14[%parallel_loop3A_264, %parallel_loop3A_265] {strides = array<i32>} : memref<80x144xf32, #tpu.memory_space<vmem>>, vector<16xf32>,
        tpu.vector_store %arg14[%parallel_loop3A_264, %parallel_loop3A_265], %parallel_loop3A_263 {strides = array<i32>} : memref<80x144xf32, #tpu.memory_space<vmem>>, vector<16xf32>,
        %parallel_loop3A_267 = arith.index_cast %parallel_loop3A_207 : i32 to index
        %parallel_loop3A_268 = arith.constant 64 : index
        %parallel_loop3A_269 = tpu.vector_load %arg11[%parallel_loop3A_267, %parallel_loop3A_268] {strides = array<i32>} : memref<80x128xbf16, #tpu.memory_space<vmem>>, vector<32xbf16>,
        %parallel_loop3A_270 = tpu.unpack_subelements %parallel_loop3A_269, 0 {pack_format = #tpu.pack_format<interleaved>} : vector<32xbf16> -> vector<16xf32>
        %parallel_loop3A_271 = tpu.unpack_subelements %parallel_loop3A_269, 1 {pack_format = #tpu.pack_format<interleaved>} : vector<32xbf16> -> vector<16xf32>
        %parallel_loop3A_272 = vector.extract_strided_slice %parallel_loop3A_225 {offsets = [4], sizes = [1], strides = [1]} : vector<16xf32> to vector<1xf32>
        %parallel_loop3A_273 = vector.extract %parallel_loop3A_272[0] : f32 from vector<1xf32>
        %parallel_loop3A_274 = vector.broadcast %parallel_loop3A_273 : f32 to vector<16xf32>
        %parallel_loop3A_275 = arith.mulf %parallel_loop3A_270, %parallel_loop3A_274 : vector<16xf32>
        %parallel_loop3A_276 = arith.index_cast %parallel_loop3A_207 : i32 to index
        %parallel_loop3A_277 = arith.constant 64 : index
        %parallel_loop3A_278 = tpu.vector_load %arg14[%parallel_loop3A_276, %parallel_loop3A_277] {strides = array<i32>} : memref<80x144xf32, #tpu.memory_space<vmem>>, vector<16xf32>,
        tpu.vector_store %arg14[%parallel_loop3A_276, %parallel_loop3A_277], %parallel_loop3A_275 {strides = array<i32>} : memref<80x144xf32, #tpu.memory_space<vmem>>, vector<16xf32>,
        %parallel_loop3A_279 = vector.extract_strided_slice %parallel_loop3A_225 {offsets = [5], sizes = [1], strides = [1]} : vector<16xf32> to vector<1xf32>
        %parallel_loop3A_280 = vector.extract %parallel_loop3A_279[0] : f32 from vector<1xf32>
        %parallel_loop3A_281 = vector.broadcast %parallel_loop3A_280 : f32 to vector<16xf32>
        %parallel_loop3A_282 = arith.mulf %parallel_loop3A_271, %parallel_loop3A_281 : vector<16xf32>
        %parallel_loop3A_283 = arith.index_cast %parallel_loop3A_207 : i32 to index
        %parallel_loop3A_284 = arith.constant 80 : index
        %parallel_loop3A_285 = tpu.vector_load %arg14[%parallel_loop3A_283, %parallel_loop3A_284] {strides = array<i32>} : memref<80x144xf32, #tpu.memory_space<vmem>>, vector<16xf32>,
        tpu.vector_store %arg14[%parallel_loop3A_283, %parallel_loop3A_284], %parallel_loop3A_282 {strides = array<i32>} : memref<80x144xf32, #tpu.memory_space<vmem>>, vector<16xf32>,
        %parallel_loop3A_286 = arith.index_cast %parallel_loop3A_207 : i32 to index
        %parallel_loop3A_287 = arith.constant 96 : index
        %parallel_loop3A_288 = tpu.vector_load %arg11[%parallel_loop3A_286, %parallel_loop3A_287] {strides = array<i32>} : memref<80x128xbf16, #tpu.memory_space<vmem>>, vector<32xbf16>,
        %parallel_loop3A_289 = tpu.unpack_subelements %parallel_loop3A_288, 0 {pack_format = #tpu.pack_format<interleaved>} : vector<32xbf16> -> vector<16xf32>
        %parallel_loop3A_290 = tpu.unpack_subelements %parallel_loop3A_288, 1 {pack_format = #tpu.pack_format<interleaved>} : vector<32xbf16> -> vector<16xf32>
        %parallel_loop3A_291 = vector.extract_strided_slice %parallel_loop3A_225 {offsets = [6], sizes = [1], strides = [1]} : vector<16xf32> to vector<1xf32>
        %parallel_loop3A_292 = vector.extract %parallel_loop3A_291[0] : f32 from vector<1xf32>
        %parallel_loop3A_293 = vector.broadcast %parallel_loop3A_292 : f32 to vector<16xf32>
        %parallel_loop3A_294 = arith.mulf %parallel_loop3A_289, %parallel_loop3A_293 : vector<16xf32>
        %parallel_loop3A_295 = arith.index_cast %parallel_loop3A_207 : i32 to index
        %parallel_loop3A_296 = arith.constant 96 : index
        %parallel_loop3A_297 = tpu.vector_load %arg14[%parallel_loop3A_295, %parallel_loop3A_296] {strides = array<i32>} : memref<80x144xf32, #tpu.memory_space<vmem>>, vector<16xf32>,
        tpu.vector_store %arg14[%parallel_loop3A_295, %parallel_loop3A_296], %parallel_loop3A_294 {strides = array<i32>} : memref<80x144xf32, #tpu.memory_space<vmem>>, vector<16xf32>,
        %parallel_loop3A_298 = vector.extract_strided_slice %parallel_loop3A_225 {offsets = [7], sizes = [1], strides = [1]} : vector<16xf32> to vector<1xf32>
        %parallel_loop3A_299 = vector.extract %parallel_loop3A_298[0] : f32 from vector<1xf32>
        %parallel_loop3A_300 = vector.broadcast %parallel_loop3A_299 : f32 to vector<16xf32>
        %parallel_loop3A_301 = arith.mulf %parallel_loop3A_290, %parallel_loop3A_300 : vector<16xf32>
        %parallel_loop3A_302 = arith.index_cast %parallel_loop3A_207 : i32 to index
        %parallel_loop3A_303 = arith.constant 112 : index
        %parallel_loop3A_304 = tpu.vector_load %arg14[%parallel_loop3A_302, %parallel_loop3A_303] {strides = array<i32>} : memref<80x144xf32, #tpu.memory_space<vmem>>, vector<16xf32>,
        tpu.vector_store %arg14[%parallel_loop3A_302, %parallel_loop3A_303], %parallel_loop3A_301 {strides = array<i32>} : memref<80x144xf32, #tpu.memory_space<vmem>>, vector<16xf32>,
      } {sc.loop_unroll_factor = 1 : i64, sc.parallel_access}
      %dma_start3A_150 = arith.constant 0 : i32
      %dma_start3A_151 = arith.constant 0 : i32
      %dma_start3A_152 = tpu.memref_slice %arg23[%dma_start3A_150, %dma_start3A_151] : memref<10240x144xf32, #tpu.memory_space<vmem_shared>> -> memref<10240x144xf32, #tpu.memory_space<vmem_shared>>
      tpu.enqueue_indirect_dma source(%arg14 : memref<80x144xf32, #tpu.memory_space<vmem>>) target(%dma_start3A_152 : memref<10240x144xf32, #tpu.memory_space<vmem_shared>>) offsets(%arg15 : memref<80xi32, #tpu.memory_space<vmem>>) semaphore(%arg28 : memref<!tpu.dma_semaphore, #tpu.memory_space<semaphore_mem>>) {add = true}
      %add3A_153 = arith.constant 2 : i32
      %add3A_154 = arith.addi %mul3A_92, %add3A_153 : i32
      %lt3A_155 = arith.constant 125 : i32
      %lt3A_156 = arith.cmpi slt, %add3A_154, %lt3A_155 : i32
      %convert_element_type3A_157 = arith.extui %lt3A_156 : i1 to i32
      %cond3A_158 = arith.constant 0 : i32
      %cond3A_159 = arith.cmpi ne, %convert_element_type3A_157, %cond3A_158 : i32
      scf.if %cond3A_159 {
        %dma_wait3A_207 = arith.constant 0 : i32
        %dma_wait3A_208 = tpu.memref_slice %arg2[%dma_wait3A_207] : memref<320000xi32, #tpu.memory_space<hbm>> -> memref<80xi32, #tpu.memory_space<hbm>>
        %dma_wait3A_209 = arith.constant 0 : i32
        %dma_wait3A_210 = tpu.memref_slice %arg2[%dma_wait3A_209] : memref<320000xi32, #tpu.memory_space<hbm>> -> memref<80xi32, #tpu.memory_space<hbm>>
        tpu.wait_dma2 semaphore(%arg24 : memref<!tpu.dma_semaphore, #tpu.memory_space<semaphore_mem>>) src(%dma_wait3A_210 : memref<80xi32, #tpu.memory_space<hbm>>) dst(%arg9 : memref<80xi32, #tpu.memory_space<vmem>>)
        %dma_wait3A_211 = arith.constant 0 : i32
        %dma_wait3A_212 = tpu.memref_slice %arg3[%dma_wait3A_211] : memref<320000xi32, #tpu.memory_space<hbm>> -> memref<80xi32, #tpu.memory_space<hbm>>
        %dma_wait3A_213 = arith.constant 0 : i32
        %dma_wait3A_214 = tpu.memref_slice %arg3[%dma_wait3A_213] : memref<320000xi32, #tpu.memory_space<hbm>> -> memref<80xi32, #tpu.memory_space<hbm>>
        tpu.wait_dma2 semaphore(%arg24 : memref<!tpu.dma_semaphore, #tpu.memory_space<semaphore_mem>>) src(%dma_wait3A_214 : memref<80xi32, #tpu.memory_space<hbm>>) dst(%arg10 : memref<80xi32, #tpu.memory_space<vmem>>)
        %dma_start3A_215 = arith.constant 0 : i32
        %dma_start3A_216 = arith.constant 0 : i32
        %dma_start3A_217 = tpu.memref_slice %arg4[%dma_start3A_215, %dma_start3A_216] : memref<10000x128xbf16, #tpu.memory_space<hbm>> -> memref<10000x128xbf16, #tpu.memory_space<hbm>>
        tpu.enqueue_indirect_dma source(%dma_start3A_217 : memref<10000x128xbf16, #tpu.memory_space<hbm>>) target(%arg11 : memref<80x128xbf16, #tpu.memory_space<vmem>>) offsets(%arg10 : memref<80xi32, #tpu.memory_space<vmem>>) semaphore(%arg25 : memref<!tpu.dma_semaphore, #tpu.memory_space<semaphore_mem>>)
        %dma_start3A_218 = arith.constant 0 : i32
        %dma_start3A_219 = arith.constant 0 : i32
        %dma_start3A_220 = tpu.memref_slice %arg5[%dma_start3A_218, %dma_start3A_219] : memref<10000x16xf32, #tpu.memory_space<hbm>> -> memref<10000x16xf32, #tpu.memory_space<hbm>>
        tpu.enqueue_indirect_dma source(%dma_start3A_220 : memref<10000x16xf32, #tpu.memory_space<hbm>>) target(%arg12 : memref<80x16xf32, #tpu.memory_space<vmem>>) offsets(%arg9 : memref<80xi32, #tpu.memory_space<vmem>>) semaphore(%arg26 : memref<!tpu.dma_semaphore, #tpu.memory_space<semaphore_mem>>)
        %dma_start3A_221 = arith.constant 0 : i32
        %dma_start3A_222 = arith.constant 0 : i32
        %dma_start3A_223 = tpu.memref_slice %arg6[%dma_start3A_221, %dma_start3A_222] : memref<10000x16xf32, #tpu.memory_space<hbm>> -> memref<10000x16xf32, #tpu.memory_space<hbm>>
        tpu.enqueue_indirect_dma source(%dma_start3A_223 : memref<10000x16xf32, #tpu.memory_space<hbm>>) target(%arg13 : memref<80x16xf32, #tpu.memory_space<vmem>>) offsets(%arg10 : memref<80xi32, #tpu.memory_space<vmem>>) semaphore(%arg27 : memref<!tpu.dma_semaphore, #tpu.memory_space<semaphore_mem>>)
      } else {
      }
      %dma_wait3A_160 = arith.constant 0 : i32
      %dma_wait3A_161 = arith.constant 0 : i32
      %dma_wait3A_162 = tpu.memref_slice %arg4[%dma_wait3A_160, %dma_wait3A_161] : memref<10000x128xbf16, #tpu.memory_space<hbm>> -> memref<10000x128xbf16, #tpu.memory_space<hbm>>
      tpu.wait_indirect_dma semaphore(%arg30 : memref<!tpu.dma_semaphore, #tpu.memory_space<semaphore_mem>>) src(%dma_wait3A_162 : memref<10000x128xbf16, #tpu.memory_space<hbm>>) dst(%arg18 : memref<80x128xbf16, #tpu.memory_space<vmem>>)
      %dma_wait3A_163 = arith.constant 0 : i32
      %dma_wait3A_164 = arith.constant 0 : i32
      %dma_wait3A_165 = tpu.memref_slice %arg5[%dma_wait3A_163, %dma_wait3A_164] : memref<10000x16xf32, #tpu.memory_space<hbm>> -> memref<10000x16xf32, #tpu.memory_space<hbm>>
      tpu.wait_indirect_dma semaphore(%arg31 : memref<!tpu.dma_semaphore, #tpu.memory_space<semaphore_mem>>) src(%dma_wait3A_165 : memref<10000x16xf32, #tpu.memory_space<hbm>>) dst(%arg19 : memref<80x16xf32, #tpu.memory_space<vmem>>)
      %dma_wait3A_166 = arith.constant 0 : i32
      %dma_wait3A_167 = arith.constant 0 : i32
      %dma_wait3A_168 = tpu.memref_slice %arg6[%dma_wait3A_166, %dma_wait3A_167] : memref<10000x16xf32, #tpu.memory_space<hbm>> -> memref<10000x16xf32, #tpu.memory_space<hbm>>
      tpu.wait_indirect_dma semaphore(%arg32 : memref<!tpu.dma_semaphore, #tpu.memory_space<semaphore_mem>>) src(%dma_wait3A_168 : memref<10000x16xf32, #tpu.memory_space<hbm>>) dst(%arg20 : memref<80x16xf32, #tpu.memory_space<vmem>>)
      %gt3A_169 = arith.constant 0 : i32
      %gt3A_170 = arith.cmpi sgt, %while3A_90, %gt3A_169 : i32
      %convert_element_type3A_171 = arith.extui %gt3A_170 : i1 to i32
      %cond3A_172 = arith.constant 0 : i32
      %cond3A_173 = arith.cmpi ne, %convert_element_type3A_171, %cond3A_172 : i32
      scf.if %cond3A_173 {
        %dma_wait3A_207 = arith.constant 0 : i32
        %dma_wait3A_208 = arith.constant 0 : i32
        %dma_wait3A_209 = tpu.memref_slice %arg23[%dma_wait3A_207, %dma_wait3A_208] : memref<10240x144xf32, #tpu.memory_space<vmem_shared>> -> memref<10240x144xf32, #tpu.memory_space<vmem_shared>>
        tpu.wait_indirect_dma semaphore(%arg33 : memref<!tpu.dma_semaphore, #tpu.memory_space<semaphore_mem>>) src(%arg21 : memref<80x144xf32, #tpu.memory_space<vmem>>) dst(%dma_wait3A_209 : memref<10240x144xf32, #tpu.memory_space<vmem_shared>>)
      } else {
      }
      %get3A_174 = arith.constant 0 : index
      %get3A_175 = tpu.vector_load %arg16[%get3A_174] {strides = array<i32>} : memref<80xi32, #tpu.memory_space<vmem>>, vector<16xi32>,
      %swap3A_176 = arith.constant 0 : index
      %swap3A_177 = tpu.vector_load %arg22[%swap3A_176] {strides = array<i32>} : memref<80xi32, #tpu.memory_space<vmem>>, vector<16xi32>,
      tpu.vector_store %arg22[%swap3A_176], %get3A_175 {strides = array<i32>} : memref<80xi32, #tpu.memory_space<vmem>>, vector<16xi32>,
      %get3A_178 = arith.constant 16 : index
      %get3A_179 = tpu.vector_load %arg16[%get3A_178] {strides = array<i32>} : memref<80xi32, #tpu.memory_space<vmem>>, vector<16xi32>,
      %swap3A_180 = arith.constant 16 : index
      %swap3A_181 = tpu.vector_load %arg22[%swap3A_180] {strides = array<i32>} : memref<80xi32, #tpu.memory_space<vmem>>, vector<16xi32>,
      tpu.vector_store %arg22[%swap3A_180], %get3A_179 {strides = array<i32>} : memref<80xi32, #tpu.memory_space<vmem>>, vector<16xi32>,
      %get3A_182 = arith.constant 32 : index
      %get3A_183 = tpu.vector_load %arg16[%get3A_182] {strides = array<i32>} : memref<80xi32, #tpu.memory_space<vmem>>, vector<16xi32>,
      %swap3A_184 = arith.constant 32 : index
      %swap3A_185 = tpu.vector_load %arg22[%swap3A_184] {strides = array<i32>} : memref<80xi32, #tpu.memory_space<vmem>>, vector<16xi32>,
      tpu.vector_store %arg22[%swap3A_184], %get3A_183 {strides = array<i32>} : memref<80xi32, #tpu.memory_space<vmem>>, vector<16xi32>,
      %get3A_186 = arith.constant 48 : index
      %get3A_187 = tpu.vector_load %arg16[%get3A_186] {strides = array<i32>} : memref<80xi32, #tpu.memory_space<vmem>>, vector<16xi32>,
      %swap3A_188 = arith.constant 48 : index
      %swap3A_189 = tpu.vector_load %arg22[%swap3A_188] {strides = array<i32>} : memref<80xi32, #tpu.memory_space<vmem>>, vector<16xi32>,
      tpu.vector_store %arg22[%swap3A_188], %get3A_187 {strides = array<i32>} : memref<80xi32, #tpu.memory_space<vmem>>, vector<16xi32>,
      %get3A_190 = arith.constant 64 : index
      %get3A_191 = tpu.vector_load %arg16[%get3A_190] {strides = array<i32>} : memref<80xi32, #tpu.memory_space<vmem>>, vector<16xi32>,
      %swap3A_192 = arith.constant 64 : index
      %swap3A_193 = tpu.vector_load %arg22[%swap3A_192] {strides = array<i32>} : memref<80xi32, #tpu.memory_space<vmem>>, vector<16xi32>,
      tpu.vector_store %arg22[%swap3A_192], %get3A_191 {strides = array<i32>} : memref<80xi32, #tpu.memory_space<vmem>>, vector<16xi32>,
      %add3A_194 = arith.constant 3 : i32
      %add3A_195 = arith.addi %mul3A_92, %add3A_194 : i32
      %lt3A_196 = arith.constant 125 : i32
      %lt3A_197 = arith.cmpi slt, %add3A_195, %lt3A_196 : i32
      %convert_element_type3A_198 = arith.extui %lt3A_197 : i1 to i32
      %cond3A_199 = arith.constant 0 : i32
      %cond3A_200 = arith.cmpi ne, %convert_element_type3A_198, %cond3A_199 : i32
      scf.if %cond3A_200 {
        %add3A_207 = arith.constant 3 : i32
        %add3A_208 = arith.addi %mul3A_92, %add3A_207 : i32
        %mul3A_209 = arith.constant 10000 : i32
        %mul3A_210 = arith.muli %add3A, %mul3A_209 : i32
        %mul3A_211 = arith.constant 80 : i32
        %mul3A_212 = arith.muli %add3A_208, %mul3A_211 : i32
        %add3A_213 = arith.addi %mul3A_210, %mul3A_212 : i32
        %dma_start3A_214 = tpu.memref_slice %arg2[%add3A_213] : memref<320000xi32, #tpu.memory_space<hbm>> -> memref<80xi32, #tpu.memory_space<hbm>>
        %dma_start3A_215 = tpu.memref_slice %arg2[%add3A_213] : memref<320000xi32, #tpu.memory_space<hbm>> -> memref<80xi32, #tpu.memory_space<hbm>>
        tpu.enqueue_dma source(%dma_start3A_215 : memref<80xi32, #tpu.memory_space<hbm>>) target(%arg16 : memref<80xi32, #tpu.memory_space<vmem>>) target_semaphore(%arg29 : memref<!tpu.dma_semaphore, #tpu.memory_space<semaphore_mem>>)
        %dma_start3A_216 = tpu.memref_slice %arg3[%add3A_213] : memref<320000xi32, #tpu.memory_space<hbm>> -> memref<80xi32, #tpu.memory_space<hbm>>
        %dma_start3A_217 = tpu.memref_slice %arg3[%add3A_213] : memref<320000xi32, #tpu.memory_space<hbm>> -> memref<80xi32, #tpu.memory_space<hbm>>
        tpu.enqueue_dma source(%dma_start3A_217 : memref<80xi32, #tpu.memory_space<hbm>>) target(%arg17 : memref<80xi32, #tpu.memory_space<vmem>>) target_semaphore(%arg29 : memref<!tpu.dma_semaphore, #tpu.memory_space<semaphore_mem>>)
      } else {
      }
      %parallel_loop3A_201 = arith.constant 0 : i32
      %parallel_loop3A_202 = arith.constant 80 : i32
      %parallel_loop3A_203 = arith.constant 1 : i32
      scf.for %parallel_loop3A_207 = %parallel_loop3A_201 to %parallel_loop3A_202 step %parallel_loop3A_203  : i32 {
        %parallel_loop3A_208 = arith.index_cast %parallel_loop3A_207 : i32 to index
        %parallel_loop3A_209 = arith.constant 0 : index
        %parallel_loop3A_210 = tpu.vector_load %arg19[%parallel_loop3A_208, %parallel_loop3A_209] {strides = array<i32>} : memref<80x16xf32, #tpu.memory_space<vmem>>, vector<16xf32>,
        %parallel_loop3A_211 = arith.index_cast %parallel_loop3A_207 : i32 to index
        %parallel_loop3A_212 = arith.constant 0 : index
        %parallel_loop3A_213 = tpu.vector_load %arg20[%parallel_loop3A_211, %parallel_loop3A_212] {strides = array<i32>} : memref<80x16xf32, #tpu.memory_space<vmem>>, vector<16xf32>,
        %parallel_loop3A_214 = arith.addf %parallel_loop3A_210, %parallel_loop3A_213 : vector<16xf32>
        %parallel_loop3A_215 = arith.constant 0.000000e+00 : f32
        %parallel_loop3A_216 = vector.broadcast %parallel_loop3A_215 : f32 to vector<16xf32>
        %parallel_loop3A_217 = arith.cmpf oge, %parallel_loop3A_214, %parallel_loop3A_216 : vector<16xf32>
        %parallel_loop3A_218 = arith.constant 2.000000e-01 : f32
        %parallel_loop3A_219 = vector.broadcast %parallel_loop3A_218 : f32 to vector<16xf32>
        %parallel_loop3A_220 = arith.mulf %parallel_loop3A_219, %parallel_loop3A_214 : vector<16xf32>
        %parallel_loop3A_221 = arith.select %parallel_loop3A_217, %parallel_loop3A_214, %parallel_loop3A_220 : vector<16xi1>, vector<16xf32>
        %parallel_loop3A_222 = arith.constant 0.000000e+00 : f32
        %parallel_loop3A_223 = vector.broadcast %parallel_loop3A_222 : f32 to vector<16xf32>
        %parallel_loop3A_224 = arith.subf %parallel_loop3A_223, %parallel_loop3A_221 : vector<16xf32>
        %parallel_loop3A_225 = math.exp %parallel_loop3A_224 : vector<16xf32>
        %parallel_loop3A_226 = arith.index_cast %parallel_loop3A_207 : i32 to index
        %parallel_loop3A_227 = arith.constant 128 : index
        %parallel_loop3A_228 = tpu.vector_load %arg21[%parallel_loop3A_226, %parallel_loop3A_227] {strides = array<i32>} : memref<80x144xf32, #tpu.memory_space<vmem>>, vector<16xf32>,
        tpu.vector_store %arg21[%parallel_loop3A_226, %parallel_loop3A_227], %parallel_loop3A_225 {strides = array<i32>} : memref<80x144xf32, #tpu.memory_space<vmem>>, vector<16xf32>,
        %parallel_loop3A_229 = arith.index_cast %parallel_loop3A_207 : i32 to index
        %parallel_loop3A_230 = arith.constant 0 : index
        %parallel_loop3A_231 = tpu.vector_load %arg18[%parallel_loop3A_229, %parallel_loop3A_230] {strides = array<i32>} : memref<80x128xbf16, #tpu.memory_space<vmem>>, vector<32xbf16>,
        %parallel_loop3A_232 = tpu.unpack_subelements %parallel_loop3A_231, 0 {pack_format = #tpu.pack_format<interleaved>} : vector<32xbf16> -> vector<16xf32>
        %parallel_loop3A_233 = tpu.unpack_subelements %parallel_loop3A_231, 1 {pack_format = #tpu.pack_format<interleaved>} : vector<32xbf16> -> vector<16xf32>
        %parallel_loop3A_234 = vector.extract_strided_slice %parallel_loop3A_225 {offsets = [0], sizes = [1], strides = [1]} : vector<16xf32> to vector<1xf32>
        %parallel_loop3A_235 = vector.extract %parallel_loop3A_234[0] : f32 from vector<1xf32>
        %parallel_loop3A_236 = vector.broadcast %parallel_loop3A_235 : f32 to vector<16xf32>
        %parallel_loop3A_237 = arith.mulf %parallel_loop3A_232, %parallel_loop3A_236 : vector<16xf32>
        %parallel_loop3A_238 = arith.index_cast %parallel_loop3A_207 : i32 to index
        %parallel_loop3A_239 = arith.constant 0 : index
        %parallel_loop3A_240 = tpu.vector_load %arg21[%parallel_loop3A_238, %parallel_loop3A_239] {strides = array<i32>} : memref<80x144xf32, #tpu.memory_space<vmem>>, vector<16xf32>,
        tpu.vector_store %arg21[%parallel_loop3A_238, %parallel_loop3A_239], %parallel_loop3A_237 {strides = array<i32>} : memref<80x144xf32, #tpu.memory_space<vmem>>, vector<16xf32>,
        %parallel_loop3A_241 = vector.extract_strided_slice %parallel_loop3A_225 {offsets = [1], sizes = [1], strides = [1]} : vector<16xf32> to vector<1xf32>
        %parallel_loop3A_242 = vector.extract %parallel_loop3A_241[0] : f32 from vector<1xf32>
        %parallel_loop3A_243 = vector.broadcast %parallel_loop3A_242 : f32 to vector<16xf32>
        %parallel_loop3A_244 = arith.mulf %parallel_loop3A_233, %parallel_loop3A_243 : vector<16xf32>
        %parallel_loop3A_245 = arith.index_cast %parallel_loop3A_207 : i32 to index
        %parallel_loop3A_246 = arith.constant 16 : index
        %parallel_loop3A_247 = tpu.vector_load %arg21[%parallel_loop3A_245, %parallel_loop3A_246] {strides = array<i32>} : memref<80x144xf32, #tpu.memory_space<vmem>>, vector<16xf32>,
        tpu.vector_store %arg21[%parallel_loop3A_245, %parallel_loop3A_246], %parallel_loop3A_244 {strides = array<i32>} : memref<80x144xf32, #tpu.memory_space<vmem>>, vector<16xf32>,
        %parallel_loop3A_248 = arith.index_cast %parallel_loop3A_207 : i32 to index
        %parallel_loop3A_249 = arith.constant 32 : index
        %parallel_loop3A_250 = tpu.vector_load %arg18[%parallel_loop3A_248, %parallel_loop3A_249] {strides = array<i32>} : memref<80x128xbf16, #tpu.memory_space<vmem>>, vector<32xbf16>,
        %parallel_loop3A_251 = tpu.unpack_subelements %parallel_loop3A_250, 0 {pack_format = #tpu.pack_format<interleaved>} : vector<32xbf16> -> vector<16xf32>
        %parallel_loop3A_252 = tpu.unpack_subelements %parallel_loop3A_250, 1 {pack_format = #tpu.pack_format<interleaved>} : vector<32xbf16> -> vector<16xf32>
        %parallel_loop3A_253 = vector.extract_strided_slice %parallel_loop3A_225 {offsets = [2], sizes = [1], strides = [1]} : vector<16xf32> to vector<1xf32>
        %parallel_loop3A_254 = vector.extract %parallel_loop3A_253[0] : f32 from vector<1xf32>
        %parallel_loop3A_255 = vector.broadcast %parallel_loop3A_254 : f32 to vector<16xf32>
        %parallel_loop3A_256 = arith.mulf %parallel_loop3A_251, %parallel_loop3A_255 : vector<16xf32>
        %parallel_loop3A_257 = arith.index_cast %parallel_loop3A_207 : i32 to index
        %parallel_loop3A_258 = arith.constant 32 : index
        %parallel_loop3A_259 = tpu.vector_load %arg21[%parallel_loop3A_257, %parallel_loop3A_258] {strides = array<i32>} : memref<80x144xf32, #tpu.memory_space<vmem>>, vector<16xf32>,
        tpu.vector_store %arg21[%parallel_loop3A_257, %parallel_loop3A_258], %parallel_loop3A_256 {strides = array<i32>} : memref<80x144xf32, #tpu.memory_space<vmem>>, vector<16xf32>,
        %parallel_loop3A_260 = vector.extract_strided_slice %parallel_loop3A_225 {offsets = [3], sizes = [1], strides = [1]} : vector<16xf32> to vector<1xf32>
        %parallel_loop3A_261 = vector.extract %parallel_loop3A_260[0] : f32 from vector<1xf32>
        %parallel_loop3A_262 = vector.broadcast %parallel_loop3A_261 : f32 to vector<16xf32>
        %parallel_loop3A_263 = arith.mulf %parallel_loop3A_252, %parallel_loop3A_262 : vector<16xf32>
        %parallel_loop3A_264 = arith.index_cast %parallel_loop3A_207 : i32 to index
        %parallel_loop3A_265 = arith.constant 48 : index
        %parallel_loop3A_266 = tpu.vector_load %arg21[%parallel_loop3A_264, %parallel_loop3A_265] {strides = array<i32>} : memref<80x144xf32, #tpu.memory_space<vmem>>, vector<16xf32>,
        tpu.vector_store %arg21[%parallel_loop3A_264, %parallel_loop3A_265], %parallel_loop3A_263 {strides = array<i32>} : memref<80x144xf32, #tpu.memory_space<vmem>>, vector<16xf32>,
        %parallel_loop3A_267 = arith.index_cast %parallel_loop3A_207 : i32 to index
        %parallel_loop3A_268 = arith.constant 64 : index
        %parallel_loop3A_269 = tpu.vector_load %arg18[%parallel_loop3A_267, %parallel_loop3A_268] {strides = array<i32>} : memref<80x128xbf16, #tpu.memory_space<vmem>>, vector<32xbf16>,
        %parallel_loop3A_270 = tpu.unpack_subelements %parallel_loop3A_269, 0 {pack_format = #tpu.pack_format<interleaved>} : vector<32xbf16> -> vector<16xf32>
        %parallel_loop3A_271 = tpu.unpack_subelements %parallel_loop3A_269, 1 {pack_format = #tpu.pack_format<interleaved>} : vector<32xbf16> -> vector<16xf32>
        %parallel_loop3A_272 = vector.extract_strided_slice %parallel_loop3A_225 {offsets = [4], sizes = [1], strides = [1]} : vector<16xf32> to vector<1xf32>
        %parallel_loop3A_273 = vector.extract %parallel_loop3A_272[0] : f32 from vector<1xf32>
        %parallel_loop3A_274 = vector.broadcast %parallel_loop3A_273 : f32 to vector<16xf32>
        %parallel_loop3A_275 = arith.mulf %parallel_loop3A_270, %parallel_loop3A_274 : vector<16xf32>
        %parallel_loop3A_276 = arith.index_cast %parallel_loop3A_207 : i32 to index
        %parallel_loop3A_277 = arith.constant 64 : index
        %parallel_loop3A_278 = tpu.vector_load %arg21[%parallel_loop3A_276, %parallel_loop3A_277] {strides = array<i32>} : memref<80x144xf32, #tpu.memory_space<vmem>>, vector<16xf32>,
        tpu.vector_store %arg21[%parallel_loop3A_276, %parallel_loop3A_277], %parallel_loop3A_275 {strides = array<i32>} : memref<80x144xf32, #tpu.memory_space<vmem>>, vector<16xf32>,
        %parallel_loop3A_279 = vector.extract_strided_slice %parallel_loop3A_225 {offsets = [5], sizes = [1], strides = [1]} : vector<16xf32> to vector<1xf32>
        %parallel_loop3A_280 = vector.extract %parallel_loop3A_279[0] : f32 from vector<1xf32>
        %parallel_loop3A_281 = vector.broadcast %parallel_loop3A_280 : f32 to vector<16xf32>
        %parallel_loop3A_282 = arith.mulf %parallel_loop3A_271, %parallel_loop3A_281 : vector<16xf32>
        %parallel_loop3A_283 = arith.index_cast %parallel_loop3A_207 : i32 to index
        %parallel_loop3A_284 = arith.constant 80 : index
        %parallel_loop3A_285 = tpu.vector_load %arg21[%parallel_loop3A_283, %parallel_loop3A_284] {strides = array<i32>} : memref<80x144xf32, #tpu.memory_space<vmem>>, vector<16xf32>,
        tpu.vector_store %arg21[%parallel_loop3A_283, %parallel_loop3A_284], %parallel_loop3A_282 {strides = array<i32>} : memref<80x144xf32, #tpu.memory_space<vmem>>, vector<16xf32>,
        %parallel_loop3A_286 = arith.index_cast %parallel_loop3A_207 : i32 to index
        %parallel_loop3A_287 = arith.constant 96 : index
        %parallel_loop3A_288 = tpu.vector_load %arg18[%parallel_loop3A_286, %parallel_loop3A_287] {strides = array<i32>} : memref<80x128xbf16, #tpu.memory_space<vmem>>, vector<32xbf16>,
        %parallel_loop3A_289 = tpu.unpack_subelements %parallel_loop3A_288, 0 {pack_format = #tpu.pack_format<interleaved>} : vector<32xbf16> -> vector<16xf32>
        %parallel_loop3A_290 = tpu.unpack_subelements %parallel_loop3A_288, 1 {pack_format = #tpu.pack_format<interleaved>} : vector<32xbf16> -> vector<16xf32>
        %parallel_loop3A_291 = vector.extract_strided_slice %parallel_loop3A_225 {offsets = [6], sizes = [1], strides = [1]} : vector<16xf32> to vector<1xf32>
        %parallel_loop3A_292 = vector.extract %parallel_loop3A_291[0] : f32 from vector<1xf32>
        %parallel_loop3A_293 = vector.broadcast %parallel_loop3A_292 : f32 to vector<16xf32>
        %parallel_loop3A_294 = arith.mulf %parallel_loop3A_289, %parallel_loop3A_293 : vector<16xf32>
        %parallel_loop3A_295 = arith.index_cast %parallel_loop3A_207 : i32 to index
        %parallel_loop3A_296 = arith.constant 96 : index
        %parallel_loop3A_297 = tpu.vector_load %arg21[%parallel_loop3A_295, %parallel_loop3A_296] {strides = array<i32>} : memref<80x144xf32, #tpu.memory_space<vmem>>, vector<16xf32>,
        tpu.vector_store %arg21[%parallel_loop3A_295, %parallel_loop3A_296], %parallel_loop3A_294 {strides = array<i32>} : memref<80x144xf32, #tpu.memory_space<vmem>>, vector<16xf32>,
        %parallel_loop3A_298 = vector.extract_strided_slice %parallel_loop3A_225 {offsets = [7], sizes = [1], strides = [1]} : vector<16xf32> to vector<1xf32>
        %parallel_loop3A_299 = vector.extract %parallel_loop3A_298[0] : f32 from vector<1xf32>
        %parallel_loop3A_300 = vector.broadcast %parallel_loop3A_299 : f32 to vector<16xf32>
        %parallel_loop3A_301 = arith.mulf %parallel_loop3A_290, %parallel_loop3A_300 : vector<16xf32>
        %parallel_loop3A_302 = arith.index_cast %parallel_loop3A_207 : i32 to index
        %parallel_loop3A_303 = arith.constant 112 : index
        %parallel_loop3A_304 = tpu.vector_load %arg21[%parallel_loop3A_302, %parallel_loop3A_303] {strides = array<i32>} : memref<80x144xf32, #tpu.memory_space<vmem>>, vector<16xf32>,
        tpu.vector_store %arg21[%parallel_loop3A_302, %parallel_loop3A_303], %parallel_loop3A_301 {strides = array<i32>} : memref<80x144xf32, #tpu.memory_space<vmem>>, vector<16xf32>,
      } {sc.loop_unroll_factor = 1 : i64, sc.parallel_access}
      %dma_start3A_204 = arith.constant 0 : i32
      %dma_start3A_205 = arith.constant 0 : i32
      %dma_start3A_206 = tpu.memref_slice %arg23[%dma_start3A_204, %dma_start3A_205] : memref<10240x144xf32, #tpu.memory_space<vmem_shared>> -> memref<10240x144xf32, #tpu.memory_space<vmem_shared>>
      tpu.enqueue_indirect_dma source(%arg21 : memref<80x144xf32, #tpu.memory_space<vmem>>) target(%dma_start3A_206 : memref<10240x144xf32, #tpu.memory_space<vmem_shared>>) offsets(%arg22 : memref<80xi32, #tpu.memory_space<vmem>>) semaphore(%arg33 : memref<!tpu.dma_semaphore, #tpu.memory_space<semaphore_mem>>) {add = true}
    }
    %dma_wait3A_48 = arith.constant 0 : i32
    %dma_wait3A_49 = arith.constant 0 : i32
    %dma_wait3A_50 = tpu.memref_slice %arg4[%dma_wait3A_48, %dma_wait3A_49] : memref<10000x128xbf16, #tpu.memory_space<hbm>> -> memref<10000x128xbf16, #tpu.memory_space<hbm>>
    tpu.wait_indirect_dma semaphore(%arg25 : memref<!tpu.dma_semaphore, #tpu.memory_space<semaphore_mem>>) src(%dma_wait3A_50 : memref<10000x128xbf16, #tpu.memory_space<hbm>>) dst(%arg11 : memref<80x128xbf16, #tpu.memory_space<vmem>>)
    %dma_wait3A_51 = arith.constant 0 : i32
    %dma_wait3A_52 = arith.constant 0 : i32
    %dma_wait3A_53 = tpu.memref_slice %arg5[%dma_wait3A_51, %dma_wait3A_52] : memref<10000x16xf32, #tpu.memory_space<hbm>> -> memref<10000x16xf32, #tpu.memory_space<hbm>>
    tpu.wait_indirect_dma semaphore(%arg26 : memref<!tpu.dma_semaphore, #tpu.memory_space<semaphore_mem>>) src(%dma_wait3A_53 : memref<10000x16xf32, #tpu.memory_space<hbm>>) dst(%arg12 : memref<80x16xf32, #tpu.memory_space<vmem>>)
    %dma_wait3A_54 = arith.constant 0 : i32
    %dma_wait3A_55 = arith.constant 0 : i32
    %dma_wait3A_56 = tpu.memref_slice %arg6[%dma_wait3A_54, %dma_wait3A_55] : memref<10000x16xf32, #tpu.memory_space<hbm>> -> memref<10000x16xf32, #tpu.memory_space<hbm>>
    tpu.wait_indirect_dma semaphore(%arg27 : memref<!tpu.dma_semaphore, #tpu.memory_space<semaphore_mem>>) src(%dma_wait3A_56 : memref<10000x16xf32, #tpu.memory_space<hbm>>) dst(%arg13 : memref<80x16xf32, #tpu.memory_space<vmem>>)
    %dma_wait3A_57 = arith.constant 0 : i32
    %dma_wait3A_58 = arith.constant 0 : i32
    %dma_wait3A_59 = tpu.memref_slice %arg23[%dma_wait3A_57, %dma_wait3A_58] : memref<10240x144xf32, #tpu.memory_space<vmem_shared>> -> memref<10240x144xf32, #tpu.memory_space<vmem_shared>>
    tpu.wait_indirect_dma semaphore(%arg28 : memref<!tpu.dma_semaphore, #tpu.memory_space<semaphore_mem>>) src(%arg14 : memref<80x144xf32, #tpu.memory_space<vmem>>) dst(%dma_wait3A_59 : memref<10240x144xf32, #tpu.memory_space<vmem_shared>>)
    %get3A = arith.constant 0 : index
    %get3A_60 = tpu.vector_load %arg9[%get3A] {strides = array<i32>} : memref<80xi32, #tpu.memory_space<vmem>>, vector<16xi32>,
    %swap3A = arith.constant 0 : index
    %swap3A_61 = tpu.vector_load %arg15[%swap3A] {strides = array<i32>} : memref<80xi32, #tpu.memory_space<vmem>>, vector<16xi32>,
    tpu.vector_store %arg15[%swap3A], %get3A_60 {strides = array<i32>} : memref<80xi32, #tpu.memory_space<vmem>>, vector<16xi32>,
    %get3A_62 = arith.constant 16 : index
    %get3A_63 = tpu.vector_load %arg9[%get3A_62] {strides = array<i32>} : memref<80xi32, #tpu.memory_space<vmem>>, vector<16xi32>,
    %swap3A_64 = arith.constant 16 : index
    %swap3A_65 = tpu.vector_load %arg15[%swap3A_64] {strides = array<i32>} : memref<80xi32, #tpu.memory_space<vmem>>, vector<16xi32>,
    tpu.vector_store %arg15[%swap3A_64], %get3A_63 {strides = array<i32>} : memref<80xi32, #tpu.memory_space<vmem>>, vector<16xi32>,
    %get3A_66 = arith.constant 32 : index
    %get3A_67 = tpu.vector_load %arg9[%get3A_66] {strides = array<i32>} : memref<80xi32, #tpu.memory_space<vmem>>, vector<16xi32>,
    %swap3A_68 = arith.constant 32 : index
    %swap3A_69 = tpu.vector_load %arg15[%swap3A_68] {strides = array<i32>} : memref<80xi32, #tpu.memory_space<vmem>>, vector<16xi32>,
    tpu.vector_store %arg15[%swap3A_68], %get3A_67 {strides = array<i32>} : memref<80xi32, #tpu.memory_space<vmem>>, vector<16xi32>,
    %get3A_70 = arith.constant 48 : index
    %get3A_71 = tpu.vector_load %arg9[%get3A_70] {strides = array<i32>} : memref<80xi32, #tpu.memory_space<vmem>>, vector<16xi32>,
    %swap3A_72 = arith.constant 48 : index
    %swap3A_73 = tpu.vector_load %arg15[%swap3A_72] {strides = array<i32>} : memref<80xi32, #tpu.memory_space<vmem>>, vector<16xi32>,
    tpu.vector_store %arg15[%swap3A_72], %get3A_71 {strides = array<i32>} : memref<80xi32, #tpu.memory_space<vmem>>, vector<16xi32>,
    %get3A_74 = arith.constant 64 : index
    %get3A_75 = tpu.vector_load %arg9[%get3A_74] {strides = array<i32>} : memref<80xi32, #tpu.memory_space<vmem>>, vector<16xi32>,
    %swap3A_76 = arith.constant 64 : index
    %swap3A_77 = tpu.vector_load %arg15[%swap3A_76] {strides = array<i32>} : memref<80xi32, #tpu.memory_space<vmem>>, vector<16xi32>,
    tpu.vector_store %arg15[%swap3A_76], %get3A_75 {strides = array<i32>} : memref<80xi32, #tpu.memory_space<vmem>>, vector<16xi32>,
    %parallel_loop3A = arith.constant 0 : i32
    %parallel_loop3A_78 = arith.constant 80 : i32
    %parallel_loop3A_79 = arith.constant 1 : i32
    scf.for %parallel_loop3A_90 = %parallel_loop3A to %parallel_loop3A_78 step %parallel_loop3A_79  : i32 {
      %parallel_loop3A_91 = arith.index_cast %parallel_loop3A_90 : i32 to index
      %parallel_loop3A_92 = arith.constant 0 : index
      %parallel_loop3A_93 = tpu.vector_load %arg12[%parallel_loop3A_91, %parallel_loop3A_92] {strides = array<i32>} : memref<80x16xf32, #tpu.memory_space<vmem>>, vector<16xf32>,
      %parallel_loop3A_94 = arith.index_cast %parallel_loop3A_90 : i32 to index
      %parallel_loop3A_95 = arith.constant 0 : index
      %parallel_loop3A_96 = tpu.vector_load %arg13[%parallel_loop3A_94, %parallel_loop3A_95] {strides = array<i32>} : memref<80x16xf32, #tpu.memory_space<vmem>>, vector<16xf32>,
      %parallel_loop3A_97 = arith.addf %parallel_loop3A_93, %parallel_loop3A_96 : vector<16xf32>
      %parallel_loop3A_98 = arith.constant 0.000000e+00 : f32
      %parallel_loop3A_99 = vector.broadcast %parallel_loop3A_98 : f32 to vector<16xf32>
      %parallel_loop3A_100 = arith.cmpf oge, %parallel_loop3A_97, %parallel_loop3A_99 : vector<16xf32>
      %parallel_loop3A_101 = arith.constant 2.000000e-01 : f32
      %parallel_loop3A_102 = vector.broadcast %parallel_loop3A_101 : f32 to vector<16xf32>
      %parallel_loop3A_103 = arith.mulf %parallel_loop3A_102, %parallel_loop3A_97 : vector<16xf32>
      %parallel_loop3A_104 = arith.select %parallel_loop3A_100, %parallel_loop3A_97, %parallel_loop3A_103 : vector<16xi1>, vector<16xf32>
      %parallel_loop3A_105 = arith.constant 0.000000e+00 : f32
      %parallel_loop3A_106 = vector.broadcast %parallel_loop3A_105 : f32 to vector<16xf32>
      %parallel_loop3A_107 = arith.subf %parallel_loop3A_106, %parallel_loop3A_104 : vector<16xf32>
      %parallel_loop3A_108 = math.exp %parallel_loop3A_107 : vector<16xf32>
      %parallel_loop3A_109 = arith.index_cast %parallel_loop3A_90 : i32 to index
      %parallel_loop3A_110 = arith.constant 128 : index
      %parallel_loop3A_111 = tpu.vector_load %arg14[%parallel_loop3A_109, %parallel_loop3A_110] {strides = array<i32>} : memref<80x144xf32, #tpu.memory_space<vmem>>, vector<16xf32>,
      tpu.vector_store %arg14[%parallel_loop3A_109, %parallel_loop3A_110], %parallel_loop3A_108 {strides = array<i32>} : memref<80x144xf32, #tpu.memory_space<vmem>>, vector<16xf32>,
      %parallel_loop3A_112 = arith.index_cast %parallel_loop3A_90 : i32 to index
      %parallel_loop3A_113 = arith.constant 0 : index
      %parallel_loop3A_114 = tpu.vector_load %arg11[%parallel_loop3A_112, %parallel_loop3A_113] {strides = array<i32>} : memref<80x128xbf16, #tpu.memory_space<vmem>>, vector<32xbf16>,
      %parallel_loop3A_115 = tpu.unpack_subelements %parallel_loop3A_114, 0 {pack_format = #tpu.pack_format<interleaved>} : vector<32xbf16> -> vector<16xf32>
      %parallel_loop3A_116 = tpu.unpack_subelements %parallel_loop3A_114, 1 {pack_format = #tpu.pack_format<interleaved>} : vector<32xbf16> -> vector<16xf32>
      %parallel_loop3A_117 = vector.extract_strided_slice %parallel_loop3A_108 {offsets = [0], sizes = [1], strides = [1]} : vector<16xf32> to vector<1xf32>
      %parallel_loop3A_118 = vector.extract %parallel_loop3A_117[0] : f32 from vector<1xf32>
      %parallel_loop3A_119 = vector.broadcast %parallel_loop3A_118 : f32 to vector<16xf32>
      %parallel_loop3A_120 = arith.mulf %parallel_loop3A_115, %parallel_loop3A_119 : vector<16xf32>
      %parallel_loop3A_121 = arith.index_cast %parallel_loop3A_90 : i32 to index
      %parallel_loop3A_122 = arith.constant 0 : index
      %parallel_loop3A_123 = tpu.vector_load %arg14[%parallel_loop3A_121, %parallel_loop3A_122] {strides = array<i32>} : memref<80x144xf32, #tpu.memory_space<vmem>>, vector<16xf32>,
      tpu.vector_store %arg14[%parallel_loop3A_121, %parallel_loop3A_122], %parallel_loop3A_120 {strides = array<i32>} : memref<80x144xf32, #tpu.memory_space<vmem>>, vector<16xf32>,
      %parallel_loop3A_124 = vector.extract_strided_slice %parallel_loop3A_108 {offsets = [1], sizes = [1], strides = [1]} : vector<16xf32> to vector<1xf32>
      %parallel_loop3A_125 = vector.extract %parallel_loop3A_124[0] : f32 from vector<1xf32>
      %parallel_loop3A_126 = vector.broadcast %parallel_loop3A_125 : f32 to vector<16xf32>
      %parallel_loop3A_127 = arith.mulf %parallel_loop3A_116, %parallel_loop3A_126 : vector<16xf32>
      %parallel_loop3A_128 = arith.index_cast %parallel_loop3A_90 : i32 to index
      %parallel_loop3A_129 = arith.constant 16 : index
      %parallel_loop3A_130 = tpu.vector_load %arg14[%parallel_loop3A_128, %parallel_loop3A_129] {strides = array<i32>} : memref<80x144xf32, #tpu.memory_space<vmem>>, vector<16xf32>,
      tpu.vector_store %arg14[%parallel_loop3A_128, %parallel_loop3A_129], %parallel_loop3A_127 {strides = array<i32>} : memref<80x144xf32, #tpu.memory_space<vmem>>, vector<16xf32>,
      %parallel_loop3A_131 = arith.index_cast %parallel_loop3A_90 : i32 to index
      %parallel_loop3A_132 = arith.constant 32 : index
      %parallel_loop3A_133 = tpu.vector_load %arg11[%parallel_loop3A_131, %parallel_loop3A_132] {strides = array<i32>} : memref<80x128xbf16, #tpu.memory_space<vmem>>, vector<32xbf16>,
      %parallel_loop3A_134 = tpu.unpack_subelements %parallel_loop3A_133, 0 {pack_format = #tpu.pack_format<interleaved>} : vector<32xbf16> -> vector<16xf32>
      %parallel_loop3A_135 = tpu.unpack_subelements %parallel_loop3A_133, 1 {pack_format = #tpu.pack_format<interleaved>} : vector<32xbf16> -> vector<16xf32>
      %parallel_loop3A_136 = vector.extract_strided_slice %parallel_loop3A_108 {offsets = [2], sizes = [1], strides = [1]} : vector<16xf32> to vector<1xf32>
      %parallel_loop3A_137 = vector.extract %parallel_loop3A_136[0] : f32 from vector<1xf32>
      %parallel_loop3A_138 = vector.broadcast %parallel_loop3A_137 : f32 to vector<16xf32>
      %parallel_loop3A_139 = arith.mulf %parallel_loop3A_134, %parallel_loop3A_138 : vector<16xf32>
      %parallel_loop3A_140 = arith.index_cast %parallel_loop3A_90 : i32 to index
      %parallel_loop3A_141 = arith.constant 32 : index
      %parallel_loop3A_142 = tpu.vector_load %arg14[%parallel_loop3A_140, %parallel_loop3A_141] {strides = array<i32>} : memref<80x144xf32, #tpu.memory_space<vmem>>, vector<16xf32>,
      tpu.vector_store %arg14[%parallel_loop3A_140, %parallel_loop3A_141], %parallel_loop3A_139 {strides = array<i32>} : memref<80x144xf32, #tpu.memory_space<vmem>>, vector<16xf32>,
      %parallel_loop3A_143 = vector.extract_strided_slice %parallel_loop3A_108 {offsets = [3], sizes = [1], strides = [1]} : vector<16xf32> to vector<1xf32>
      %parallel_loop3A_144 = vector.extract %parallel_loop3A_143[0] : f32 from vector<1xf32>
      %parallel_loop3A_145 = vector.broadcast %parallel_loop3A_144 : f32 to vector<16xf32>
      %parallel_loop3A_146 = arith.mulf %parallel_loop3A_135, %parallel_loop3A_145 : vector<16xf32>
      %parallel_loop3A_147 = arith.index_cast %parallel_loop3A_90 : i32 to index
      %parallel_loop3A_148 = arith.constant 48 : index
      %parallel_loop3A_149 = tpu.vector_load %arg14[%parallel_loop3A_147, %parallel_loop3A_148] {strides = array<i32>} : memref<80x144xf32, #tpu.memory_space<vmem>>, vector<16xf32>,
      tpu.vector_store %arg14[%parallel_loop3A_147, %parallel_loop3A_148], %parallel_loop3A_146 {strides = array<i32>} : memref<80x144xf32, #tpu.memory_space<vmem>>, vector<16xf32>,
      %parallel_loop3A_150 = arith.index_cast %parallel_loop3A_90 : i32 to index
      %parallel_loop3A_151 = arith.constant 64 : index
      %parallel_loop3A_152 = tpu.vector_load %arg11[%parallel_loop3A_150, %parallel_loop3A_151] {strides = array<i32>} : memref<80x128xbf16, #tpu.memory_space<vmem>>, vector<32xbf16>,
      %parallel_loop3A_153 = tpu.unpack_subelements %parallel_loop3A_152, 0 {pack_format = #tpu.pack_format<interleaved>} : vector<32xbf16> -> vector<16xf32>
      %parallel_loop3A_154 = tpu.unpack_subelements %parallel_loop3A_152, 1 {pack_format = #tpu.pack_format<interleaved>} : vector<32xbf16> -> vector<16xf32>
      %parallel_loop3A_155 = vector.extract_strided_slice %parallel_loop3A_108 {offsets = [4], sizes = [1], strides = [1]} : vector<16xf32> to vector<1xf32>
      %parallel_loop3A_156 = vector.extract %parallel_loop3A_155[0] : f32 from vector<1xf32>
      %parallel_loop3A_157 = vector.broadcast %parallel_loop3A_156 : f32 to vector<16xf32>
      %parallel_loop3A_158 = arith.mulf %parallel_loop3A_153, %parallel_loop3A_157 : vector<16xf32>
      %parallel_loop3A_159 = arith.index_cast %parallel_loop3A_90 : i32 to index
      %parallel_loop3A_160 = arith.constant 64 : index
      %parallel_loop3A_161 = tpu.vector_load %arg14[%parallel_loop3A_159, %parallel_loop3A_160] {strides = array<i32>} : memref<80x144xf32, #tpu.memory_space<vmem>>, vector<16xf32>,
      tpu.vector_store %arg14[%parallel_loop3A_159, %parallel_loop3A_160], %parallel_loop3A_158 {strides = array<i32>} : memref<80x144xf32, #tpu.memory_space<vmem>>, vector<16xf32>,
      %parallel_loop3A_162 = vector.extract_strided_slice %parallel_loop3A_108 {offsets = [5], sizes = [1], strides = [1]} : vector<16xf32> to vector<1xf32>
      %parallel_loop3A_163 = vector.extract %parallel_loop3A_162[0] : f32 from vector<1xf32>
      %parallel_loop3A_164 = vector.broadcast %parallel_loop3A_163 : f32 to vector<16xf32>
      %parallel_loop3A_165 = arith.mulf %parallel_loop3A_154, %parallel_loop3A_164 : vector<16xf32>
      %parallel_loop3A_166 = arith.index_cast %parallel_loop3A_90 : i32 to index
      %parallel_loop3A_167 = arith.constant 80 : index
      %parallel_loop3A_168 = tpu.vector_load %arg14[%parallel_loop3A_166, %parallel_loop3A_167] {strides = array<i32>} : memref<80x144xf32, #tpu.memory_space<vmem>>, vector<16xf32>,
      tpu.vector_store %arg14[%parallel_loop3A_166, %parallel_loop3A_167], %parallel_loop3A_165 {strides = array<i32>} : memref<80x144xf32, #tpu.memory_space<vmem>>, vector<16xf32>,
      %parallel_loop3A_169 = arith.index_cast %parallel_loop3A_90 : i32 to index
      %parallel_loop3A_170 = arith.constant 96 : index
      %parallel_loop3A_171 = tpu.vector_load %arg11[%parallel_loop3A_169, %parallel_loop3A_170] {strides = array<i32>} : memref<80x128xbf16, #tpu.memory_space<vmem>>, vector<32xbf16>,
      %parallel_loop3A_172 = tpu.unpack_subelements %parallel_loop3A_171, 0 {pack_format = #tpu.pack_format<interleaved>} : vector<32xbf16> -> vector<16xf32>
      %parallel_loop3A_173 = tpu.unpack_subelements %parallel_loop3A_171, 1 {pack_format = #tpu.pack_format<interleaved>} : vector<32xbf16> -> vector<16xf32>
      %parallel_loop3A_174 = vector.extract_strided_slice %parallel_loop3A_108 {offsets = [6], sizes = [1], strides = [1]} : vector<16xf32> to vector<1xf32>
      %parallel_loop3A_175 = vector.extract %parallel_loop3A_174[0] : f32 from vector<1xf32>
      %parallel_loop3A_176 = vector.broadcast %parallel_loop3A_175 : f32 to vector<16xf32>
      %parallel_loop3A_177 = arith.mulf %parallel_loop3A_172, %parallel_loop3A_176 : vector<16xf32>
      %parallel_loop3A_178 = arith.index_cast %parallel_loop3A_90 : i32 to index
      %parallel_loop3A_179 = arith.constant 96 : index
      %parallel_loop3A_180 = tpu.vector_load %arg14[%parallel_loop3A_178, %parallel_loop3A_179] {strides = array<i32>} : memref<80x144xf32, #tpu.memory_space<vmem>>, vector<16xf32>,
      tpu.vector_store %arg14[%parallel_loop3A_178, %parallel_loop3A_179], %parallel_loop3A_177 {strides = array<i32>} : memref<80x144xf32, #tpu.memory_space<vmem>>, vector<16xf32>,
      %parallel_loop3A_181 = vector.extract_strided_slice %parallel_loop3A_108 {offsets = [7], sizes = [1], strides = [1]} : vector<16xf32> to vector<1xf32>
      %parallel_loop3A_182 = vector.extract %parallel_loop3A_181[0] : f32 from vector<1xf32>
      %parallel_loop3A_183 = vector.broadcast %parallel_loop3A_182 : f32 to vector<16xf32>
      %parallel_loop3A_184 = arith.mulf %parallel_loop3A_173, %parallel_loop3A_183 : vector<16xf32>
      %parallel_loop3A_185 = arith.index_cast %parallel_loop3A_90 : i32 to index
      %parallel_loop3A_186 = arith.constant 112 : index
      %parallel_loop3A_187 = tpu.vector_load %arg14[%parallel_loop3A_185, %parallel_loop3A_186] {strides = array<i32>} : memref<80x144xf32, #tpu.memory_space<vmem>>, vector<16xf32>,
      tpu.vector_store %arg14[%parallel_loop3A_185, %parallel_loop3A_186], %parallel_loop3A_184 {strides = array<i32>} : memref<80x144xf32, #tpu.memory_space<vmem>>, vector<16xf32>,
    } {sc.loop_unroll_factor = 1 : i64, sc.parallel_access}
    %dma_start3A_80 = arith.constant 0 : i32
    %dma_start3A_81 = arith.constant 0 : i32
    %dma_start3A_82 = tpu.memref_slice %arg23[%dma_start3A_80, %dma_start3A_81] : memref<10240x144xf32, #tpu.memory_space<vmem_shared>> -> memref<10240x144xf32, #tpu.memory_space<vmem_shared>>
    tpu.enqueue_indirect_dma source(%arg14 : memref<80x144xf32, #tpu.memory_space<vmem>>) target(%dma_start3A_82 : memref<10240x144xf32, #tpu.memory_space<vmem_shared>>) offsets(%arg15 : memref<80xi32, #tpu.memory_space<vmem>>) semaphore(%arg28 : memref<!tpu.dma_semaphore, #tpu.memory_space<semaphore_mem>>) {add = true}
    %dma_wait3A_83 = arith.constant 0 : i32
    %dma_wait3A_84 = arith.constant 0 : i32
    %dma_wait3A_85 = tpu.memref_slice %arg23[%dma_wait3A_83, %dma_wait3A_84] : memref<10240x144xf32, #tpu.memory_space<vmem_shared>> -> memref<10240x144xf32, #tpu.memory_space<vmem_shared>>
    tpu.wait_indirect_dma semaphore(%arg28 : memref<!tpu.dma_semaphore, #tpu.memory_space<semaphore_mem>>) src(%arg14 : memref<80x144xf32, #tpu.memory_space<vmem>>) dst(%dma_wait3A_85 : memref<10240x144xf32, #tpu.memory_space<vmem_shared>>)
    %dma_wait3A_86 = arith.constant 0 : i32
    %dma_wait3A_87 = arith.constant 0 : i32
    %dma_wait3A_88 = tpu.memref_slice %arg23[%dma_wait3A_86, %dma_wait3A_87] : memref<10240x144xf32, #tpu.memory_space<vmem_shared>> -> memref<10240x144xf32, #tpu.memory_space<vmem_shared>>
    tpu.wait_indirect_dma semaphore(%arg33 : memref<!tpu.dma_semaphore, #tpu.memory_space<semaphore_mem>>) src(%arg21 : memref<80x144xf32, #tpu.memory_space<vmem>>) dst(%dma_wait3A_88 : memref<10240x144xf32, #tpu.memory_space<vmem_shared>>)
    %barrier3A_89 = arith.constant 0 : index
    tpu.barrier barrier_id(%barrier3A_89)
    "tpu.region"() ({
      %run_scoped3A = tpu.sem_alloc : memref<!tpu.dma_semaphore, #tpu.memory_space<semaphore_mem>>
      %dma_start3A_90 = arith.constant 0 : i32
      %dma_start3A_91 = tpu.memref_slice %arg8[%arg0, %mul3A_2, %dma_start3A_90] : memref<2x10240x144xf32, #tpu.memory_space<hbm>> -> memref<1x640x144xf32, #tpu.memory_space<hbm>>
      %dma_start3A_92 = tpu.memref_squeeze %dma_start3A_91 : memref<1x640x144xf32, #tpu.memory_space<hbm>> -> memref<640x144xf32, #tpu.memory_space<hbm>>
      %dma_start3A_93 = arith.constant 0 : i32
      %dma_start3A_94 = tpu.memref_slice %arg23[%mul3A_2, %dma_start3A_93] : memref<10240x144xf32, #tpu.memory_space<vmem_shared>> -> memref<640x144xf32, #tpu.memory_space<vmem_shared>>
      tpu.enqueue_dma source(%dma_start3A_94 : memref<640x144xf32, #tpu.memory_space<vmem_shared>>) target(%dma_start3A_92 : memref<640x144xf32, #tpu.memory_space<hbm>>) target_semaphore(%run_scoped3A : memref<!tpu.dma_semaphore, #tpu.memory_space<semaphore_mem>>)
      %dma_wait3A_95 = arith.constant 0 : i32
      %dma_wait3A_96 = tpu.memref_slice %arg8[%arg0, %mul3A_2, %dma_wait3A_95] : memref<2x10240x144xf32, #tpu.memory_space<hbm>> -> memref<1x640x144xf32, #tpu.memory_space<hbm>>
      %dma_wait3A_97 = tpu.memref_squeeze %dma_wait3A_96 : memref<1x640x144xf32, #tpu.memory_space<hbm>> -> memref<640x144xf32, #tpu.memory_space<hbm>>
      %dma_wait3A_98 = arith.constant 0 : i32
      %dma_wait3A_99 = tpu.memref_slice %arg23[%mul3A_2, %dma_wait3A_98] : memref<10240x144xf32, #tpu.memory_space<vmem_shared>> -> memref<640x144xf32, #tpu.memory_space<vmem_shared>>
      tpu.wait_dma2 semaphore(%run_scoped3A : memref<!tpu.dma_semaphore, #tpu.memory_space<semaphore_mem>>) src(%dma_wait3A_99 : memref<640x144xf32, #tpu.memory_space<vmem_shared>>) dst(%dma_wait3A_97 : memref<640x144xf32, #tpu.memory_space<hbm>>)
      tpu.yield
    }) : () -> ()
    return
  }
}

#map = affine_map<(d0, d1) -> (0)>
#map1 = affine_map<(d0, d1) -> (0, 0)>
#map2 = affine_map<(d0, d1) -> (0, 0, 0)>
module attributes {stable_mosaic.version = 14 : i64} {
  func.func @_sc_edges_body(%arg0: i32, %arg1: i32, %arg2: memref<320000xi32, #tpu.memory_space<hbm>>, %arg3: memref<320000xi32, #tpu.memory_space<hbm>>, %arg4: memref<10000x128xbf16, #tpu.memory_space<hbm>>, %arg5: memref<10000x16xf32, #tpu.memory_space<hbm>>, %arg6: memref<10000x16xf32, #tpu.memory_space<hbm>>, %arg7: memref<640x144xf32, #tpu.memory_space<hbm>>, %arg8: memref<2x10240x144xf32, #tpu.memory_space<hbm>>, %arg9: memref<80xi32, #tpu.memory_space<vmem>>, %arg10: memref<80xi32, #tpu.memory_space<vmem>>, %arg11: memref<80x128xbf16, #tpu.memory_space<vmem>>, %arg12: memref<80x16xf32, #tpu.memory_space<vmem>>, %arg13: memref<80x16xf32, #tpu.memory_space<vmem>>, %arg14: memref<80x144xf32, #tpu.memory_space<vmem>>, %arg15: memref<80xi32, #tpu.memory_space<vmem>>, %arg16: memref<80xi32, #tpu.memory_space<vmem>>, %arg17: memref<80xi32, #tpu.memory_space<vmem>>, %arg18: memref<80x128xbf16, #tpu.memory_space<vmem>>, %arg19: memref<80x16xf32, #tpu.memory_space<vmem>>, %arg20: memref<80x16xf32, #tpu.memory_space<vmem>>, %arg21: memref<80x144xf32, #tpu.memory_space<vmem>>, %arg22: memref<80xi32, #tpu.memory_space<vmem>>, %arg23: memref<10240x144xf32, #tpu.memory_space<vmem_shared>>, %arg24: memref<!tpu.dma_semaphore, #tpu.memory_space<semaphore_mem>>, %arg25: memref<!tpu.dma_semaphore, #tpu.memory_space<semaphore_mem>>, %arg26: memref<!tpu.dma_semaphore, #tpu.memory_space<semaphore_mem>>, %arg27: memref<!tpu.dma_semaphore, #tpu.memory_space<semaphore_mem>>, %arg28: memref<!tpu.dma_semaphore, #tpu.memory_space<semaphore_mem>>, %arg29: memref<!tpu.dma_semaphore, #tpu.memory_space<semaphore_mem>>, %arg30: memref<!tpu.dma_semaphore, #tpu.memory_space<semaphore_mem>>, %arg31: memref<!tpu.dma_semaphore, #tpu.memory_space<semaphore_mem>>, %arg32: memref<!tpu.dma_semaphore, #tpu.memory_space<semaphore_mem>>, %arg33: memref<!tpu.dma_semaphore, #tpu.memory_space<semaphore_mem>>) attributes {dimension_semantics = [#tpu.dimension_semantics<core_parallel>, #tpu.dimension_semantics<subcore_parallel>], iteration_bounds = array<i64: 2, 16>, scalar_prefetch = 0 : i64, scratch_operands = 25 : i64, tpu.core_type = #tpu.core_type<sc_vector_subcore>, window_params = [{transform_indices = #map}, {transform_indices = #map}, {transform_indices = #map1}, {transform_indices = #map1}, {transform_indices = #map1}, {transform_indices = #map1}, {transform_indices = #map2}]} {
    %mul3A = arith.constant 16 : i32
    %mul3A_0 = arith.muli %arg0, %mul3A : i32
    %add3A = arith.addi %mul3A_0, %arg1 : i32
    %mul3A_1 = arith.constant 640 : i32
    %mul3A_2 = arith.muli %arg1, %mul3A_1 : i32
    "tpu.region"() ({
      %run_scoped3A = tpu.sem_alloc : memref<!tpu.dma_semaphore, #tpu.memory_space<semaphore_mem>>
      %dma_start3A_90 = arith.constant 0 : i32
      %dma_start3A_91 = tpu.memref_slice %arg23[%mul3A_2, %dma_start3A_90] : memref<10240x144xf32, #tpu.memory_space<vmem_shared>> -> memref<640x144xf32, #tpu.memory_space<vmem_shared>>
      tpu.enqueue_dma source(%arg7 : memref<640x144xf32, #tpu.memory_space<hbm>>) target(%dma_start3A_91 : memref<640x144xf32, #tpu.memory_space<vmem_shared>>) target_semaphore(%run_scoped3A : memref<!tpu.dma_semaphore, #tpu.memory_space<semaphore_mem>>)
      %dma_wait3A_92 = arith.constant 0 : i32
      %dma_wait3A_93 = tpu.memref_slice %arg23[%mul3A_2, %dma_wait3A_92] : memref<10240x144xf32, #tpu.memory_space<vmem_shared>> -> memref<640x144xf32, #tpu.memory_space<vmem_shared>>
      tpu.wait_dma2 semaphore(%run_scoped3A : memref<!tpu.dma_semaphore, #tpu.memory_space<semaphore_mem>>) src(%arg7 : memref<640x144xf32, #tpu.memory_space<hbm>>) dst(%dma_wait3A_93 : memref<640x144xf32, #tpu.memory_space<vmem_shared>>)
      tpu.yield
    }) : () -> ()
    %barrier3A = arith.constant 0 : index
    tpu.barrier barrier_id(%barrier3A)
    %mul3A_3 = arith.constant 10000 : i32
    %mul3A_4 = arith.muli %add3A, %mul3A_3 : i32
    %mul3A_5 = arith.constant 0 : i32
    %mul3A_6 = arith.constant 80 : i32
    %mul3A_7 = arith.muli %mul3A_5, %mul3A_6 : i32
    %add3A_8 = arith.addi %mul3A_4, %mul3A_7 : i32
    %dma_start3A = tpu.memref_slice %arg2[%add3A_8] : memref<320000xi32, #tpu.memory_space<hbm>> -> memref<80xi32, #tpu.memory_space<hbm>>
    %dma_start3A_9 = tpu.memref_slice %arg2[%add3A_8] : memref<320000xi32, #tpu.memory_space<hbm>> -> memref<80xi32, #tpu.memory_space<hbm>>
    tpu.enqueue_dma source(%dma_start3A_9 : memref<80xi32, #tpu.memory_space<hbm>>) target(%arg9 : memref<80xi32, #tpu.memory_space<vmem>>) target_semaphore(%arg24 : memref<!tpu.dma_semaphore, #tpu.memory_space<semaphore_mem>>)
    %dma_start3A_10 = tpu.memref_slice %arg3[%add3A_8] : memref<320000xi32, #tpu.memory_space<hbm>> -> memref<80xi32, #tpu.memory_space<hbm>>
    %dma_start3A_11 = tpu.memref_slice %arg3[%add3A_8] : memref<320000xi32, #tpu.memory_space<hbm>> -> memref<80xi32, #tpu.memory_space<hbm>>
    tpu.enqueue_dma source(%dma_start3A_11 : memref<80xi32, #tpu.memory_space<hbm>>) target(%arg10 : memref<80xi32, #tpu.memory_space<vmem>>) target_semaphore(%arg24 : memref<!tpu.dma_semaphore, #tpu.memory_space<semaphore_mem>>)
    %mul3A_12 = arith.constant 10000 : i32
    %mul3A_13 = arith.muli %add3A, %mul3A_12 : i32
    %mul3A_14 = arith.constant 1 : i32
    %mul3A_15 = arith.constant 80 : i32
    %mul3A_16 = arith.muli %mul3A_14, %mul3A_15 : i32
    %add3A_17 = arith.addi %mul3A_13, %mul3A_16 : i32
    %dma_start3A_18 = tpu.memref_slice %arg2[%add3A_17] : memref<320000xi32, #tpu.memory_space<hbm>> -> memref<80xi32, #tpu.memory_space<hbm>>
    %dma_start3A_19 = tpu.memref_slice %arg2[%add3A_17] : memref<320000xi32, #tpu.memory_space<hbm>> -> memref<80xi32, #tpu.memory_space<hbm>>
    tpu.enqueue_dma source(%dma_start3A_19 : memref<80xi32, #tpu.memory_space<hbm>>) target(%arg16 : memref<80xi32, #tpu.memory_space<vmem>>) target_semaphore(%arg29 : memref<!tpu.dma_semaphore, #tpu.memory_space<semaphore_mem>>)
    %dma_start3A_20 = tpu.memref_slice %arg3[%add3A_17] : memref<320000xi32, #tpu.memory_space<hbm>> -> memref<80xi32, #tpu.memory_space<hbm>>
    %dma_start3A_21 = tpu.memref_slice %arg3[%add3A_17] : memref<320000xi32, #tpu.memory_space<hbm>> -> memref<80xi32, #tpu.memory_space<hbm>>
    tpu.enqueue_dma source(%dma_start3A_21 : memref<80xi32, #tpu.memory_space<hbm>>) target(%arg17 : memref<80xi32, #tpu.memory_space<vmem>>) target_semaphore(%arg29 : memref<!tpu.dma_semaphore, #tpu.memory_space<semaphore_mem>>)
    %dma_wait3A = arith.constant 0 : i32
    %dma_wait3A_22 = tpu.memref_slice %arg2[%dma_wait3A] : memref<320000xi32, #tpu.memory_space<hbm>> -> memref<80xi32, #tpu.memory_space<hbm>>
    %dma_wait3A_23 = arith.constant 0 : i32
    %dma_wait3A_24 = tpu.memref_slice %arg2[%dma_wait3A_23] : memref<320000xi32, #tpu.memory_space<hbm>> -> memref<80xi32, #tpu.memory_space<hbm>>
    tpu.wait_dma2 semaphore(%arg24 : memref<!tpu.dma_semaphore, #tpu.memory_space<semaphore_mem>>) src(%dma_wait3A_24 : memref<80xi32, #tpu.memory_space<hbm>>) dst(%arg9 : memref<80xi32, #tpu.memory_space<vmem>>)
    %dma_wait3A_25 = arith.constant 0 : i32
    %dma_wait3A_26 = tpu.memref_slice %arg3[%dma_wait3A_25] : memref<320000xi32, #tpu.memory_space<hbm>> -> memref<80xi32, #tpu.memory_space<hbm>>
    %dma_wait3A_27 = arith.constant 0 : i32
    %dma_wait3A_28 = tpu.memref_slice %arg3[%dma_wait3A_27] : memref<320000xi32, #tpu.memory_space<hbm>> -> memref<80xi32, #tpu.memory_space<hbm>>
    tpu.wait_dma2 semaphore(%arg24 : memref<!tpu.dma_semaphore, #tpu.memory_space<semaphore_mem>>) src(%dma_wait3A_28 : memref<80xi32, #tpu.memory_space<hbm>>) dst(%arg10 : memref<80xi32, #tpu.memory_space<vmem>>)
    %dma_start3A_29 = arith.constant 0 : i32
    %dma_start3A_30 = arith.constant 0 : i32
    %dma_start3A_31 = tpu.memref_slice %arg4[%dma_start3A_29, %dma_start3A_30] : memref<10000x128xbf16, #tpu.memory_space<hbm>> -> memref<10000x128xbf16, #tpu.memory_space<hbm>>
    tpu.enqueue_indirect_dma source(%dma_start3A_31 : memref<10000x128xbf16, #tpu.memory_space<hbm>>) target(%arg11 : memref<80x128xbf16, #tpu.memory_space<vmem>>) offsets(%arg10 : memref<80xi32, #tpu.memory_space<vmem>>) semaphore(%arg25 : memref<!tpu.dma_semaphore, #tpu.memory_space<semaphore_mem>>)
    %dma_start3A_32 = arith.constant 0 : i32
    %dma_start3A_33 = arith.constant 0 : i32
    %dma_start3A_34 = tpu.memref_slice %arg5[%dma_start3A_32, %dma_start3A_33] : memref<10000x16xf32, #tpu.memory_space<hbm>> -> memref<10000x16xf32, #tpu.memory_space<hbm>>
    tpu.enqueue_indirect_dma source(%dma_start3A_34 : memref<10000x16xf32, #tpu.memory_space<hbm>>) target(%arg12 : memref<80x16xf32, #tpu.memory_space<vmem>>) offsets(%arg9 : memref<80xi32, #tpu.memory_space<vmem>>) semaphore(%arg26 : memref<!tpu.dma_semaphore, #tpu.memory_space<semaphore_mem>>)
    %dma_start3A_35 = arith.constant 0 : i32
    %dma_start3A_36 = arith.constant 0 : i32
    %dma_start3A_37 = tpu.memref_slice %arg6[%dma_start3A_35, %dma_start3A_36] : memref<10000x16xf32, #tpu.memory_space<hbm>> -> memref<10000x16xf32, #tpu.memory_space<hbm>>
    tpu.enqueue_indirect_dma source(%dma_start3A_37 : memref<10000x16xf32, #tpu.memory_space<hbm>>) target(%arg13 : memref<80x16xf32, #tpu.memory_space<vmem>>) offsets(%arg10 : memref<80xi32, #tpu.memory_space<vmem>>) semaphore(%arg27 : memref<!tpu.dma_semaphore, #tpu.memory_space<semaphore_mem>>)
    %while3A = arith.constant 0 : i32
    %while3A_38 = arith.constant 0 : i32
    %while3A_39 = arith.constant 62 : i32
    %while3A_40 = arith.subi %while3A_39, %while3A_38 : i32
    %while3A_41 = arith.addi %while3A_38, %while3A_40 : i32
    %while3A_42 = arith.constant 1 : i32
    %while3A_43 = arith.divsi %while3A_40, %while3A_42 : i32
    %while3A_44 = arith.muli %while3A_43, %while3A_42 : i32
    %while3A_45 = arith.addi %while3A_38, %while3A_44 : i32
    %while3A_46 = arith.constant 1 : i32
    scf.for %while3A_90 = %while3A_38 to %while3A_45 step %while3A_46  : i32 {
      %mul3A_91 = arith.constant 2 : i32
      %mul3A_92 = arith.muli %while3A_90, %mul3A_91 : i32
      %dma_wait3A_93 = arith.constant 0 : i32
      %dma_wait3A_94 = tpu.memref_slice %arg2[%dma_wait3A_93] : memref<320000xi32, #tpu.memory_space<hbm>> -> memref<80xi32, #tpu.memory_space<hbm>>
      %dma_wait3A_95 = arith.constant 0 : i32
      %dma_wait3A_96 = tpu.memref_slice %arg2[%dma_wait3A_95] : memref<320000xi32, #tpu.memory_space<hbm>> -> memref<80xi32, #tpu.memory_space<hbm>>
      tpu.wait_dma2 semaphore(%arg29 : memref<!tpu.dma_semaphore, #tpu.memory_space<semaphore_mem>>) src(%dma_wait3A_96 : memref<80xi32, #tpu.memory_space<hbm>>) dst(%arg16 : memref<80xi32, #tpu.memory_space<vmem>>)
      %dma_wait3A_97 = arith.constant 0 : i32
      %dma_wait3A_98 = tpu.memref_slice %arg3[%dma_wait3A_97] : memref<320000xi32, #tpu.memory_space<hbm>> -> memref<80xi32, #tpu.memory_space<hbm>>
      %dma_wait3A_99 = arith.constant 0 : i32
      %dma_wait3A_100 = tpu.memref_slice %arg3[%dma_wait3A_99] : memref<320000xi32, #tpu.memory_space<hbm>> -> memref<80xi32, #tpu.memory_space<hbm>>
      tpu.wait_dma2 semaphore(%arg29 : memref<!tpu.dma_semaphore, #tpu.memory_space<semaphore_mem>>) src(%dma_wait3A_100 : memref<80xi32, #tpu.memory_space<hbm>>) dst(%arg17 : memref<80xi32, #tpu.memory_space<vmem>>)
      %dma_start3A_101 = arith.constant 0 : i32
      %dma_start3A_102 = arith.constant 0 : i32
      %dma_start3A_103 = tpu.memref_slice %arg4[%dma_start3A_101, %dma_start3A_102] : memref<10000x128xbf16, #tpu.memory_space<hbm>> -> memref<10000x128xbf16, #tpu.memory_space<hbm>>
      tpu.enqueue_indirect_dma source(%dma_start3A_103 : memref<10000x128xbf16, #tpu.memory_space<hbm>>) target(%arg18 : memref<80x128xbf16, #tpu.memory_space<vmem>>) offsets(%arg17 : memref<80xi32, #tpu.memory_space<vmem>>) semaphore(%arg30 : memref<!tpu.dma_semaphore, #tpu.memory_space<semaphore_mem>>)
      %dma_start3A_104 = arith.constant 0 : i32
      %dma_start3A_105 = arith.constant 0 : i32
      %dma_start3A_106 = tpu.memref_slice %arg5[%dma_start3A_104, %dma_start3A_105] : memref<10000x16xf32, #tpu.memory_space<hbm>> -> memref<10000x16xf32, #tpu.memory_space<hbm>>
      tpu.enqueue_indirect_dma source(%dma_start3A_106 : memref<10000x16xf32, #tpu.memory_space<hbm>>) target(%arg19 : memref<80x16xf32, #tpu.memory_space<vmem>>) offsets(%arg16 : memref<80xi32, #tpu.memory_space<vmem>>) semaphore(%arg31 : memref<!tpu.dma_semaphore, #tpu.memory_space<semaphore_mem>>)
      %dma_start3A_107 = arith.constant 0 : i32
      %dma_start3A_108 = arith.constant 0 : i32
      %dma_start3A_109 = tpu.memref_slice %arg6[%dma_start3A_107, %dma_start3A_108] : memref<10000x16xf32, #tpu.memory_space<hbm>> -> memref<10000x16xf32, #tpu.memory_space<hbm>>
      tpu.enqueue_indirect_dma source(%dma_start3A_109 : memref<10000x16xf32, #tpu.memory_space<hbm>>) target(%arg20 : memref<80x16xf32, #tpu.memory_space<vmem>>) offsets(%arg17 : memref<80xi32, #tpu.memory_space<vmem>>) semaphore(%arg32 : memref<!tpu.dma_semaphore, #tpu.memory_space<semaphore_mem>>)
      %dma_wait3A_110 = arith.constant 0 : i32
      %dma_wait3A_111 = arith.constant 0 : i32
      %dma_wait3A_112 = tpu.memref_slice %arg4[%dma_wait3A_110, %dma_wait3A_111] : memref<10000x128xbf16, #tpu.memory_space<hbm>> -> memref<10000x128xbf16, #tpu.memory_space<hbm>>
      tpu.wait_indirect_dma semaphore(%arg25 : memref<!tpu.dma_semaphore, #tpu.memory_space<semaphore_mem>>) src(%dma_wait3A_112 : memref<10000x128xbf16, #tpu.memory_space<hbm>>) dst(%arg11 : memref<80x128xbf16, #tpu.memory_space<vmem>>)
      %dma_wait3A_113 = arith.constant 0 : i32
      %dma_wait3A_114 = arith.constant 0 : i32
      %dma_wait3A_115 = tpu.memref_slice %arg5[%dma_wait3A_113, %dma_wait3A_114] : memref<10000x16xf32, #tpu.memory_space<hbm>> -> memref<10000x16xf32, #tpu.memory_space<hbm>>
      tpu.wait_indirect_dma semaphore(%arg26 : memref<!tpu.dma_semaphore, #tpu.memory_space<semaphore_mem>>) src(%dma_wait3A_115 : memref<10000x16xf32, #tpu.memory_space<hbm>>) dst(%arg12 : memref<80x16xf32, #tpu.memory_space<vmem>>)
      %dma_wait3A_116 = arith.constant 0 : i32
      %dma_wait3A_117 = arith.constant 0 : i32
      %dma_wait3A_118 = tpu.memref_slice %arg6[%dma_wait3A_116, %dma_wait3A_117] : memref<10000x16xf32, #tpu.memory_space<hbm>> -> memref<10000x16xf32, #tpu.memory_space<hbm>>
      tpu.wait_indirect_dma semaphore(%arg27 : memref<!tpu.dma_semaphore, #tpu.memory_space<semaphore_mem>>) src(%dma_wait3A_118 : memref<10000x16xf32, #tpu.memory_space<hbm>>) dst(%arg13 : memref<80x16xf32, #tpu.memory_space<vmem>>)
      %gt3A = arith.constant 0 : i32
      %gt3A_119 = arith.cmpi sgt, %while3A_90, %gt3A : i32
      %convert_element_type3A = arith.extui %gt3A_119 : i1 to i32
      %cond3A = arith.constant 0 : i32
      %cond3A_120 = arith.cmpi ne, %convert_element_type3A, %cond3A : i32
      scf.if %cond3A_120 {
        %dma_wait3A_207 = arith.constant 0 : i32
        %dma_wait3A_208 = arith.constant 0 : i32
        %dma_wait3A_209 = tpu.memref_slice %arg23[%dma_wait3A_207, %dma_wait3A_208] : memref<10240x144xf32, #tpu.memory_space<vmem_shared>> -> memref<10240x144xf32, #tpu.memory_space<vmem_shared>>
        tpu.wait_indirect_dma semaphore(%arg28 : memref<!tpu.dma_semaphore, #tpu.memory_space<semaphore_mem>>) src(%arg14 : memref<80x144xf32, #tpu.memory_space<vmem>>) dst(%dma_wait3A_209 : memref<10240x144xf32, #tpu.memory_space<vmem_shared>>)
      } else {
      }
      %get3A_121 = arith.constant 0 : index
      %get3A_122 = tpu.vector_load %arg9[%get3A_121] {strides = array<i32>} : memref<80xi32, #tpu.memory_space<vmem>>, vector<16xi32>,
      %swap3A_123 = arith.constant 0 : index
      %swap3A_124 = tpu.vector_load %arg15[%swap3A_123] {strides = array<i32>} : memref<80xi32, #tpu.memory_space<vmem>>, vector<16xi32>,
      tpu.vector_store %arg15[%swap3A_123], %get3A_122 {strides = array<i32>} : memref<80xi32, #tpu.memory_space<vmem>>, vector<16xi32>,
      %get3A_125 = arith.constant 16 : index
      %get3A_126 = tpu.vector_load %arg9[%get3A_125] {strides = array<i32>} : memref<80xi32, #tpu.memory_space<vmem>>, vector<16xi32>,
      %swap3A_127 = arith.constant 16 : index
      %swap3A_128 = tpu.vector_load %arg15[%swap3A_127] {strides = array<i32>} : memref<80xi32, #tpu.memory_space<vmem>>, vector<16xi32>,
      tpu.vector_store %arg15[%swap3A_127], %get3A_126 {strides = array<i32>} : memref<80xi32, #tpu.memory_space<vmem>>, vector<16xi32>,
      %get3A_129 = arith.constant 32 : index
      %get3A_130 = tpu.vector_load %arg9[%get3A_129] {strides = array<i32>} : memref<80xi32, #tpu.memory_space<vmem>>, vector<16xi32>,
      %swap3A_131 = arith.constant 32 : index
      %swap3A_132 = tpu.vector_load %arg15[%swap3A_131] {strides = array<i32>} : memref<80xi32, #tpu.memory_space<vmem>>, vector<16xi32>,
      tpu.vector_store %arg15[%swap3A_131], %get3A_130 {strides = array<i32>} : memref<80xi32, #tpu.memory_space<vmem>>, vector<16xi32>,
      %get3A_133 = arith.constant 48 : index
      %get3A_134 = tpu.vector_load %arg9[%get3A_133] {strides = array<i32>} : memref<80xi32, #tpu.memory_space<vmem>>, vector<16xi32>,
      %swap3A_135 = arith.constant 48 : index
      %swap3A_136 = tpu.vector_load %arg15[%swap3A_135] {strides = array<i32>} : memref<80xi32, #tpu.memory_space<vmem>>, vector<16xi32>,
      tpu.vector_store %arg15[%swap3A_135], %get3A_134 {strides = array<i32>} : memref<80xi32, #tpu.memory_space<vmem>>, vector<16xi32>,
      %get3A_137 = arith.constant 64 : index
      %get3A_138 = tpu.vector_load %arg9[%get3A_137] {strides = array<i32>} : memref<80xi32, #tpu.memory_space<vmem>>, vector<16xi32>,
      %swap3A_139 = arith.constant 64 : index
      %swap3A_140 = tpu.vector_load %arg15[%swap3A_139] {strides = array<i32>} : memref<80xi32, #tpu.memory_space<vmem>>, vector<16xi32>,
      tpu.vector_store %arg15[%swap3A_139], %get3A_138 {strides = array<i32>} : memref<80xi32, #tpu.memory_space<vmem>>, vector<16xi32>,
      %add3A_141 = arith.constant 2 : i32
      %add3A_142 = arith.addi %mul3A_92, %add3A_141 : i32
      %lt3A = arith.constant 125 : i32
      %lt3A_143 = arith.cmpi slt, %add3A_142, %lt3A : i32
      %convert_element_type3A_144 = arith.extui %lt3A_143 : i1 to i32
      %cond3A_145 = arith.constant 0 : i32
      %cond3A_146 = arith.cmpi ne, %convert_element_type3A_144, %cond3A_145 : i32
      scf.if %cond3A_146 {
        %add3A_207 = arith.constant 2 : i32
        %add3A_208 = arith.addi %mul3A_92, %add3A_207 : i32
        %mul3A_209 = arith.constant 10000 : i32
        %mul3A_210 = arith.muli %add3A, %mul3A_209 : i32
        %mul3A_211 = arith.constant 80 : i32
        %mul3A_212 = arith.muli %add3A_208, %mul3A_211 : i32
        %add3A_213 = arith.addi %mul3A_210, %mul3A_212 : i32
        %dma_start3A_214 = tpu.memref_slice %arg2[%add3A_213] : memref<320000xi32, #tpu.memory_space<hbm>> -> memref<80xi32, #tpu.memory_space<hbm>>
        %dma_start3A_215 = tpu.memref_slice %arg2[%add3A_213] : memref<320000xi32, #tpu.memory_space<hbm>> -> memref<80xi32, #tpu.memory_space<hbm>>
        tpu.enqueue_dma source(%dma_start3A_215 : memref<80xi32, #tpu.memory_space<hbm>>) target(%arg9 : memref<80xi32, #tpu.memory_space<vmem>>) target_semaphore(%arg24 : memref<!tpu.dma_semaphore, #tpu.memory_space<semaphore_mem>>)
        %dma_start3A_216 = tpu.memref_slice %arg3[%add3A_213] : memref<320000xi32, #tpu.memory_space<hbm>> -> memref<80xi32, #tpu.memory_space<hbm>>
        %dma_start3A_217 = tpu.memref_slice %arg3[%add3A_213] : memref<320000xi32, #tpu.memory_space<hbm>> -> memref<80xi32, #tpu.memory_space<hbm>>
        tpu.enqueue_dma source(%dma_start3A_217 : memref<80xi32, #tpu.memory_space<hbm>>) target(%arg10 : memref<80xi32, #tpu.memory_space<vmem>>) target_semaphore(%arg24 : memref<!tpu.dma_semaphore, #tpu.memory_space<semaphore_mem>>)
      } else {
      }
      %parallel_loop3A_147 = arith.constant 0 : i32
      %parallel_loop3A_148 = arith.constant 80 : i32
      %parallel_loop3A_149 = arith.constant 1 : i32
      scf.for %parallel_loop3A_207 = %parallel_loop3A_147 to %parallel_loop3A_148 step %parallel_loop3A_149  : i32 {
        %parallel_loop3A_208 = arith.index_cast %parallel_loop3A_207 : i32 to index
        %parallel_loop3A_209 = arith.constant 0 : index
        %parallel_loop3A_210 = tpu.vector_load %arg12[%parallel_loop3A_208, %parallel_loop3A_209] {strides = array<i32>} : memref<80x16xf32, #tpu.memory_space<vmem>>, vector<16xf32>,
        %parallel_loop3A_211 = arith.index_cast %parallel_loop3A_207 : i32 to index
        %parallel_loop3A_212 = arith.constant 0 : index
        %parallel_loop3A_213 = tpu.vector_load %arg13[%parallel_loop3A_211, %parallel_loop3A_212] {strides = array<i32>} : memref<80x16xf32, #tpu.memory_space<vmem>>, vector<16xf32>,
        %parallel_loop3A_214 = arith.addf %parallel_loop3A_210, %parallel_loop3A_213 : vector<16xf32>
        %parallel_loop3A_215 = arith.constant 0.000000e+00 : f32
        %parallel_loop3A_216 = vector.broadcast %parallel_loop3A_215 : f32 to vector<16xf32>
        %parallel_loop3A_217 = arith.cmpf oge, %parallel_loop3A_214, %parallel_loop3A_216 : vector<16xf32>
        %parallel_loop3A_218 = arith.constant 2.000000e-01 : f32
        %parallel_loop3A_219 = vector.broadcast %parallel_loop3A_218 : f32 to vector<16xf32>
        %parallel_loop3A_220 = arith.mulf %parallel_loop3A_219, %parallel_loop3A_214 : vector<16xf32>
        %parallel_loop3A_221 = arith.select %parallel_loop3A_217, %parallel_loop3A_214, %parallel_loop3A_220 : vector<16xi1>, vector<16xf32>
        %parallel_loop3A_222 = arith.constant 0.000000e+00 : f32
        %parallel_loop3A_223 = vector.broadcast %parallel_loop3A_222 : f32 to vector<16xf32>
        %parallel_loop3A_224 = arith.subf %parallel_loop3A_223, %parallel_loop3A_221 : vector<16xf32>
        %parallel_loop3A_225 = math.exp %parallel_loop3A_224 : vector<16xf32>
        %parallel_loop3A_226 = arith.index_cast %parallel_loop3A_207 : i32 to index
        %parallel_loop3A_227 = arith.constant 128 : index
        %parallel_loop3A_228 = tpu.vector_load %arg14[%parallel_loop3A_226, %parallel_loop3A_227] {strides = array<i32>} : memref<80x144xf32, #tpu.memory_space<vmem>>, vector<16xf32>,
        tpu.vector_store %arg14[%parallel_loop3A_226, %parallel_loop3A_227], %parallel_loop3A_225 {strides = array<i32>} : memref<80x144xf32, #tpu.memory_space<vmem>>, vector<16xf32>,
        %parallel_loop3A_229 = arith.index_cast %parallel_loop3A_207 : i32 to index
        %parallel_loop3A_230 = arith.constant 0 : index
        %parallel_loop3A_231 = tpu.vector_load %arg11[%parallel_loop3A_229, %parallel_loop3A_230] {strides = array<i32>} : memref<80x128xbf16, #tpu.memory_space<vmem>>, vector<32xbf16>,
        %parallel_loop3A_232 = tpu.unpack_subelements %parallel_loop3A_231, 0 {pack_format = #tpu.pack_format<interleaved>} : vector<32xbf16> -> vector<16xf32>
        %parallel_loop3A_233 = tpu.unpack_subelements %parallel_loop3A_231, 1 {pack_format = #tpu.pack_format<interleaved>} : vector<32xbf16> -> vector<16xf32>
        %parallel_loop3A_234 = vector.extract_strided_slice %parallel_loop3A_225 {offsets = [0], sizes = [1], strides = [1]} : vector<16xf32> to vector<1xf32>
        %parallel_loop3A_235 = vector.extract %parallel_loop3A_234[0] : f32 from vector<1xf32>
        %parallel_loop3A_236 = vector.broadcast %parallel_loop3A_235 : f32 to vector<16xf32>
        %parallel_loop3A_237 = arith.mulf %parallel_loop3A_232, %parallel_loop3A_236 : vector<16xf32>
        %parallel_loop3A_238 = arith.index_cast %parallel_loop3A_207 : i32 to index
        %parallel_loop3A_239 = arith.constant 0 : index
        %parallel_loop3A_240 = tpu.vector_load %arg14[%parallel_loop3A_238, %parallel_loop3A_239] {strides = array<i32>} : memref<80x144xf32, #tpu.memory_space<vmem>>, vector<16xf32>,
        tpu.vector_store %arg14[%parallel_loop3A_238, %parallel_loop3A_239], %parallel_loop3A_237 {strides = array<i32>} : memref<80x144xf32, #tpu.memory_space<vmem>>, vector<16xf32>,
        %parallel_loop3A_241 = vector.extract_strided_slice %parallel_loop3A_225 {offsets = [1], sizes = [1], strides = [1]} : vector<16xf32> to vector<1xf32>
        %parallel_loop3A_242 = vector.extract %parallel_loop3A_241[0] : f32 from vector<1xf32>
        %parallel_loop3A_243 = vector.broadcast %parallel_loop3A_242 : f32 to vector<16xf32>
        %parallel_loop3A_244 = arith.mulf %parallel_loop3A_233, %parallel_loop3A_243 : vector<16xf32>
        %parallel_loop3A_245 = arith.index_cast %parallel_loop3A_207 : i32 to index
        %parallel_loop3A_246 = arith.constant 16 : index
        %parallel_loop3A_247 = tpu.vector_load %arg14[%parallel_loop3A_245, %parallel_loop3A_246] {strides = array<i32>} : memref<80x144xf32, #tpu.memory_space<vmem>>, vector<16xf32>,
        tpu.vector_store %arg14[%parallel_loop3A_245, %parallel_loop3A_246], %parallel_loop3A_244 {strides = array<i32>} : memref<80x144xf32, #tpu.memory_space<vmem>>, vector<16xf32>,
        %parallel_loop3A_248 = arith.index_cast %parallel_loop3A_207 : i32 to index
        %parallel_loop3A_249 = arith.constant 32 : index
        %parallel_loop3A_250 = tpu.vector_load %arg11[%parallel_loop3A_248, %parallel_loop3A_249] {strides = array<i32>} : memref<80x128xbf16, #tpu.memory_space<vmem>>, vector<32xbf16>,
        %parallel_loop3A_251 = tpu.unpack_subelements %parallel_loop3A_250, 0 {pack_format = #tpu.pack_format<interleaved>} : vector<32xbf16> -> vector<16xf32>
        %parallel_loop3A_252 = tpu.unpack_subelements %parallel_loop3A_250, 1 {pack_format = #tpu.pack_format<interleaved>} : vector<32xbf16> -> vector<16xf32>
        %parallel_loop3A_253 = vector.extract_strided_slice %parallel_loop3A_225 {offsets = [2], sizes = [1], strides = [1]} : vector<16xf32> to vector<1xf32>
        %parallel_loop3A_254 = vector.extract %parallel_loop3A_253[0] : f32 from vector<1xf32>
        %parallel_loop3A_255 = vector.broadcast %parallel_loop3A_254 : f32 to vector<16xf32>
        %parallel_loop3A_256 = arith.mulf %parallel_loop3A_251, %parallel_loop3A_255 : vector<16xf32>
        %parallel_loop3A_257 = arith.index_cast %parallel_loop3A_207 : i32 to index
        %parallel_loop3A_258 = arith.constant 32 : index
        %parallel_loop3A_259 = tpu.vector_load %arg14[%parallel_loop3A_257, %parallel_loop3A_258] {strides = array<i32>} : memref<80x144xf32, #tpu.memory_space<vmem>>, vector<16xf32>,
        tpu.vector_store %arg14[%parallel_loop3A_257, %parallel_loop3A_258], %parallel_loop3A_256 {strides = array<i32>} : memref<80x144xf32, #tpu.memory_space<vmem>>, vector<16xf32>,
        %parallel_loop3A_260 = vector.extract_strided_slice %parallel_loop3A_225 {offsets = [3], sizes = [1], strides = [1]} : vector<16xf32> to vector<1xf32>
        %parallel_loop3A_261 = vector.extract %parallel_loop3A_260[0] : f32 from vector<1xf32>
        %parallel_loop3A_262 = vector.broadcast %parallel_loop3A_261 : f32 to vector<16xf32>
        %parallel_loop3A_263 = arith.mulf %parallel_loop3A_252, %parallel_loop3A_262 : vector<16xf32>
        %parallel_loop3A_264 = arith.index_cast %parallel_loop3A_207 : i32 to index
        %parallel_loop3A_265 = arith.constant 48 : index
        %parallel_loop3A_266 = tpu.vector_load %arg14[%parallel_loop3A_264, %parallel_loop3A_265] {strides = array<i32>} : memref<80x144xf32, #tpu.memory_space<vmem>>, vector<16xf32>,
        tpu.vector_store %arg14[%parallel_loop3A_264, %parallel_loop3A_265], %parallel_loop3A_263 {strides = array<i32>} : memref<80x144xf32, #tpu.memory_space<vmem>>, vector<16xf32>,
        %parallel_loop3A_267 = arith.index_cast %parallel_loop3A_207 : i32 to index
        %parallel_loop3A_268 = arith.constant 64 : index
        %parallel_loop3A_269 = tpu.vector_load %arg11[%parallel_loop3A_267, %parallel_loop3A_268] {strides = array<i32>} : memref<80x128xbf16, #tpu.memory_space<vmem>>, vector<32xbf16>,
        %parallel_loop3A_270 = tpu.unpack_subelements %parallel_loop3A_269, 0 {pack_format = #tpu.pack_format<interleaved>} : vector<32xbf16> -> vector<16xf32>
        %parallel_loop3A_271 = tpu.unpack_subelements %parallel_loop3A_269, 1 {pack_format = #tpu.pack_format<interleaved>} : vector<32xbf16> -> vector<16xf32>
        %parallel_loop3A_272 = vector.extract_strided_slice %parallel_loop3A_225 {offsets = [4], sizes = [1], strides = [1]} : vector<16xf32> to vector<1xf32>
        %parallel_loop3A_273 = vector.extract %parallel_loop3A_272[0] : f32 from vector<1xf32>
        %parallel_loop3A_274 = vector.broadcast %parallel_loop3A_273 : f32 to vector<16xf32>
        %parallel_loop3A_275 = arith.mulf %parallel_loop3A_270, %parallel_loop3A_274 : vector<16xf32>
        %parallel_loop3A_276 = arith.index_cast %parallel_loop3A_207 : i32 to index
        %parallel_loop3A_277 = arith.constant 64 : index
        %parallel_loop3A_278 = tpu.vector_load %arg14[%parallel_loop3A_276, %parallel_loop3A_277] {strides = array<i32>} : memref<80x144xf32, #tpu.memory_space<vmem>>, vector<16xf32>,
        tpu.vector_store %arg14[%parallel_loop3A_276, %parallel_loop3A_277], %parallel_loop3A_275 {strides = array<i32>} : memref<80x144xf32, #tpu.memory_space<vmem>>, vector<16xf32>,
        %parallel_loop3A_279 = vector.extract_strided_slice %parallel_loop3A_225 {offsets = [5], sizes = [1], strides = [1]} : vector<16xf32> to vector<1xf32>
        %parallel_loop3A_280 = vector.extract %parallel_loop3A_279[0] : f32 from vector<1xf32>
        %parallel_loop3A_281 = vector.broadcast %parallel_loop3A_280 : f32 to vector<16xf32>
        %parallel_loop3A_282 = arith.mulf %parallel_loop3A_271, %parallel_loop3A_281 : vector<16xf32>
        %parallel_loop3A_283 = arith.index_cast %parallel_loop3A_207 : i32 to index
        %parallel_loop3A_284 = arith.constant 80 : index
        %parallel_loop3A_285 = tpu.vector_load %arg14[%parallel_loop3A_283, %parallel_loop3A_284] {strides = array<i32>} : memref<80x144xf32, #tpu.memory_space<vmem>>, vector<16xf32>,
        tpu.vector_store %arg14[%parallel_loop3A_283, %parallel_loop3A_284], %parallel_loop3A_282 {strides = array<i32>} : memref<80x144xf32, #tpu.memory_space<vmem>>, vector<16xf32>,
        %parallel_loop3A_286 = arith.index_cast %parallel_loop3A_207 : i32 to index
        %parallel_loop3A_287 = arith.constant 96 : index
        %parallel_loop3A_288 = tpu.vector_load %arg11[%parallel_loop3A_286, %parallel_loop3A_287] {strides = array<i32>} : memref<80x128xbf16, #tpu.memory_space<vmem>>, vector<32xbf16>,
        %parallel_loop3A_289 = tpu.unpack_subelements %parallel_loop3A_288, 0 {pack_format = #tpu.pack_format<interleaved>} : vector<32xbf16> -> vector<16xf32>
        %parallel_loop3A_290 = tpu.unpack_subelements %parallel_loop3A_288, 1 {pack_format = #tpu.pack_format<interleaved>} : vector<32xbf16> -> vector<16xf32>
        %parallel_loop3A_291 = vector.extract_strided_slice %parallel_loop3A_225 {offsets = [6], sizes = [1], strides = [1]} : vector<16xf32> to vector<1xf32>
        %parallel_loop3A_292 = vector.extract %parallel_loop3A_291[0] : f32 from vector<1xf32>
        %parallel_loop3A_293 = vector.broadcast %parallel_loop3A_292 : f32 to vector<16xf32>
        %parallel_loop3A_294 = arith.mulf %parallel_loop3A_289, %parallel_loop3A_293 : vector<16xf32>
        %parallel_loop3A_295 = arith.index_cast %parallel_loop3A_207 : i32 to index
        %parallel_loop3A_296 = arith.constant 96 : index
        %parallel_loop3A_297 = tpu.vector_load %arg14[%parallel_loop3A_295, %parallel_loop3A_296] {strides = array<i32>} : memref<80x144xf32, #tpu.memory_space<vmem>>, vector<16xf32>,
        tpu.vector_store %arg14[%parallel_loop3A_295, %parallel_loop3A_296], %parallel_loop3A_294 {strides = array<i32>} : memref<80x144xf32, #tpu.memory_space<vmem>>, vector<16xf32>,
        %parallel_loop3A_298 = vector.extract_strided_slice %parallel_loop3A_225 {offsets = [7], sizes = [1], strides = [1]} : vector<16xf32> to vector<1xf32>
        %parallel_loop3A_299 = vector.extract %parallel_loop3A_298[0] : f32 from vector<1xf32>
        %parallel_loop3A_300 = vector.broadcast %parallel_loop3A_299 : f32 to vector<16xf32>
        %parallel_loop3A_301 = arith.mulf %parallel_loop3A_290, %parallel_loop3A_300 : vector<16xf32>
        %parallel_loop3A_302 = arith.index_cast %parallel_loop3A_207 : i32 to index
        %parallel_loop3A_303 = arith.constant 112 : index
        %parallel_loop3A_304 = tpu.vector_load %arg14[%parallel_loop3A_302, %parallel_loop3A_303] {strides = array<i32>} : memref<80x144xf32, #tpu.memory_space<vmem>>, vector<16xf32>,
        tpu.vector_store %arg14[%parallel_loop3A_302, %parallel_loop3A_303], %parallel_loop3A_301 {strides = array<i32>} : memref<80x144xf32, #tpu.memory_space<vmem>>, vector<16xf32>,
      } {sc.loop_unroll_factor = 1 : i64, sc.parallel_access}
      %dma_start3A_150 = arith.constant 0 : i32
      %dma_start3A_151 = arith.constant 0 : i32
      %dma_start3A_152 = tpu.memref_slice %arg23[%dma_start3A_150, %dma_start3A_151] : memref<10240x144xf32, #tpu.memory_space<vmem_shared>> -> memref<10240x144xf32, #tpu.memory_space<vmem_shared>>
      tpu.enqueue_indirect_dma source(%arg14 : memref<80x144xf32, #tpu.memory_space<vmem>>) target(%dma_start3A_152 : memref<10240x144xf32, #tpu.memory_space<vmem_shared>>) offsets(%arg15 : memref<80xi32, #tpu.memory_space<vmem>>) semaphore(%arg28 : memref<!tpu.dma_semaphore, #tpu.memory_space<semaphore_mem>>) {add = true}
      %add3A_153 = arith.constant 2 : i32
      %add3A_154 = arith.addi %mul3A_92, %add3A_153 : i32
      %lt3A_155 = arith.constant 125 : i32
      %lt3A_156 = arith.cmpi slt, %add3A_154, %lt3A_155 : i32
      %convert_element_type3A_157 = arith.extui %lt3A_156 : i1 to i32
      %cond3A_158 = arith.constant 0 : i32
      %cond3A_159 = arith.cmpi ne, %convert_element_type3A_157, %cond3A_158 : i32
      scf.if %cond3A_159 {
        %dma_wait3A_207 = arith.constant 0 : i32
        %dma_wait3A_208 = tpu.memref_slice %arg2[%dma_wait3A_207] : memref<320000xi32, #tpu.memory_space<hbm>> -> memref<80xi32, #tpu.memory_space<hbm>>
        %dma_wait3A_209 = arith.constant 0 : i32
        %dma_wait3A_210 = tpu.memref_slice %arg2[%dma_wait3A_209] : memref<320000xi32, #tpu.memory_space<hbm>> -> memref<80xi32, #tpu.memory_space<hbm>>
        tpu.wait_dma2 semaphore(%arg24 : memref<!tpu.dma_semaphore, #tpu.memory_space<semaphore_mem>>) src(%dma_wait3A_210 : memref<80xi32, #tpu.memory_space<hbm>>) dst(%arg9 : memref<80xi32, #tpu.memory_space<vmem>>)
        %dma_wait3A_211 = arith.constant 0 : i32
        %dma_wait3A_212 = tpu.memref_slice %arg3[%dma_wait3A_211] : memref<320000xi32, #tpu.memory_space<hbm>> -> memref<80xi32, #tpu.memory_space<hbm>>
        %dma_wait3A_213 = arith.constant 0 : i32
        %dma_wait3A_214 = tpu.memref_slice %arg3[%dma_wait3A_213] : memref<320000xi32, #tpu.memory_space<hbm>> -> memref<80xi32, #tpu.memory_space<hbm>>
        tpu.wait_dma2 semaphore(%arg24 : memref<!tpu.dma_semaphore, #tpu.memory_space<semaphore_mem>>) src(%dma_wait3A_214 : memref<80xi32, #tpu.memory_space<hbm>>) dst(%arg10 : memref<80xi32, #tpu.memory_space<vmem>>)
        %dma_start3A_215 = arith.constant 0 : i32
        %dma_start3A_216 = arith.constant 0 : i32
        %dma_start3A_217 = tpu.memref_slice %arg4[%dma_start3A_215, %dma_start3A_216] : memref<10000x128xbf16, #tpu.memory_space<hbm>> -> memref<10000x128xbf16, #tpu.memory_space<hbm>>
        tpu.enqueue_indirect_dma source(%dma_start3A_217 : memref<10000x128xbf16, #tpu.memory_space<hbm>>) target(%arg11 : memref<80x128xbf16, #tpu.memory_space<vmem>>) offsets(%arg10 : memref<80xi32, #tpu.memory_space<vmem>>) semaphore(%arg25 : memref<!tpu.dma_semaphore, #tpu.memory_space<semaphore_mem>>)
        %dma_start3A_218 = arith.constant 0 : i32
        %dma_start3A_219 = arith.constant 0 : i32
        %dma_start3A_220 = tpu.memref_slice %arg5[%dma_start3A_218, %dma_start3A_219] : memref<10000x16xf32, #tpu.memory_space<hbm>> -> memref<10000x16xf32, #tpu.memory_space<hbm>>
        tpu.enqueue_indirect_dma source(%dma_start3A_220 : memref<10000x16xf32, #tpu.memory_space<hbm>>) target(%arg12 : memref<80x16xf32, #tpu.memory_space<vmem>>) offsets(%arg9 : memref<80xi32, #tpu.memory_space<vmem>>) semaphore(%arg26 : memref<!tpu.dma_semaphore, #tpu.memory_space<semaphore_mem>>)
        %dma_start3A_221 = arith.constant 0 : i32
        %dma_start3A_222 = arith.constant 0 : i32
        %dma_start3A_223 = tpu.memref_slice %arg6[%dma_start3A_221, %dma_start3A_222] : memref<10000x16xf32, #tpu.memory_space<hbm>> -> memref<10000x16xf32, #tpu.memory_space<hbm>>
        tpu.enqueue_indirect_dma source(%dma_start3A_223 : memref<10000x16xf32, #tpu.memory_space<hbm>>) target(%arg13 : memref<80x16xf32, #tpu.memory_space<vmem>>) offsets(%arg10 : memref<80xi32, #tpu.memory_space<vmem>>) semaphore(%arg27 : memref<!tpu.dma_semaphore, #tpu.memory_space<semaphore_mem>>)
      } else {
      }
      %dma_wait3A_160 = arith.constant 0 : i32
      %dma_wait3A_161 = arith.constant 0 : i32
      %dma_wait3A_162 = tpu.memref_slice %arg4[%dma_wait3A_160, %dma_wait3A_161] : memref<10000x128xbf16, #tpu.memory_space<hbm>> -> memref<10000x128xbf16, #tpu.memory_space<hbm>>
      tpu.wait_indirect_dma semaphore(%arg30 : memref<!tpu.dma_semaphore, #tpu.memory_space<semaphore_mem>>) src(%dma_wait3A_162 : memref<10000x128xbf16, #tpu.memory_space<hbm>>) dst(%arg18 : memref<80x128xbf16, #tpu.memory_space<vmem>>)
      %dma_wait3A_163 = arith.constant 0 : i32
      %dma_wait3A_164 = arith.constant 0 : i32
      %dma_wait3A_165 = tpu.memref_slice %arg5[%dma_wait3A_163, %dma_wait3A_164] : memref<10000x16xf32, #tpu.memory_space<hbm>> -> memref<10000x16xf32, #tpu.memory_space<hbm>>
      tpu.wait_indirect_dma semaphore(%arg31 : memref<!tpu.dma_semaphore, #tpu.memory_space<semaphore_mem>>) src(%dma_wait3A_165 : memref<10000x16xf32, #tpu.memory_space<hbm>>) dst(%arg19 : memref<80x16xf32, #tpu.memory_space<vmem>>)
      %dma_wait3A_166 = arith.constant 0 : i32
      %dma_wait3A_167 = arith.constant 0 : i32
      %dma_wait3A_168 = tpu.memref_slice %arg6[%dma_wait3A_166, %dma_wait3A_167] : memref<10000x16xf32, #tpu.memory_space<hbm>> -> memref<10000x16xf32, #tpu.memory_space<hbm>>
      tpu.wait_indirect_dma semaphore(%arg32 : memref<!tpu.dma_semaphore, #tpu.memory_space<semaphore_mem>>) src(%dma_wait3A_168 : memref<10000x16xf32, #tpu.memory_space<hbm>>) dst(%arg20 : memref<80x16xf32, #tpu.memory_space<vmem>>)
      %gt3A_169 = arith.constant 0 : i32
      %gt3A_170 = arith.cmpi sgt, %while3A_90, %gt3A_169 : i32
      %convert_element_type3A_171 = arith.extui %gt3A_170 : i1 to i32
      %cond3A_172 = arith.constant 0 : i32
      %cond3A_173 = arith.cmpi ne, %convert_element_type3A_171, %cond3A_172 : i32
      scf.if %cond3A_173 {
        %dma_wait3A_207 = arith.constant 0 : i32
        %dma_wait3A_208 = arith.constant 0 : i32
        %dma_wait3A_209 = tpu.memref_slice %arg23[%dma_wait3A_207, %dma_wait3A_208] : memref<10240x144xf32, #tpu.memory_space<vmem_shared>> -> memref<10240x144xf32, #tpu.memory_space<vmem_shared>>
        tpu.wait_indirect_dma semaphore(%arg33 : memref<!tpu.dma_semaphore, #tpu.memory_space<semaphore_mem>>) src(%arg21 : memref<80x144xf32, #tpu.memory_space<vmem>>) dst(%dma_wait3A_209 : memref<10240x144xf32, #tpu.memory_space<vmem_shared>>)
      } else {
      }
      %get3A_174 = arith.constant 0 : index
      %get3A_175 = tpu.vector_load %arg16[%get3A_174] {strides = array<i32>} : memref<80xi32, #tpu.memory_space<vmem>>, vector<16xi32>,
      %swap3A_176 = arith.constant 0 : index
      %swap3A_177 = tpu.vector_load %arg22[%swap3A_176] {strides = array<i32>} : memref<80xi32, #tpu.memory_space<vmem>>, vector<16xi32>,
      tpu.vector_store %arg22[%swap3A_176], %get3A_175 {strides = array<i32>} : memref<80xi32, #tpu.memory_space<vmem>>, vector<16xi32>,
      %get3A_178 = arith.constant 16 : index
      %get3A_179 = tpu.vector_load %arg16[%get3A_178] {strides = array<i32>} : memref<80xi32, #tpu.memory_space<vmem>>, vector<16xi32>,
      %swap3A_180 = arith.constant 16 : index
      %swap3A_181 = tpu.vector_load %arg22[%swap3A_180] {strides = array<i32>} : memref<80xi32, #tpu.memory_space<vmem>>, vector<16xi32>,
      tpu.vector_store %arg22[%swap3A_180], %get3A_179 {strides = array<i32>} : memref<80xi32, #tpu.memory_space<vmem>>, vector<16xi32>,
      %get3A_182 = arith.constant 32 : index
      %get3A_183 = tpu.vector_load %arg16[%get3A_182] {strides = array<i32>} : memref<80xi32, #tpu.memory_space<vmem>>, vector<16xi32>,
      %swap3A_184 = arith.constant 32 : index
      %swap3A_185 = tpu.vector_load %arg22[%swap3A_184] {strides = array<i32>} : memref<80xi32, #tpu.memory_space<vmem>>, vector<16xi32>,
      tpu.vector_store %arg22[%swap3A_184], %get3A_183 {strides = array<i32>} : memref<80xi32, #tpu.memory_space<vmem>>, vector<16xi32>,
      %get3A_186 = arith.constant 48 : index
      %get3A_187 = tpu.vector_load %arg16[%get3A_186] {strides = array<i32>} : memref<80xi32, #tpu.memory_space<vmem>>, vector<16xi32>,
      %swap3A_188 = arith.constant 48 : index
      %swap3A_189 = tpu.vector_load %arg22[%swap3A_188] {strides = array<i32>} : memref<80xi32, #tpu.memory_space<vmem>>, vector<16xi32>,
      tpu.vector_store %arg22[%swap3A_188], %get3A_187 {strides = array<i32>} : memref<80xi32, #tpu.memory_space<vmem>>, vector<16xi32>,
      %get3A_190 = arith.constant 64 : index
      %get3A_191 = tpu.vector_load %arg16[%get3A_190] {strides = array<i32>} : memref<80xi32, #tpu.memory_space<vmem>>, vector<16xi32>,
      %swap3A_192 = arith.constant 64 : index
      %swap3A_193 = tpu.vector_load %arg22[%swap3A_192] {strides = array<i32>} : memref<80xi32, #tpu.memory_space<vmem>>, vector<16xi32>,
      tpu.vector_store %arg22[%swap3A_192], %get3A_191 {strides = array<i32>} : memref<80xi32, #tpu.memory_space<vmem>>, vector<16xi32>,
      %add3A_194 = arith.constant 3 : i32
      %add3A_195 = arith.addi %mul3A_92, %add3A_194 : i32
      %lt3A_196 = arith.constant 125 : i32
      %lt3A_197 = arith.cmpi slt, %add3A_195, %lt3A_196 : i32
      %convert_element_type3A_198 = arith.extui %lt3A_197 : i1 to i32
      %cond3A_199 = arith.constant 0 : i32
      %cond3A_200 = arith.cmpi ne, %convert_element_type3A_198, %cond3A_199 : i32
      scf.if %cond3A_200 {
        %add3A_207 = arith.constant 3 : i32
        %add3A_208 = arith.addi %mul3A_92, %add3A_207 : i32
        %mul3A_209 = arith.constant 10000 : i32
        %mul3A_210 = arith.muli %add3A, %mul3A_209 : i32
        %mul3A_211 = arith.constant 80 : i32
        %mul3A_212 = arith.muli %add3A_208, %mul3A_211 : i32
        %add3A_213 = arith.addi %mul3A_210, %mul3A_212 : i32
        %dma_start3A_214 = tpu.memref_slice %arg2[%add3A_213] : memref<320000xi32, #tpu.memory_space<hbm>> -> memref<80xi32, #tpu.memory_space<hbm>>
        %dma_start3A_215 = tpu.memref_slice %arg2[%add3A_213] : memref<320000xi32, #tpu.memory_space<hbm>> -> memref<80xi32, #tpu.memory_space<hbm>>
        tpu.enqueue_dma source(%dma_start3A_215 : memref<80xi32, #tpu.memory_space<hbm>>) target(%arg16 : memref<80xi32, #tpu.memory_space<vmem>>) target_semaphore(%arg29 : memref<!tpu.dma_semaphore, #tpu.memory_space<semaphore_mem>>)
        %dma_start3A_216 = tpu.memref_slice %arg3[%add3A_213] : memref<320000xi32, #tpu.memory_space<hbm>> -> memref<80xi32, #tpu.memory_space<hbm>>
        %dma_start3A_217 = tpu.memref_slice %arg3[%add3A_213] : memref<320000xi32, #tpu.memory_space<hbm>> -> memref<80xi32, #tpu.memory_space<hbm>>
        tpu.enqueue_dma source(%dma_start3A_217 : memref<80xi32, #tpu.memory_space<hbm>>) target(%arg17 : memref<80xi32, #tpu.memory_space<vmem>>) target_semaphore(%arg29 : memref<!tpu.dma_semaphore, #tpu.memory_space<semaphore_mem>>)
      } else {
      }
      %parallel_loop3A_201 = arith.constant 0 : i32
      %parallel_loop3A_202 = arith.constant 80 : i32
      %parallel_loop3A_203 = arith.constant 1 : i32
      scf.for %parallel_loop3A_207 = %parallel_loop3A_201 to %parallel_loop3A_202 step %parallel_loop3A_203  : i32 {
        %parallel_loop3A_208 = arith.index_cast %parallel_loop3A_207 : i32 to index
        %parallel_loop3A_209 = arith.constant 0 : index
        %parallel_loop3A_210 = tpu.vector_load %arg19[%parallel_loop3A_208, %parallel_loop3A_209] {strides = array<i32>} : memref<80x16xf32, #tpu.memory_space<vmem>>, vector<16xf32>,
        %parallel_loop3A_211 = arith.index_cast %parallel_loop3A_207 : i32 to index
        %parallel_loop3A_212 = arith.constant 0 : index
        %parallel_loop3A_213 = tpu.vector_load %arg20[%parallel_loop3A_211, %parallel_loop3A_212] {strides = array<i32>} : memref<80x16xf32, #tpu.memory_space<vmem>>, vector<16xf32>,
        %parallel_loop3A_214 = arith.addf %parallel_loop3A_210, %parallel_loop3A_213 : vector<16xf32>
        %parallel_loop3A_215 = arith.constant 0.000000e+00 : f32
        %parallel_loop3A_216 = vector.broadcast %parallel_loop3A_215 : f32 to vector<16xf32>
        %parallel_loop3A_217 = arith.cmpf oge, %parallel_loop3A_214, %parallel_loop3A_216 : vector<16xf32>
        %parallel_loop3A_218 = arith.constant 2.000000e-01 : f32
        %parallel_loop3A_219 = vector.broadcast %parallel_loop3A_218 : f32 to vector<16xf32>
        %parallel_loop3A_220 = arith.mulf %parallel_loop3A_219, %parallel_loop3A_214 : vector<16xf32>
        %parallel_loop3A_221 = arith.select %parallel_loop3A_217, %parallel_loop3A_214, %parallel_loop3A_220 : vector<16xi1>, vector<16xf32>
        %parallel_loop3A_222 = arith.constant 0.000000e+00 : f32
        %parallel_loop3A_223 = vector.broadcast %parallel_loop3A_222 : f32 to vector<16xf32>
        %parallel_loop3A_224 = arith.subf %parallel_loop3A_223, %parallel_loop3A_221 : vector<16xf32>
        %parallel_loop3A_225 = math.exp %parallel_loop3A_224 : vector<16xf32>
        %parallel_loop3A_226 = arith.index_cast %parallel_loop3A_207 : i32 to index
        %parallel_loop3A_227 = arith.constant 128 : index
        %parallel_loop3A_228 = tpu.vector_load %arg21[%parallel_loop3A_226, %parallel_loop3A_227] {strides = array<i32>} : memref<80x144xf32, #tpu.memory_space<vmem>>, vector<16xf32>,
        tpu.vector_store %arg21[%parallel_loop3A_226, %parallel_loop3A_227], %parallel_loop3A_225 {strides = array<i32>} : memref<80x144xf32, #tpu.memory_space<vmem>>, vector<16xf32>,
        %parallel_loop3A_229 = arith.index_cast %parallel_loop3A_207 : i32 to index
        %parallel_loop3A_230 = arith.constant 0 : index
        %parallel_loop3A_231 = tpu.vector_load %arg18[%parallel_loop3A_229, %parallel_loop3A_230] {strides = array<i32>} : memref<80x128xbf16, #tpu.memory_space<vmem>>, vector<32xbf16>,
        %parallel_loop3A_232 = tpu.unpack_subelements %parallel_loop3A_231, 0 {pack_format = #tpu.pack_format<interleaved>} : vector<32xbf16> -> vector<16xf32>
        %parallel_loop3A_233 = tpu.unpack_subelements %parallel_loop3A_231, 1 {pack_format = #tpu.pack_format<interleaved>} : vector<32xbf16> -> vector<16xf32>
        %parallel_loop3A_234 = vector.extract_strided_slice %parallel_loop3A_225 {offsets = [0], sizes = [1], strides = [1]} : vector<16xf32> to vector<1xf32>
        %parallel_loop3A_235 = vector.extract %parallel_loop3A_234[0] : f32 from vector<1xf32>
        %parallel_loop3A_236 = vector.broadcast %parallel_loop3A_235 : f32 to vector<16xf32>
        %parallel_loop3A_237 = arith.mulf %parallel_loop3A_232, %parallel_loop3A_236 : vector<16xf32>
        %parallel_loop3A_238 = arith.index_cast %parallel_loop3A_207 : i32 to index
        %parallel_loop3A_239 = arith.constant 0 : index
        %parallel_loop3A_240 = tpu.vector_load %arg21[%parallel_loop3A_238, %parallel_loop3A_239] {strides = array<i32>} : memref<80x144xf32, #tpu.memory_space<vmem>>, vector<16xf32>,
        tpu.vector_store %arg21[%parallel_loop3A_238, %parallel_loop3A_239], %parallel_loop3A_237 {strides = array<i32>} : memref<80x144xf32, #tpu.memory_space<vmem>>, vector<16xf32>,
        %parallel_loop3A_241 = vector.extract_strided_slice %parallel_loop3A_225 {offsets = [1], sizes = [1], strides = [1]} : vector<16xf32> to vector<1xf32>
        %parallel_loop3A_242 = vector.extract %parallel_loop3A_241[0] : f32 from vector<1xf32>
        %parallel_loop3A_243 = vector.broadcast %parallel_loop3A_242 : f32 to vector<16xf32>
        %parallel_loop3A_244 = arith.mulf %parallel_loop3A_233, %parallel_loop3A_243 : vector<16xf32>
        %parallel_loop3A_245 = arith.index_cast %parallel_loop3A_207 : i32 to index
        %parallel_loop3A_246 = arith.constant 16 : index
        %parallel_loop3A_247 = tpu.vector_load %arg21[%parallel_loop3A_245, %parallel_loop3A_246] {strides = array<i32>} : memref<80x144xf32, #tpu.memory_space<vmem>>, vector<16xf32>,
        tpu.vector_store %arg21[%parallel_loop3A_245, %parallel_loop3A_246], %parallel_loop3A_244 {strides = array<i32>} : memref<80x144xf32, #tpu.memory_space<vmem>>, vector<16xf32>,
        %parallel_loop3A_248 = arith.index_cast %parallel_loop3A_207 : i32 to index
        %parallel_loop3A_249 = arith.constant 32 : index
        %parallel_loop3A_250 = tpu.vector_load %arg18[%parallel_loop3A_248, %parallel_loop3A_249] {strides = array<i32>} : memref<80x128xbf16, #tpu.memory_space<vmem>>, vector<32xbf16>,
        %parallel_loop3A_251 = tpu.unpack_subelements %parallel_loop3A_250, 0 {pack_format = #tpu.pack_format<interleaved>} : vector<32xbf16> -> vector<16xf32>
        %parallel_loop3A_252 = tpu.unpack_subelements %parallel_loop3A_250, 1 {pack_format = #tpu.pack_format<interleaved>} : vector<32xbf16> -> vector<16xf32>
        %parallel_loop3A_253 = vector.extract_strided_slice %parallel_loop3A_225 {offsets = [2], sizes = [1], strides = [1]} : vector<16xf32> to vector<1xf32>
        %parallel_loop3A_254 = vector.extract %parallel_loop3A_253[0] : f32 from vector<1xf32>
        %parallel_loop3A_255 = vector.broadcast %parallel_loop3A_254 : f32 to vector<16xf32>
        %parallel_loop3A_256 = arith.mulf %parallel_loop3A_251, %parallel_loop3A_255 : vector<16xf32>
        %parallel_loop3A_257 = arith.index_cast %parallel_loop3A_207 : i32 to index
        %parallel_loop3A_258 = arith.constant 32 : index
        %parallel_loop3A_259 = tpu.vector_load %arg21[%parallel_loop3A_257, %parallel_loop3A_258] {strides = array<i32>} : memref<80x144xf32, #tpu.memory_space<vmem>>, vector<16xf32>,
        tpu.vector_store %arg21[%parallel_loop3A_257, %parallel_loop3A_258], %parallel_loop3A_256 {strides = array<i32>} : memref<80x144xf32, #tpu.memory_space<vmem>>, vector<16xf32>,
        %parallel_loop3A_260 = vector.extract_strided_slice %parallel_loop3A_225 {offsets = [3], sizes = [1], strides = [1]} : vector<16xf32> to vector<1xf32>
        %parallel_loop3A_261 = vector.extract %parallel_loop3A_260[0] : f32 from vector<1xf32>
        %parallel_loop3A_262 = vector.broadcast %parallel_loop3A_261 : f32 to vector<16xf32>
        %parallel_loop3A_263 = arith.mulf %parallel_loop3A_252, %parallel_loop3A_262 : vector<16xf32>
        %parallel_loop3A_264 = arith.index_cast %parallel_loop3A_207 : i32 to index
        %parallel_loop3A_265 = arith.constant 48 : index
        %parallel_loop3A_266 = tpu.vector_load %arg21[%parallel_loop3A_264, %parallel_loop3A_265] {strides = array<i32>} : memref<80x144xf32, #tpu.memory_space<vmem>>, vector<16xf32>,
        tpu.vector_store %arg21[%parallel_loop3A_264, %parallel_loop3A_265], %parallel_loop3A_263 {strides = array<i32>} : memref<80x144xf32, #tpu.memory_space<vmem>>, vector<16xf32>,
        %parallel_loop3A_267 = arith.index_cast %parallel_loop3A_207 : i32 to index
        %parallel_loop3A_268 = arith.constant 64 : index
        %parallel_loop3A_269 = tpu.vector_load %arg18[%parallel_loop3A_267, %parallel_loop3A_268] {strides = array<i32>} : memref<80x128xbf16, #tpu.memory_space<vmem>>, vector<32xbf16>,
        %parallel_loop3A_270 = tpu.unpack_subelements %parallel_loop3A_269, 0 {pack_format = #tpu.pack_format<interleaved>} : vector<32xbf16> -> vector<16xf32>
        %parallel_loop3A_271 = tpu.unpack_subelements %parallel_loop3A_269, 1 {pack_format = #tpu.pack_format<interleaved>} : vector<32xbf16> -> vector<16xf32>
        %parallel_loop3A_272 = vector.extract_strided_slice %parallel_loop3A_225 {offsets = [4], sizes = [1], strides = [1]} : vector<16xf32> to vector<1xf32>
        %parallel_loop3A_273 = vector.extract %parallel_loop3A_272[0] : f32 from vector<1xf32>
        %parallel_loop3A_274 = vector.broadcast %parallel_loop3A_273 : f32 to vector<16xf32>
        %parallel_loop3A_275 = arith.mulf %parallel_loop3A_270, %parallel_loop3A_274 : vector<16xf32>
        %parallel_loop3A_276 = arith.index_cast %parallel_loop3A_207 : i32 to index
        %parallel_loop3A_277 = arith.constant 64 : index
        %parallel_loop3A_278 = tpu.vector_load %arg21[%parallel_loop3A_276, %parallel_loop3A_277] {strides = array<i32>} : memref<80x144xf32, #tpu.memory_space<vmem>>, vector<16xf32>,
        tpu.vector_store %arg21[%parallel_loop3A_276, %parallel_loop3A_277], %parallel_loop3A_275 {strides = array<i32>} : memref<80x144xf32, #tpu.memory_space<vmem>>, vector<16xf32>,
        %parallel_loop3A_279 = vector.extract_strided_slice %parallel_loop3A_225 {offsets = [5], sizes = [1], strides = [1]} : vector<16xf32> to vector<1xf32>
        %parallel_loop3A_280 = vector.extract %parallel_loop3A_279[0] : f32 from vector<1xf32>
        %parallel_loop3A_281 = vector.broadcast %parallel_loop3A_280 : f32 to vector<16xf32>
        %parallel_loop3A_282 = arith.mulf %parallel_loop3A_271, %parallel_loop3A_281 : vector<16xf32>
        %parallel_loop3A_283 = arith.index_cast %parallel_loop3A_207 : i32 to index
        %parallel_loop3A_284 = arith.constant 80 : index
        %parallel_loop3A_285 = tpu.vector_load %arg21[%parallel_loop3A_283, %parallel_loop3A_284] {strides = array<i32>} : memref<80x144xf32, #tpu.memory_space<vmem>>, vector<16xf32>,
        tpu.vector_store %arg21[%parallel_loop3A_283, %parallel_loop3A_284], %parallel_loop3A_282 {strides = array<i32>} : memref<80x144xf32, #tpu.memory_space<vmem>>, vector<16xf32>,
        %parallel_loop3A_286 = arith.index_cast %parallel_loop3A_207 : i32 to index
        %parallel_loop3A_287 = arith.constant 96 : index
        %parallel_loop3A_288 = tpu.vector_load %arg18[%parallel_loop3A_286, %parallel_loop3A_287] {strides = array<i32>} : memref<80x128xbf16, #tpu.memory_space<vmem>>, vector<32xbf16>,
        %parallel_loop3A_289 = tpu.unpack_subelements %parallel_loop3A_288, 0 {pack_format = #tpu.pack_format<interleaved>} : vector<32xbf16> -> vector<16xf32>
        %parallel_loop3A_290 = tpu.unpack_subelements %parallel_loop3A_288, 1 {pack_format = #tpu.pack_format<interleaved>} : vector<32xbf16> -> vector<16xf32>
        %parallel_loop3A_291 = vector.extract_strided_slice %parallel_loop3A_225 {offsets = [6], sizes = [1], strides = [1]} : vector<16xf32> to vector<1xf32>
        %parallel_loop3A_292 = vector.extract %parallel_loop3A_291[0] : f32 from vector<1xf32>
        %parallel_loop3A_293 = vector.broadcast %parallel_loop3A_292 : f32 to vector<16xf32>
        %parallel_loop3A_294 = arith.mulf %parallel_loop3A_289, %parallel_loop3A_293 : vector<16xf32>
        %parallel_loop3A_295 = arith.index_cast %parallel_loop3A_207 : i32 to index
        %parallel_loop3A_296 = arith.constant 96 : index
        %parallel_loop3A_297 = tpu.vector_load %arg21[%parallel_loop3A_295, %parallel_loop3A_296] {strides = array<i32>} : memref<80x144xf32, #tpu.memory_space<vmem>>, vector<16xf32>,
        tpu.vector_store %arg21[%parallel_loop3A_295, %parallel_loop3A_296], %parallel_loop3A_294 {strides = array<i32>} : memref<80x144xf32, #tpu.memory_space<vmem>>, vector<16xf32>,
        %parallel_loop3A_298 = vector.extract_strided_slice %parallel_loop3A_225 {offsets = [7], sizes = [1], strides = [1]} : vector<16xf32> to vector<1xf32>
        %parallel_loop3A_299 = vector.extract %parallel_loop3A_298[0] : f32 from vector<1xf32>
        %parallel_loop3A_300 = vector.broadcast %parallel_loop3A_299 : f32 to vector<16xf32>
        %parallel_loop3A_301 = arith.mulf %parallel_loop3A_290, %parallel_loop3A_300 : vector<16xf32>
        %parallel_loop3A_302 = arith.index_cast %parallel_loop3A_207 : i32 to index
        %parallel_loop3A_303 = arith.constant 112 : index
        %parallel_loop3A_304 = tpu.vector_load %arg21[%parallel_loop3A_302, %parallel_loop3A_303] {strides = array<i32>} : memref<80x144xf32, #tpu.memory_space<vmem>>, vector<16xf32>,
        tpu.vector_store %arg21[%parallel_loop3A_302, %parallel_loop3A_303], %parallel_loop3A_301 {strides = array<i32>} : memref<80x144xf32, #tpu.memory_space<vmem>>, vector<16xf32>,
      } {sc.loop_unroll_factor = 1 : i64, sc.parallel_access}
      %dma_start3A_204 = arith.constant 0 : i32
      %dma_start3A_205 = arith.constant 0 : i32
      %dma_start3A_206 = tpu.memref_slice %arg23[%dma_start3A_204, %dma_start3A_205] : memref<10240x144xf32, #tpu.memory_space<vmem_shared>> -> memref<10240x144xf32, #tpu.memory_space<vmem_shared>>
      tpu.enqueue_indirect_dma source(%arg21 : memref<80x144xf32, #tpu.memory_space<vmem>>) target(%dma_start3A_206 : memref<10240x144xf32, #tpu.memory_space<vmem_shared>>) offsets(%arg22 : memref<80xi32, #tpu.memory_space<vmem>>) semaphore(%arg33 : memref<!tpu.dma_semaphore, #tpu.memory_space<semaphore_mem>>) {add = true}
    }
    %while3A_47 = arith.constant 1 : i32
    scf.for %while3A_90 = %while3A_45 to %while3A_41 step %while3A_47  : i32 {
      %mul3A_91 = arith.constant 2 : i32
      %mul3A_92 = arith.muli %while3A_90, %mul3A_91 : i32
      %dma_wait3A_93 = arith.constant 0 : i32
      %dma_wait3A_94 = tpu.memref_slice %arg2[%dma_wait3A_93] : memref<320000xi32, #tpu.memory_space<hbm>> -> memref<80xi32, #tpu.memory_space<hbm>>
      %dma_wait3A_95 = arith.constant 0 : i32
      %dma_wait3A_96 = tpu.memref_slice %arg2[%dma_wait3A_95] : memref<320000xi32, #tpu.memory_space<hbm>> -> memref<80xi32, #tpu.memory_space<hbm>>
      tpu.wait_dma2 semaphore(%arg29 : memref<!tpu.dma_semaphore, #tpu.memory_space<semaphore_mem>>) src(%dma_wait3A_96 : memref<80xi32, #tpu.memory_space<hbm>>) dst(%arg16 : memref<80xi32, #tpu.memory_space<vmem>>)
      %dma_wait3A_97 = arith.constant 0 : i32
      %dma_wait3A_98 = tpu.memref_slice %arg3[%dma_wait3A_97] : memref<320000xi32, #tpu.memory_space<hbm>> -> memref<80xi32, #tpu.memory_space<hbm>>
      %dma_wait3A_99 = arith.constant 0 : i32
      %dma_wait3A_100 = tpu.memref_slice %arg3[%dma_wait3A_99] : memref<320000xi32, #tpu.memory_space<hbm>> -> memref<80xi32, #tpu.memory_space<hbm>>
      tpu.wait_dma2 semaphore(%arg29 : memref<!tpu.dma_semaphore, #tpu.memory_space<semaphore_mem>>) src(%dma_wait3A_100 : memref<80xi32, #tpu.memory_space<hbm>>) dst(%arg17 : memref<80xi32, #tpu.memory_space<vmem>>)
      %dma_start3A_101 = arith.constant 0 : i32
      %dma_start3A_102 = arith.constant 0 : i32
      %dma_start3A_103 = tpu.memref_slice %arg4[%dma_start3A_101, %dma_start3A_102] : memref<10000x128xbf16, #tpu.memory_space<hbm>> -> memref<10000x128xbf16, #tpu.memory_space<hbm>>
      tpu.enqueue_indirect_dma source(%dma_start3A_103 : memref<10000x128xbf16, #tpu.memory_space<hbm>>) target(%arg18 : memref<80x128xbf16, #tpu.memory_space<vmem>>) offsets(%arg17 : memref<80xi32, #tpu.memory_space<vmem>>) semaphore(%arg30 : memref<!tpu.dma_semaphore, #tpu.memory_space<semaphore_mem>>)
      %dma_start3A_104 = arith.constant 0 : i32
      %dma_start3A_105 = arith.constant 0 : i32
      %dma_start3A_106 = tpu.memref_slice %arg5[%dma_start3A_104, %dma_start3A_105] : memref<10000x16xf32, #tpu.memory_space<hbm>> -> memref<10000x16xf32, #tpu.memory_space<hbm>>
      tpu.enqueue_indirect_dma source(%dma_start3A_106 : memref<10000x16xf32, #tpu.memory_space<hbm>>) target(%arg19 : memref<80x16xf32, #tpu.memory_space<vmem>>) offsets(%arg16 : memref<80xi32, #tpu.memory_space<vmem>>) semaphore(%arg31 : memref<!tpu.dma_semaphore, #tpu.memory_space<semaphore_mem>>)
      %dma_start3A_107 = arith.constant 0 : i32
      %dma_start3A_108 = arith.constant 0 : i32
      %dma_start3A_109 = tpu.memref_slice %arg6[%dma_start3A_107, %dma_start3A_108] : memref<10000x16xf32, #tpu.memory_space<hbm>> -> memref<10000x16xf32, #tpu.memory_space<hbm>>
      tpu.enqueue_indirect_dma source(%dma_start3A_109 : memref<10000x16xf32, #tpu.memory_space<hbm>>) target(%arg20 : memref<80x16xf32, #tpu.memory_space<vmem>>) offsets(%arg17 : memref<80xi32, #tpu.memory_space<vmem>>) semaphore(%arg32 : memref<!tpu.dma_semaphore, #tpu.memory_space<semaphore_mem>>)
      %dma_wait3A_110 = arith.constant 0 : i32
      %dma_wait3A_111 = arith.constant 0 : i32
      %dma_wait3A_112 = tpu.memref_slice %arg4[%dma_wait3A_110, %dma_wait3A_111] : memref<10000x128xbf16, #tpu.memory_space<hbm>> -> memref<10000x128xbf16, #tpu.memory_space<hbm>>
      tpu.wait_indirect_dma semaphore(%arg25 : memref<!tpu.dma_semaphore, #tpu.memory_space<semaphore_mem>>) src(%dma_wait3A_112 : memref<10000x128xbf16, #tpu.memory_space<hbm>>) dst(%arg11 : memref<80x128xbf16, #tpu.memory_space<vmem>>)
      %dma_wait3A_113 = arith.constant 0 : i32
      %dma_wait3A_114 = arith.constant 0 : i32
      %dma_wait3A_115 = tpu.memref_slice %arg5[%dma_wait3A_113, %dma_wait3A_114] : memref<10000x16xf32, #tpu.memory_space<hbm>> -> memref<10000x16xf32, #tpu.memory_space<hbm>>
      tpu.wait_indirect_dma semaphore(%arg26 : memref<!tpu.dma_semaphore, #tpu.memory_space<semaphore_mem>>) src(%dma_wait3A_115 : memref<10000x16xf32, #tpu.memory_space<hbm>>) dst(%arg12 : memref<80x16xf32, #tpu.memory_space<vmem>>)
      %dma_wait3A_116 = arith.constant 0 : i32
      %dma_wait3A_117 = arith.constant 0 : i32
      %dma_wait3A_118 = tpu.memref_slice %arg6[%dma_wait3A_116, %dma_wait3A_117] : memref<10000x16xf32, #tpu.memory_space<hbm>> -> memref<10000x16xf32, #tpu.memory_space<hbm>>
      tpu.wait_indirect_dma semaphore(%arg27 : memref<!tpu.dma_semaphore, #tpu.memory_space<semaphore_mem>>) src(%dma_wait3A_118 : memref<10000x16xf32, #tpu.memory_space<hbm>>) dst(%arg13 : memref<80x16xf32, #tpu.memory_space<vmem>>)
      %gt3A = arith.constant 0 : i32
      %gt3A_119 = arith.cmpi sgt, %while3A_90, %gt3A : i32
      %convert_element_type3A = arith.extui %gt3A_119 : i1 to i32
      %cond3A = arith.constant 0 : i32
      %cond3A_120 = arith.cmpi ne, %convert_element_type3A, %cond3A : i32
      scf.if %cond3A_120 {
        %dma_wait3A_207 = arith.constant 0 : i32
        %dma_wait3A_208 = arith.constant 0 : i32
        %dma_wait3A_209 = tpu.memref_slice %arg23[%dma_wait3A_207, %dma_wait3A_208] : memref<10240x144xf32, #tpu.memory_space<vmem_shared>> -> memref<10240x144xf32, #tpu.memory_space<vmem_shared>>
        tpu.wait_indirect_dma semaphore(%arg28 : memref<!tpu.dma_semaphore, #tpu.memory_space<semaphore_mem>>) src(%arg14 : memref<80x144xf32, #tpu.memory_space<vmem>>) dst(%dma_wait3A_209 : memref<10240x144xf32, #tpu.memory_space<vmem_shared>>)
      } else {
      }
      %get3A_121 = arith.constant 0 : index
      %get3A_122 = tpu.vector_load %arg9[%get3A_121] {strides = array<i32>} : memref<80xi32, #tpu.memory_space<vmem>>, vector<16xi32>,
      %swap3A_123 = arith.constant 0 : index
      %swap3A_124 = tpu.vector_load %arg15[%swap3A_123] {strides = array<i32>} : memref<80xi32, #tpu.memory_space<vmem>>, vector<16xi32>,
      tpu.vector_store %arg15[%swap3A_123], %get3A_122 {strides = array<i32>} : memref<80xi32, #tpu.memory_space<vmem>>, vector<16xi32>,
      %get3A_125 = arith.constant 16 : index
      %get3A_126 = tpu.vector_load %arg9[%get3A_125] {strides = array<i32>} : memref<80xi32, #tpu.memory_space<vmem>>, vector<16xi32>,
      %swap3A_127 = arith.constant 16 : index
      %swap3A_128 = tpu.vector_load %arg15[%swap3A_127] {strides = array<i32>} : memref<80xi32, #tpu.memory_space<vmem>>, vector<16xi32>,
      tpu.vector_store %arg15[%swap3A_127], %get3A_126 {strides = array<i32>} : memref<80xi32, #tpu.memory_space<vmem>>, vector<16xi32>,
      %get3A_129 = arith.constant 32 : index
      %get3A_130 = tpu.vector_load %arg9[%get3A_129] {strides = array<i32>} : memref<80xi32, #tpu.memory_space<vmem>>, vector<16xi32>,
      %swap3A_131 = arith.constant 32 : index
      %swap3A_132 = tpu.vector_load %arg15[%swap3A_131] {strides = array<i32>} : memref<80xi32, #tpu.memory_space<vmem>>, vector<16xi32>,
      tpu.vector_store %arg15[%swap3A_131], %get3A_130 {strides = array<i32>} : memref<80xi32, #tpu.memory_space<vmem>>, vector<16xi32>,
      %get3A_133 = arith.constant 48 : index
      %get3A_134 = tpu.vector_load %arg9[%get3A_133] {strides = array<i32>} : memref<80xi32, #tpu.memory_space<vmem>>, vector<16xi32>,
      %swap3A_135 = arith.constant 48 : index
      %swap3A_136 = tpu.vector_load %arg15[%swap3A_135] {strides = array<i32>} : memref<80xi32, #tpu.memory_space<vmem>>, vector<16xi32>,
      tpu.vector_store %arg15[%swap3A_135], %get3A_134 {strides = array<i32>} : memref<80xi32, #tpu.memory_space<vmem>>, vector<16xi32>,
      %get3A_137 = arith.constant 64 : index
      %get3A_138 = tpu.vector_load %arg9[%get3A_137] {strides = array<i32>} : memref<80xi32, #tpu.memory_space<vmem>>, vector<16xi32>,
      %swap3A_139 = arith.constant 64 : index
      %swap3A_140 = tpu.vector_load %arg15[%swap3A_139] {strides = array<i32>} : memref<80xi32, #tpu.memory_space<vmem>>, vector<16xi32>,
      tpu.vector_store %arg15[%swap3A_139], %get3A_138 {strides = array<i32>} : memref<80xi32, #tpu.memory_space<vmem>>, vector<16xi32>,
      %add3A_141 = arith.constant 2 : i32
      %add3A_142 = arith.addi %mul3A_92, %add3A_141 : i32
      %lt3A = arith.constant 125 : i32
      %lt3A_143 = arith.cmpi slt, %add3A_142, %lt3A : i32
      %convert_element_type3A_144 = arith.extui %lt3A_143 : i1 to i32
      %cond3A_145 = arith.constant 0 : i32
      %cond3A_146 = arith.cmpi ne, %convert_element_type3A_144, %cond3A_145 : i32
      scf.if %cond3A_146 {
        %add3A_207 = arith.constant 2 : i32
        %add3A_208 = arith.addi %mul3A_92, %add3A_207 : i32
        %mul3A_209 = arith.constant 10000 : i32
        %mul3A_210 = arith.muli %add3A, %mul3A_209 : i32
        %mul3A_211 = arith.constant 80 : i32
        %mul3A_212 = arith.muli %add3A_208, %mul3A_211 : i32
        %add3A_213 = arith.addi %mul3A_210, %mul3A_212 : i32
        %dma_start3A_214 = tpu.memref_slice %arg2[%add3A_213] : memref<320000xi32, #tpu.memory_space<hbm>> -> memref<80xi32, #tpu.memory_space<hbm>>
        %dma_start3A_215 = tpu.memref_slice %arg2[%add3A_213] : memref<320000xi32, #tpu.memory_space<hbm>> -> memref<80xi32, #tpu.memory_space<hbm>>
        tpu.enqueue_dma source(%dma_start3A_215 : memref<80xi32, #tpu.memory_space<hbm>>) target(%arg9 : memref<80xi32, #tpu.memory_space<vmem>>) target_semaphore(%arg24 : memref<!tpu.dma_semaphore, #tpu.memory_space<semaphore_mem>>)
        %dma_start3A_216 = tpu.memref_slice %arg3[%add3A_213] : memref<320000xi32, #tpu.memory_space<hbm>> -> memref<80xi32, #tpu.memory_space<hbm>>
        %dma_start3A_217 = tpu.memref_slice %arg3[%add3A_213] : memref<320000xi32, #tpu.memory_space<hbm>> -> memref<80xi32, #tpu.memory_space<hbm>>
        tpu.enqueue_dma source(%dma_start3A_217 : memref<80xi32, #tpu.memory_space<hbm>>) target(%arg10 : memref<80xi32, #tpu.memory_space<vmem>>) target_semaphore(%arg24 : memref<!tpu.dma_semaphore, #tpu.memory_space<semaphore_mem>>)
      } else {
      }
      %parallel_loop3A_147 = arith.constant 0 : i32
      %parallel_loop3A_148 = arith.constant 80 : i32
      %parallel_loop3A_149 = arith.constant 1 : i32
      scf.for %parallel_loop3A_207 = %parallel_loop3A_147 to %parallel_loop3A_148 step %parallel_loop3A_149  : i32 {
        %parallel_loop3A_208 = arith.index_cast %parallel_loop3A_207 : i32 to index
        %parallel_loop3A_209 = arith.constant 0 : index
        %parallel_loop3A_210 = tpu.vector_load %arg12[%parallel_loop3A_208, %parallel_loop3A_209] {strides = array<i32>} : memref<80x16xf32, #tpu.memory_space<vmem>>, vector<16xf32>,
        %parallel_loop3A_211 = arith.index_cast %parallel_loop3A_207 : i32 to index
        %parallel_loop3A_212 = arith.constant 0 : index
        %parallel_loop3A_213 = tpu.vector_load %arg13[%parallel_loop3A_211, %parallel_loop3A_212] {strides = array<i32>} : memref<80x16xf32, #tpu.memory_space<vmem>>, vector<16xf32>,
        %parallel_loop3A_214 = arith.addf %parallel_loop3A_210, %parallel_loop3A_213 : vector<16xf32>
        %parallel_loop3A_215 = arith.constant 0.000000e+00 : f32
        %parallel_loop3A_216 = vector.broadcast %parallel_loop3A_215 : f32 to vector<16xf32>
        %parallel_loop3A_217 = arith.cmpf oge, %parallel_loop3A_214, %parallel_loop3A_216 : vector<16xf32>
        %parallel_loop3A_218 = arith.constant 2.000000e-01 : f32
        %parallel_loop3A_219 = vector.broadcast %parallel_loop3A_218 : f32 to vector<16xf32>
        %parallel_loop3A_220 = arith.mulf %parallel_loop3A_219, %parallel_loop3A_214 : vector<16xf32>
        %parallel_loop3A_221 = arith.select %parallel_loop3A_217, %parallel_loop3A_214, %parallel_loop3A_220 : vector<16xi1>, vector<16xf32>
        %parallel_loop3A_222 = arith.constant 0.000000e+00 : f32
        %parallel_loop3A_223 = vector.broadcast %parallel_loop3A_222 : f32 to vector<16xf32>
        %parallel_loop3A_224 = arith.subf %parallel_loop3A_223, %parallel_loop3A_221 : vector<16xf32>
        %parallel_loop3A_225 = math.exp %parallel_loop3A_224 : vector<16xf32>
        %parallel_loop3A_226 = arith.index_cast %parallel_loop3A_207 : i32 to index
        %parallel_loop3A_227 = arith.constant 128 : index
        %parallel_loop3A_228 = tpu.vector_load %arg14[%parallel_loop3A_226, %parallel_loop3A_227] {strides = array<i32>} : memref<80x144xf32, #tpu.memory_space<vmem>>, vector<16xf32>,
        tpu.vector_store %arg14[%parallel_loop3A_226, %parallel_loop3A_227], %parallel_loop3A_225 {strides = array<i32>} : memref<80x144xf32, #tpu.memory_space<vmem>>, vector<16xf32>,
        %parallel_loop3A_229 = arith.index_cast %parallel_loop3A_207 : i32 to index
        %parallel_loop3A_230 = arith.constant 0 : index
        %parallel_loop3A_231 = tpu.vector_load %arg11[%parallel_loop3A_229, %parallel_loop3A_230] {strides = array<i32>} : memref<80x128xbf16, #tpu.memory_space<vmem>>, vector<32xbf16>,
        %parallel_loop3A_232 = tpu.unpack_subelements %parallel_loop3A_231, 0 {pack_format = #tpu.pack_format<interleaved>} : vector<32xbf16> -> vector<16xf32>
        %parallel_loop3A_233 = tpu.unpack_subelements %parallel_loop3A_231, 1 {pack_format = #tpu.pack_format<interleaved>} : vector<32xbf16> -> vector<16xf32>
        %parallel_loop3A_234 = vector.extract_strided_slice %parallel_loop3A_225 {offsets = [0], sizes = [1], strides = [1]} : vector<16xf32> to vector<1xf32>
        %parallel_loop3A_235 = vector.extract %parallel_loop3A_234[0] : f32 from vector<1xf32>
        %parallel_loop3A_236 = vector.broadcast %parallel_loop3A_235 : f32 to vector<16xf32>
        %parallel_loop3A_237 = arith.mulf %parallel_loop3A_232, %parallel_loop3A_236 : vector<16xf32>
        %parallel_loop3A_238 = arith.index_cast %parallel_loop3A_207 : i32 to index
        %parallel_loop3A_239 = arith.constant 0 : index
        %parallel_loop3A_240 = tpu.vector_load %arg14[%parallel_loop3A_238, %parallel_loop3A_239] {strides = array<i32>} : memref<80x144xf32, #tpu.memory_space<vmem>>, vector<16xf32>,
        tpu.vector_store %arg14[%parallel_loop3A_238, %parallel_loop3A_239], %parallel_loop3A_237 {strides = array<i32>} : memref<80x144xf32, #tpu.memory_space<vmem>>, vector<16xf32>,
        %parallel_loop3A_241 = vector.extract_strided_slice %parallel_loop3A_225 {offsets = [1], sizes = [1], strides = [1]} : vector<16xf32> to vector<1xf32>
        %parallel_loop3A_242 = vector.extract %parallel_loop3A_241[0] : f32 from vector<1xf32>
        %parallel_loop3A_243 = vector.broadcast %parallel_loop3A_242 : f32 to vector<16xf32>
        %parallel_loop3A_244 = arith.mulf %parallel_loop3A_233, %parallel_loop3A_243 : vector<16xf32>
        %parallel_loop3A_245 = arith.index_cast %parallel_loop3A_207 : i32 to index
        %parallel_loop3A_246 = arith.constant 16 : index
        %parallel_loop3A_247 = tpu.vector_load %arg14[%parallel_loop3A_245, %parallel_loop3A_246] {strides = array<i32>} : memref<80x144xf32, #tpu.memory_space<vmem>>, vector<16xf32>,
        tpu.vector_store %arg14[%parallel_loop3A_245, %parallel_loop3A_246], %parallel_loop3A_244 {strides = array<i32>} : memref<80x144xf32, #tpu.memory_space<vmem>>, vector<16xf32>,
        %parallel_loop3A_248 = arith.index_cast %parallel_loop3A_207 : i32 to index
        %parallel_loop3A_249 = arith.constant 32 : index
        %parallel_loop3A_250 = tpu.vector_load %arg11[%parallel_loop3A_248, %parallel_loop3A_249] {strides = array<i32>} : memref<80x128xbf16, #tpu.memory_space<vmem>>, vector<32xbf16>,
        %parallel_loop3A_251 = tpu.unpack_subelements %parallel_loop3A_250, 0 {pack_format = #tpu.pack_format<interleaved>} : vector<32xbf16> -> vector<16xf32>
        %parallel_loop3A_252 = tpu.unpack_subelements %parallel_loop3A_250, 1 {pack_format = #tpu.pack_format<interleaved>} : vector<32xbf16> -> vector<16xf32>
        %parallel_loop3A_253 = vector.extract_strided_slice %parallel_loop3A_225 {offsets = [2], sizes = [1], strides = [1]} : vector<16xf32> to vector<1xf32>
        %parallel_loop3A_254 = vector.extract %parallel_loop3A_253[0] : f32 from vector<1xf32>
        %parallel_loop3A_255 = vector.broadcast %parallel_loop3A_254 : f32 to vector<16xf32>
        %parallel_loop3A_256 = arith.mulf %parallel_loop3A_251, %parallel_loop3A_255 : vector<16xf32>
        %parallel_loop3A_257 = arith.index_cast %parallel_loop3A_207 : i32 to index
        %parallel_loop3A_258 = arith.constant 32 : index
        %parallel_loop3A_259 = tpu.vector_load %arg14[%parallel_loop3A_257, %parallel_loop3A_258] {strides = array<i32>} : memref<80x144xf32, #tpu.memory_space<vmem>>, vector<16xf32>,
        tpu.vector_store %arg14[%parallel_loop3A_257, %parallel_loop3A_258], %parallel_loop3A_256 {strides = array<i32>} : memref<80x144xf32, #tpu.memory_space<vmem>>, vector<16xf32>,
        %parallel_loop3A_260 = vector.extract_strided_slice %parallel_loop3A_225 {offsets = [3], sizes = [1], strides = [1]} : vector<16xf32> to vector<1xf32>
        %parallel_loop3A_261 = vector.extract %parallel_loop3A_260[0] : f32 from vector<1xf32>
        %parallel_loop3A_262 = vector.broadcast %parallel_loop3A_261 : f32 to vector<16xf32>
        %parallel_loop3A_263 = arith.mulf %parallel_loop3A_252, %parallel_loop3A_262 : vector<16xf32>
        %parallel_loop3A_264 = arith.index_cast %parallel_loop3A_207 : i32 to index
        %parallel_loop3A_265 = arith.constant 48 : index
        %parallel_loop3A_266 = tpu.vector_load %arg14[%parallel_loop3A_264, %parallel_loop3A_265] {strides = array<i32>} : memref<80x144xf32, #tpu.memory_space<vmem>>, vector<16xf32>,
        tpu.vector_store %arg14[%parallel_loop3A_264, %parallel_loop3A_265], %parallel_loop3A_263 {strides = array<i32>} : memref<80x144xf32, #tpu.memory_space<vmem>>, vector<16xf32>,
        %parallel_loop3A_267 = arith.index_cast %parallel_loop3A_207 : i32 to index
        %parallel_loop3A_268 = arith.constant 64 : index
        %parallel_loop3A_269 = tpu.vector_load %arg11[%parallel_loop3A_267, %parallel_loop3A_268] {strides = array<i32>} : memref<80x128xbf16, #tpu.memory_space<vmem>>, vector<32xbf16>,
        %parallel_loop3A_270 = tpu.unpack_subelements %parallel_loop3A_269, 0 {pack_format = #tpu.pack_format<interleaved>} : vector<32xbf16> -> vector<16xf32>
        %parallel_loop3A_271 = tpu.unpack_subelements %parallel_loop3A_269, 1 {pack_format = #tpu.pack_format<interleaved>} : vector<32xbf16> -> vector<16xf32>
        %parallel_loop3A_272 = vector.extract_strided_slice %parallel_loop3A_225 {offsets = [4], sizes = [1], strides = [1]} : vector<16xf32> to vector<1xf32>
        %parallel_loop3A_273 = vector.extract %parallel_loop3A_272[0] : f32 from vector<1xf32>
        %parallel_loop3A_274 = vector.broadcast %parallel_loop3A_273 : f32 to vector<16xf32>
        %parallel_loop3A_275 = arith.mulf %parallel_loop3A_270, %parallel_loop3A_274 : vector<16xf32>
        %parallel_loop3A_276 = arith.index_cast %parallel_loop3A_207 : i32 to index
        %parallel_loop3A_277 = arith.constant 64 : index
        %parallel_loop3A_278 = tpu.vector_load %arg14[%parallel_loop3A_276, %parallel_loop3A_277] {strides = array<i32>} : memref<80x144xf32, #tpu.memory_space<vmem>>, vector<16xf32>,
        tpu.vector_store %arg14[%parallel_loop3A_276, %parallel_loop3A_277], %parallel_loop3A_275 {strides = array<i32>} : memref<80x144xf32, #tpu.memory_space<vmem>>, vector<16xf32>,
        %parallel_loop3A_279 = vector.extract_strided_slice %parallel_loop3A_225 {offsets = [5], sizes = [1], strides = [1]} : vector<16xf32> to vector<1xf32>
        %parallel_loop3A_280 = vector.extract %parallel_loop3A_279[0] : f32 from vector<1xf32>
        %parallel_loop3A_281 = vector.broadcast %parallel_loop3A_280 : f32 to vector<16xf32>
        %parallel_loop3A_282 = arith.mulf %parallel_loop3A_271, %parallel_loop3A_281 : vector<16xf32>
        %parallel_loop3A_283 = arith.index_cast %parallel_loop3A_207 : i32 to index
        %parallel_loop3A_284 = arith.constant 80 : index
        %parallel_loop3A_285 = tpu.vector_load %arg14[%parallel_loop3A_283, %parallel_loop3A_284] {strides = array<i32>} : memref<80x144xf32, #tpu.memory_space<vmem>>, vector<16xf32>,
        tpu.vector_store %arg14[%parallel_loop3A_283, %parallel_loop3A_284], %parallel_loop3A_282 {strides = array<i32>} : memref<80x144xf32, #tpu.memory_space<vmem>>, vector<16xf32>,
        %parallel_loop3A_286 = arith.index_cast %parallel_loop3A_207 : i32 to index
        %parallel_loop3A_287 = arith.constant 96 : index
        %parallel_loop3A_288 = tpu.vector_load %arg11[%parallel_loop3A_286, %parallel_loop3A_287] {strides = array<i32>} : memref<80x128xbf16, #tpu.memory_space<vmem>>, vector<32xbf16>,
        %parallel_loop3A_289 = tpu.unpack_subelements %parallel_loop3A_288, 0 {pack_format = #tpu.pack_format<interleaved>} : vector<32xbf16> -> vector<16xf32>
        %parallel_loop3A_290 = tpu.unpack_subelements %parallel_loop3A_288, 1 {pack_format = #tpu.pack_format<interleaved>} : vector<32xbf16> -> vector<16xf32>
        %parallel_loop3A_291 = vector.extract_strided_slice %parallel_loop3A_225 {offsets = [6], sizes = [1], strides = [1]} : vector<16xf32> to vector<1xf32>
        %parallel_loop3A_292 = vector.extract %parallel_loop3A_291[0] : f32 from vector<1xf32>
        %parallel_loop3A_293 = vector.broadcast %parallel_loop3A_292 : f32 to vector<16xf32>
        %parallel_loop3A_294 = arith.mulf %parallel_loop3A_289, %parallel_loop3A_293 : vector<16xf32>
        %parallel_loop3A_295 = arith.index_cast %parallel_loop3A_207 : i32 to index
        %parallel_loop3A_296 = arith.constant 96 : index
        %parallel_loop3A_297 = tpu.vector_load %arg14[%parallel_loop3A_295, %parallel_loop3A_296] {strides = array<i32>} : memref<80x144xf32, #tpu.memory_space<vmem>>, vector<16xf32>,
        tpu.vector_store %arg14[%parallel_loop3A_295, %parallel_loop3A_296], %parallel_loop3A_294 {strides = array<i32>} : memref<80x144xf32, #tpu.memory_space<vmem>>, vector<16xf32>,
        %parallel_loop3A_298 = vector.extract_strided_slice %parallel_loop3A_225 {offsets = [7], sizes = [1], strides = [1]} : vector<16xf32> to vector<1xf32>
        %parallel_loop3A_299 = vector.extract %parallel_loop3A_298[0] : f32 from vector<1xf32>
        %parallel_loop3A_300 = vector.broadcast %parallel_loop3A_299 : f32 to vector<16xf32>
        %parallel_loop3A_301 = arith.mulf %parallel_loop3A_290, %parallel_loop3A_300 : vector<16xf32>
        %parallel_loop3A_302 = arith.index_cast %parallel_loop3A_207 : i32 to index
        %parallel_loop3A_303 = arith.constant 112 : index
        %parallel_loop3A_304 = tpu.vector_load %arg14[%parallel_loop3A_302, %parallel_loop3A_303] {strides = array<i32>} : memref<80x144xf32, #tpu.memory_space<vmem>>, vector<16xf32>,
        tpu.vector_store %arg14[%parallel_loop3A_302, %parallel_loop3A_303], %parallel_loop3A_301 {strides = array<i32>} : memref<80x144xf32, #tpu.memory_space<vmem>>, vector<16xf32>,
      } {sc.loop_unroll_factor = 1 : i64, sc.parallel_access}
      %dma_start3A_150 = arith.constant 0 : i32
      %dma_start3A_151 = arith.constant 0 : i32
      %dma_start3A_152 = tpu.memref_slice %arg23[%dma_start3A_150, %dma_start3A_151] : memref<10240x144xf32, #tpu.memory_space<vmem_shared>> -> memref<10240x144xf32, #tpu.memory_space<vmem_shared>>
      tpu.enqueue_indirect_dma source(%arg14 : memref<80x144xf32, #tpu.memory_space<vmem>>) target(%dma_start3A_152 : memref<10240x144xf32, #tpu.memory_space<vmem_shared>>) offsets(%arg15 : memref<80xi32, #tpu.memory_space<vmem>>) semaphore(%arg28 : memref<!tpu.dma_semaphore, #tpu.memory_space<semaphore_mem>>) {add = true}
      %add3A_153 = arith.constant 2 : i32
      %add3A_154 = arith.addi %mul3A_92, %add3A_153 : i32
      %lt3A_155 = arith.constant 125 : i32
      %lt3A_156 = arith.cmpi slt, %add3A_154, %lt3A_155 : i32
      %convert_element_type3A_157 = arith.extui %lt3A_156 : i1 to i32
      %cond3A_158 = arith.constant 0 : i32
      %cond3A_159 = arith.cmpi ne, %convert_element_type3A_157, %cond3A_158 : i32
      scf.if %cond3A_159 {
        %dma_wait3A_207 = arith.constant 0 : i32
        %dma_wait3A_208 = tpu.memref_slice %arg2[%dma_wait3A_207] : memref<320000xi32, #tpu.memory_space<hbm>> -> memref<80xi32, #tpu.memory_space<hbm>>
        %dma_wait3A_209 = arith.constant 0 : i32
        %dma_wait3A_210 = tpu.memref_slice %arg2[%dma_wait3A_209] : memref<320000xi32, #tpu.memory_space<hbm>> -> memref<80xi32, #tpu.memory_space<hbm>>
        tpu.wait_dma2 semaphore(%arg24 : memref<!tpu.dma_semaphore, #tpu.memory_space<semaphore_mem>>) src(%dma_wait3A_210 : memref<80xi32, #tpu.memory_space<hbm>>) dst(%arg9 : memref<80xi32, #tpu.memory_space<vmem>>)
        %dma_wait3A_211 = arith.constant 0 : i32
        %dma_wait3A_212 = tpu.memref_slice %arg3[%dma_wait3A_211] : memref<320000xi32, #tpu.memory_space<hbm>> -> memref<80xi32, #tpu.memory_space<hbm>>
        %dma_wait3A_213 = arith.constant 0 : i32
        %dma_wait3A_214 = tpu.memref_slice %arg3[%dma_wait3A_213] : memref<320000xi32, #tpu.memory_space<hbm>> -> memref<80xi32, #tpu.memory_space<hbm>>
        tpu.wait_dma2 semaphore(%arg24 : memref<!tpu.dma_semaphore, #tpu.memory_space<semaphore_mem>>) src(%dma_wait3A_214 : memref<80xi32, #tpu.memory_space<hbm>>) dst(%arg10 : memref<80xi32, #tpu.memory_space<vmem>>)
        %dma_start3A_215 = arith.constant 0 : i32
        %dma_start3A_216 = arith.constant 0 : i32
        %dma_start3A_217 = tpu.memref_slice %arg4[%dma_start3A_215, %dma_start3A_216] : memref<10000x128xbf16, #tpu.memory_space<hbm>> -> memref<10000x128xbf16, #tpu.memory_space<hbm>>
        tpu.enqueue_indirect_dma source(%dma_start3A_217 : memref<10000x128xbf16, #tpu.memory_space<hbm>>) target(%arg11 : memref<80x128xbf16, #tpu.memory_space<vmem>>) offsets(%arg10 : memref<80xi32, #tpu.memory_space<vmem>>) semaphore(%arg25 : memref<!tpu.dma_semaphore, #tpu.memory_space<semaphore_mem>>)
        %dma_start3A_218 = arith.constant 0 : i32
        %dma_start3A_219 = arith.constant 0 : i32
        %dma_start3A_220 = tpu.memref_slice %arg5[%dma_start3A_218, %dma_start3A_219] : memref<10000x16xf32, #tpu.memory_space<hbm>> -> memref<10000x16xf32, #tpu.memory_space<hbm>>
        tpu.enqueue_indirect_dma source(%dma_start3A_220 : memref<10000x16xf32, #tpu.memory_space<hbm>>) target(%arg12 : memref<80x16xf32, #tpu.memory_space<vmem>>) offsets(%arg9 : memref<80xi32, #tpu.memory_space<vmem>>) semaphore(%arg26 : memref<!tpu.dma_semaphore, #tpu.memory_space<semaphore_mem>>)
        %dma_start3A_221 = arith.constant 0 : i32
        %dma_start3A_222 = arith.constant 0 : i32
        %dma_start3A_223 = tpu.memref_slice %arg6[%dma_start3A_221, %dma_start3A_222] : memref<10000x16xf32, #tpu.memory_space<hbm>> -> memref<10000x16xf32, #tpu.memory_space<hbm>>
        tpu.enqueue_indirect_dma source(%dma_start3A_223 : memref<10000x16xf32, #tpu.memory_space<hbm>>) target(%arg13 : memref<80x16xf32, #tpu.memory_space<vmem>>) offsets(%arg10 : memref<80xi32, #tpu.memory_space<vmem>>) semaphore(%arg27 : memref<!tpu.dma_semaphore, #tpu.memory_space<semaphore_mem>>)
      } else {
      }
      %dma_wait3A_160 = arith.constant 0 : i32
      %dma_wait3A_161 = arith.constant 0 : i32
      %dma_wait3A_162 = tpu.memref_slice %arg4[%dma_wait3A_160, %dma_wait3A_161] : memref<10000x128xbf16, #tpu.memory_space<hbm>> -> memref<10000x128xbf16, #tpu.memory_space<hbm>>
      tpu.wait_indirect_dma semaphore(%arg30 : memref<!tpu.dma_semaphore, #tpu.memory_space<semaphore_mem>>) src(%dma_wait3A_162 : memref<10000x128xbf16, #tpu.memory_space<hbm>>) dst(%arg18 : memref<80x128xbf16, #tpu.memory_space<vmem>>)
      %dma_wait3A_163 = arith.constant 0 : i32
      %dma_wait3A_164 = arith.constant 0 : i32
      %dma_wait3A_165 = tpu.memref_slice %arg5[%dma_wait3A_163, %dma_wait3A_164] : memref<10000x16xf32, #tpu.memory_space<hbm>> -> memref<10000x16xf32, #tpu.memory_space<hbm>>
      tpu.wait_indirect_dma semaphore(%arg31 : memref<!tpu.dma_semaphore, #tpu.memory_space<semaphore_mem>>) src(%dma_wait3A_165 : memref<10000x16xf32, #tpu.memory_space<hbm>>) dst(%arg19 : memref<80x16xf32, #tpu.memory_space<vmem>>)
      %dma_wait3A_166 = arith.constant 0 : i32
      %dma_wait3A_167 = arith.constant 0 : i32
      %dma_wait3A_168 = tpu.memref_slice %arg6[%dma_wait3A_166, %dma_wait3A_167] : memref<10000x16xf32, #tpu.memory_space<hbm>> -> memref<10000x16xf32, #tpu.memory_space<hbm>>
      tpu.wait_indirect_dma semaphore(%arg32 : memref<!tpu.dma_semaphore, #tpu.memory_space<semaphore_mem>>) src(%dma_wait3A_168 : memref<10000x16xf32, #tpu.memory_space<hbm>>) dst(%arg20 : memref<80x16xf32, #tpu.memory_space<vmem>>)
      %gt3A_169 = arith.constant 0 : i32
      %gt3A_170 = arith.cmpi sgt, %while3A_90, %gt3A_169 : i32
      %convert_element_type3A_171 = arith.extui %gt3A_170 : i1 to i32
      %cond3A_172 = arith.constant 0 : i32
      %cond3A_173 = arith.cmpi ne, %convert_element_type3A_171, %cond3A_172 : i32
      scf.if %cond3A_173 {
        %dma_wait3A_207 = arith.constant 0 : i32
        %dma_wait3A_208 = arith.constant 0 : i32
        %dma_wait3A_209 = tpu.memref_slice %arg23[%dma_wait3A_207, %dma_wait3A_208] : memref<10240x144xf32, #tpu.memory_space<vmem_shared>> -> memref<10240x144xf32, #tpu.memory_space<vmem_shared>>
        tpu.wait_indirect_dma semaphore(%arg33 : memref<!tpu.dma_semaphore, #tpu.memory_space<semaphore_mem>>) src(%arg21 : memref<80x144xf32, #tpu.memory_space<vmem>>) dst(%dma_wait3A_209 : memref<10240x144xf32, #tpu.memory_space<vmem_shared>>)
      } else {
      }
      %get3A_174 = arith.constant 0 : index
      %get3A_175 = tpu.vector_load %arg16[%get3A_174] {strides = array<i32>} : memref<80xi32, #tpu.memory_space<vmem>>, vector<16xi32>,
      %swap3A_176 = arith.constant 0 : index
      %swap3A_177 = tpu.vector_load %arg22[%swap3A_176] {strides = array<i32>} : memref<80xi32, #tpu.memory_space<vmem>>, vector<16xi32>,
      tpu.vector_store %arg22[%swap3A_176], %get3A_175 {strides = array<i32>} : memref<80xi32, #tpu.memory_space<vmem>>, vector<16xi32>,
      %get3A_178 = arith.constant 16 : index
      %get3A_179 = tpu.vector_load %arg16[%get3A_178] {strides = array<i32>} : memref<80xi32, #tpu.memory_space<vmem>>, vector<16xi32>,
      %swap3A_180 = arith.constant 16 : index
      %swap3A_181 = tpu.vector_load %arg22[%swap3A_180] {strides = array<i32>} : memref<80xi32, #tpu.memory_space<vmem>>, vector<16xi32>,
      tpu.vector_store %arg22[%swap3A_180], %get3A_179 {strides = array<i32>} : memref<80xi32, #tpu.memory_space<vmem>>, vector<16xi32>,
      %get3A_182 = arith.constant 32 : index
      %get3A_183 = tpu.vector_load %arg16[%get3A_182] {strides = array<i32>} : memref<80xi32, #tpu.memory_space<vmem>>, vector<16xi32>,
      %swap3A_184 = arith.constant 32 : index
      %swap3A_185 = tpu.vector_load %arg22[%swap3A_184] {strides = array<i32>} : memref<80xi32, #tpu.memory_space<vmem>>, vector<16xi32>,
      tpu.vector_store %arg22[%swap3A_184], %get3A_183 {strides = array<i32>} : memref<80xi32, #tpu.memory_space<vmem>>, vector<16xi32>,
      %get3A_186 = arith.constant 48 : index
      %get3A_187 = tpu.vector_load %arg16[%get3A_186] {strides = array<i32>} : memref<80xi32, #tpu.memory_space<vmem>>, vector<16xi32>,
      %swap3A_188 = arith.constant 48 : index
      %swap3A_189 = tpu.vector_load %arg22[%swap3A_188] {strides = array<i32>} : memref<80xi32, #tpu.memory_space<vmem>>, vector<16xi32>,
      tpu.vector_store %arg22[%swap3A_188], %get3A_187 {strides = array<i32>} : memref<80xi32, #tpu.memory_space<vmem>>, vector<16xi32>,
      %get3A_190 = arith.constant 64 : index
      %get3A_191 = tpu.vector_load %arg16[%get3A_190] {strides = array<i32>} : memref<80xi32, #tpu.memory_space<vmem>>, vector<16xi32>,
      %swap3A_192 = arith.constant 64 : index
      %swap3A_193 = tpu.vector_load %arg22[%swap3A_192] {strides = array<i32>} : memref<80xi32, #tpu.memory_space<vmem>>, vector<16xi32>,
      tpu.vector_store %arg22[%swap3A_192], %get3A_191 {strides = array<i32>} : memref<80xi32, #tpu.memory_space<vmem>>, vector<16xi32>,
      %add3A_194 = arith.constant 3 : i32
      %add3A_195 = arith.addi %mul3A_92, %add3A_194 : i32
      %lt3A_196 = arith.constant 125 : i32
      %lt3A_197 = arith.cmpi slt, %add3A_195, %lt3A_196 : i32
      %convert_element_type3A_198 = arith.extui %lt3A_197 : i1 to i32
      %cond3A_199 = arith.constant 0 : i32
      %cond3A_200 = arith.cmpi ne, %convert_element_type3A_198, %cond3A_199 : i32
      scf.if %cond3A_200 {
        %add3A_207 = arith.constant 3 : i32
        %add3A_208 = arith.addi %mul3A_92, %add3A_207 : i32
        %mul3A_209 = arith.constant 10000 : i32
        %mul3A_210 = arith.muli %add3A, %mul3A_209 : i32
        %mul3A_211 = arith.constant 80 : i32
        %mul3A_212 = arith.muli %add3A_208, %mul3A_211 : i32
        %add3A_213 = arith.addi %mul3A_210, %mul3A_212 : i32
        %dma_start3A_214 = tpu.memref_slice %arg2[%add3A_213] : memref<320000xi32, #tpu.memory_space<hbm>> -> memref<80xi32, #tpu.memory_space<hbm>>
        %dma_start3A_215 = tpu.memref_slice %arg2[%add3A_213] : memref<320000xi32, #tpu.memory_space<hbm>> -> memref<80xi32, #tpu.memory_space<hbm>>
        tpu.enqueue_dma source(%dma_start3A_215 : memref<80xi32, #tpu.memory_space<hbm>>) target(%arg16 : memref<80xi32, #tpu.memory_space<vmem>>) target_semaphore(%arg29 : memref<!tpu.dma_semaphore, #tpu.memory_space<semaphore_mem>>)
        %dma_start3A_216 = tpu.memref_slice %arg3[%add3A_213] : memref<320000xi32, #tpu.memory_space<hbm>> -> memref<80xi32, #tpu.memory_space<hbm>>
        %dma_start3A_217 = tpu.memref_slice %arg3[%add3A_213] : memref<320000xi32, #tpu.memory_space<hbm>> -> memref<80xi32, #tpu.memory_space<hbm>>
        tpu.enqueue_dma source(%dma_start3A_217 : memref<80xi32, #tpu.memory_space<hbm>>) target(%arg17 : memref<80xi32, #tpu.memory_space<vmem>>) target_semaphore(%arg29 : memref<!tpu.dma_semaphore, #tpu.memory_space<semaphore_mem>>)
      } else {
      }
      %parallel_loop3A_201 = arith.constant 0 : i32
      %parallel_loop3A_202 = arith.constant 80 : i32
      %parallel_loop3A_203 = arith.constant 1 : i32
      scf.for %parallel_loop3A_207 = %parallel_loop3A_201 to %parallel_loop3A_202 step %parallel_loop3A_203  : i32 {
        %parallel_loop3A_208 = arith.index_cast %parallel_loop3A_207 : i32 to index
        %parallel_loop3A_209 = arith.constant 0 : index
        %parallel_loop3A_210 = tpu.vector_load %arg19[%parallel_loop3A_208, %parallel_loop3A_209] {strides = array<i32>} : memref<80x16xf32, #tpu.memory_space<vmem>>, vector<16xf32>,
        %parallel_loop3A_211 = arith.index_cast %parallel_loop3A_207 : i32 to index
        %parallel_loop3A_212 = arith.constant 0 : index
        %parallel_loop3A_213 = tpu.vector_load %arg20[%parallel_loop3A_211, %parallel_loop3A_212] {strides = array<i32>} : memref<80x16xf32, #tpu.memory_space<vmem>>, vector<16xf32>,
        %parallel_loop3A_214 = arith.addf %parallel_loop3A_210, %parallel_loop3A_213 : vector<16xf32>
        %parallel_loop3A_215 = arith.constant 0.000000e+00 : f32
        %parallel_loop3A_216 = vector.broadcast %parallel_loop3A_215 : f32 to vector<16xf32>
        %parallel_loop3A_217 = arith.cmpf oge, %parallel_loop3A_214, %parallel_loop3A_216 : vector<16xf32>
        %parallel_loop3A_218 = arith.constant 2.000000e-01 : f32
        %parallel_loop3A_219 = vector.broadcast %parallel_loop3A_218 : f32 to vector<16xf32>
        %parallel_loop3A_220 = arith.mulf %parallel_loop3A_219, %parallel_loop3A_214 : vector<16xf32>
        %parallel_loop3A_221 = arith.select %parallel_loop3A_217, %parallel_loop3A_214, %parallel_loop3A_220 : vector<16xi1>, vector<16xf32>
        %parallel_loop3A_222 = arith.constant 0.000000e+00 : f32
        %parallel_loop3A_223 = vector.broadcast %parallel_loop3A_222 : f32 to vector<16xf32>
        %parallel_loop3A_224 = arith.subf %parallel_loop3A_223, %parallel_loop3A_221 : vector<16xf32>
        %parallel_loop3A_225 = math.exp %parallel_loop3A_224 : vector<16xf32>
        %parallel_loop3A_226 = arith.index_cast %parallel_loop3A_207 : i32 to index
        %parallel_loop3A_227 = arith.constant 128 : index
        %parallel_loop3A_228 = tpu.vector_load %arg21[%parallel_loop3A_226, %parallel_loop3A_227] {strides = array<i32>} : memref<80x144xf32, #tpu.memory_space<vmem>>, vector<16xf32>,
        tpu.vector_store %arg21[%parallel_loop3A_226, %parallel_loop3A_227], %parallel_loop3A_225 {strides = array<i32>} : memref<80x144xf32, #tpu.memory_space<vmem>>, vector<16xf32>,
        %parallel_loop3A_229 = arith.index_cast %parallel_loop3A_207 : i32 to index
        %parallel_loop3A_230 = arith.constant 0 : index
        %parallel_loop3A_231 = tpu.vector_load %arg18[%parallel_loop3A_229, %parallel_loop3A_230] {strides = array<i32>} : memref<80x128xbf16, #tpu.memory_space<vmem>>, vector<32xbf16>,
        %parallel_loop3A_232 = tpu.unpack_subelements %parallel_loop3A_231, 0 {pack_format = #tpu.pack_format<interleaved>} : vector<32xbf16> -> vector<16xf32>
        %parallel_loop3A_233 = tpu.unpack_subelements %parallel_loop3A_231, 1 {pack_format = #tpu.pack_format<interleaved>} : vector<32xbf16> -> vector<16xf32>
        %parallel_loop3A_234 = vector.extract_strided_slice %parallel_loop3A_225 {offsets = [0], sizes = [1], strides = [1]} : vector<16xf32> to vector<1xf32>
        %parallel_loop3A_235 = vector.extract %parallel_loop3A_234[0] : f32 from vector<1xf32>
        %parallel_loop3A_236 = vector.broadcast %parallel_loop3A_235 : f32 to vector<16xf32>
        %parallel_loop3A_237 = arith.mulf %parallel_loop3A_232, %parallel_loop3A_236 : vector<16xf32>
        %parallel_loop3A_238 = arith.index_cast %parallel_loop3A_207 : i32 to index
        %parallel_loop3A_239 = arith.constant 0 : index
        %parallel_loop3A_240 = tpu.vector_load %arg21[%parallel_loop3A_238, %parallel_loop3A_239] {strides = array<i32>} : memref<80x144xf32, #tpu.memory_space<vmem>>, vector<16xf32>,
        tpu.vector_store %arg21[%parallel_loop3A_238, %parallel_loop3A_239], %parallel_loop3A_237 {strides = array<i32>} : memref<80x144xf32, #tpu.memory_space<vmem>>, vector<16xf32>,
        %parallel_loop3A_241 = vector.extract_strided_slice %parallel_loop3A_225 {offsets = [1], sizes = [1], strides = [1]} : vector<16xf32> to vector<1xf32>
        %parallel_loop3A_242 = vector.extract %parallel_loop3A_241[0] : f32 from vector<1xf32>
        %parallel_loop3A_243 = vector.broadcast %parallel_loop3A_242 : f32 to vector<16xf32>
        %parallel_loop3A_244 = arith.mulf %parallel_loop3A_233, %parallel_loop3A_243 : vector<16xf32>
        %parallel_loop3A_245 = arith.index_cast %parallel_loop3A_207 : i32 to index
        %parallel_loop3A_246 = arith.constant 16 : index
        %parallel_loop3A_247 = tpu.vector_load %arg21[%parallel_loop3A_245, %parallel_loop3A_246] {strides = array<i32>} : memref<80x144xf32, #tpu.memory_space<vmem>>, vector<16xf32>,
        tpu.vector_store %arg21[%parallel_loop3A_245, %parallel_loop3A_246], %parallel_loop3A_244 {strides = array<i32>} : memref<80x144xf32, #tpu.memory_space<vmem>>, vector<16xf32>,
        %parallel_loop3A_248 = arith.index_cast %parallel_loop3A_207 : i32 to index
        %parallel_loop3A_249 = arith.constant 32 : index
        %parallel_loop3A_250 = tpu.vector_load %arg18[%parallel_loop3A_248, %parallel_loop3A_249] {strides = array<i32>} : memref<80x128xbf16, #tpu.memory_space<vmem>>, vector<32xbf16>,
        %parallel_loop3A_251 = tpu.unpack_subelements %parallel_loop3A_250, 0 {pack_format = #tpu.pack_format<interleaved>} : vector<32xbf16> -> vector<16xf32>
        %parallel_loop3A_252 = tpu.unpack_subelements %parallel_loop3A_250, 1 {pack_format = #tpu.pack_format<interleaved>} : vector<32xbf16> -> vector<16xf32>
        %parallel_loop3A_253 = vector.extract_strided_slice %parallel_loop3A_225 {offsets = [2], sizes = [1], strides = [1]} : vector<16xf32> to vector<1xf32>
        %parallel_loop3A_254 = vector.extract %parallel_loop3A_253[0] : f32 from vector<1xf32>
        %parallel_loop3A_255 = vector.broadcast %parallel_loop3A_254 : f32 to vector<16xf32>
        %parallel_loop3A_256 = arith.mulf %parallel_loop3A_251, %parallel_loop3A_255 : vector<16xf32>
        %parallel_loop3A_257 = arith.index_cast %parallel_loop3A_207 : i32 to index
        %parallel_loop3A_258 = arith.constant 32 : index
        %parallel_loop3A_259 = tpu.vector_load %arg21[%parallel_loop3A_257, %parallel_loop3A_258] {strides = array<i32>} : memref<80x144xf32, #tpu.memory_space<vmem>>, vector<16xf32>,
        tpu.vector_store %arg21[%parallel_loop3A_257, %parallel_loop3A_258], %parallel_loop3A_256 {strides = array<i32>} : memref<80x144xf32, #tpu.memory_space<vmem>>, vector<16xf32>,
        %parallel_loop3A_260 = vector.extract_strided_slice %parallel_loop3A_225 {offsets = [3], sizes = [1], strides = [1]} : vector<16xf32> to vector<1xf32>
        %parallel_loop3A_261 = vector.extract %parallel_loop3A_260[0] : f32 from vector<1xf32>
        %parallel_loop3A_262 = vector.broadcast %parallel_loop3A_261 : f32 to vector<16xf32>
        %parallel_loop3A_263 = arith.mulf %parallel_loop3A_252, %parallel_loop3A_262 : vector<16xf32>
        %parallel_loop3A_264 = arith.index_cast %parallel_loop3A_207 : i32 to index
        %parallel_loop3A_265 = arith.constant 48 : index
        %parallel_loop3A_266 = tpu.vector_load %arg21[%parallel_loop3A_264, %parallel_loop3A_265] {strides = array<i32>} : memref<80x144xf32, #tpu.memory_space<vmem>>, vector<16xf32>,
        tpu.vector_store %arg21[%parallel_loop3A_264, %parallel_loop3A_265], %parallel_loop3A_263 {strides = array<i32>} : memref<80x144xf32, #tpu.memory_space<vmem>>, vector<16xf32>,
        %parallel_loop3A_267 = arith.index_cast %parallel_loop3A_207 : i32 to index
        %parallel_loop3A_268 = arith.constant 64 : index
        %parallel_loop3A_269 = tpu.vector_load %arg18[%parallel_loop3A_267, %parallel_loop3A_268] {strides = array<i32>} : memref<80x128xbf16, #tpu.memory_space<vmem>>, vector<32xbf16>,
        %parallel_loop3A_270 = tpu.unpack_subelements %parallel_loop3A_269, 0 {pack_format = #tpu.pack_format<interleaved>} : vector<32xbf16> -> vector<16xf32>
        %parallel_loop3A_271 = tpu.unpack_subelements %parallel_loop3A_269, 1 {pack_format = #tpu.pack_format<interleaved>} : vector<32xbf16> -> vector<16xf32>
        %parallel_loop3A_272 = vector.extract_strided_slice %parallel_loop3A_225 {offsets = [4], sizes = [1], strides = [1]} : vector<16xf32> to vector<1xf32>
        %parallel_loop3A_273 = vector.extract %parallel_loop3A_272[0] : f32 from vector<1xf32>
        %parallel_loop3A_274 = vector.broadcast %parallel_loop3A_273 : f32 to vector<16xf32>
        %parallel_loop3A_275 = arith.mulf %parallel_loop3A_270, %parallel_loop3A_274 : vector<16xf32>
        %parallel_loop3A_276 = arith.index_cast %parallel_loop3A_207 : i32 to index
        %parallel_loop3A_277 = arith.constant 64 : index
        %parallel_loop3A_278 = tpu.vector_load %arg21[%parallel_loop3A_276, %parallel_loop3A_277] {strides = array<i32>} : memref<80x144xf32, #tpu.memory_space<vmem>>, vector<16xf32>,
        tpu.vector_store %arg21[%parallel_loop3A_276, %parallel_loop3A_277], %parallel_loop3A_275 {strides = array<i32>} : memref<80x144xf32, #tpu.memory_space<vmem>>, vector<16xf32>,
        %parallel_loop3A_279 = vector.extract_strided_slice %parallel_loop3A_225 {offsets = [5], sizes = [1], strides = [1]} : vector<16xf32> to vector<1xf32>
        %parallel_loop3A_280 = vector.extract %parallel_loop3A_279[0] : f32 from vector<1xf32>
        %parallel_loop3A_281 = vector.broadcast %parallel_loop3A_280 : f32 to vector<16xf32>
        %parallel_loop3A_282 = arith.mulf %parallel_loop3A_271, %parallel_loop3A_281 : vector<16xf32>
        %parallel_loop3A_283 = arith.index_cast %parallel_loop3A_207 : i32 to index
        %parallel_loop3A_284 = arith.constant 80 : index
        %parallel_loop3A_285 = tpu.vector_load %arg21[%parallel_loop3A_283, %parallel_loop3A_284] {strides = array<i32>} : memref<80x144xf32, #tpu.memory_space<vmem>>, vector<16xf32>,
        tpu.vector_store %arg21[%parallel_loop3A_283, %parallel_loop3A_284], %parallel_loop3A_282 {strides = array<i32>} : memref<80x144xf32, #tpu.memory_space<vmem>>, vector<16xf32>,
        %parallel_loop3A_286 = arith.index_cast %parallel_loop3A_207 : i32 to index
        %parallel_loop3A_287 = arith.constant 96 : index
        %parallel_loop3A_288 = tpu.vector_load %arg18[%parallel_loop3A_286, %parallel_loop3A_287] {strides = array<i32>} : memref<80x128xbf16, #tpu.memory_space<vmem>>, vector<32xbf16>,
        %parallel_loop3A_289 = tpu.unpack_subelements %parallel_loop3A_288, 0 {pack_format = #tpu.pack_format<interleaved>} : vector<32xbf16> -> vector<16xf32>
        %parallel_loop3A_290 = tpu.unpack_subelements %parallel_loop3A_288, 1 {pack_format = #tpu.pack_format<interleaved>} : vector<32xbf16> -> vector<16xf32>
        %parallel_loop3A_291 = vector.extract_strided_slice %parallel_loop3A_225 {offsets = [6], sizes = [1], strides = [1]} : vector<16xf32> to vector<1xf32>
        %parallel_loop3A_292 = vector.extract %parallel_loop3A_291[0] : f32 from vector<1xf32>
        %parallel_loop3A_293 = vector.broadcast %parallel_loop3A_292 : f32 to vector<16xf32>
        %parallel_loop3A_294 = arith.mulf %parallel_loop3A_289, %parallel_loop3A_293 : vector<16xf32>
        %parallel_loop3A_295 = arith.index_cast %parallel_loop3A_207 : i32 to index
        %parallel_loop3A_296 = arith.constant 96 : index
        %parallel_loop3A_297 = tpu.vector_load %arg21[%parallel_loop3A_295, %parallel_loop3A_296] {strides = array<i32>} : memref<80x144xf32, #tpu.memory_space<vmem>>, vector<16xf32>,
        tpu.vector_store %arg21[%parallel_loop3A_295, %parallel_loop3A_296], %parallel_loop3A_294 {strides = array<i32>} : memref<80x144xf32, #tpu.memory_space<vmem>>, vector<16xf32>,
        %parallel_loop3A_298 = vector.extract_strided_slice %parallel_loop3A_225 {offsets = [7], sizes = [1], strides = [1]} : vector<16xf32> to vector<1xf32>
        %parallel_loop3A_299 = vector.extract %parallel_loop3A_298[0] : f32 from vector<1xf32>
        %parallel_loop3A_300 = vector.broadcast %parallel_loop3A_299 : f32 to vector<16xf32>
        %parallel_loop3A_301 = arith.mulf %parallel_loop3A_290, %parallel_loop3A_300 : vector<16xf32>
        %parallel_loop3A_302 = arith.index_cast %parallel_loop3A_207 : i32 to index
        %parallel_loop3A_303 = arith.constant 112 : index
        %parallel_loop3A_304 = tpu.vector_load %arg21[%parallel_loop3A_302, %parallel_loop3A_303] {strides = array<i32>} : memref<80x144xf32, #tpu.memory_space<vmem>>, vector<16xf32>,
        tpu.vector_store %arg21[%parallel_loop3A_302, %parallel_loop3A_303], %parallel_loop3A_301 {strides = array<i32>} : memref<80x144xf32, #tpu.memory_space<vmem>>, vector<16xf32>,
      } {sc.loop_unroll_factor = 1 : i64, sc.parallel_access}
      %dma_start3A_204 = arith.constant 0 : i32
      %dma_start3A_205 = arith.constant 0 : i32
      %dma_start3A_206 = tpu.memref_slice %arg23[%dma_start3A_204, %dma_start3A_205] : memref<10240x144xf32, #tpu.memory_space<vmem_shared>> -> memref<10240x144xf32, #tpu.memory_space<vmem_shared>>
      tpu.enqueue_indirect_dma source(%arg21 : memref<80x144xf32, #tpu.memory_space<vmem>>) target(%dma_start3A_206 : memref<10240x144xf32, #tpu.memory_space<vmem_shared>>) offsets(%arg22 : memref<80xi32, #tpu.memory_space<vmem>>) semaphore(%arg33 : memref<!tpu.dma_semaphore, #tpu.memory_space<semaphore_mem>>) {add = true}
    }
    %dma_wait3A_48 = arith.constant 0 : i32
    %dma_wait3A_49 = arith.constant 0 : i32
    %dma_wait3A_50 = tpu.memref_slice %arg4[%dma_wait3A_48, %dma_wait3A_49] : memref<10000x128xbf16, #tpu.memory_space<hbm>> -> memref<10000x128xbf16, #tpu.memory_space<hbm>>
    tpu.wait_indirect_dma semaphore(%arg25 : memref<!tpu.dma_semaphore, #tpu.memory_space<semaphore_mem>>) src(%dma_wait3A_50 : memref<10000x128xbf16, #tpu.memory_space<hbm>>) dst(%arg11 : memref<80x128xbf16, #tpu.memory_space<vmem>>)
    %dma_wait3A_51 = arith.constant 0 : i32
    %dma_wait3A_52 = arith.constant 0 : i32
    %dma_wait3A_53 = tpu.memref_slice %arg5[%dma_wait3A_51, %dma_wait3A_52] : memref<10000x16xf32, #tpu.memory_space<hbm>> -> memref<10000x16xf32, #tpu.memory_space<hbm>>
    tpu.wait_indirect_dma semaphore(%arg26 : memref<!tpu.dma_semaphore, #tpu.memory_space<semaphore_mem>>) src(%dma_wait3A_53 : memref<10000x16xf32, #tpu.memory_space<hbm>>) dst(%arg12 : memref<80x16xf32, #tpu.memory_space<vmem>>)
    %dma_wait3A_54 = arith.constant 0 : i32
    %dma_wait3A_55 = arith.constant 0 : i32
    %dma_wait3A_56 = tpu.memref_slice %arg6[%dma_wait3A_54, %dma_wait3A_55] : memref<10000x16xf32, #tpu.memory_space<hbm>> -> memref<10000x16xf32, #tpu.memory_space<hbm>>
    tpu.wait_indirect_dma semaphore(%arg27 : memref<!tpu.dma_semaphore, #tpu.memory_space<semaphore_mem>>) src(%dma_wait3A_56 : memref<10000x16xf32, #tpu.memory_space<hbm>>) dst(%arg13 : memref<80x16xf32, #tpu.memory_space<vmem>>)
    %dma_wait3A_57 = arith.constant 0 : i32
    %dma_wait3A_58 = arith.constant 0 : i32
    %dma_wait3A_59 = tpu.memref_slice %arg23[%dma_wait3A_57, %dma_wait3A_58] : memref<10240x144xf32, #tpu.memory_space<vmem_shared>> -> memref<10240x144xf32, #tpu.memory_space<vmem_shared>>
    tpu.wait_indirect_dma semaphore(%arg28 : memref<!tpu.dma_semaphore, #tpu.memory_space<semaphore_mem>>) src(%arg14 : memref<80x144xf32, #tpu.memory_space<vmem>>) dst(%dma_wait3A_59 : memref<10240x144xf32, #tpu.memory_space<vmem_shared>>)
    %get3A = arith.constant 0 : index
    %get3A_60 = tpu.vector_load %arg9[%get3A] {strides = array<i32>} : memref<80xi32, #tpu.memory_space<vmem>>, vector<16xi32>,
    %swap3A = arith.constant 0 : index
    %swap3A_61 = tpu.vector_load %arg15[%swap3A] {strides = array<i32>} : memref<80xi32, #tpu.memory_space<vmem>>, vector<16xi32>,
    tpu.vector_store %arg15[%swap3A], %get3A_60 {strides = array<i32>} : memref<80xi32, #tpu.memory_space<vmem>>, vector<16xi32>,
    %get3A_62 = arith.constant 16 : index
    %get3A_63 = tpu.vector_load %arg9[%get3A_62] {strides = array<i32>} : memref<80xi32, #tpu.memory_space<vmem>>, vector<16xi32>,
    %swap3A_64 = arith.constant 16 : index
    %swap3A_65 = tpu.vector_load %arg15[%swap3A_64] {strides = array<i32>} : memref<80xi32, #tpu.memory_space<vmem>>, vector<16xi32>,
    tpu.vector_store %arg15[%swap3A_64], %get3A_63 {strides = array<i32>} : memref<80xi32, #tpu.memory_space<vmem>>, vector<16xi32>,
    %get3A_66 = arith.constant 32 : index
    %get3A_67 = tpu.vector_load %arg9[%get3A_66] {strides = array<i32>} : memref<80xi32, #tpu.memory_space<vmem>>, vector<16xi32>,
    %swap3A_68 = arith.constant 32 : index
    %swap3A_69 = tpu.vector_load %arg15[%swap3A_68] {strides = array<i32>} : memref<80xi32, #tpu.memory_space<vmem>>, vector<16xi32>,
    tpu.vector_store %arg15[%swap3A_68], %get3A_67 {strides = array<i32>} : memref<80xi32, #tpu.memory_space<vmem>>, vector<16xi32>,
    %get3A_70 = arith.constant 48 : index
    %get3A_71 = tpu.vector_load %arg9[%get3A_70] {strides = array<i32>} : memref<80xi32, #tpu.memory_space<vmem>>, vector<16xi32>,
    %swap3A_72 = arith.constant 48 : index
    %swap3A_73 = tpu.vector_load %arg15[%swap3A_72] {strides = array<i32>} : memref<80xi32, #tpu.memory_space<vmem>>, vector<16xi32>,
    tpu.vector_store %arg15[%swap3A_72], %get3A_71 {strides = array<i32>} : memref<80xi32, #tpu.memory_space<vmem>>, vector<16xi32>,
    %get3A_74 = arith.constant 64 : index
    %get3A_75 = tpu.vector_load %arg9[%get3A_74] {strides = array<i32>} : memref<80xi32, #tpu.memory_space<vmem>>, vector<16xi32>,
    %swap3A_76 = arith.constant 64 : index
    %swap3A_77 = tpu.vector_load %arg15[%swap3A_76] {strides = array<i32>} : memref<80xi32, #tpu.memory_space<vmem>>, vector<16xi32>,
    tpu.vector_store %arg15[%swap3A_76], %get3A_75 {strides = array<i32>} : memref<80xi32, #tpu.memory_space<vmem>>, vector<16xi32>,
    %parallel_loop3A = arith.constant 0 : i32
    %parallel_loop3A_78 = arith.constant 80 : i32
    %parallel_loop3A_79 = arith.constant 1 : i32
    scf.for %parallel_loop3A_90 = %parallel_loop3A to %parallel_loop3A_78 step %parallel_loop3A_79  : i32 {
      %parallel_loop3A_91 = arith.index_cast %parallel_loop3A_90 : i32 to index
      %parallel_loop3A_92 = arith.constant 0 : index
      %parallel_loop3A_93 = tpu.vector_load %arg12[%parallel_loop3A_91, %parallel_loop3A_92] {strides = array<i32>} : memref<80x16xf32, #tpu.memory_space<vmem>>, vector<16xf32>,
      %parallel_loop3A_94 = arith.index_cast %parallel_loop3A_90 : i32 to index
      %parallel_loop3A_95 = arith.constant 0 : index
      %parallel_loop3A_96 = tpu.vector_load %arg13[%parallel_loop3A_94, %parallel_loop3A_95] {strides = array<i32>} : memref<80x16xf32, #tpu.memory_space<vmem>>, vector<16xf32>,
      %parallel_loop3A_97 = arith.addf %parallel_loop3A_93, %parallel_loop3A_96 : vector<16xf32>
      %parallel_loop3A_98 = arith.constant 0.000000e+00 : f32
      %parallel_loop3A_99 = vector.broadcast %parallel_loop3A_98 : f32 to vector<16xf32>
      %parallel_loop3A_100 = arith.cmpf oge, %parallel_loop3A_97, %parallel_loop3A_99 : vector<16xf32>
      %parallel_loop3A_101 = arith.constant 2.000000e-01 : f32
      %parallel_loop3A_102 = vector.broadcast %parallel_loop3A_101 : f32 to vector<16xf32>
      %parallel_loop3A_103 = arith.mulf %parallel_loop3A_102, %parallel_loop3A_97 : vector<16xf32>
      %parallel_loop3A_104 = arith.select %parallel_loop3A_100, %parallel_loop3A_97, %parallel_loop3A_103 : vector<16xi1>, vector<16xf32>
      %parallel_loop3A_105 = arith.constant 0.000000e+00 : f32
      %parallel_loop3A_106 = vector.broadcast %parallel_loop3A_105 : f32 to vector<16xf32>
      %parallel_loop3A_107 = arith.subf %parallel_loop3A_106, %parallel_loop3A_104 : vector<16xf32>
      %parallel_loop3A_108 = math.exp %parallel_loop3A_107 : vector<16xf32>
      %parallel_loop3A_109 = arith.index_cast %parallel_loop3A_90 : i32 to index
      %parallel_loop3A_110 = arith.constant 128 : index
      %parallel_loop3A_111 = tpu.vector_load %arg14[%parallel_loop3A_109, %parallel_loop3A_110] {strides = array<i32>} : memref<80x144xf32, #tpu.memory_space<vmem>>, vector<16xf32>,
      tpu.vector_store %arg14[%parallel_loop3A_109, %parallel_loop3A_110], %parallel_loop3A_108 {strides = array<i32>} : memref<80x144xf32, #tpu.memory_space<vmem>>, vector<16xf32>,
      %parallel_loop3A_112 = arith.index_cast %parallel_loop3A_90 : i32 to index
      %parallel_loop3A_113 = arith.constant 0 : index
      %parallel_loop3A_114 = tpu.vector_load %arg11[%parallel_loop3A_112, %parallel_loop3A_113] {strides = array<i32>} : memref<80x128xbf16, #tpu.memory_space<vmem>>, vector<32xbf16>,
      %parallel_loop3A_115 = tpu.unpack_subelements %parallel_loop3A_114, 0 {pack_format = #tpu.pack_format<interleaved>} : vector<32xbf16> -> vector<16xf32>
      %parallel_loop3A_116 = tpu.unpack_subelements %parallel_loop3A_114, 1 {pack_format = #tpu.pack_format<interleaved>} : vector<32xbf16> -> vector<16xf32>
      %parallel_loop3A_117 = vector.extract_strided_slice %parallel_loop3A_108 {offsets = [0], sizes = [1], strides = [1]} : vector<16xf32> to vector<1xf32>
      %parallel_loop3A_118 = vector.extract %parallel_loop3A_117[0] : f32 from vector<1xf32>
      %parallel_loop3A_119 = vector.broadcast %parallel_loop3A_118 : f32 to vector<16xf32>
      %parallel_loop3A_120 = arith.mulf %parallel_loop3A_115, %parallel_loop3A_119 : vector<16xf32>
      %parallel_loop3A_121 = arith.index_cast %parallel_loop3A_90 : i32 to index
      %parallel_loop3A_122 = arith.constant 0 : index
      %parallel_loop3A_123 = tpu.vector_load %arg14[%parallel_loop3A_121, %parallel_loop3A_122] {strides = array<i32>} : memref<80x144xf32, #tpu.memory_space<vmem>>, vector<16xf32>,
      tpu.vector_store %arg14[%parallel_loop3A_121, %parallel_loop3A_122], %parallel_loop3A_120 {strides = array<i32>} : memref<80x144xf32, #tpu.memory_space<vmem>>, vector<16xf32>,
      %parallel_loop3A_124 = vector.extract_strided_slice %parallel_loop3A_108 {offsets = [1], sizes = [1], strides = [1]} : vector<16xf32> to vector<1xf32>
      %parallel_loop3A_125 = vector.extract %parallel_loop3A_124[0] : f32 from vector<1xf32>
      %parallel_loop3A_126 = vector.broadcast %parallel_loop3A_125 : f32 to vector<16xf32>
      %parallel_loop3A_127 = arith.mulf %parallel_loop3A_116, %parallel_loop3A_126 : vector<16xf32>
      %parallel_loop3A_128 = arith.index_cast %parallel_loop3A_90 : i32 to index
      %parallel_loop3A_129 = arith.constant 16 : index
      %parallel_loop3A_130 = tpu.vector_load %arg14[%parallel_loop3A_128, %parallel_loop3A_129] {strides = array<i32>} : memref<80x144xf32, #tpu.memory_space<vmem>>, vector<16xf32>,
      tpu.vector_store %arg14[%parallel_loop3A_128, %parallel_loop3A_129], %parallel_loop3A_127 {strides = array<i32>} : memref<80x144xf32, #tpu.memory_space<vmem>>, vector<16xf32>,
      %parallel_loop3A_131 = arith.index_cast %parallel_loop3A_90 : i32 to index
      %parallel_loop3A_132 = arith.constant 32 : index
      %parallel_loop3A_133 = tpu.vector_load %arg11[%parallel_loop3A_131, %parallel_loop3A_132] {strides = array<i32>} : memref<80x128xbf16, #tpu.memory_space<vmem>>, vector<32xbf16>,
      %parallel_loop3A_134 = tpu.unpack_subelements %parallel_loop3A_133, 0 {pack_format = #tpu.pack_format<interleaved>} : vector<32xbf16> -> vector<16xf32>
      %parallel_loop3A_135 = tpu.unpack_subelements %parallel_loop3A_133, 1 {pack_format = #tpu.pack_format<interleaved>} : vector<32xbf16> -> vector<16xf32>
      %parallel_loop3A_136 = vector.extract_strided_slice %parallel_loop3A_108 {offsets = [2], sizes = [1], strides = [1]} : vector<16xf32> to vector<1xf32>
      %parallel_loop3A_137 = vector.extract %parallel_loop3A_136[0] : f32 from vector<1xf32>
      %parallel_loop3A_138 = vector.broadcast %parallel_loop3A_137 : f32 to vector<16xf32>
      %parallel_loop3A_139 = arith.mulf %parallel_loop3A_134, %parallel_loop3A_138 : vector<16xf32>
      %parallel_loop3A_140 = arith.index_cast %parallel_loop3A_90 : i32 to index
      %parallel_loop3A_141 = arith.constant 32 : index
      %parallel_loop3A_142 = tpu.vector_load %arg14[%parallel_loop3A_140, %parallel_loop3A_141] {strides = array<i32>} : memref<80x144xf32, #tpu.memory_space<vmem>>, vector<16xf32>,
      tpu.vector_store %arg14[%parallel_loop3A_140, %parallel_loop3A_141], %parallel_loop3A_139 {strides = array<i32>} : memref<80x144xf32, #tpu.memory_space<vmem>>, vector<16xf32>,
      %parallel_loop3A_143 = vector.extract_strided_slice %parallel_loop3A_108 {offsets = [3], sizes = [1], strides = [1]} : vector<16xf32> to vector<1xf32>
      %parallel_loop3A_144 = vector.extract %parallel_loop3A_143[0] : f32 from vector<1xf32>
      %parallel_loop3A_145 = vector.broadcast %parallel_loop3A_144 : f32 to vector<16xf32>
      %parallel_loop3A_146 = arith.mulf %parallel_loop3A_135, %parallel_loop3A_145 : vector<16xf32>
      %parallel_loop3A_147 = arith.index_cast %parallel_loop3A_90 : i32 to index
      %parallel_loop3A_148 = arith.constant 48 : index
      %parallel_loop3A_149 = tpu.vector_load %arg14[%parallel_loop3A_147, %parallel_loop3A_148] {strides = array<i32>} : memref<80x144xf32, #tpu.memory_space<vmem>>, vector<16xf32>,
      tpu.vector_store %arg14[%parallel_loop3A_147, %parallel_loop3A_148], %parallel_loop3A_146 {strides = array<i32>} : memref<80x144xf32, #tpu.memory_space<vmem>>, vector<16xf32>,
      %parallel_loop3A_150 = arith.index_cast %parallel_loop3A_90 : i32 to index
      %parallel_loop3A_151 = arith.constant 64 : index
      %parallel_loop3A_152 = tpu.vector_load %arg11[%parallel_loop3A_150, %parallel_loop3A_151] {strides = array<i32>} : memref<80x128xbf16, #tpu.memory_space<vmem>>, vector<32xbf16>,
      %parallel_loop3A_153 = tpu.unpack_subelements %parallel_loop3A_152, 0 {pack_format = #tpu.pack_format<interleaved>} : vector<32xbf16> -> vector<16xf32>
      %parallel_loop3A_154 = tpu.unpack_subelements %parallel_loop3A_152, 1 {pack_format = #tpu.pack_format<interleaved>} : vector<32xbf16> -> vector<16xf32>
      %parallel_loop3A_155 = vector.extract_strided_slice %parallel_loop3A_108 {offsets = [4], sizes = [1], strides = [1]} : vector<16xf32> to vector<1xf32>
      %parallel_loop3A_156 = vector.extract %parallel_loop3A_155[0] : f32 from vector<1xf32>
      %parallel_loop3A_157 = vector.broadcast %parallel_loop3A_156 : f32 to vector<16xf32>
      %parallel_loop3A_158 = arith.mulf %parallel_loop3A_153, %parallel_loop3A_157 : vector<16xf32>
      %parallel_loop3A_159 = arith.index_cast %parallel_loop3A_90 : i32 to index
      %parallel_loop3A_160 = arith.constant 64 : index
      %parallel_loop3A_161 = tpu.vector_load %arg14[%parallel_loop3A_159, %parallel_loop3A_160] {strides = array<i32>} : memref<80x144xf32, #tpu.memory_space<vmem>>, vector<16xf32>,
      tpu.vector_store %arg14[%parallel_loop3A_159, %parallel_loop3A_160], %parallel_loop3A_158 {strides = array<i32>} : memref<80x144xf32, #tpu.memory_space<vmem>>, vector<16xf32>,
      %parallel_loop3A_162 = vector.extract_strided_slice %parallel_loop3A_108 {offsets = [5], sizes = [1], strides = [1]} : vector<16xf32> to vector<1xf32>
      %parallel_loop3A_163 = vector.extract %parallel_loop3A_162[0] : f32 from vector<1xf32>
      %parallel_loop3A_164 = vector.broadcast %parallel_loop3A_163 : f32 to vector<16xf32>
      %parallel_loop3A_165 = arith.mulf %parallel_loop3A_154, %parallel_loop3A_164 : vector<16xf32>
      %parallel_loop3A_166 = arith.index_cast %parallel_loop3A_90 : i32 to index
      %parallel_loop3A_167 = arith.constant 80 : index
      %parallel_loop3A_168 = tpu.vector_load %arg14[%parallel_loop3A_166, %parallel_loop3A_167] {strides = array<i32>} : memref<80x144xf32, #tpu.memory_space<vmem>>, vector<16xf32>,
      tpu.vector_store %arg14[%parallel_loop3A_166, %parallel_loop3A_167], %parallel_loop3A_165 {strides = array<i32>} : memref<80x144xf32, #tpu.memory_space<vmem>>, vector<16xf32>,
      %parallel_loop3A_169 = arith.index_cast %parallel_loop3A_90 : i32 to index
      %parallel_loop3A_170 = arith.constant 96 : index
      %parallel_loop3A_171 = tpu.vector_load %arg11[%parallel_loop3A_169, %parallel_loop3A_170] {strides = array<i32>} : memref<80x128xbf16, #tpu.memory_space<vmem>>, vector<32xbf16>,
      %parallel_loop3A_172 = tpu.unpack_subelements %parallel_loop3A_171, 0 {pack_format = #tpu.pack_format<interleaved>} : vector<32xbf16> -> vector<16xf32>
      %parallel_loop3A_173 = tpu.unpack_subelements %parallel_loop3A_171, 1 {pack_format = #tpu.pack_format<interleaved>} : vector<32xbf16> -> vector<16xf32>
      %parallel_loop3A_174 = vector.extract_strided_slice %parallel_loop3A_108 {offsets = [6], sizes = [1], strides = [1]} : vector<16xf32> to vector<1xf32>
      %parallel_loop3A_175 = vector.extract %parallel_loop3A_174[0] : f32 from vector<1xf32>
      %parallel_loop3A_176 = vector.broadcast %parallel_loop3A_175 : f32 to vector<16xf32>
      %parallel_loop3A_177 = arith.mulf %parallel_loop3A_172, %parallel_loop3A_176 : vector<16xf32>
      %parallel_loop3A_178 = arith.index_cast %parallel_loop3A_90 : i32 to index
      %parallel_loop3A_179 = arith.constant 96 : index
      %parallel_loop3A_180 = tpu.vector_load %arg14[%parallel_loop3A_178, %parallel_loop3A_179] {strides = array<i32>} : memref<80x144xf32, #tpu.memory_space<vmem>>, vector<16xf32>,
      tpu.vector_store %arg14[%parallel_loop3A_178, %parallel_loop3A_179], %parallel_loop3A_177 {strides = array<i32>} : memref<80x144xf32, #tpu.memory_space<vmem>>, vector<16xf32>,
      %parallel_loop3A_181 = vector.extract_strided_slice %parallel_loop3A_108 {offsets = [7], sizes = [1], strides = [1]} : vector<16xf32> to vector<1xf32>
      %parallel_loop3A_182 = vector.extract %parallel_loop3A_181[0] : f32 from vector<1xf32>
      %parallel_loop3A_183 = vector.broadcast %parallel_loop3A_182 : f32 to vector<16xf32>
      %parallel_loop3A_184 = arith.mulf %parallel_loop3A_173, %parallel_loop3A_183 : vector<16xf32>
      %parallel_loop3A_185 = arith.index_cast %parallel_loop3A_90 : i32 to index
      %parallel_loop3A_186 = arith.constant 112 : index
      %parallel_loop3A_187 = tpu.vector_load %arg14[%parallel_loop3A_185, %parallel_loop3A_186] {strides = array<i32>} : memref<80x144xf32, #tpu.memory_space<vmem>>, vector<16xf32>,
      tpu.vector_store %arg14[%parallel_loop3A_185, %parallel_loop3A_186], %parallel_loop3A_184 {strides = array<i32>} : memref<80x144xf32, #tpu.memory_space<vmem>>, vector<16xf32>,
    } {sc.loop_unroll_factor = 1 : i64, sc.parallel_access}
    %dma_start3A_80 = arith.constant 0 : i32
    %dma_start3A_81 = arith.constant 0 : i32
    %dma_start3A_82 = tpu.memref_slice %arg23[%dma_start3A_80, %dma_start3A_81] : memref<10240x144xf32, #tpu.memory_space<vmem_shared>> -> memref<10240x144xf32, #tpu.memory_space<vmem_shared>>
    tpu.enqueue_indirect_dma source(%arg14 : memref<80x144xf32, #tpu.memory_space<vmem>>) target(%dma_start3A_82 : memref<10240x144xf32, #tpu.memory_space<vmem_shared>>) offsets(%arg15 : memref<80xi32, #tpu.memory_space<vmem>>) semaphore(%arg28 : memref<!tpu.dma_semaphore, #tpu.memory_space<semaphore_mem>>) {add = true}
    %dma_wait3A_83 = arith.constant 0 : i32
    %dma_wait3A_84 = arith.constant 0 : i32
    %dma_wait3A_85 = tpu.memref_slice %arg23[%dma_wait3A_83, %dma_wait3A_84] : memref<10240x144xf32, #tpu.memory_space<vmem_shared>> -> memref<10240x144xf32, #tpu.memory_space<vmem_shared>>
    tpu.wait_indirect_dma semaphore(%arg28 : memref<!tpu.dma_semaphore, #tpu.memory_space<semaphore_mem>>) src(%arg14 : memref<80x144xf32, #tpu.memory_space<vmem>>) dst(%dma_wait3A_85 : memref<10240x144xf32, #tpu.memory_space<vmem_shared>>)
    %dma_wait3A_86 = arith.constant 0 : i32
    %dma_wait3A_87 = arith.constant 0 : i32
    %dma_wait3A_88 = tpu.memref_slice %arg23[%dma_wait3A_86, %dma_wait3A_87] : memref<10240x144xf32, #tpu.memory_space<vmem_shared>> -> memref<10240x144xf32, #tpu.memory_space<vmem_shared>>
    tpu.wait_indirect_dma semaphore(%arg33 : memref<!tpu.dma_semaphore, #tpu.memory_space<semaphore_mem>>) src(%arg21 : memref<80x144xf32, #tpu.memory_space<vmem>>) dst(%dma_wait3A_88 : memref<10240x144xf32, #tpu.memory_space<vmem_shared>>)
    %barrier3A_89 = arith.constant 0 : index
    tpu.barrier barrier_id(%barrier3A_89)
    "tpu.region"() ({
      %run_scoped3A = tpu.sem_alloc : memref<!tpu.dma_semaphore, #tpu.memory_space<semaphore_mem>>
      %dma_start3A_90 = arith.constant 0 : i32
      %dma_start3A_91 = tpu.memref_slice %arg8[%arg0, %mul3A_2, %dma_start3A_90] : memref<2x10240x144xf32, #tpu.memory_space<hbm>> -> memref<1x640x144xf32, #tpu.memory_space<hbm>>
      %dma_start3A_92 = tpu.memref_squeeze %dma_start3A_91 : memref<1x640x144xf32, #tpu.memory_space<hbm>> -> memref<640x144xf32, #tpu.memory_space<hbm>>
      %dma_start3A_93 = arith.constant 0 : i32
      %dma_start3A_94 = tpu.memref_slice %arg23[%mul3A_2, %dma_start3A_93] : memref<10240x144xf32, #tpu.memory_space<vmem_shared>> -> memref<640x144xf32, #tpu.memory_space<vmem_shared>>
      tpu.enqueue_dma source(%dma_start3A_94 : memref<640x144xf32, #tpu.memory_space<vmem_shared>>) target(%dma_start3A_92 : memref<640x144xf32, #tpu.memory_space<hbm>>) target_semaphore(%run_scoped3A : memref<!tpu.dma_semaphore, #tpu.memory_space<semaphore_mem>>)
      %dma_wait3A_95 = arith.constant 0 : i32
      %dma_wait3A_96 = tpu.memref_slice %arg8[%arg0, %mul3A_2, %dma_wait3A_95] : memref<2x10240x144xf32, #tpu.memory_space<hbm>> -> memref<1x640x144xf32, #tpu.memory_space<hbm>>
      %dma_wait3A_97 = tpu.memref_squeeze %dma_wait3A_96 : memref<1x640x144xf32, #tpu.memory_space<hbm>> -> memref<640x144xf32, #tpu.memory_space<hbm>>
      %dma_wait3A_98 = arith.constant 0 : i32
      %dma_wait3A_99 = tpu.memref_slice %arg23[%mul3A_2, %dma_wait3A_98] : memref<10240x144xf32, #tpu.memory_space<vmem_shared>> -> memref<640x144xf32, #tpu.memory_space<vmem_shared>>
      tpu.wait_dma2 semaphore(%run_scoped3A : memref<!tpu.dma_semaphore, #tpu.memory_space<semaphore_mem>>) src(%dma_wait3A_99 : memref<640x144xf32, #tpu.memory_space<vmem_shared>>) dst(%dma_wait3A_97 : memref<640x144xf32, #tpu.memory_space<hbm>>)
      tpu.yield
    }) : () -> ()
    return
  }
}

module attributes {stable_mosaic.version = 14 : i64} {
  func.func @_proj_body(%arg0: i32, %arg1: memref<1000x128xf32, #tpu.memory_space<vmem>>, %arg2: memref<128x128xf32, #tpu.memory_space<vmem>>, %arg3: memref<128x8xf32, #tpu.memory_space<vmem>>, %arg4: memref<128x8xf32, #tpu.memory_space<vmem>>, %arg5: memref<1000x128xbf16, #tpu.memory_space<vmem>>, %arg6: memref<1000x16xf32, #tpu.memory_space<vmem>>, %arg7: memref<1000x16xf32, #tpu.memory_space<vmem>>) attributes {dimension_semantics = [#tpu.dimension_semantics<arbitrary>], iteration_bounds = array<i64: 10>, scalar_prefetch = 0 : i64, scratch_operands = 0 : i64, tpu.core_type = #tpu.core_type<tc>, window_params = [{transform_indices = @transform_0, window_bounds = array<i64: 1000, 128>}, {pipeline_mode = #tpu.pipeline_mode<synchronous>, transform_indices = @transform_1, window_bounds = array<i64: 128, 128>}, {pipeline_mode = #tpu.pipeline_mode<synchronous>, transform_indices = @transform_2, window_bounds = array<i64: 128, 8>}, {pipeline_mode = #tpu.pipeline_mode<synchronous>, transform_indices = @transform_3, window_bounds = array<i64: 128, 8>}, {transform_indices = @transform_4, window_bounds = array<i64: 1000, 128>}, {transform_indices = @transform_5, window_bounds = array<i64: 1000, 16>}, {transform_indices = @transform_6, window_bounds = array<i64: 1000, 16>}]} {
    %get3A = arith.constant 0 : index
    %get3A_0 = arith.constant 0 : index
    %get3A_1 = vector.load %arg1[%get3A, %get3A_0] : memref<1000x128xf32, #tpu.memory_space<vmem>>, vector<1000x128xf32>
    %get3A_2 = arith.constant 0 : index
    %get3A_3 = arith.constant 0 : index
    %get3A_4 = vector.load %arg2[%get3A_2, %get3A_3] : memref<128x128xf32, #tpu.memory_space<vmem>>, vector<128x128xf32>
    %dot_general3A = arith.constant dense<0.000000e+00> : vector<1000x128xf32>
    %dot_general3A_5 = tpu.matmul %get3A_1, %get3A_4, %dot_general3A {dimension_numbers = #tpu.dot_dimension_numbers<[1], [0], [0], [1], [0, 0, 1, 1], [], []>, transpose_lhs_hint = false} : vector<1000x128xf32>, vector<128x128xf32>, vector<1000x128xf32> -> vector<1000x128xf32>
    %get3A_6 = arith.constant 0 : index
    %get3A_7 = arith.constant 0 : index
    %get3A_8 = vector.load %arg3[%get3A_6, %get3A_7] : memref<128x8xf32, #tpu.memory_space<vmem>>, vector<128x8xf32>
    %dot_general3A_9 = arith.constant dense<0.000000e+00> : vector<1000x8xf32>
    %dot_general3A_10 = tpu.matmul %dot_general3A_5, %get3A_8, %dot_general3A_9 {dimension_numbers = #tpu.dot_dimension_numbers<[1], [0], [0], [1], [0, 0, 1, 1], [], []>, transpose_lhs_hint = false} : vector<1000x128xf32>, vector<128x8xf32>, vector<1000x8xf32> -> vector<1000x8xf32>
    %get3A_11 = arith.constant 0 : index
    %get3A_12 = arith.constant 0 : index
    %get3A_13 = vector.load %arg4[%get3A_11, %get3A_12] : memref<128x8xf32, #tpu.memory_space<vmem>>, vector<128x8xf32>
    %dot_general3A_14 = arith.constant dense<0.000000e+00> : vector<1000x8xf32>
    %dot_general3A_15 = tpu.matmul %dot_general3A_5, %get3A_13, %dot_general3A_14 {dimension_numbers = #tpu.dot_dimension_numbers<[1], [0], [0], [1], [0, 0, 1, 1], [], []>, transpose_lhs_hint = false} : vector<1000x128xf32>, vector<128x8xf32>, vector<1000x8xf32> -> vector<1000x8xf32>
    %broadcast_in_dim3A = arith.constant 0.000000e+00 : f32
    %broadcast_in_dim3A_16 = vector.broadcast %broadcast_in_dim3A : f32 to vector<1000x8xf32>
    %convert_element_type3A = arith.truncf %dot_general3A_5 : vector<1000x128xf32> to vector<1000x128xbf16>
    %swap3A = arith.constant 0 : index
    %swap3A_17 = arith.constant 0 : index
    %swap3A_18 = vector.load %arg5[%swap3A, %swap3A_17] : memref<1000x128xbf16, #tpu.memory_space<vmem>>, vector<1000x128xbf16>
    tpu.vector_store %arg5[%swap3A, %swap3A_17], %convert_element_type3A {strides = array<i32>} : memref<1000x128xbf16, #tpu.memory_space<vmem>>, vector<1000x128xbf16>,
    %concatenate3A = tpu.concatenate %dot_general3A_10, %broadcast_in_dim3A_16 in 1 : vector<1000x8xf32>, vector<1000x8xf32> -> vector<1000x16xf32>
    %swap3A_19 = arith.constant 0 : index
    %swap3A_20 = arith.constant 0 : index
    %swap3A_21 = vector.load %arg6[%swap3A_19, %swap3A_20] : memref<1000x16xf32, #tpu.memory_space<vmem>>, vector<1000x16xf32>
    tpu.vector_store %arg6[%swap3A_19, %swap3A_20], %concatenate3A {strides = array<i32>} : memref<1000x16xf32, #tpu.memory_space<vmem>>, vector<1000x16xf32>,
    %concatenate3A_22 = tpu.concatenate %dot_general3A_15, %broadcast_in_dim3A_16 in 1 : vector<1000x8xf32>, vector<1000x8xf32> -> vector<1000x16xf32>
    %swap3A_23 = arith.constant 0 : index
    %swap3A_24 = arith.constant 0 : index
    %swap3A_25 = vector.load %arg7[%swap3A_23, %swap3A_24] : memref<1000x16xf32, #tpu.memory_space<vmem>>, vector<1000x16xf32>
    tpu.vector_store %arg7[%swap3A_23, %swap3A_24], %concatenate3A_22 {strides = array<i32>} : memref<1000x16xf32, #tpu.memory_space<vmem>>, vector<1000x16xf32>,
    return
  }
  func.func @transform_0(%arg0: i32) -> (i32, i32) {
    %c0_i32 = arith.constant 0 : i32
    %c0_i32_0 = arith.constant 0 : i32
    return %arg0, %c0_i32 : i32, i32
  }
  func.func @transform_1(%arg0: i32) -> (i32, i32) {
    %c0_i32 = arith.constant 0 : i32
    %c0_i32_0 = arith.constant 0 : i32
    %c0_i32_1 = arith.constant 0 : i32
    return %c0_i32, %c0_i32_0 : i32, i32
  }
  func.func @transform_2(%arg0: i32) -> (i32, i32) {
    %c0_i32 = arith.constant 0 : i32
    %c0_i32_0 = arith.constant 0 : i32
    %c0_i32_1 = arith.constant 0 : i32
    return %c0_i32, %c0_i32_0 : i32, i32
  }
  func.func @transform_3(%arg0: i32) -> (i32, i32) {
    %c0_i32 = arith.constant 0 : i32
    %c0_i32_0 = arith.constant 0 : i32
    %c0_i32_1 = arith.constant 0 : i32
    return %c0_i32, %c0_i32_0 : i32, i32
  }
  func.func @transform_4(%arg0: i32) -> (i32, i32) {
    %c0_i32 = arith.constant 0 : i32
    %c0_i32_0 = arith.constant 0 : i32
    return %arg0, %c0_i32 : i32, i32
  }
  func.func @transform_5(%arg0: i32) -> (i32, i32) {
    %c0_i32 = arith.constant 0 : i32
    %c0_i32_0 = arith.constant 0 : i32
    return %arg0, %c0_i32 : i32, i32
  }
  func.func @transform_6(%arg0: i32) -> (i32, i32) {
    %c0_i32 = arith.constant 0 : i32
    %c0_i32_0 = arith.constant 0 : i32
    return %arg0, %c0_i32 : i32, i32
  }
}

module attributes {stable_mosaic.version = 14 : i64} {
  func.func @_finish_proj_body(%arg0: i32, %arg1: memref<2x1000x144xf32, #tpu.memory_space<vmem>>, %arg2: memref<8x128xf32, #tpu.memory_space<vmem>>, %arg3: memref<128x128xf32, #tpu.memory_space<vmem>>, %arg4: memref<128x8xf32, #tpu.memory_space<vmem>>, %arg5: memref<128x8xf32, #tpu.memory_space<vmem>>, %arg6: memref<1000x128xbf16, #tpu.memory_space<vmem>>, %arg7: memref<1000x16xf32, #tpu.memory_space<vmem>>, %arg8: memref<1000x16xf32, #tpu.memory_space<vmem>>) attributes {dimension_semantics = [#tpu.dimension_semantics<arbitrary>], iteration_bounds = array<i64: 10>, scalar_prefetch = 0 : i64, scratch_operands = 0 : i64, tpu.core_type = #tpu.core_type<tc>, window_params = [{transform_indices = @transform_0, window_bounds = array<i64: 2, 1000, 144>}, {pipeline_mode = #tpu.pipeline_mode<synchronous>, transform_indices = @transform_1, window_bounds = array<i64: 8, 128>}, {pipeline_mode = #tpu.pipeline_mode<synchronous>, transform_indices = @transform_2, window_bounds = array<i64: 128, 128>}, {pipeline_mode = #tpu.pipeline_mode<synchronous>, transform_indices = @transform_3, window_bounds = array<i64: 128, 8>}, {pipeline_mode = #tpu.pipeline_mode<synchronous>, transform_indices = @transform_4, window_bounds = array<i64: 128, 8>}, {transform_indices = @transform_5, window_bounds = array<i64: 1000, 128>}, {transform_indices = @transform_6, window_bounds = array<i64: 1000, 16>}, {transform_indices = @transform_7, window_bounds = array<i64: 1000, 16>}]} {
    %get3A = arith.constant 0 : index
    %get3A_0 = arith.constant 0 : index
    %get3A_1 = arith.constant 0 : index
    %get3A_2 = vector.load %arg1[%get3A, %get3A_0, %get3A_1] : memref<2x1000x144xf32, #tpu.memory_space<vmem>>, vector<1x1000x144xf32>
    %get3A_3 = vector.shape_cast %get3A_2 : vector<1x1000x144xf32> to vector<1000x144xf32>
    %get3A_4 = arith.constant 1 : index
    %get3A_5 = arith.constant 0 : index
    %get3A_6 = arith.constant 0 : index
    %get3A_7 = vector.load %arg1[%get3A_4, %get3A_5, %get3A_6] : memref<2x1000x144xf32, #tpu.memory_space<vmem>>, vector<1x1000x144xf32>
    %get3A_8 = vector.shape_cast %get3A_7 : vector<1x1000x144xf32> to vector<1000x144xf32>
    %add3A = arith.addf %get3A_3, %get3A_8 : vector<1000x144xf32>
    %slice3A = vector.extract_strided_slice %add3A {offsets = [0, 0], sizes = [1000, 128], strides = [1, 1]} : vector<1000x144xf32> to vector<1000x128xf32>
    %slice3A_9 = vector.extract_strided_slice %add3A {offsets = [0, 128], sizes = [1000, 8], strides = [1, 1]} : vector<1000x144xf32> to vector<1000x8xf32>
    %get3A_10 = arith.constant 0 : index
    %get3A_11 = arith.constant 0 : index
    %get3A_12 = vector.load %arg2[%get3A_10, %get3A_11] : memref<8x128xf32, #tpu.memory_space<vmem>>, vector<8x128xf32>
    %dot_general3A = arith.constant dense<0.000000e+00> : vector<1000x128xf32>
    %dot_general3A_13 = tpu.matmul %slice3A_9, %get3A_12, %dot_general3A {dimension_numbers = #tpu.dot_dimension_numbers<[1], [0], [0], [1], [0, 0, 1, 1], [], []>, transpose_lhs_hint = false} : vector<1000x8xf32>, vector<8x128xf32>, vector<1000x128xf32> -> vector<1000x128xf32>
    %add3A_14 = arith.constant 1.000000e-16 : f32
    %add3A_15 = vector.broadcast %add3A_14 : f32 to vector<1000x128xf32>
    %add3A_16 = arith.addf %dot_general3A_13, %add3A_15 : vector<1000x128xf32>
    %div3A = arith.divf %slice3A, %add3A_16 : vector<1000x128xf32>
    %gt3A = arith.constant 0.000000e+00 : f32
    %gt3A_17 = vector.broadcast %gt3A : f32 to vector<1000x128xf32>
    %gt3A_18 = arith.cmpf ogt, %div3A, %gt3A_17 : vector<1000x128xf32>
    %exp3A = math.exp %div3A : vector<1000x128xf32>
    %sub3A = arith.constant 1.000000e+00 : f32
    %sub3A_19 = vector.broadcast %sub3A : f32 to vector<1000x128xf32>
    %sub3A_20 = arith.subf %exp3A, %sub3A_19 : vector<1000x128xf32>
    %select_n3A = arith.select %gt3A_18, %div3A, %sub3A_20 : vector<1000x128xi1>, vector<1000x128xf32>
    %get3A_21 = arith.constant 0 : index
    %get3A_22 = arith.constant 0 : index
    %get3A_23 = vector.load %arg3[%get3A_21, %get3A_22] : memref<128x128xf32, #tpu.memory_space<vmem>>, vector<128x128xf32>
    %dot_general3A_24 = arith.constant dense<0.000000e+00> : vector<1000x128xf32>
    %dot_general3A_25 = tpu.matmul %select_n3A, %get3A_23, %dot_general3A_24 {dimension_numbers = #tpu.dot_dimension_numbers<[1], [0], [0], [1], [0, 0, 1, 1], [], []>, transpose_lhs_hint = false} : vector<1000x128xf32>, vector<128x128xf32>, vector<1000x128xf32> -> vector<1000x128xf32>
    %get3A_26 = arith.constant 0 : index
    %get3A_27 = arith.constant 0 : index
    %get3A_28 = vector.load %arg4[%get3A_26, %get3A_27] : memref<128x8xf32, #tpu.memory_space<vmem>>, vector<128x8xf32>
    %dot_general3A_29 = arith.constant dense<0.000000e+00> : vector<1000x8xf32>
    %dot_general3A_30 = tpu.matmul %dot_general3A_25, %get3A_28, %dot_general3A_29 {dimension_numbers = #tpu.dot_dimension_numbers<[1], [0], [0], [1], [0, 0, 1, 1], [], []>, transpose_lhs_hint = false} : vector<1000x128xf32>, vector<128x8xf32>, vector<1000x8xf32> -> vector<1000x8xf32>
    %get3A_31 = arith.constant 0 : index
    %get3A_32 = arith.constant 0 : index
    %get3A_33 = vector.load %arg5[%get3A_31, %get3A_32] : memref<128x8xf32, #tpu.memory_space<vmem>>, vector<128x8xf32>
    %dot_general3A_34 = arith.constant dense<0.000000e+00> : vector<1000x8xf32>
    %dot_general3A_35 = tpu.matmul %dot_general3A_25, %get3A_33, %dot_general3A_34 {dimension_numbers = #tpu.dot_dimension_numbers<[1], [0], [0], [1], [0, 0, 1, 1], [], []>, transpose_lhs_hint = false} : vector<1000x128xf32>, vector<128x8xf32>, vector<1000x8xf32> -> vector<1000x8xf32>
    %broadcast_in_dim3A = arith.constant 0.000000e+00 : f32
    %broadcast_in_dim3A_36 = vector.broadcast %broadcast_in_dim3A : f32 to vector<1000x8xf32>
    %convert_element_type3A = arith.truncf %dot_general3A_25 : vector<1000x128xf32> to vector<1000x128xbf16>
    %swap3A = arith.constant 0 : index
    %swap3A_37 = arith.constant 0 : index
    %swap3A_38 = vector.load %arg6[%swap3A, %swap3A_37] : memref<1000x128xbf16, #tpu.memory_space<vmem>>, vector<1000x128xbf16>
    tpu.vector_store %arg6[%swap3A, %swap3A_37], %convert_element_type3A {strides = array<i32>} : memref<1000x128xbf16, #tpu.memory_space<vmem>>, vector<1000x128xbf16>,
    %concatenate3A = tpu.concatenate %dot_general3A_30, %broadcast_in_dim3A_36 in 1 : vector<1000x8xf32>, vector<1000x8xf32> -> vector<1000x16xf32>
    %swap3A_39 = arith.constant 0 : index
    %swap3A_40 = arith.constant 0 : index
    %swap3A_41 = vector.load %arg7[%swap3A_39, %swap3A_40] : memref<1000x16xf32, #tpu.memory_space<vmem>>, vector<1000x16xf32>
    tpu.vector_store %arg7[%swap3A_39, %swap3A_40], %concatenate3A {strides = array<i32>} : memref<1000x16xf32, #tpu.memory_space<vmem>>, vector<1000x16xf32>,
    %concatenate3A_42 = tpu.concatenate %dot_general3A_35, %broadcast_in_dim3A_36 in 1 : vector<1000x8xf32>, vector<1000x8xf32> -> vector<1000x16xf32>
    %swap3A_43 = arith.constant 0 : index
    %swap3A_44 = arith.constant 0 : index
    %swap3A_45 = vector.load %arg8[%swap3A_43, %swap3A_44] : memref<1000x16xf32, #tpu.memory_space<vmem>>, vector<1000x16xf32>
    tpu.vector_store %arg8[%swap3A_43, %swap3A_44], %concatenate3A_42 {strides = array<i32>} : memref<1000x16xf32, #tpu.memory_space<vmem>>, vector<1000x16xf32>,
    return
  }
  func.func @transform_0(%arg0: i32) -> (i32, i32, i32) {
    %c0_i32 = arith.constant 0 : i32
    %c0_i32_0 = arith.constant 0 : i32
    %c0_i32_1 = arith.constant 0 : i32
    return %c0_i32, %arg0, %c0_i32_0 : i32, i32, i32
  }
  func.func @transform_1(%arg0: i32) -> (i32, i32) {
    %c0_i32 = arith.constant 0 : i32
    %c0_i32_0 = arith.constant 0 : i32
    %c0_i32_1 = arith.constant 0 : i32
    return %c0_i32, %c0_i32_0 : i32, i32
  }
  func.func @transform_2(%arg0: i32) -> (i32, i32) {
    %c0_i32 = arith.constant 0 : i32
    %c0_i32_0 = arith.constant 0 : i32
    %c0_i32_1 = arith.constant 0 : i32
    return %c0_i32, %c0_i32_0 : i32, i32
  }
  func.func @transform_3(%arg0: i32) -> (i32, i32) {
    %c0_i32 = arith.constant 0 : i32
    %c0_i32_0 = arith.constant 0 : i32
    %c0_i32_1 = arith.constant 0 : i32
    return %c0_i32, %c0_i32_0 : i32, i32
  }
  func.func @transform_4(%arg0: i32) -> (i32, i32) {
    %c0_i32 = arith.constant 0 : i32
    %c0_i32_0 = arith.constant 0 : i32
    %c0_i32_1 = arith.constant 0 : i32
    return %c0_i32, %c0_i32_0 : i32, i32
  }
  func.func @transform_5(%arg0: i32) -> (i32, i32) {
    %c0_i32 = arith.constant 0 : i32
    %c0_i32_0 = arith.constant 0 : i32
    return %arg0, %c0_i32 : i32, i32
  }
  func.func @transform_6(%arg0: i32) -> (i32, i32) {
    %c0_i32 = arith.constant 0 : i32
    %c0_i32_0 = arith.constant 0 : i32
    return %arg0, %c0_i32 : i32, i32
  }
  func.func @transform_7(%arg0: i32) -> (i32, i32) {
    %c0_i32 = arith.constant 0 : i32
    %c0_i32_0 = arith.constant 0 : i32
    return %arg0, %c0_i32 : i32, i32
  }
}

module attributes {stable_mosaic.version = 14 : i64} {
  func.func @_finish_body(%arg0: i32, %arg1: memref<2x1000x144xf32, #tpu.memory_space<vmem>>, %arg2: memref<8x128xf32, #tpu.memory_space<vmem>>, %arg3: memref<1000x128xf32, #tpu.memory_space<vmem>>) attributes {dimension_semantics = [#tpu.dimension_semantics<arbitrary>], iteration_bounds = array<i64: 10>, scalar_prefetch = 0 : i64, scratch_operands = 0 : i64, tpu.core_type = #tpu.core_type<tc>, window_params = [{transform_indices = @transform_0, window_bounds = array<i64: 2, 1000, 144>}, {pipeline_mode = #tpu.pipeline_mode<synchronous>, transform_indices = @transform_1, window_bounds = array<i64: 8, 128>}, {transform_indices = @transform_2, window_bounds = array<i64: 1000, 128>}]} {
    %get3A = arith.constant 0 : index
    %get3A_0 = arith.constant 0 : index
    %get3A_1 = arith.constant 0 : index
    %get3A_2 = vector.load %arg1[%get3A, %get3A_0, %get3A_1] : memref<2x1000x144xf32, #tpu.memory_space<vmem>>, vector<1x1000x144xf32>
    %get3A_3 = vector.shape_cast %get3A_2 : vector<1x1000x144xf32> to vector<1000x144xf32>
    %get3A_4 = arith.constant 1 : index
    %get3A_5 = arith.constant 0 : index
    %get3A_6 = arith.constant 0 : index
    %get3A_7 = vector.load %arg1[%get3A_4, %get3A_5, %get3A_6] : memref<2x1000x144xf32, #tpu.memory_space<vmem>>, vector<1x1000x144xf32>
    %get3A_8 = vector.shape_cast %get3A_7 : vector<1x1000x144xf32> to vector<1000x144xf32>
    %add3A = arith.addf %get3A_3, %get3A_8 : vector<1000x144xf32>
    %slice3A = vector.extract_strided_slice %add3A {offsets = [0, 0], sizes = [1000, 128], strides = [1, 1]} : vector<1000x144xf32> to vector<1000x128xf32>
    %slice3A_9 = vector.extract_strided_slice %add3A {offsets = [0, 128], sizes = [1000, 8], strides = [1, 1]} : vector<1000x144xf32> to vector<1000x8xf32>
    %get3A_10 = arith.constant 0 : index
    %get3A_11 = arith.constant 0 : index
    %get3A_12 = vector.load %arg2[%get3A_10, %get3A_11] : memref<8x128xf32, #tpu.memory_space<vmem>>, vector<8x128xf32>
    %dot_general3A = arith.constant dense<0.000000e+00> : vector<1000x128xf32>
    %dot_general3A_13 = tpu.matmul %slice3A_9, %get3A_12, %dot_general3A {dimension_numbers = #tpu.dot_dimension_numbers<[1], [0], [0], [1], [0, 0, 1, 1], [], []>, transpose_lhs_hint = false} : vector<1000x8xf32>, vector<8x128xf32>, vector<1000x128xf32> -> vector<1000x128xf32>
    %add3A_14 = arith.constant 1.000000e-16 : f32
    %add3A_15 = vector.broadcast %add3A_14 : f32 to vector<1000x128xf32>
    %add3A_16 = arith.addf %dot_general3A_13, %add3A_15 : vector<1000x128xf32>
    %div3A = arith.divf %slice3A, %add3A_16 : vector<1000x128xf32>
    %gt3A = arith.constant 0.000000e+00 : f32
    %gt3A_17 = vector.broadcast %gt3A : f32 to vector<1000x128xf32>
    %gt3A_18 = arith.cmpf ogt, %div3A, %gt3A_17 : vector<1000x128xf32>
    %exp3A = math.exp %div3A : vector<1000x128xf32>
    %sub3A = arith.constant 1.000000e+00 : f32
    %sub3A_19 = vector.broadcast %sub3A : f32 to vector<1000x128xf32>
    %sub3A_20 = arith.subf %exp3A, %sub3A_19 : vector<1000x128xf32>
    %select_n3A = arith.select %gt3A_18, %div3A, %sub3A_20 : vector<1000x128xi1>, vector<1000x128xf32>
    %swap3A = arith.constant 0 : index
    %swap3A_21 = arith.constant 0 : index
    %swap3A_22 = vector.load %arg3[%swap3A, %swap3A_21] : memref<1000x128xf32, #tpu.memory_space<vmem>>, vector<1000x128xf32>
    tpu.vector_store %arg3[%swap3A, %swap3A_21], %select_n3A {strides = array<i32>} : memref<1000x128xf32, #tpu.memory_space<vmem>>, vector<1000x128xf32>,
    return
  }
  func.func @transform_0(%arg0: i32) -> (i32, i32, i32) {
    %c0_i32 = arith.constant 0 : i32
    %c0_i32_0 = arith.constant 0 : i32
    %c0_i32_1 = arith.constant 0 : i32
    return %c0_i32, %arg0, %c0_i32_0 : i32, i32, i32
  }
  func.func @transform_1(%arg0: i32) -> (i32, i32) {
    %c0_i32 = arith.constant 0 : i32
    %c0_i32_0 = arith.constant 0 : i32
    %c0_i32_1 = arith.constant 0 : i32
    return %c0_i32, %c0_i32_0 : i32, i32
  }
  func.func @transform_2(%arg0: i32) -> (i32, i32) {
    %c0_i32 = arith.constant 0 : i32
    %c0_i32_0 = arith.constant 0 : i32
    return %arg0, %c0_i32 : i32, i32
  }
}

</mosaic_0001>

<sc_bundles>
// kernel: kernel.10.cloned.1.call-start
scs
__scs_entry_jumppad:
0x0: {  	(pc) =	sbr.rel $0x88, $3  }
0x1: {  	(tag) =	ssettag $0x0;
	lr =	simm.s32 $0x1  }
0x2: {  	[smem:$0x3F9D] =	sst lr;
	_ =	strace $0xD0000000  }
0x3: {  	_ = 	snop  }
0x4: {  	_ = 	snop  }
0x5: {  	_ = 	snop  }
0x6: {  	_ = 	snop  }
0x7: {  	_ = 	snop  }
__scs_overlays_trampoline_lowered:
0x8: {  	[smem:$0x3FAC] =	sst s0  }
0x9: {  	[smem:$0x3FAD] =	sst s1  }
0xa: {  	[smem:$0x3FAE] =	sst s2  }
0xb: {  	[smem:$0x3FAF] =	sst s3  }
0xc: {  	[smem:$0x3FB0] =	sst s4  }
0xd: {  	[smem:$0x3FB1] =	sst s5  }
0xe: {  	[smem:$0x3FB2] =	sst s6  }
0xf: {  	[smem:$0x3FB3] =	sst s7  }
0x10: {  	[smem:$0x3FB4] =	sst s8  }
0x11: {  	[smem:$0x3FB5] =	sst s9;
	s0 =	simm.s32 @!p0 $0x0  }
0x12: {  	s1 =	sld [smem:$0x3F9B];
	s0 =	simm.s32 @p0 $0x1  }
0x13: {  	[smem:$0x3FB6] =	sst s0;
	s0 =	simm.s32 @!p1 $0x0  }
0x14: {  	s2 =	sld [smem:$0x3F9A];
	s0 =	simm.s32 @p1 $0x1  }
0x15: {  	[smem:$0x3FB7] =	sst s0;
	s0 =	simm.s32 @!p2 $0x0  }
0x16: {  	s3 =	sld [smem:$0x3FDB];
	s0 =	simm.s32 @p2 $0x1  }
0x17: {  	s4 =	simm.s32 $0x1BF5;
	[smem:$0x3FB9] =	sst s0  }
0x18: {  	s0 =	sld [smem:$0x3F9C];
	_ =	swait.ge [sflag:s4], $0x0  }
0x19: {  	s7 =	sld [smem:$0x3F9D]  }
0x1a: {  	s8 =	sadd.s32 $0xFFFFE003, lr  }
0x1b: {  	s9 =	sadd.s32 $0xFFFFFEF7, lr;
	s5 =	simm.s32 $0xFFFFFFFF;
	p2 =	slt.u32 s8, $0xFFFFF086  }
0x1c: {  	p1 =	slt.u32 s9, $0xF7A;
	s5 =	simm.s32 @!p2 $0x0  }
0x1d: {  	s5 =	simm.s32 @p1 $0x1;
	p0 =	seq.s32 s7, s2  }
0x1e: {  	s7 =	smul.u32 @!p0 $0xF7A, s2;
	p2 =	seq.s32 @!p0 s5, $0x0  }
0x1f: {  	s9 =	smul.u32 $0xF7A, s1;
	s8 =	simm.s32 @!p0 $0x1BF5;
	p2 =	por !p2, p0  }
0x20: {  	[sflag:s8] =	ssyncset.s32 @!p0 $0xFFFFF086;
	s6 =	sadd.s32 @!p0 s3, s7;
	s7 =	simm.s32 @!p0 $0x108  }
0x21: {  	s3 =	sadd.s32 s3, s9;
	s6 =	sadd.s32 @!p0 $0x88, s6;
	s7 =	simm.s32 @p2 $0x1082  }
0x22: {  	[simem:s7], [sflag:s8] =	dma.local @!p0 [hbm:s6], $0xF7A  }
0x23: {  	s9 =	sor.u32 $0xD0000000, s2;
	s6 =	simm.s32 $0x108;
	_ =	swait.ge @!p0 [sflag:s8], $0x0  }
0x24: {  	s3 =	sadd.s32 $0x88, s3;
	s6 =	simm.s32 @!p1 $0x1082;
	[sflag:s4] =	ssyncset.s32 $0xFFFFF086  }
0x25: {  	[simem:s6], [sflag:s4] =	dma.local [hbm:s3], $0xF7A  }
0x26: {  	[smem:$0x3F9D] =	sst s1;
	(tag) =	ssettag s2;
	_ =	strace s9  }
0x27: {  	s1 =	sld [smem:$0x3FAD]  }
0x28: {  	s2 =	sld [smem:$0x3FAE]  }
0x29: {  	s4 =	sld [smem:$0x3FB0]  }
0x2a: {  	p0 =	seq.s32 s5, $0x0;
	s5 =	sld [smem:$0x3FB1]  }
0x2b: {  	s6 =	sld [smem:$0x3FB2]  }
0x2c: {  	s7 =	sld [smem:$0x3FB3]  }
0x2d: {  	s3 =	simm.s32 $0x108;
	s8 =	sld [smem:$0x3FB4]  }
0x2e: {  	s3 =	simm.s32 @!p0 $0x1082;
	s9 =	sld [smem:$0x3FB5]  }
0x2f: {  	lr =	sadd.s32 s0, s3;
	s0 =	sld [smem:$0x3FAC]  }
0x30: {  	s3 =	sld [smem:$0x3FAF]  }
0x31: {  	[smem:$0x3FB8] =	sst s10  }
0x32: {  	s10 =	sld [smem:$0x3FB6];
	_ =	sdelay $0x3  }
0x33: {  	p0 =	seq.s32 s10, $0x1;
	s10 =	sld [smem:$0x3FB8];
	_ =	sdelay $0x3  }
0x34: {  	[smem:$0x3FB8] =	sst s10  }
0x35: {  	s10 =	sld [smem:$0x3FB7];
	_ =	sdelay $0x3  }
0x36: {  	p1 =	seq.s32 s10, $0x1;
	s10 =	sld [smem:$0x3FB8];
	_ =	sdelay $0x3  }
0x37: {  	[smem:$0x3FB8] =	sst s10  }
0x38: {  	s10 =	sld [smem:$0x3FB9]  }
0x39: {  	_ = 	snop;
	(pc) =	sbr.ind lr, $3  }
0x3a: {  	_ = 	snop  }
0x3b: {  	_ = 	snop  }
0x3c: {  	p2 =	seq.s32 s10, $0x1;
	s10 =	sld [smem:$0x3FB8]  }
0x3d: {  	_ =	shalt  }
0x3e: {  	_ =	shalt  }
0x3f: {  	_ =	shalt  }
0x40: {  	_ =	shalt  }
0x41: {  	_ =	shalt  }
0x42: {  	_ =	shalt  }
0x43: {  	_ =	shalt  }
0x44: {  	_ =	shalt  }
0x45: {  	_ =	shalt  }
0x46: {  	_ =	shalt  }
0x47: {  	_ =	shalt  }
0x48: {  	_ =	shalt  }
0x49: {  	_ =	shalt  }
0x4a: {  	_ =	shalt  }
0x4b: {  	_ =	shalt  }
0x4c: {  	_ =	shalt  }
0x4d: {  	_ =	shalt  }
0x4e: {  	_ =	shalt  }
0x4f: {  	_ =	shalt  }
0x50: {  	_ =	shalt  }
0x51: {  	_ =	shalt  }
0x52: {  	_ =	shalt  }
0x53: {  	_ =	shalt  }
0x54: {  	_ =	shalt  }
0x55: {  	_ =	shalt  }
0x56: {  	_ =	shalt  }
0x57: {  	_ =	shalt  }
0x58: {  	_ =	shalt  }
0x59: {  	_ =	shalt  }
0x5a: {  	_ =	shalt  }
0x5b: {  	_ =	shalt  }
0x5c: {  	_ =	shalt  }
0x5d: {  	_ =	shalt  }
0x5e: {  	_ =	shalt  }
0x5f: {  	_ =	shalt  }
0x60: {  	_ =	shalt  }
0x61: {  	_ =	shalt  }
0x62: {  	_ =	shalt  }
0x63: {  	_ =	shalt  }
0x64: {  	_ =	shalt  }
0x65: {  	_ =	shalt  }
0x66: {  	_ =	shalt  }
0x67: {  	_ =	shalt  }
0x68: {  	_ =	shalt  }
0x69: {  	_ =	shalt  }
0x6a: {  	_ =	shalt  }
0x6b: {  	_ =	shalt  }
0x6c: {  	_ =	shalt  }
0x6d: {  	_ =	shalt  }
0x6e: {  	_ =	shalt  }
0x6f: {  	_ =	shalt  }
0x70: {  	_ =	shalt  }
0x71: {  	_ =	shalt  }
0x72: {  	_ =	shalt  }
0x73: {  	_ =	shalt  }
0x74: {  	_ =	shalt  }
0x75: {  	_ =	shalt  }
0x76: {  	_ =	shalt  }
0x77: {  	_ =	shalt  }
0x78: {  	_ =	shalt  }
0x79: {  	_ =	shalt  }
0x7a: {  	_ =	shalt  }
0x7b: {  	_ =	shalt  }
0x7c: {  	_ =	shalt  }
0x7d: {  	_ =	shalt  }
0x7e: {  	_ =	shalt  }
0x7f: {  	_ =	shalt  }
0x80: {  	_ =	shalt  }
0x81: {  	_ =	shalt  }
0x82: {  	_ =	shalt  }
0x83: {  	_ =	shalt  }
0x84: {  	_ =	shalt  }
0x85: {  	_ =	shalt  }
0x86: {  	_ =	shalt  }
0x87: {  	_ =	shalt  }
.Lfunc_end0:
.L_simem_size_0:
called_computation.1_lowered:
.L_overlay_start_0:
0x88: {  	s2 =	sld [smem:$0x3FD9]  }
0x89: {  	s3 =	sld [smem:$0x3FFE];
	_ =	sdelay $0x1  }
0x8a: {  	s1 =	srdreg.scid  }
0x8b: {  	s0 =	sand.u32 $0x1, s1  }
0x8c: {  	s17 =	sshll.u32 s0, $0xA;
	s2 =	sadd.s32 s3, s2  }
0x8d: {  	s2 =	sadd.s32 s2, s17  }
0x8e: {  	[smem:$0x3FC4] =	sst s2  }
0x8f: {  	_ = 	snop  }
0x90: {  	s2 =	sld [smem:$0x3FD0];
	(tm) =	ssettm $0x1  }
0x91: {  	s18 =	sld [smem:$0x3FFB];
	_ =	sdelay $0x3  }
0x92: {  	_ =	strace s18  }
0x93: {  	s3 =	sld [smem:$0x3FFC];
	_ =	sdelay $0x3  }
0x94: {  	_ =	strace s3  }
0x95: {  	s3 =	sld [smem:$0x3FFD];
	_ =	sdelay $0x3  }
0x96: {  	_ =	strace s3  }
0x97: {  	_ =	strace $0x8FFFFFFF  }
0x98: {  	s19 =	sld [smem:$0x3FDB];
	_ =	sdelay $0x1  }
0x99: {  	s4 =	simm.s32 $_scs_section_size  }
0x9a: {  	s5 =	simm.s32 $_size__tile_overlayer_lowered;
	s6 =	simm.s32 $_tile_overlayer_lowered  }
0x9b: {  	s22 =	simm.s32 $0x1BFF;
	s21 =	sshll.u32 s6, $0x1;
	s3 =	sadd.s32 s4, s19  }
0x9c: {  	s7 =	simm.s32 $0x0;
	s20 =	sshll.u32 s5, $0x1;
	s5 =	sadd.s32 s21, s3  }
0x9d: {  	[timem:s7], [sflag:s22] =	dma.local [hbm:s5], s20  }
0x9e: {  	_ =	swait.ge [sflag:s22], s20  }
0x9f: {  	s4 =	ssub.s32 $0x0, s20;
	[sflag:s22] =	ssyncset.done $0x0  }
0xa0: {  	[sflag:s22] =	ssyncadd.s32 s4;
	_ =	sdelay $0x1  }
0xa1: {  	s23 =	simm.s32 $0x1B8B  }
0xa2: {  	_ =	swait.ge [sflag:s23], $0x1  }
0xa3: {  	[sflag:s23] =	ssyncset.done $0x0  }
0xa4: {  	s25 =	simm.s32 $0x1B8E;
	s24 =	sld [smem:$0x3FFE];
	[sflag:s23] =	ssyncadd.s32 $0xFFFFFFFF  }
0xa5: {  	s26 =	simm.s32 $execute0_lowered;
	[smem:$0x3FD2] =	sst s25  }
0xa6: {  	s5 =	sshll.u32 s26, $0x1;
	_ =	strace $0x80000049;
	[dreg:$0x1] =	wrdreg $0xFFFFFFFF  }
0xa7: {  	s28 =	simm.s32 $_size_execute0_lowered;
	s3 =	sadd.s32 s3, s5;
	[dreg:$0x0] =	wrdreg $0x0  }
0xa8: {  	s5 =	sshll.u32 s28, $0x1;
	[dreg:$0x2] =	wrdreg s3  }
0xa9: {  	[dreg:$0x3] =	wrdreg s5  }
0xaa: {  	[dreg:$0x4] =	wrdreg $0xC0  }
0xab: {  	_ =	task [dreg:s7], $0x5FFFF  }
0xac: {  	[dreg:$0x1] =	wrdreg $0xFFFFFFFF  }
0xad: {  	[dreg:$0x0] =	wrdreg $0x60  }
0xae: {  	[dreg:$0x2] =	wrdreg s24  }
0xaf: {  	[dreg:$0x3] =	wrdreg s2  }
0xb0: {  	[dreg:$0x4] =	wrdreg $0x97E00  }
0xb1: {  	[dreg:$0x5] =	wrdreg $0x9  }
0xb2: {  	_ =	task.clear_ibuf [dreg:s7], $0x6FFFF;
	_ =	strace $0x90000049  }
0xb3: {  	s29 =	simm.s32 $0x9;
	_ =	strace $0x8000004B  }
0xb4: {  	_ =	swait.ge [sflag:s29], $0x1  }
0xb5: {  	[sflag:s29] =	ssyncadd.s32 $0xFFFFFFFF  }
0xb6: {  	_ =	strace $0x9000004B  }
0xb7: {  	_ =	sfence  }
0xb8: {  	s30 =	sld [smem:$0x0];
	_ =	sdelay $0x2  }
0xb9: {  	s31 =	sshll.u32 s1, $0xD;
	s1 =	sshrl.u32 s1, $0x2  }
0xba: {  	s3 =	sand.u32 $0x4000, s31;
	s1 =	sadd.s32 s1, s30  }
0xbb: {  	s0 =	sor.u32 s3, s0;
	s1 =	sshll.u32 s1, $0x11  }
0xbc: {  	s0 =	sor.u32 s1, s0  }
0xbd: {  	s0 =	sadd.s32 $0x8F2B, s0  }
0xbe: {  	[sflag:s0] =	ssyncadd.remote.s32 $0x1  }
0xbf: {  	_ =	sfence.sel $0xFFFF  }
0xc0: {  	[dreg:$0x0] =	wrdreg $0xFFFFFFFF;
	(pc) =	sbr.abs _section_cstart, $3  }
0xc1: {  	[dreg:$0x1] =	wrdreg $0xFFFFFFFF  }
0xc2: {  	_ =	task.clear_ibuf [dreg:s7], $0x2FFFF;
	_ =	strace $0x9FFFFFFF  }
0xc3: {  	(tm) =	ssettm $0x7FFFFFFF  }
tec
execute0_lowered:
.L_overlay_start_1:
0x0: {  	(tag) =	ssettag $0x1  }
0x1: {  	s0 =	rddreg [dreg:$0x0]  }
0x2: {  	s31 =	rddreg [dreg:$0x1]  }
0x3: {  	s2 =	rddreg [dreg:$0x2]  }
0x4: {  	s1 =	simm.s32 $0x0;
	s20 =	srdreg.scid;
	s11 =	stileid.u32  }
0x5: {  	s29 =	simm.s32 $0x6;
	s14 =	simm.s32 $0x7;
	s17 =	simm.s32 $0x8  }
0x6: {  	s18 =	simm.s32 $0x9;
	[smem:$0x7FF] =	sst s1;
	s1 =	sand.u32 $0x1, s20  }
0x7: {  	s3 =	smul.u32 $0x16800, s11;
	s5 =	sadd.s32 $0xAC00, s0;
	s6 =	sadd.s32 $0xE00, s0  }
0x8: {  	s7 =	sadd.s32 $0x14A00, s0;
	s8 =	sadd.s32 $0x19A00, s0;
	s12 =	sadd.s32 $0x1EA00, s0  }
0x9: {  	s16 =	smov.u32 s2;
	s21 =	sshll.u32 s11, $0x6;
	_ =	strace $0x8000004A  }
0xa: {  	s4 =	smul.u32 $0x168000, s1;
	s9 =	sshll.u32 s1, $0x4;
	s1 =	ssub.s32 $0x2, s1  }
0xb: {  	[dreg:$0x4] =	wrdreg s12;
	s9 =	sor.u32 s11, s9;
	s10 =	sshrl.u32 s1, $0x1  }
0xc: {  	s11 =	simm.s32 $0x4;
	s4 =	sadd.s32 s3, s4;
	s9 =	smul.u32 $0x2710, s9  }
0xd: {  	s1 =	ssub.s32 s1, s10;
	s3 =	sadd.s32 s3, s2;
	s2 =	sor.u32 $0x1C0B, s21  }
0xe: {  	s21 =	simm.s32 $0x50;
	s30 =	smax.u32 s1, $0x1;
	[dreg:$0x5] =	wrdreg s2  }
0xf: {  	s4 =	sshrl.u32 s4, $0x3;
	s1 =	sshrl.u32 s3, $0x3;
	[dreg:$0xd] =	wrdreg s30  }
0x10: {  	s3 =	simm.s32 $0x2;
	s26 =	sadd.s32 $0xA0, s9;
	[dreg:$0xe] =	wrdreg s1  }
0x11: {  	s22 =	sshrl.u32 s9, $0x3;
	s28 =	sadd.s32 $0xF0, s9;
	[dreg:$0xa] =	wrdreg s26  }
0x12: {  	s0 =	sadd.s32 s4, s0;
	s23 =	sadd.s32 s5, s22;
	[dreg:$0xb] =	wrdreg s28  }
0x13: {  	s9 =	simm.s32 $0x3;
	s10 =	sadd.s32 s6, s22;
	[dreg:$0x6] =	wrdreg s23  }
0x14: {  	s24 =	sadd.s32 $0xA, s22;
	s0 =	sadd.s32 $0x21800, s0;
	[dreg:$0x7] =	wrdreg s10  }
0x15: {  	s25 =	sadd.s32 s5, s24;
	s4 =	sadd.s32 s6, s24;
	[dreg:$0xc] =	wrdreg s0  }
0x16: {  	s23 =	simm.s32 $0x4C40;
	s24 =	simm.s32 $0x1;
	[dreg:$0x8] =	wrdreg s25  }
0x17: {  	s10 =	simm.s32 $0x0;
	[dreg:$0x9] =	wrdreg s4;
	s4 =	simm.s32 $0xB  }
.LBB2_1:
0x18: {  	[dreg:$0xf] =	wrdreg s10  }
0x19: {  	s0 =	rddreg [dreg:$0x4]  }
0x1a: {  	[spmem:s1], [sflag:s2] =	dma.local [hbm:s0], $0x2D00  }
0x1b: {  	_ =	swait.ge [sflag:s4], $0x2D00  }
0x1c: {  	[sflag:s4] =	ssyncset.done $0x0  }
0x1d: {  	[sflag:s4] =	ssyncadd.s32 $0xFFFFD300  }
0x1e: {  	[bflag:$0x0] =	sbarrier.arrive $0xFFFF  }
0x1f: {  	s13 =	simm.s32 $0x0;
	s15 =	rddreg [dreg:$0x6]  }
0x20: {  	[tilespmem:s13], [sflag:$0x1] =	stream.linear.gather [hbm4b:s15+s13], $0x50, $0x38;
	v63 =	vld [tilespmem:$0x0]  }
0x21: {  	s19 =	rddreg [dreg:$0x7]  }
0x22: {  	[tilespmem:s21], [sflag:$0x1] =	stream.linear.gather [hbm4b:s19+s13], $0x50, $0x38;
	v63 =	vld [tilespmem:$0x0]  }
0x23: {  	s22 =	simm.s32 $0x4BF0;
	s20 =	rddreg [dreg:$0x8]  }
0x24: {  	[tilespmem:s22], [sflag:$0x6] =	stream.linear.gather [hbm4b:s20+s13], $0x50, $0x38;
	v63 =	vld [tilespmem:$0x0]  }
0x25: {  	s25 =	rddreg [dreg:$0x9]  }
0x26: {  	[tilespmem:s23], [sflag:$0x6] =	stream.linear.gather [hbm4b:s25+s13], $0x50, $0x38;
	v63 =	vld [tilespmem:$0x0]  }
0x27: {  	_ =	swait.ge [sflag:s24], $0x50  }
0x28: {  	[sflag:s24] =	ssyncset.done $0x0  }
0x29: {  	[sflag:s24] =	ssyncadd.s32 $0xFFFFFFB0  }
0x2a: {  	_ =	swait.ge [sflag:s24], $0x50  }
0x2b: {  	[sflag:s24] =	ssyncset.done $0x0  }
0x2c: {  	s26 =	simm.s32 $0xA0;
	[sflag:s24] =	ssyncadd.s32 $0xFFFFFFB0  }
0x2d: {  	[tilespmem:s26], [sflag:$0x2] =	stream.indirect.gather [hbm4b:s31+s21], $0x40, s21, s21, $0xb8;
	v63 =	vld [tilespmem:$0x0]  }
0x2e: {  	s28 =	simm.s32 $0x14A0  }
0x2f: {  	[tilespmem:s28], [sflag:$0x3] =	stream.indirect.gather [hbm4b:s7+s21], $0x10, s13, s21, $0xb8;
	v63 =	vld [tilespmem:$0x0]  }
0x30: {  	s30 =	simm.s32 $0x19A0;
	s20 =	simm.s32 $0x0  }
0x31: {  	[tilespmem:s30], [sflag:$0x4] =	stream.indirect.gather [hbm4b:s8+s21], $0x10, s21, s21, $0xb8;
	v63 =	vld [tilespmem:$0x0]  }
.LBB2_2:
0x32: {  	_ =	swait.ge [sflag:s29], $0x50  }
0x33: {  	[sflag:s29] =	ssyncset.done $0x0  }
0x34: {  	[sflag:s29] =	ssyncadd.s32 $0xFFFFFFB0  }
0x35: {  	_ =	swait.ge [sflag:s29], $0x50  }
0x36: {  	[sflag:s29] =	ssyncset.done $0x0  }
0x37: {  	s0 =	simm.s32 $0x4C90;
	[sflag:s29] =	ssyncadd.s32 $0xFFFFFFB0  }
0x38: {  	[tilespmem:s0], [sflag:$0x7] =	stream.indirect.gather [hbm4b:s31+s21], $0x40, s23, s21, $0xb8;
	v63 =	vld [tilespmem:$0x0]  }
0x39: {  	s19 =	simm.s32 $0x4BF0;
	s1 =	simm.s32 $0x6090  }
0x3a: {  	[tilespmem:s1], [sflag:$0x8] =	stream.indirect.gather [hbm4b:s7+s21], $0x10, s19, s21, $0xb8;
	v63 =	vld [tilespmem:$0x0]  }
0x3b: {  	s22 =	simm.s32 $0x6590  }
0x3c: {  	[tilespmem:s22], [sflag:$0x9] =	stream.indirect.gather [hbm4b:s8+s21], $0x10, s23, s21, $0xb8;
	v63 =	vld [tilespmem:$0x0]  }
0x3d: {  	_ =	swait.ge [sflag:s3], $0x1400  }
0x3e: {  	[sflag:s3] =	ssyncset.done $0x0  }
0x3f: {  	[sflag:s3] =	ssyncadd.s32 $0xFFFFEC00  }
0x40: {  	_ =	swait.ge [sflag:s9], $0x500  }
0x41: {  	[sflag:s9] =	ssyncset.done $0x0  }
0x42: {  	[sflag:s9] =	ssyncadd.s32 $0xFFFFFB00  }
0x43: {  	_ =	swait.ge [sflag:s11], $0x500  }
0x44: {  	p0 =	seq.s32 s20, $0x0;
	[sflag:s11] =	ssyncset.done $0x0  }
0x45: {  	s0 =	simm.s32 @!p0 $0x5;
	[sflag:s11] =	ssyncadd.s32 $0xFFFFFB00  }
0x46: {  	_ =	swait.ge @!p0 [sflag:s0], $0x2D00  }
0x47: {  	[sflag:s0] =	ssyncset.done @!p0 $0x0  }
0x48: {  	[sflag:s0] =	ssyncadd.s32 @!p0 $0xFFFFD300  }
0x49: {  	v0 =	vld [tilespmem:$0x0]  }
0x4a: {  	v1 =	vld [tilespmem:$0x10]  }
0x4b: {  	v2 =	vld [tilespmem:$0x20]  }
0x4c: {  	v3 =	vld [tilespmem:$0x30]  }
0x4d: {  	v4 =	vld [tilespmem:$0x40]  }
0x4e: {  	s30 =	smul.u32 $0xA0, s20;
	[tilespmem:$0x4BA0] =	vst v0  }
0x4f: {  	s25 =	rddreg [dreg:$0xa];
	[tilespmem:$0x4BB0] =	vst v1  }
0x50: {  	s0 =	sadd.s32 s30, s25;
	[tilespmem:$0x4BC0] =	vst v2  }
0x51: {  	s0 =	sshrl.u32 s0, $0x3;
	[tilespmem:$0x4BD0] =	vst v3  }
0x52: {  	s4 =	simm.s32 $0x0;
	s26 =	sadd.s32 s5, s0;
	[tilespmem:$0x4BE0] =	vst v4  }
0x53: {  	[tilespmem:s4], [sflag:$0x1] =	stream.linear.gather [hbm4b:s26+s4], $0x50, $0x38;
	v63 =	vld [tilespmem:$0x0]  }
0x54: {  	s1 =	simm.s32 $0x0;
	s0 =	sadd.s32 s6, s0  }
0x55: {  	[tilespmem:s21], [sflag:$0x1] =	stream.linear.gather [hbm4b:s0+s4], $0x50, $0x38;
	v63 =	vld [tilespmem:$0x0]  }
0x56: {  	v0 =	vld [tilespmem:s1+$0x19A0]  }
0x57: {  	v1 =	vld [tilespmem:s1+$0x14A0];
	_ =	sdelay $0x3  }
0x58: {  	s2 =	simm.s32 $0x10  }
0x59: {  	v2 =	vld [tilespmem:s2+$0x14A0];
	v0 =	vadd.f32 v0, v1  }
0x5a: {  	v1 =	vld [tilespmem:s2+$0x19A0]  }
0x5b: {  	v3 =	vmul.f32 $2.000000030e-01, v0  }
0x5c: {  	vm0 =	vge.f32 v0, $0.0e+00  }
0x5d: {  	s4 =	simm.s32 $0x20;
	v0 =	vsel vm0, v0, v3  }
0x5e: {  	v3 =	vld [tilespmem:s4+$0x14A0];
	v0 =	vsub.f32 $0.0e+00, v0  }
0x5f: {  	v1 =	vadd.f32 v1, v2;
	v2 =	vld [tilespmem:s4+$0x19A0]  }
0x60: {  	v0 =	vmul.f32 $1.442695020e+00, v0  }
0x61: {  	v4 =	vmul.f32 $2.000000030e-01, v1  }
0x62: {  	vm0 =	vge.f32 v1, $0.0e+00;
	(erf) = vpow2.f32 v0  }
0x63: {  	v0 =	vsel vm0, v1, v4  }
0x64: {  	s10 =	simm.s32 $0x30;
	v0 =	vsub.f32 $0.0e+00, v0;
	v1 =	vadd.f32 v2, v3  }
0x65: {  	v4 =	vld [tilespmem:s10+$0x14A0]  }
0x66: {  	s13 =	simm.s32 $0x50;
	v2 =	vld [tilespmem:s10+$0x19A0];
	v0 =	vmul.f32 $1.442695020e+00, v0;
	v3 =	vmul.f32 $2.000000030e-01, v1  }
0x67: {  	v17 =	vld [tilespmem:s13+$0x19A0];
	vm0 =	vge.f32 v1, $0.0e+00  }
0x68: {  	v19 =	vld [tilespmem:s13+$0x14A0];
	(erf) = vpow2.f32 v0;
	v0 =	vsel vm0, v1, v3  }
0x69: {  	v0 =	vsub.f32 $0.0e+00, v0;
	_ =	sdelay $0x1  }
0x6a: {  	s25 =	simm.s32 $0x1EE0;
	v1 =	vadd.f32 v2, v4;
	v0 =	vmul.f32 $1.442695020e+00, v0;
	v3 =	vpop (erf)  }
0x6b: {  	s10 =	simm.s32 $0xC0;
	[tilespmem:s25+$0x40] =	vst v3  }
0x6c: {  	s12 =	simm.s32 $0x40;
	v17 =	vadd.f32 v17, v19;
	(erf) = vpow2.f32 v0;
	v0 =	vmul.f32 $2.000000030e-01, v1;
	v2 =	vld [tilespmem:s10+$0xFFFFFFE0]  }
0x6d: {  	v5 =	vld [tilespmem:s12+$0x14A0];
	vm0 =	vge.f32 v1, $0.0e+00  }
0x6e: {  	v19 =	vmul.f32 $2.000000030e-01, v17;
	v4 =	vld [tilespmem:s12+$0x19A0];
	v6 =	vbroadcast v3, $0x0;
	v0 =	vsel vm0, v1, v0  }
0x6f: {  	v7 =	vbroadcast v3, $0x1;
	v15 =	vbroadcast v3, $0x5;
	v0 =	vsub.f32 $0.0e+00, v0  }
0x70: {  	v20 =	vbroadcast v3, $0x6;
	v22 =	vbroadcast v3, $0x7  }
0x71: {  	s26 =	simm.s32 $0x1F70;
	v18 =	vbroadcast v3, $0x3;
	v12 =	vpop (erf);
	v0 =	vmul.f32 $1.442695020e+00, v0;
	v1 =	vunpack.i.l.bf16.f32 v2  }
0x72: {  	s4 =	simm.s32 $0x100;
	v29 =	vbroadcast v3, $0x4;
	[tilespmem:s26+$0x40] =	vst v12;
	v2 =	vunpack.i.u.bf16.f32 v2;
	v1 =	vmul.f32 v6, v1  }
0x73: {  	v4 =	vadd.f32 v4, v5;
	v2 =	vmul.f32 v7, v2;
	(erf) = vpow2.f32 v0;
	v0 =	vld [tilespmem:s4+$0xFFFFFFE0]  }
0x74: {  	v8 =	vbroadcast v12, $0x0;
	v9 =	vbroadcast v12, $0x1;
	[tilespmem:s25+$0xFFFFFFC0] =	vst v1  }
0x75: {  	v24 =	vbroadcast v12, $0x5;
	v1 =	vmul.f32 $2.000000030e-01, v4;
	[tilespmem:s25+$0xFFFFFFD0] =	vst v2  }
0x76: {  	vm0 =	vge.f32 v4, $0.0e+00;
	v13 =	vbroadcast v12, $0x6;
	v14 =	vbroadcast v12, $0x7;
	v2 =	vld [tilespmem:s10+$0xFFFFFFF0]  }
0x77: {  	v27 =	vbroadcast v12, $0x2;
	v33 =	vbroadcast v12, $0x4;
	v10 =	vpop (erf);
	v4 =	vsel vm0, v4, v1  }
0x78: {  	v7 =	vbroadcast v10, $0x0;
	v4 =	vsub.f32 $0.0e+00, v4;
	v6 =	vunpack.i.l.bf16.f32 v0  }
0x79: {  	v16 =	vbroadcast v10, $0x1;
	v6 =	vmul.f32 v8, v6  }
0x7a: {  	s15 =	smov.u32 s31;
	s31 =	simm.s32 $0x2000;
	v0 =	vunpack.i.u.bf16.f32 v0;
	v8 =	vbroadcast v3, $0x2;
	v4 =	vmul.f32 $1.442695020e+00, v4  }
0x7b: {  	s28 =	simm.s32 $0x140;
	[tilespmem:s31+$0x40] =	vst v10;
	v0 =	vmul.f32 v9, v0;
	v9 =	vunpack.i.u.bf16.f32 v2;
	v2 =	vunpack.i.l.bf16.f32 v2  }
0x7c: {  	[tilespmem:s26+$0xFFFFFFC0] =	vst v6;
	(erf) = vpow2.f32 v4;
	v4 =	vld [tilespmem:s28+$0xFFFFFFE0];
	v2 =	vmul.f32 v2, v8  }
0x7d: {  	v11 =	vbroadcast v10, $0x5;
	[tilespmem:s26+$0xFFFFFFD0] =	vst v0;
	v8 =	vmul.f32 v9, v18  }
0x7e: {  	v5 =	vbroadcast v10, $0x7;
	v1 =	vbroadcast v10, $0x6;
	v18 =	vld [tilespmem:s4+$0xFFFFFFF0];
	v6 =	vpop (erf);
	[tilespmem:s25+$0xFFFFFFE0] =	vst v2  }
0x7f: {  	vm0 =	vge.f32 v17, $0.0e+00;
	v21 =	vbroadcast v6, $0x0;
	v23 =	vbroadcast v6, $0x1;
	[tilespmem:s25+$0xFFFFFFF0] =	vst v8  }
0x80: {  	v17 =	vsel vm0, v17, v19;
	v9 =	vbroadcast v6, $0x5;
	v0 =	vbroadcast v6, $0x6;
	v26 =	vld [tilespmem:s10+$0x0]  }
0x81: {  	s19 =	simm.s32 $0x60;
	v2 =	vbroadcast v6, $0x7;
	v25 =	vunpack.i.u.bf16.f32 v4;
	v4 =	vunpack.i.l.bf16.f32 v4  }
0x82: {  	s0 =	simm.s32 $0x2090;
	v28 =	vld [tilespmem:s19+$0x19A0];
	v8 =	vbroadcast v12, $0x3;
	v4 =	vmul.f32 v7, v4;
	v7 =	vsub.f32 $0.0e+00, v17  }
0x83: {  	[tilespmem:s0+$0x40] =	vst v6;
	v17 =	vunpack.i.l.bf16.f32 v18;
	v18 =	vunpack.i.u.bf16.f32 v18;
	v16 =	vmul.f32 v16, v25;
	v25 =	vld [tilespmem:s19+$0x14A0]  }
0x84: {  	v17 =	vmul.f32 v17, v27;
	v27 =	vmul.f32 v18, v8;
	[tilespmem:s31+$0xFFFFFFC0] =	vst v4  }
0x85: {  	s19 =	simm.s32 $0x180;
	v4 =	vmul.f32 $1.442695020e+00, v7;
	[tilespmem:s31+$0xFFFFFFD0] =	vst v16;
	v16 =	vunpack.i.u.bf16.f32 v26;
	v26 =	vunpack.i.l.bf16.f32 v26  }
0x86: {  	v30 =	vld [tilespmem:s19+$0xFFFFFFE0];
	[tilespmem:s26+$0xFFFFFFE0] =	vst v17;
	v17 =	vmul.f32 v26, v29;
	v15 =	vmul.f32 v16, v15  }
0x87: {  	v31 =	vld [tilespmem:s28+$0xFFFFFFF0];
	[tilespmem:s26+$0xFFFFFFF0] =	vst v27;
	v16 =	vbroadcast v10, $0x3;
	v29 =	vbroadcast v10, $0x2;
	v7 =	vpop (erf)  }
0x88: {  	(erf) = vpow2.f32 v4;
	v27 =	vld [tilespmem:s4+$0x0];
	v19 =	vbroadcast v7, $0x0;
	v25 =	vadd.f32 v28, v25  }
0x89: {  	v18 =	vbroadcast v7, $0x1;
	v8 =	vbroadcast v7, $0x5  }
0x8a: {  	v3 =	vbroadcast v7, $0x6;
	v26 =	vmul.f32 $2.000000030e-01, v25  }
0x8b: {  	v4 =	vbroadcast v7, $0x7;
	v28 =	vunpack.i.l.bf16.f32 v30;
	vm0 =	vge.f32 v25, $0.0e+00  }
0x8c: {  	s22 =	simm.s32 $0x70;
	[tilespmem:s25+$0x10] =	vst v15;
	v15 =	vunpack.i.u.bf16.f32 v30;
	v21 =	vmul.f32 v21, v28;
	v25 =	vsel vm0, v25, v26  }
0x8d: {  	v30 =	vld [tilespmem:s22+$0x19A0];
	v26 =	vunpack.i.u.bf16.f32 v31;
	v34 =	vunpack.i.u.bf16.f32 v27;
	v27 =	vunpack.i.l.bf16.f32 v27  }
0x8e: {  	[tilespmem:s25+$0x0] =	vst v17;
	v28 =	vld [tilespmem:s22+$0x14A0];
	v17 =	vsub.f32 $0.0e+00, v25;
	v25 =	vmul.f32 v23, v15;
	v15 =	vunpack.i.l.bf16.f32 v31  }
0x8f: {  	v32 =	vmul.f32 v26, v16;
	v27 =	vmul.f32 v27, v33  }
0x90: {  	v31 =	vld [tilespmem:s10+$0x10];
	s10 =	simm.s32 $0x2120;
	v62 =	vmul.f32 v34, v24;
	v24 =	vbroadcast v6, $0x3  }
0x91: {  	s12 =	simm.s32 $0x1C0;
	v29 =	vmul.f32 v15, v29;
	[tilespmem:s10+$0x40] =	vst v7;
	v16 =	vmul.f32 $1.442695020e+00, v17;
	v15 =	vpop (erf)  }
0x92: {  	[tilespmem:s0+$0xFFFFFFC0] =	vst v21;
	v26 =	vld [tilespmem:s12+$0xFFFFFFE0];
	v23 =	vbroadcast v15, $0x0;
	v21 =	vbroadcast v15, $0x1  }
0x93: {  	[tilespmem:s0+$0xFFFFFFD0] =	vst v25;
	v28 =	vadd.f32 v30, v28;
	(erf) = vpow2.f32 v16;
	v16 =	vbroadcast v15, $0x5  }
0x94: {  	[tilespmem:s31+$0xFFFFFFF0] =	vst v32;
	v25 =	vld [tilespmem:s19+$0xFFFFFFF0];
	v17 =	vbroadcast v15, $0x6;
	v12 =	vbroadcast v15, $0x7  }
0x95: {  	[tilespmem:s31+$0xFFFFFFE0] =	vst v29;
	v30 =	vmul.f32 $2.000000030e-01, v28;
	v29 =	vunpack.i.u.bf16.f32 v31;
	v31 =	vunpack.i.l.bf16.f32 v31  }
0x96: {  	s1 =	simm.s32 $0x200;
	s13 =	simm.s32 $0x200;
	s22 =	simm.s32 $0x21B0;
	[tilespmem:s26+$0x10] =	vst v62;
	vm0 =	vge.f32 v28, $0.0e+00;
	v29 =	vmul.f32 v29, v22;
	v22 =	vld [tilespmem:s28+$0x0];
	v20 =	vmul.f32 v31, v20  }
.LBB2_3:
0x97: {  	v31 =	vunpack.i.u.bf16.f32 v26;
	v26 =	vunpack.i.l.bf16.f32 v26;
	v32 =	vbroadcast v6, $0x2;
	v33 =	vmovc v1;
	v1 =	vmovc v0  }
0x98: {  	s2 =	sshra.s32 s1, $0x2;
	p1 =	sne.s32 s1, $0x13C0;
	s1 =	sadd.s32 $0x40, s1;
	[tilespmem:s25+$0x30] =	vst v29;
	v0 =	vmovc v3;
	v3 =	vmovc v17;
	v29 =	vmov v14;
	v14 =	vmov v5;
	v5 =	vmov v2  }
0x99: {  	v34 =	vld [tilespmem:s2+$0x19A0];
	v28 =	vsel vm0, v28, v30;
	v17 =	vmul.f32 v19, v26;
	v26 =	vunpack.i.u.bf16.f32 v25;
	[tilespmem:s26+$0x0] =	vst v27;
	v19 =	vmovc v23  }
0x9a: {  	v2 =	vmovc v4;
	v27 =	vmul.f32 v18, v31;
	v18 =	vmovc v21;
	v23 =	vsub.f32 $0.0e+00, v28;
	v28 =	vunpack.i.l.bf16.f32 v25;
	v30 =	vld [tilespmem:s4+$0x10];
	[tilespmem:s25+$0x20] =	vst v20;
	s25 =	smov.u32 s26;
	s26 =	smov.u32 s31;
	s31 =	smov.u32 s0  }
0x9b: {  	v4 =	vmov v12;
	v24 =	vmul.f32 v26, v24;
	s0 =	smov.u32 s10;
	s4 =	smov.u32 s28;
	v20 =	vld [tilespmem:s2+$0x14A0];
	[tilespmem:s10+$0xFFFFFFC0] =	vst v17;
	v17 =	vmul.f32 v28, v32;
	s10 =	smov.u32 s22  }
0x9c: {  	v31 =	vbroadcast v10, $0x4;
	v10 =	vmov v6;
	s28 =	smov.u32 s19;
	s19 =	smov.u32 s12;
	s12 =	smov.u32 s13;
	v12 =	vmul.f32 $1.442695020e+00, v23;
	v25 =	vpop (erf);
	[tilespmem:s22+$0x40] =	vst v15  }
0x9d: {  	v6 =	vmovc v7;
	v7 =	vmovc v15;
	v32 =	vunpack.i.u.bf16.f32 v22;
	v23 =	vbroadcast v25, $0x0;
	v21 =	vbroadcast v25, $0x1;
	[tilespmem:s31+$0xFFFFFFE0] =	vst v17  }
.Ltmp0:
0x9e: {  	v35 =	vbroadcast v25, $0x5;
	v15 =	vmovc v25;
	(erf) = vpow2.f32 v12;
	v26 =	vld [tilespmem:s13+$0xFFFFFFE0];
	[tilespmem:s0+$0xFFFFFFD0] =	vst v27;
	v27 =	vunpack.i.l.bf16.f32 v22;
	(pc) =	sbr.rel @p1 .LBB2_3-.Ltmp0, $4  }
0x9f: {  	s22 =	sadd.s32 $0x90, s22;
	v17 =	vbroadcast v15, $0x6;
	v12 =	vbroadcast v15, $0x7;
	v25 =	vld [tilespmem:s19+$0xFFFFFFF0];
	[tilespmem:s31+$0xFFFFFFF0] =	vst v24;
	v36 =	vunpack.i.u.bf16.f32 v30  }
0xa0: {  	s13 =	sadd.s32 $0x40, s13;
	v27 =	vmul.f32 v27, v31;
	v28 =	vadd.f32 v34, v20;
	v22 =	vld [tilespmem:s28+$0x0];
	v20 =	vmul.f32 v32, v11;
	v11 =	vmovc v9  }
0xa1: {  	v24 =	vbroadcast v6, $0x3;
	v31 =	vunpack.i.l.bf16.f32 v30;
	v29 =	vmul.f32 v36, v29;
	v9 =	vmovc v8;
	v8 =	vmovc v16  }
0xa2: {  	v16 =	vmovc v35;
	vm0 =	vge.f32 v28, $0.0e+00;
	v30 =	vmul.f32 $2.000000030e-01, v28;
	[tilespmem:s26+$0x10] =	vst v20;
	v20 =	vmul.f32 v31, v13;
	v13 =	vmovc v33  }
0xa3: {  	_ = 	snop  }
0xa4: {  	v28 =	vsel vm0, v28, v30  }
0xa5: {  	v28 =	vsub.f32 $0.0e+00, v28;
	_ =	sdelay $0x1  }
0xa6: {  	[tilespmem:s26+$0x0] =	vst v27;
	v27 =	vmul.f32 $1.442695020e+00, v28;
	_ =	sdelay $0x1  }
0xa7: {  	v28 =	vld [tilespmem:s4+$0x10];
	(erf) = vpow2.f32 v27;
	v27 =	vunpack.i.l.bf16.f32 v26  }
0xa8: {  	v30 =	vbroadcast v6, $0x2;
	v19 =	vmul.f32 v19, v27  }
0xa9: {  	v27 =	vunpack.i.l.bf16.f32 v25  }
0xaa: {  	[tilespmem:s10+$0xFFFFFFC0] =	vst v19;
	v19 =	vmul.f32 v27, v30  }
0xab: {  	[tilespmem:s25+$0x30] =	vst v29  }
0xac: {  	[tilespmem:s0+$0xFFFFFFE0] =	vst v19;
	v19 =	vunpack.i.l.bf16.f32 v28  }
0xad: {  	[tilespmem:s25+$0x20] =	vst v20;
	v20 =	vunpack.i.u.bf16.f32 v28;
	v13 =	vmul.f32 v19, v13  }
0xae: {  	[tilespmem:s22+$0x40] =	vst v15;
	s4 =	sadd.s32 $0x90, s22;
	v20 =	vmul.f32 v20, v14;
	v14 =	vpop (erf)  }
0xaf: {  	v27 =	vld [tilespmem:s13+$0xFFFFFFE0];
	[tilespmem:s4+$0x40] =	vst v14  }
0xb0: {  	s1 =	sadd.s32 $0x40, s13;
	[tilespmem:s26+$0x30] =	vst v20;
	v19 =	vunpack.i.u.bf16.f32 v26  }
0xb1: {  	s25 =	sadd.s32 $0x90, s4;
	v20 =	vunpack.i.u.bf16.f32 v25;
	v18 =	vmul.f32 v18, v19;
	v19 =	vld [tilespmem:s1+$0xFFFFFFE0];
	[tilespmem:s26+$0x20] =	vst v13;
	v13 =	vpop (erf)  }
0xb2: {  	v10 =	vbroadcast v10, $0x4;
	s2 =	sadd.s32 $0x40, s1;
	v20 =	vmul.f32 v20, v24;
	v24 =	vunpack.i.u.bf16.f32 v22;
	[tilespmem:s25+$0x40] =	vst v13  }
0xb3: {  	v11 =	vmul.f32 v24, v11;
	[tilespmem:s10+$0xFFFFFFD0] =	vst v18;
	v18 =	vunpack.i.l.bf16.f32 v22;
	v22 =	vld [tilespmem:s2+$0xFFFFFFE0]  }
0xb4: {  	[tilespmem:s0+$0xFFFFFFF0] =	vst v20;
	v10 =	vmul.f32 v18, v10;
	v18 =	vunpack.i.l.bf16.f32 v27  }
0xb5: {  	v20 =	vbroadcast v14, $0x0;
	v24 =	vld [tilespmem:s12+$0xFFFFFFF0];
	[tilespmem:s31+$0x10] =	vst v11;
	v11 =	vunpack.i.u.bf16.f32 v27;
	v18 =	vmul.f32 v23, v18  }
0xb6: {  	v23 =	vbroadcast v14, $0x1;
	[tilespmem:s31+$0x0] =	vst v10;
	v10 =	vmul.f32 v21, v11;
	v11 =	vunpack.i.l.bf16.f32 v19  }
0xb7: {  	v21 =	vld [tilespmem:s19+$0x0];
	v19 =	vunpack.i.u.bf16.f32 v19;
	[tilespmem:s22+$0xFFFFFFC0] =	vst v18;
	v18 =	vbroadcast v13, $0x0;
	v11 =	vmul.f32 v20, v11  }
0xb8: {  	v25 =	vbroadcast v13, $0x1;
	v20 =	vld [tilespmem:s28+$0x10];
	[tilespmem:s22+$0xFFFFFFD0] =	vst v10;
	v10 =	vmul.f32 v23, v19;
	v19 =	vunpack.i.l.bf16.f32 v22  }
0xb9: {  	v23 =	vbroadcast v7, $0x2;
	v26 =	vld [tilespmem:s13+$0xFFFFFFF0];
	[tilespmem:s4+$0xFFFFFFC0] =	vst v11;
	v11 =	vunpack.i.u.bf16.f32 v22;
	v18 =	vmul.f32 v18, v19  }
0xba: {  	[tilespmem:s4+$0xFFFFFFD0] =	vst v10;
	v22 =	vunpack.i.l.bf16.f32 v24;
	v19 =	vbroadcast v7, $0x3;
	v10 =	vmul.f32 v25, v11  }
0xbb: {  	v11 =	vunpack.i.u.bf16.f32 v24;
	v22 =	vmul.f32 v22, v23;
	v23 =	vld [tilespmem:s1+$0xFFFFFFF0];
	[tilespmem:s25+$0xFFFFFFC0] =	vst v18  }
0xbc: {  	v11 =	vmul.f32 v11, v19;
	v18 =	vunpack.i.u.bf16.f32 v21;
	[tilespmem:s25+$0xFFFFFFD0] =	vst v10  }
0xbd: {  	[tilespmem:s10+$0xFFFFFFE0] =	vst v22;
	v10 =	vunpack.i.u.bf16.f32 v20;
	v9 =	vmul.f32 v18, v9;
	v18 =	vbroadcast v15, $0x2;
	v19 =	vld [tilespmem:s2+$0xFFFFFFF0]  }
0xbe: {  	v5 =	vmul.f32 v10, v5;
	v10 =	vunpack.i.l.bf16.f32 v26;
	[tilespmem:s10+$0xFFFFFFF0] =	vst v11;
	v11 =	vbroadcast v15, $0x3  }
0xbf: {  	[tilespmem:s0+$0x10] =	vst v9;
	v9 =	vunpack.i.u.bf16.f32 v26;
	v10 =	vmul.f32 v10, v18;
	v18 =	vbroadcast v14, $0x2  }
0xc0: {  	[tilespmem:s31+$0x30] =	vst v5;
	v5 =	vmul.f32 v9, v11;
	v9 =	vbroadcast v14, $0x3;
	v11 =	vunpack.i.l.bf16.f32 v23  }
0xc1: {  	v22 =	vld [tilespmem:s12+$0x0];
	[tilespmem:s22+$0xFFFFFFE0] =	vst v10;
	v10 =	vunpack.i.u.bf16.f32 v23;
	v11 =	vmul.f32 v11, v18;
	v18 =	vbroadcast v13, $0x2  }
0xc2: {  	[tilespmem:s22+$0xFFFFFFF0] =	vst v5;
	v5 =	vmul.f32 v10, v9;
	v9 =	vbroadcast v13, $0x3;
	v10 =	vunpack.i.l.bf16.f32 v19  }
0xc3: {  	v6 =	vbroadcast v6, $0x4;
	v23 =	vld [tilespmem:s13+$0x0];
	[tilespmem:s4+$0xFFFFFFE0] =	vst v11;
	v11 =	vunpack.i.u.bf16.f32 v19;
	v10 =	vmul.f32 v10, v18  }
0xc4: {  	v18 =	vunpack.i.l.bf16.f32 v21;
	[tilespmem:s4+$0xFFFFFFF0] =	vst v5;
	v5 =	vmul.f32 v11, v9  }
0xc5: {  	v6 =	vmul.f32 v18, v6;
	v9 =	vunpack.i.l.bf16.f32 v20;
	v11 =	vld [tilespmem:s1+$0x0];
	[tilespmem:s25+$0xFFFFFFE0] =	vst v10  }
0xc6: {  	v7 =	vbroadcast v7, $0x4;
	v1 =	vmul.f32 v9, v1;
	v9 =	vunpack.i.u.bf16.f32 v22;
	[tilespmem:s25+$0xFFFFFFF0] =	vst v5  }
0xc7: {  	[tilespmem:s0+$0x0] =	vst v6;
	v5 =	vunpack.i.l.bf16.f32 v22;
	v6 =	vmul.f32 v9, v8;
	v8 =	vld [tilespmem:s2+$0x0]  }
0xc8: {  	[tilespmem:s31+$0x20] =	vst v1;
	v1 =	vmul.f32 v5, v7;
	v5 =	vbroadcast v15, $0x4;
	v7 =	vunpack.i.u.bf16.f32 v23  }
0xc9: {  	v9 =	vbroadcast v14, $0x5;
	v10 =	vld [tilespmem:s19+$0x10];
	[tilespmem:s10+$0x10] =	vst v6;
	v6 =	vunpack.i.l.bf16.f32 v23;
	v7 =	vmul.f32 v7, v16  }
0xca: {  	[tilespmem:s10+$0x0] =	vst v1;
	v1 =	vmul.f32 v6, v5;
	v5 =	vbroadcast v14, $0x4;
	v6 =	vunpack.i.u.bf16.f32 v11  }
0xcb: {  	v15 =	vbroadcast v13, $0x5;
	v16 =	vld [tilespmem:s12+$0x10];
	[tilespmem:s22+$0x10] =	vst v7;
	v7 =	vunpack.i.l.bf16.f32 v11;
	v6 =	vmul.f32 v6, v9  }
0xcc: {  	[tilespmem:s22+$0x0] =	vst v1;
	v1 =	vmul.f32 v7, v5;
	v5 =	vbroadcast v13, $0x4;
	v7 =	vunpack.i.u.bf16.f32 v8  }
0xcd: {  	v9 =	vld [tilespmem:s13+$0x10];
	[tilespmem:s4+$0x10] =	vst v6;
	v6 =	vunpack.i.l.bf16.f32 v8;
	v7 =	vmul.f32 v7, v15  }
0xce: {  	v8 =	vunpack.i.u.bf16.f32 v10;
	[tilespmem:s4+$0x0] =	vst v1;
	v1 =	vmul.f32 v6, v5  }
0xcf: {  	v5 =	vunpack.i.l.bf16.f32 v10;
	v2 =	vmul.f32 v8, v2;
	v6 =	vld [tilespmem:s1+$0x10];
	[tilespmem:s25+$0x10] =	vst v7  }
0xd0: {  	v0 =	vmul.f32 v5, v0;
	v5 =	vunpack.i.u.bf16.f32 v16;
	[tilespmem:s25+$0x0] =	vst v1  }
0xd1: {  	[tilespmem:s0+$0x30] =	vst v2;
	v1 =	vunpack.i.l.bf16.f32 v16;
	v2 =	vmul.f32 v5, v4;
	v4 =	vld [tilespmem:s2+$0x10]  }
0xd2: {  	[tilespmem:s0+$0x20] =	vst v0;
	v0 =	vmul.f32 v1, v3;
	v1 =	vunpack.i.u.bf16.f32 v9  }
0xd3: {  	v3 =	vbroadcast v14, $0x7;
	[tilespmem:s10+$0x30] =	vst v2;
	v2 =	vunpack.i.l.bf16.f32 v9;
	v1 =	vmul.f32 v1, v12  }
0xd4: {  	v5 =	vbroadcast v14, $0x6;
	[tilespmem:s10+$0x20] =	vst v0;
	v0 =	vmul.f32 v2, v17;
	v2 =	vunpack.i.u.bf16.f32 v6  }
0xd5: {  	v7 =	vbroadcast v13, $0x7;
	[tilespmem:s22+$0x30] =	vst v1;
	v1 =	vunpack.i.l.bf16.f32 v6;
	v2 =	vmul.f32 v2, v3  }
0xd6: {  	v3 =	vbroadcast v13, $0x6;
	[tilespmem:s22+$0x20] =	vst v0;
	v0 =	vmul.f32 v1, v5;
	v1 =	vunpack.i.u.bf16.f32 v4  }
0xd7: {  	[tilespmem:s4+$0x30] =	vst v2;
	v2 =	vunpack.i.l.bf16.f32 v4;
	v1 =	vmul.f32 v1, v7  }
0xd8: {  	[tilespmem:s4+$0x20] =	vst v0;
	v0 =	vmul.f32 v2, v3  }
0xd9: {  	[tilespmem:s25+$0x30] =	vst v1  }
0xda: {  	s12 =	simm.s32 $0x4BA0;
	s13 =	simm.s32 $0x1EA0;
	[tilespmem:s25+$0x20] =	vst v0  }
0xdb: {  	[spmem:s16] =	stream.indirect.scatter.add.f32 [tilespmem:s13], [sflag:$0x5], $0x90, s12, s21, $0xb8;
	v63 =	vld [tilespmem:$0x0]  }
0xdc: {  	_ =	swait.ge [sflag:s24], $0x50  }
0xdd: {  	[sflag:s24] =	ssyncset.done $0x0  }
0xde: {  	[sflag:s24] =	ssyncadd.s32 $0xFFFFFFB0  }
0xdf: {  	_ =	swait.ge [sflag:s24], $0x50  }
0xe0: {  	[sflag:s24] =	ssyncset.done $0x0  }
0xe1: {  	s19 =	simm.s32 $0xA0;
	[sflag:s24] =	ssyncadd.s32 $0xFFFFFFB0  }
0xe2: {  	[tilespmem:s19], [sflag:$0x2] =	stream.indirect.gather [hbm4b:s15+s21], $0x40, s21, s21, $0xb8;
	v63 =	vld [tilespmem:$0x0]  }
0xe3: {  	s22 =	simm.s32 $0x0;
	s25 =	simm.s32 $0x14A0  }
0xe4: {  	[tilespmem:s25], [sflag:$0x3] =	stream.indirect.gather [hbm4b:s7+s21], $0x10, s22, s21, $0xb8;
	v63 =	vld [tilespmem:$0x0]  }
0xe5: {  	s26 =	simm.s32 $0x19A0  }
0xe6: {  	[tilespmem:s26], [sflag:$0x4] =	stream.indirect.gather [hbm4b:s8+s21], $0x10, s21, s21, $0xb8;
	v63 =	vld [tilespmem:$0x0]  }
0xe7: {  	_ =	swait.ge [sflag:s14], $0x1400  }
0xe8: {  	[sflag:s14] =	ssyncset.done $0x0  }
0xe9: {  	[sflag:s14] =	ssyncadd.s32 $0xFFFFEC00  }
0xea: {  	_ =	swait.ge [sflag:s17], $0x500  }
0xeb: {  	[sflag:s17] =	ssyncset.done $0x0  }
0xec: {  	[sflag:s17] =	ssyncadd.s32 $0xFFFFFB00  }
0xed: {  	_ =	swait.ge [sflag:s18], $0x500  }
0xee: {  	[sflag:s18] =	ssyncset.done $0x0  }
0xef: {  	s0 =	simm.s32 @!p0 $0xA;
	[sflag:s18] =	ssyncadd.s32 $0xFFFFFB00  }
0xf0: {  	_ =	swait.ge @!p0 [sflag:s0], $0x2D00  }
0xf1: {  	[sflag:s0] =	ssyncset.done @!p0 $0x0  }
0xf2: {  	[sflag:s0] =	ssyncadd.s32 @!p0 $0xFFFFD300  }
0xf3: {  	v0 =	vld [tilespmem:$0x4BF0]  }
0xf4: {  	v1 =	vld [tilespmem:$0x4C00]  }
0xf5: {  	v2 =	vld [tilespmem:$0x4C10]  }
0xf6: {  	v3 =	vld [tilespmem:$0x4C20]  }
0xf7: {  	v4 =	vld [tilespmem:$0x4C30]  }
0xf8: {  	[tilespmem:$0x9790] =	vst v0  }
0xf9: {  	p0 =	seq.s32 s20, $0x3D;
	s0 =	rddreg [dreg:$0xb];
	[tilespmem:$0x97A0] =	vst v1  }
0xfa: {  	s0 =	sadd.s32 @!p0 s30, s0;
	[tilespmem:$0x97B0] =	vst v2  }
0xfb: {  	s0 =	sshrl.u32 @!p0 s0, $0x3;
	[tilespmem:$0x97C0] =	vst v3  }
0xfc: {  	s2 =	simm.s32 @!p0 $0x0;
	s4 =	simm.s32 @!p0 $0x4BF0;
	s1 =	sadd.s32 @!p0 s5, s0;
	[tilespmem:$0x97D0] =	vst v4  }
0xfd: {  	[tilespmem:s4], [sflag:$0x6] =	stream.linear.gather @!p0 [hbm4b:s1+s2], $0x50, $0x38;
	v63 =	vld [tilespmem:$0x0]  }
0xfe: {  	s0 =	sadd.s32 @!p0 s6, s0;
	s1 =	simm.s32 @!p0 $0x4C40  }
0xff: {  	[tilespmem:s1], [sflag:$0x6] =	stream.linear.gather @!p0 [hbm4b:s0+s2], $0x50, $0x38;
	v63 =	vld [tilespmem:$0x0]  }
0x100: {  	s1 =	simm.s32 $0x0  }
0x101: {  	v0 =	vld [tilespmem:s1+$0x6590]  }
0x102: {  	v1 =	vld [tilespmem:s1+$0x6090];
	_ =	sdelay $0x3  }
0x103: {  	s2 =	simm.s32 $0x10  }
0x104: {  	v2 =	vld [tilespmem:s2+$0x6090];
	v0 =	vadd.f32 v0, v1  }
0x105: {  	v1 =	vld [tilespmem:s2+$0x6590]  }
0x106: {  	v3 =	vmul.f32 $2.000000030e-01, v0  }
0x107: {  	vm0 =	vge.f32 v0, $0.0e+00  }
0x108: {  	s4 =	simm.s32 $0x20;
	v0 =	vsel vm0, v0, v3  }
0x109: {  	v3 =	vld [tilespmem:s4+$0x6090];
	v0 =	vsub.f32 $0.0e+00, v0  }
0x10a: {  	v1 =	vadd.f32 v1, v2;
	v2 =	vld [tilespmem:s4+$0x6590]  }
0x10b: {  	v0 =	vmul.f32 $1.442695020e+00, v0  }
0x10c: {  	v4 =	vmul.f32 $2.000000030e-01, v1  }
0x10d: {  	vm0 =	vge.f32 v1, $0.0e+00;
	(erf) = vpow2.f32 v0  }
0x10e: {  	v0 =	vsel vm0, v1, v4  }
0x10f: {  	s10 =	simm.s32 $0x30;
	v0 =	vsub.f32 $0.0e+00, v0;
	v1 =	vadd.f32 v2, v3  }
0x110: {  	v4 =	vld [tilespmem:s10+$0x6090]  }
0x111: {  	s31 =	smov.u32 s15;
	s15 =	simm.s32 $0x50;
	v2 =	vld [tilespmem:s10+$0x6590];
	v0 =	vmul.f32 $1.442695020e+00, v0;
	v3 =	vmul.f32 $2.000000030e-01, v1  }
0x112: {  	v17 =	vld [tilespmem:s15+$0x6590];
	vm0 =	vge.f32 v1, $0.0e+00  }
0x113: {  	v19 =	vld [tilespmem:s15+$0x6090];
	(erf) = vpow2.f32 v0;
	v0 =	vsel vm0, v1, v3  }
0x114: {  	v0 =	vsub.f32 $0.0e+00, v0;
	_ =	sdelay $0x1  }
0x115: {  	s25 =	simm.s32 $0x6AD0;
	v1 =	vadd.f32 v2, v4;
	v0 =	vmul.f32 $1.442695020e+00, v0;
	v3 =	vpop (erf)  }
0x116: {  	s12 =	simm.s32 $0x4CB0;
	[tilespmem:s25+$0x40] =	vst v3  }
0x117: {  	s13 =	simm.s32 $0x40;
	v17 =	vadd.f32 v17, v19;
	(erf) = vpow2.f32 v0;
	v0 =	vmul.f32 $2.000000030e-01, v1;
	v2 =	vld [tilespmem:s12+$0xFFFFFFE0]  }
0x118: {  	v5 =	vld [tilespmem:s13+$0x6090];
	vm0 =	vge.f32 v1, $0.0e+00  }
0x119: {  	v19 =	vmul.f32 $2.000000030e-01, v17;
	v4 =	vld [tilespmem:s13+$0x6590];
	v6 =	vbroadcast v3, $0x0;
	v0 =	vsel vm0, v1, v0  }
0x11a: {  	v7 =	vbroadcast v3, $0x1;
	v15 =	vbroadcast v3, $0x5;
	v0 =	vsub.f32 $0.0e+00, v0  }
0x11b: {  	v20 =	vbroadcast v3, $0x6;
	v22 =	vbroadcast v3, $0x7  }
0x11c: {  	s26 =	simm.s32 $0x6B60;
	v18 =	vbroadcast v3, $0x3;
	v12 =	vpop (erf);
	v0 =	vmul.f32 $1.442695020e+00, v0;
	v1 =	vunpack.i.l.bf16.f32 v2  }
0x11d: {  	s4 =	simm.s32 $0x4CF0;
	v29 =	vbroadcast v3, $0x4;
	[tilespmem:s26+$0x40] =	vst v12;
	v2 =	vunpack.i.u.bf16.f32 v2;
	v1 =	vmul.f32 v6, v1  }
0x11e: {  	v4 =	vadd.f32 v4, v5;
	v2 =	vmul.f32 v7, v2;
	(erf) = vpow2.f32 v0;
	v0 =	vld [tilespmem:s4+$0xFFFFFFE0]  }
0x11f: {  	v8 =	vbroadcast v12, $0x0;
	v9 =	vbroadcast v12, $0x1;
	[tilespmem:s25+$0xFFFFFFC0] =	vst v1  }
0x120: {  	v24 =	vbroadcast v12, $0x5;
	v1 =	vmul.f32 $2.000000030e-01, v4;
	[tilespmem:s25+$0xFFFFFFD0] =	vst v2  }
0x121: {  	vm0 =	vge.f32 v4, $0.0e+00;
	v13 =	vbroadcast v12, $0x6;
	v14 =	vbroadcast v12, $0x7;
	v2 =	vld [tilespmem:s12+$0xFFFFFFF0]  }
0x122: {  	v27 =	vbroadcast v12, $0x2;
	v33 =	vbroadcast v12, $0x4;
	v10 =	vpop (erf);
	v4 =	vsel vm0, v4, v1  }
0x123: {  	v7 =	vbroadcast v10, $0x0;
	v4 =	vsub.f32 $0.0e+00, v4;
	v6 =	vunpack.i.l.bf16.f32 v0  }
0x124: {  	v16 =	vbroadcast v10, $0x1;
	v6 =	vmul.f32 v8, v6  }
0x125: {  	s30 =	simm.s32 $0x6BF0;
	v0 =	vunpack.i.u.bf16.f32 v0;
	v8 =	vbroadcast v3, $0x2;
	v4 =	vmul.f32 $1.442695020e+00, v4  }
0x126: {  	s28 =	simm.s32 $0x4D30;
	[tilespmem:s30+$0x40] =	vst v10;
	v0 =	vmul.f32 v9, v0;
	v9 =	vunpack.i.u.bf16.f32 v2;
	v2 =	vunpack.i.l.bf16.f32 v2  }
0x127: {  	[tilespmem:s26+$0xFFFFFFC0] =	vst v6;
	(erf) = vpow2.f32 v4;
	v4 =	vld [tilespmem:s28+$0xFFFFFFE0];
	v2 =	vmul.f32 v2, v8  }
0x128: {  	v11 =	vbroadcast v10, $0x5;
	[tilespmem:s26+$0xFFFFFFD0] =	vst v0;
	v8 =	vmul.f32 v9, v18  }
0x129: {  	v5 =	vbroadcast v10, $0x7;
	v1 =	vbroadcast v10, $0x6;
	v18 =	vld [tilespmem:s4+$0xFFFFFFF0];
	v6 =	vpop (erf);
	[tilespmem:s25+$0xFFFFFFE0] =	vst v2  }
0x12a: {  	vm0 =	vge.f32 v17, $0.0e+00;
	v21 =	vbroadcast v6, $0x0;
	v23 =	vbroadcast v6, $0x1;
	[tilespmem:s25+$0xFFFFFFF0] =	vst v8  }
0x12b: {  	v17 =	vsel vm0, v17, v19;
	v9 =	vbroadcast v6, $0x5;
	v0 =	vbroadcast v6, $0x6;
	v26 =	vld [tilespmem:s12+$0x0]  }
0x12c: {  	s19 =	simm.s32 $0x60;
	v2 =	vbroadcast v6, $0x7;
	v25 =	vunpack.i.u.bf16.f32 v4;
	v4 =	vunpack.i.l.bf16.f32 v4  }
0x12d: {  	s0 =	simm.s32 $0x6C80;
	v28 =	vld [tilespmem:s19+$0x6590];
	v8 =	vbroadcast v12, $0x3;
	v4 =	vmul.f32 v7, v4;
	v7 =	vsub.f32 $0.0e+00, v17  }
0x12e: {  	[tilespmem:s0+$0x40] =	vst v6;
	v17 =	vunpack.i.l.bf16.f32 v18;
	v18 =	vunpack.i.u.bf16.f32 v18;
	v16 =	vmul.f32 v16, v25;
	v25 =	vld [tilespmem:s19+$0x6090]  }
0x12f: {  	v17 =	vmul.f32 v17, v27;
	v27 =	vmul.f32 v18, v8;
	[tilespmem:s30+$0xFFFFFFC0] =	vst v4  }
0x130: {  	s19 =	simm.s32 $0x4D70;
	v4 =	vmul.f32 $1.442695020e+00, v7;
	[tilespmem:s30+$0xFFFFFFD0] =	vst v16;
	v16 =	vunpack.i.u.bf16.f32 v26;
	v26 =	vunpack.i.l.bf16.f32 v26  }
0x131: {  	v30 =	vld [tilespmem:s19+$0xFFFFFFE0];
	[tilespmem:s26+$0xFFFFFFE0] =	vst v17;
	v17 =	vmul.f32 v26, v29;
	v15 =	vmul.f32 v16, v15  }
0x132: {  	v31 =	vld [tilespmem:s28+$0xFFFFFFF0];
	[tilespmem:s26+$0xFFFFFFF0] =	vst v27;
	v16 =	vbroadcast v10, $0x3;
	v29 =	vbroadcast v10, $0x2;
	v7 =	vpop (erf)  }
0x133: {  	(erf) = vpow2.f32 v4;
	v27 =	vld [tilespmem:s4+$0x0];
	v19 =	vbroadcast v7, $0x0;
	v25 =	vadd.f32 v28, v25  }
0x134: {  	v18 =	vbroadcast v7, $0x1;
	v8 =	vbroadcast v7, $0x5  }
0x135: {  	v3 =	vbroadcast v7, $0x6;
	v26 =	vmul.f32 $2.000000030e-01, v25  }
0x136: {  	v4 =	vbroadcast v7, $0x7;
	v28 =	vunpack.i.l.bf16.f32 v30;
	vm0 =	vge.f32 v25, $0.0e+00  }
0x137: {  	s22 =	simm.s32 $0x70;
	[tilespmem:s25+$0x10] =	vst v15;
	v15 =	vunpack.i.u.bf16.f32 v30;
	v21 =	vmul.f32 v21, v28;
	v25 =	vsel vm0, v25, v26  }
0x138: {  	v30 =	vld [tilespmem:s22+$0x6590];
	v26 =	vunpack.i.u.bf16.f32 v31;
	v34 =	vunpack.i.u.bf16.f32 v27;
	v27 =	vunpack.i.l.bf16.f32 v27  }
0x139: {  	[tilespmem:s25+$0x0] =	vst v17;
	v28 =	vld [tilespmem:s22+$0x6090];
	v17 =	vsub.f32 $0.0e+00, v25;
	v25 =	vmul.f32 v23, v15;
	v15 =	vunpack.i.l.bf16.f32 v31  }
0x13a: {  	v32 =	vmul.f32 v26, v16;
	v27 =	vmul.f32 v27, v33  }
0x13b: {  	s10 =	simm.s32 $0x6D10;
	v31 =	vld [tilespmem:s12+$0x10];
	v62 =	vmul.f32 v34, v24;
	v24 =	vbroadcast v6, $0x3  }
0x13c: {  	[tilespmem:s10+$0x40] =	vst v7;
	s12 =	simm.s32 $0x4DB0;
	v29 =	vmul.f32 v15, v29;
	v16 =	vmul.f32 $1.442695020e+00, v17;
	v15 =	vpop (erf)  }
0x13d: {  	[tilespmem:s0+$0xFFFFFFC0] =	vst v21;
	v26 =	vld [tilespmem:s12+$0xFFFFFFE0];
	v23 =	vbroadcast v15, $0x0;
	v21 =	vbroadcast v15, $0x1  }
0x13e: {  	[tilespmem:s0+$0xFFFFFFD0] =	vst v25;
	v28 =	vadd.f32 v30, v28;
	(erf) = vpow2.f32 v16;
	v16 =	vbroadcast v15, $0x5  }
0x13f: {  	[tilespmem:s30+$0xFFFFFFF0] =	vst v32;
	v25 =	vld [tilespmem:s19+$0xFFFFFFF0];
	v17 =	vbroadcast v15, $0x6;
	v12 =	vbroadcast v15, $0x7  }
0x140: {  	[tilespmem:s30+$0xFFFFFFE0] =	vst v29;
	v30 =	vmul.f32 $2.000000030e-01, v28;
	v29 =	vunpack.i.u.bf16.f32 v31;
	v31 =	vunpack.i.l.bf16.f32 v31  }
0x141: {  	s1 =	simm.s32 $0x200;
	s13 =	simm.s32 $0x4DF0;
	s22 =	simm.s32 $0x6DA0;
	[tilespmem:s26+$0x10] =	vst v62;
	vm0 =	vge.f32 v28, $0.0e+00;
	v29 =	vmul.f32 v29, v22;
	v22 =	vld [tilespmem:s28+$0x0];
	v20 =	vmul.f32 v31, v20  }
.LBB2_5:
0x142: {  	v31 =	vunpack.i.u.bf16.f32 v26;
	v26 =	vunpack.i.l.bf16.f32 v26;
	v32 =	vbroadcast v6, $0x2;
	v33 =	vmovc v1;
	v1 =	vmovc v0  }
0x143: {  	s2 =	sshra.s32 s1, $0x2;
	p0 =	sne.s32 s1, $0x13C0;
	s1 =	sadd.s32 $0x40, s1;
	[tilespmem:s25+$0x30] =	vst v29;
	v0 =	vmovc v3;
	v3 =	vmovc v17;
	v29 =	vmov v14;
	v14 =	vmov v5;
	v5 =	vmov v2  }
0x144: {  	v34 =	vld [tilespmem:s2+$0x6590];
	v28 =	vsel vm0, v28, v30;
	v17 =	vmul.f32 v19, v26;
	v26 =	vunpack.i.u.bf16.f32 v25;
	[tilespmem:s26+$0x0] =	vst v27;
	v19 =	vmovc v23  }
0x145: {  	v2 =	vmovc v4;
	v27 =	vmul.f32 v18, v31;
	v18 =	vmovc v21;
	v23 =	vsub.f32 $0.0e+00, v28;
	v28 =	vunpack.i.l.bf16.f32 v25;
	v30 =	vld [tilespmem:s4+$0x10];
	[tilespmem:s25+$0x20] =	vst v20;
	s25 =	smov.u32 s26;
	s26 =	smov.u32 s30;
	s30 =	smov.u32 s0  }
0x146: {  	v4 =	vmov v12;
	v24 =	vmul.f32 v26, v24;
	s0 =	smov.u32 s10;
	s4 =	smov.u32 s28;
	v20 =	vld [tilespmem:s2+$0x6090];
	[tilespmem:s10+$0xFFFFFFC0] =	vst v17;
	v17 =	vmul.f32 v28, v32;
	s10 =	smov.u32 s22  }
0x147: {  	v31 =	vbroadcast v10, $0x4;
	v10 =	vmov v6;
	s28 =	smov.u32 s19;
	s19 =	smov.u32 s12;
	s12 =	smov.u32 s13;
	v12 =	vmul.f32 $1.442695020e+00, v23;
	v25 =	vpop (erf);
	[tilespmem:s22+$0x40] =	vst v15  }
0x148: {  	v6 =	vmovc v7;
	v7 =	vmovc v15;
	v32 =	vunpack.i.u.bf16.f32 v22;
	v23 =	vbroadcast v25, $0x0;
	v21 =	vbroadcast v25, $0x1;
	[tilespmem:s30+$0xFFFFFFE0] =	vst v17  }
.Ltmp1:
0x149: {  	v35 =	vbroadcast v25, $0x5;
	v15 =	vmovc v25;
	(erf) = vpow2.f32 v12;
	v26 =	vld [tilespmem:s13+$0xFFFFFFE0];
	[tilespmem:s0+$0xFFFFFFD0] =	vst v27;
	v27 =	vunpack.i.l.bf16.f32 v22;
	(pc) =	sbr.rel @p0 .LBB2_5-.Ltmp1, $4  }
0x14a: {  	s22 =	sadd.s32 $0x90, s22;
	v17 =	vbroadcast v15, $0x6;
	v12 =	vbroadcast v15, $0x7;
	v25 =	vld [tilespmem:s19+$0xFFFFFFF0];
	[tilespmem:s30+$0xFFFFFFF0] =	vst v24;
	v36 =	vunpack.i.u.bf16.f32 v30  }
0x14b: {  	s13 =	sadd.s32 $0x40, s13;
	v27 =	vmul.f32 v27, v31;
	v28 =	vadd.f32 v34, v20;
	v22 =	vld [tilespmem:s28+$0x0];
	v20 =	vmul.f32 v32, v11;
	v11 =	vmovc v9  }
0x14c: {  	v24 =	vbroadcast v6, $0x3;
	v31 =	vunpack.i.l.bf16.f32 v30;
	v29 =	vmul.f32 v36, v29;
	v9 =	vmovc v8;
	v8 =	vmovc v16  }
0x14d: {  	v16 =	vmovc v35;
	vm0 =	vge.f32 v28, $0.0e+00;
	v30 =	vmul.f32 $2.000000030e-01, v28;
	[tilespmem:s26+$0x10] =	vst v20;
	v20 =	vmul.f32 v31, v13;
	v13 =	vmovc v33  }
0x14e: {  	_ = 	snop  }
0x14f: {  	v28 =	vsel vm0, v28, v30  }
0x150: {  	v28 =	vsub.f32 $0.0e+00, v28;
	_ =	sdelay $0x1  }
0x151: {  	[tilespmem:s26+$0x0] =	vst v27;
	v39 =	vmul.f32 $1.442695020e+00, v28  }
0x152: {  	v40 =	vld [tilespmem:s4+$0x10]  }
0x153: {  	(erf) = vpow2.f32 v39;
	_ =	sdelay $0x1  }
0x154: {  	v41 =	vunpack.i.l.bf16.f32 v26;
	[tilespmem:s25+$0x30] =	vst v29  }
0x155: {  	[tilespmem:s22+$0x40] =	vst v15;
	v48 =	vunpack.i.u.bf16.f32 v26;
	v19 =	vmul.f32 v19, v41  }
0x156: {  	[tilespmem:s25+$0x20] =	vst v20;
	v18 =	vmul.f32 v18, v48;
	v51 =	vunpack.i.u.bf16.f32 v22;
	v46 =	vunpack.i.l.bf16.f32 v40  }
0x157: {  	v47 =	vld [tilespmem:s13+$0xFFFFFFE0];
	[tilespmem:s10+$0xFFFFFFC0] =	vst v19;
	v11 =	vmul.f32 v51, v11;
	v13 =	vmul.f32 v46, v13  }
0x158: {  	[tilespmem:s10+$0xFFFFFFD0] =	vst v18;
	v45 =	vunpack.i.u.bf16.f32 v40  }
0x159: {  	v10 =	vbroadcast v10, $0x4;
	s25 =	sadd.s32 $0x90, s22;
	[tilespmem:s30+$0x10] =	vst v11;
	v20 =	vmul.f32 v45, v14;
	v14 =	vpop (erf)  }
0x15a: {  	s1 =	sadd.s32 $0x40, s13;
	v52 =	vunpack.i.l.bf16.f32 v22;
	[tilespmem:s25+$0x40] =	vst v14  }
0x15b: {  	s2 =	sadd.s32 $0x90, s25;
	v10 =	vmul.f32 v52, v10;
	[tilespmem:s26+$0x20] =	vst v13;
	v50 =	vld [tilespmem:s1+$0xFFFFFFE0];
	v13 =	vpop (erf)  }
0x15c: {  	s15 =	sadd.s32 $0x40, s1;
	v54 =	vunpack.i.l.bf16.f32 v47;
	[tilespmem:s2+$0x40] =	vst v13  }
0x15d: {  	v42 =	vbroadcast v6, $0x2;
	[tilespmem:s30+$0x0] =	vst v10;
	v57 =	vunpack.i.u.bf16.f32 v47;
	v18 =	vmul.f32 v23, v54;
	v53 =	vld [tilespmem:s15+$0xFFFFFFE0]  }
0x15e: {  	v43 =	vunpack.i.l.bf16.f32 v25;
	v59 =	vmul.f32 v21, v57;
	[tilespmem:s26+$0x30] =	vst v20  }
0x15f: {  	v49 =	vunpack.i.u.bf16.f32 v25;
	v44 =	vmul.f32 v43, v42;
	v56 =	vld [tilespmem:s12+$0xFFFFFFF0];
	v55 =	vbroadcast v14, $0x0;
	[tilespmem:s22+$0xFFFFFFC0] =	vst v18  }
0x160: {  	v28 =	vld [tilespmem:s28+$0x10];
	v58 =	vbroadcast v14, $0x1;
	v20 =	vmul.f32 v49, v24;
	[tilespmem:s22+$0xFFFFFFD0] =	vst v59;
	v60 =	vunpack.i.l.bf16.f32 v50  }
0x161: {  	[tilespmem:s0+$0xFFFFFFE0] =	vst v44;
	v33 =	vld [tilespmem:s13+$0xFFFFFFF0];
	v19 =	vunpack.i.u.bf16.f32 v50;
	v11 =	vmul.f32 v55, v60;
	v62 =	vbroadcast v13, $0x0  }
0x162: {  	[tilespmem:s0+$0xFFFFFFF0] =	vst v20;
	v30 =	vmul.f32 v58, v19;
	v29 =	vbroadcast v13, $0x1;
	v31 =	vunpack.i.l.bf16.f32 v53  }
0x163: {  	v32 =	vbroadcast v7, $0x2;
	[tilespmem:s25+$0xFFFFFFC0] =	vst v11;
	v34 =	vunpack.i.u.bf16.f32 v53;
	v18 =	vmul.f32 v62, v31  }
0x164: {  	v36 =	vunpack.i.l.bf16.f32 v56;
	v61 =	vld [tilespmem:s19+$0x0];
	[tilespmem:s25+$0xFFFFFFD0] =	vst v30;
	v37 =	vmul.f32 v29, v34  }
0x165: {  	v42 =	vbroadcast v15, $0x2;
	v22 =	vmul.f32 v36, v32;
	v41 =	vunpack.i.u.bf16.f32 v28;
	v39 =	vld [tilespmem:s1+$0xFFFFFFF0];
	[tilespmem:s2+$0xFFFFFFC0] =	vst v18  }
0x166: {  	v44 =	vbroadcast v15, $0x3;
	v5 =	vmul.f32 v41, v5;
	v45 =	vunpack.i.l.bf16.f32 v33;
	[tilespmem:s2+$0xFFFFFFD0] =	vst v37  }
0x167: {  	v35 =	vbroadcast v7, $0x3;
	[tilespmem:s10+$0xFFFFFFE0] =	vst v22;
	v46 =	vunpack.i.u.bf16.f32 v33;
	v10 =	vmul.f32 v45, v42;
	v43 =	vld [tilespmem:s15+$0xFFFFFFF0]  }
0x168: {  	v25 =	vbroadcast v15, $0x4;
	v38 =	vunpack.i.u.bf16.f32 v56;
	[tilespmem:s30+$0x30] =	vst v5;
	v48 =	vmul.f32 v46, v44  }
0x169: {  	v47 =	vbroadcast v14, $0x2;
	v11 =	vmul.f32 v38, v35;
	v40 =	vunpack.i.u.bf16.f32 v61;
	[tilespmem:s22+$0xFFFFFFE0] =	vst v10  }
0x16a: {  	v49 =	vbroadcast v14, $0x3;
	v9 =	vmul.f32 v40, v9;
	[tilespmem:s22+$0xFFFFFFF0] =	vst v48;
	v50 =	vunpack.i.l.bf16.f32 v39  }
0x16b: {  	v52 =	vbroadcast v13, $0x2;
	[tilespmem:s10+$0xFFFFFFF0] =	vst v11;
	v57 =	vld [tilespmem:s13+$0x0];
	v51 =	vunpack.i.u.bf16.f32 v39;
	v11 =	vmul.f32 v50, v47  }
0x16c: {  	v54 =	vbroadcast v13, $0x3;
	[tilespmem:s0+$0x10] =	vst v9;
	v22 =	vld [tilespmem:s12+$0x0];
	v53 =	vmul.f32 v51, v49;
	v55 =	vunpack.i.l.bf16.f32 v43  }
0x16d: {  	v56 =	vbroadcast v6, $0x4;
	[tilespmem:s25+$0xFFFFFFE0] =	vst v11;
	v58 =	vunpack.i.u.bf16.f32 v43;
	v10 =	vmul.f32 v55, v52  }
0x16e: {  	v59 =	vunpack.i.l.bf16.f32 v61;
	v61 =	vunpack.i.l.bf16.f32 v28;
	[tilespmem:s25+$0xFFFFFFF0] =	vst v53;
	v60 =	vmul.f32 v58, v54  }
0x16f: {  	v6 =	vmul.f32 v59, v56;
	v1 =	vmul.f32 v61, v1;
	v62 =	vld [tilespmem:s1+$0x0];
	[tilespmem:s2+$0xFFFFFFE0] =	vst v10  }
0x170: {  	v26 =	vunpack.i.u.bf16.f32 v57;
	v29 =	vunpack.i.l.bf16.f32 v57;
	v18 =	vbroadcast v7, $0x4;
	[tilespmem:s2+$0xFFFFFFF0] =	vst v60  }
0x171: {  	[tilespmem:s0+$0x0] =	vst v6;
	v19 =	vunpack.i.u.bf16.f32 v22;
	v20 =	vunpack.i.l.bf16.f32 v22;
	v7 =	vmul.f32 v26, v16;
	v22 =	vld [tilespmem:s15+$0x0]  }
0x172: {  	[tilespmem:s30+$0x20] =	vst v1;
	v30 =	vmul.f32 v29, v25  }
0x173: {  	v27 =	vbroadcast v14, $0x5;
	v28 =	vld [tilespmem:s19+$0x10];
	v21 =	vmul.f32 v19, v8;
	[tilespmem:s22+$0x10] =	vst v7  }
0x174: {  	v31 =	vbroadcast v14, $0x4;
	v24 =	vmul.f32 v20, v18;
	[tilespmem:s22+$0x0] =	vst v30;
	v32 =	vunpack.i.u.bf16.f32 v62  }
0x175: {  	v33 =	vbroadcast v13, $0x5;
	[tilespmem:s10+$0x10] =	vst v21;
	v39 =	vld [tilespmem:s13+$0x10];
	v35 =	vunpack.i.l.bf16.f32 v62;
	v6 =	vmul.f32 v32, v27  }
0x176: {  	v37 =	vbroadcast v13, $0x4;
	[tilespmem:s10+$0x0] =	vst v24;
	v36 =	vmul.f32 v35, v31;
	v38 =	vunpack.i.u.bf16.f32 v22  }
0x177: {  	v34 =	vld [tilespmem:s12+$0x10];
	[tilespmem:s25+$0x10] =	vst v6;
	v40 =	vunpack.i.l.bf16.f32 v22;
	v7 =	vmul.f32 v38, v33  }
0x178: {  	v41 =	vunpack.i.u.bf16.f32 v28;
	[tilespmem:s25+$0x0] =	vst v36;
	v42 =	vmul.f32 v40, v37  }
0x179: {  	v2 =	vmul.f32 v41, v2;
	v43 =	vunpack.i.l.bf16.f32 v28;
	v44 =	vld [tilespmem:s1+$0x10];
	[tilespmem:s2+$0x10] =	vst v7  }
0x17a: {  	v0 =	vmul.f32 v43, v0;
	v50 =	vunpack.i.u.bf16.f32 v39;
	[tilespmem:s2+$0x0] =	vst v42  }
0x17b: {  	[tilespmem:s0+$0x30] =	vst v2;
	v52 =	vunpack.i.l.bf16.f32 v39;
	v1 =	vmul.f32 v50, v12;
	v48 =	vld [tilespmem:s15+$0x10]  }
0x17c: {  	[tilespmem:s0+$0x20] =	vst v0;
	v54 =	vmul.f32 v52, v17;
	v45 =	vunpack.i.u.bf16.f32 v34  }
0x17d: {  	v51 =	vbroadcast v14, $0x7;
	v46 =	vunpack.i.l.bf16.f32 v34;
	v47 =	vmul.f32 v45, v4;
	[tilespmem:s22+$0x30] =	vst v1  }
0x17e: {  	v53 =	vbroadcast v14, $0x6;
	v49 =	vmul.f32 v46, v3;
	[tilespmem:s22+$0x20] =	vst v54;
	v55 =	vunpack.i.u.bf16.f32 v44  }
0x17f: {  	s20 =	sadd.s32 $0x1, s20;
	v56 =	vbroadcast v13, $0x7;
	[tilespmem:s10+$0x30] =	vst v47;
	v57 =	vunpack.i.l.bf16.f32 v44;
	v2 =	vmul.f32 v55, v51  }
0x180: {  	p0 =	sne.s32 s20, $0x3E;
	v58 =	vbroadcast v13, $0x6;
	[tilespmem:s10+$0x20] =	vst v49;
	v59 =	vmul.f32 v57, v53;
	v60 =	vunpack.i.u.bf16.f32 v48  }
.Ltmp2:
0x181: {  	[tilespmem:s25+$0x30] =	vst v2;
	v61 =	vunpack.i.l.bf16.f32 v48;
	v1 =	vmul.f32 v60, v56;
	(pc) =	sbr.rel @p0 .LBB2_2-.Ltmp2, $4  }
0x182: {  	[tilespmem:s25+$0x20] =	vst v59;
	v62 =	vmul.f32 v61, v58  }
0x183: {  	[tilespmem:s2+$0x30] =	vst v1  }
0x184: {  	s28 =	simm.s32 $0x9790;
	s30 =	simm.s32 $0x6A90;
	[tilespmem:s2+$0x20] =	vst v62  }
0x185: {  	[spmem:s16] =	stream.indirect.scatter.add.f32 [tilespmem:s30], [sflag:$0xA], $0x90, s28, s21, $0xb8;
	v63 =	vld [tilespmem:$0x0]  }
0x186: {  	_ =	swait.ge [sflag:s3], $0x1400  }
0x187: {  	[sflag:s3] =	ssyncset.done $0x0  }
0x188: {  	[sflag:s3] =	ssyncadd.s32 $0xFFFFEC00  }
0x189: {  	_ =	swait.ge [sflag:s9], $0x500  }
0x18a: {  	[sflag:s9] =	ssyncset.done $0x0  }
0x18b: {  	[sflag:s9] =	ssyncadd.s32 $0xFFFFFB00  }
0x18c: {  	_ =	swait.ge [sflag:s11], $0x500  }
0x18d: {  	[sflag:s11] =	ssyncset.done $0x0  }
0x18e: {  	s15 =	simm.s32 $0x5;
	[sflag:s11] =	ssyncadd.s32 $0xFFFFFB00  }
0x18f: {  	_ =	swait.ge [sflag:s15], $0x2D00  }
0x190: {  	[sflag:s15] =	ssyncset.done $0x0  }
0x191: {  	[sflag:s15] =	ssyncadd.s32 $0xFFFFD300  }
0x192: {  	v0 =	vld [tilespmem:$0x0]  }
0x193: {  	v1 =	vld [tilespmem:$0x10]  }
0x194: {  	v2 =	vld [tilespmem:$0x20]  }
0x195: {  	v3 =	vld [tilespmem:$0x30]  }
0x196: {  	v4 =	vld [tilespmem:$0x40]  }
0x197: {  	[tilespmem:$0x4BA0] =	vst v0  }
0x198: {  	[tilespmem:$0x4BB0] =	vst v1  }
0x199: {  	[tilespmem:$0x4BC0] =	vst v2  }
0x19a: {  	[tilespmem:$0x4BD0] =	vst v3  }
0x19b: {  	s0 =	simm.s32 $0x0;
	[tilespmem:$0x4BE0] =	vst v4  }
0x19c: {  	v0 =	vld [tilespmem:s0+$0x19A0]  }
0x19d: {  	v1 =	vld [tilespmem:s0+$0x14A0];
	_ =	sdelay $0x3  }
0x19e: {  	s12 =	simm.s32 $0x10  }
0x19f: {  	v2 =	vld [tilespmem:s12+$0x14A0];
	v0 =	vadd.f32 v0, v1  }
0x1a0: {  	v1 =	vld [tilespmem:s12+$0x19A0]  }
0x1a1: {  	v3 =	vmul.f32 $2.000000030e-01, v0  }
0x1a2: {  	vm0 =	vge.f32 v0, $0.0e+00  }
0x1a3: {  	s13 =	simm.s32 $0x20;
	v0 =	vsel vm0, v0, v3  }
0x1a4: {  	v3 =	vld [tilespmem:s13+$0x14A0];
	v0 =	vsub.f32 $0.0e+00, v0  }
0x1a5: {  	v1 =	vadd.f32 v1, v2;
	v2 =	vld [tilespmem:s13+$0x19A0]  }
0x1a6: {  	v0 =	vmul.f32 $1.442695020e+00, v0  }
0x1a7: {  	v4 =	vmul.f32 $2.000000030e-01, v1  }
0x1a8: {  	vm0 =	vge.f32 v1, $0.0e+00;
	(erf) = vpow2.f32 v0  }
0x1a9: {  	v0 =	vsel vm0, v1, v4  }
0x1aa: {  	s19 =	simm.s32 $0x30;
	v0 =	vsub.f32 $0.0e+00, v0;
	v1 =	vadd.f32 v2, v3  }
0x1ab: {  	v4 =	vld [tilespmem:s19+$0x14A0]  }
0x1ac: {  	s22 =	simm.s32 $0x50;
	v2 =	vld [tilespmem:s19+$0x19A0];
	v0 =	vmul.f32 $1.442695020e+00, v0;
	v3 =	vmul.f32 $2.000000030e-01, v1  }
0x1ad: {  	v17 =	vld [tilespmem:s22+$0x19A0];
	vm0 =	vge.f32 v1, $0.0e+00  }
0x1ae: {  	v19 =	vld [tilespmem:s22+$0x14A0];
	(erf) = vpow2.f32 v0;
	v0 =	vsel vm0, v1, v3  }
0x1af: {  	v0 =	vsub.f32 $0.0e+00, v0;
	_ =	sdelay $0x1  }
0x1b0: {  	s25 =	simm.s32 $0x1EE0;
	v1 =	vadd.f32 v2, v4;
	v0 =	vmul.f32 $1.442695020e+00, v0;
	v3 =	vpop (erf)  }
0x1b1: {  	s10 =	simm.s32 $0xC0;
	[tilespmem:s25+$0x40] =	vst v3  }
0x1b2: {  	s20 =	simm.s32 $0x40;
	v17 =	vadd.f32 v17, v19;
	(erf) = vpow2.f32 v0;
	v0 =	vmul.f32 $2.000000030e-01, v1;
	v2 =	vld [tilespmem:s10+$0xFFFFFFE0]  }
0x1b3: {  	v5 =	vld [tilespmem:s20+$0x14A0];
	vm0 =	vge.f32 v1, $0.0e+00  }
0x1b4: {  	v19 =	vmul.f32 $2.000000030e-01, v17;
	v4 =	vld [tilespmem:s20+$0x19A0];
	v0 =	vsel vm0, v1, v0  }
0x1b5: {  	v6 =	vbroadcast v3, $0x0;
	v7 =	vbroadcast v3, $0x1;
	v0 =	vsub.f32 $0.0e+00, v0  }
0x1b6: {  	v15 =	vbroadcast v3, $0x5;
	v20 =	vbroadcast v3, $0x6  }
0x1b7: {  	s26 =	simm.s32 $0x1F70;
	v22 =	vbroadcast v3, $0x7;
	v12 =	vpop (erf);
	v0 =	vmul.f32 $1.442695020e+00, v0;
	v1 =	vunpack.i.l.bf16.f32 v2  }
0x1b8: {  	s4 =	simm.s32 $0x100;
	v18 =	vbroadcast v3, $0x3;
	[tilespmem:s26+$0x40] =	vst v12;
	v2 =	vunpack.i.u.bf16.f32 v2;
	v1 =	vmul.f32 v6, v1  }
0x1b9: {  	v4 =	vadd.f32 v4, v5;
	v2 =	vmul.f32 v7, v2;
	(erf) = vpow2.f32 v0;
	v0 =	vld [tilespmem:s4+$0xFFFFFFE0]  }
0x1ba: {  	v29 =	vbroadcast v3, $0x4;
	v8 =	vbroadcast v12, $0x0;
	[tilespmem:s25+$0xFFFFFFC0] =	vst v1  }
0x1bb: {  	v9 =	vbroadcast v12, $0x1;
	v1 =	vmul.f32 $2.000000030e-01, v4;
	[tilespmem:s25+$0xFFFFFFD0] =	vst v2  }
0x1bc: {  	vm0 =	vge.f32 v4, $0.0e+00;
	v24 =	vbroadcast v12, $0x5;
	v13 =	vbroadcast v12, $0x6;
	v2 =	vld [tilespmem:s10+$0xFFFFFFF0]  }
0x1bd: {  	v14 =	vbroadcast v12, $0x7;
	v27 =	vbroadcast v12, $0x2;
	v4 =	vsel vm0, v4, v1  }
0x1be: {  	v33 =	vbroadcast v12, $0x4;
	v10 =	vpop (erf);
	v4 =	vsub.f32 $0.0e+00, v4;
	v6 =	vunpack.i.l.bf16.f32 v0  }
0x1bf: {  	v7 =	vbroadcast v10, $0x0;
	v6 =	vmul.f32 v8, v6  }
0x1c0: {  	s20 =	simm.s32 $0x2000;
	v0 =	vunpack.i.u.bf16.f32 v0;
	v8 =	vbroadcast v3, $0x2;
	v4 =	vmul.f32 $1.442695020e+00, v4  }
0x1c1: {  	s28 =	simm.s32 $0x140;
	[tilespmem:s20+$0x40] =	vst v10;
	v0 =	vmul.f32 v9, v0;
	v9 =	vunpack.i.u.bf16.f32 v2;
	v2 =	vunpack.i.l.bf16.f32 v2  }
0x1c2: {  	[tilespmem:s26+$0xFFFFFFC0] =	vst v6;
	(erf) = vpow2.f32 v4;
	v4 =	vld [tilespmem:s28+$0xFFFFFFE0];
	v2 =	vmul.f32 v2, v8  }
0x1c3: {  	v16 =	vbroadcast v10, $0x1;
	[tilespmem:s26+$0xFFFFFFD0] =	vst v0;
	v8 =	vmul.f32 v9, v18  }
0x1c4: {  	v11 =	vbroadcast v10, $0x5;
	v5 =	vbroadcast v10, $0x7;
	v18 =	vld [tilespmem:s4+$0xFFFFFFF0];
	v6 =	vpop (erf);
	[tilespmem:s25+$0xFFFFFFE0] =	vst v2  }
0x1c5: {  	v1 =	vbroadcast v10, $0x6;
	v21 =	vbroadcast v6, $0x0;
	[tilespmem:s25+$0xFFFFFFF0] =	vst v8  }
0x1c6: {  	vm0 =	vge.f32 v17, $0.0e+00;
	v23 =	vbroadcast v6, $0x1;
	v9 =	vbroadcast v6, $0x5;
	v26 =	vld [tilespmem:s10+$0x0]  }
0x1c7: {  	s30 =	simm.s32 $0x60;
	v0 =	vbroadcast v6, $0x6;
	v25 =	vunpack.i.u.bf16.f32 v4;
	v4 =	vunpack.i.l.bf16.f32 v4  }
0x1c8: {  	v28 =	vld [tilespmem:s30+$0x19A0];
	s0 =	simm.s32 $0x2090;
	v17 =	vsel vm0, v17, v19;
	v8 =	vbroadcast v12, $0x3;
	v4 =	vmul.f32 v7, v4  }
0x1c9: {  	[tilespmem:s0+$0x40] =	vst v6;
	v7 =	vsub.f32 $0.0e+00, v17;
	v17 =	vunpack.i.l.bf16.f32 v18;
	v16 =	vmul.f32 v16, v25;
	v25 =	vld [tilespmem:s30+$0x14A0]  }
0x1ca: {  	s19 =	simm.s32 $0x180;
	v2 =	vbroadcast v6, $0x7;
	v18 =	vunpack.i.u.bf16.f32 v18;
	v17 =	vmul.f32 v17, v27;
	[tilespmem:s20+$0xFFFFFFC0] =	vst v4  }
0x1cb: {  	v30 =	vld [tilespmem:s19+$0xFFFFFFE0];
	v27 =	vmul.f32 v18, v8;
	[tilespmem:s20+$0xFFFFFFD0] =	vst v16;
	v16 =	vunpack.i.u.bf16.f32 v26;
	v26 =	vunpack.i.l.bf16.f32 v26  }
0x1cc: {  	v4 =	vmul.f32 $1.442695020e+00, v7;
	[tilespmem:s26+$0xFFFFFFE0] =	vst v17;
	v17 =	vmul.f32 v26, v29  }
0x1cd: {  	v31 =	vld [tilespmem:s28+$0xFFFFFFF0];
	v15 =	vmul.f32 v16, v15;
	[tilespmem:s26+$0xFFFFFFF0] =	vst v27;
	v16 =	vbroadcast v10, $0x3  }
0x1ce: {  	v29 =	vbroadcast v10, $0x2;
	v7 =	vpop (erf);
	(erf) = vpow2.f32 v4;
	v27 =	vld [tilespmem:s4+$0x0];
	v25 =	vadd.f32 v28, v25  }
0x1cf: {  	s1 =	simm.s32 $0x70;
	v19 =	vbroadcast v7, $0x0;
	v18 =	vbroadcast v7, $0x1  }
0x1d0: {  	[tilespmem:s25+$0x10] =	vst v15;
	v15 =	vunpack.i.u.bf16.f32 v30;
	v28 =	vunpack.i.l.bf16.f32 v30;
	v30 =	vld [tilespmem:s1+$0x19A0];
	v26 =	vmul.f32 $2.000000030e-01, v25  }
0x1d1: {  	v8 =	vbroadcast v7, $0x5;
	v21 =	vmul.f32 v21, v28;
	v28 =	vld [tilespmem:s1+$0x14A0];
	vm0 =	vge.f32 v25, $0.0e+00  }
0x1d2: {  	v3 =	vbroadcast v7, $0x6;
	v4 =	vbroadcast v7, $0x7;
	v25 =	vsel vm0, v25, v26  }
0x1d3: {  	v26 =	vunpack.i.u.bf16.f32 v31;
	v34 =	vunpack.i.u.bf16.f32 v27;
	v27 =	vunpack.i.l.bf16.f32 v27  }
0x1d4: {  	[tilespmem:s25+$0x0] =	vst v17;
	v17 =	vsub.f32 $0.0e+00, v25;
	v25 =	vmul.f32 v23, v15;
	v15 =	vunpack.i.l.bf16.f32 v31  }
0x1d5: {  	v32 =	vmul.f32 v26, v16;
	v27 =	vmul.f32 v27, v33  }
0x1d6: {  	v31 =	vld [tilespmem:s10+$0x10];
	s10 =	simm.s32 $0x2120;
	v62 =	vmul.f32 v34, v24;
	v24 =	vbroadcast v6, $0x3;
	v28 =	vadd.f32 v30, v28  }
0x1d7: {  	s12 =	simm.s32 $0x1C0;
	v29 =	vmul.f32 v15, v29;
	[tilespmem:s10+$0x40] =	vst v7;
	v16 =	vmul.f32 $1.442695020e+00, v17;
	v15 =	vpop (erf)  }
0x1d8: {  	[tilespmem:s0+$0xFFFFFFC0] =	vst v21;
	v26 =	vld [tilespmem:s12+$0xFFFFFFE0];
	v30 =	vmul.f32 $2.000000030e-01, v28;
	v23 =	vbroadcast v15, $0x0  }
0x1d9: {  	[tilespmem:s0+$0xFFFFFFD0] =	vst v25;
	v21 =	vbroadcast v15, $0x1;
	(erf) = vpow2.f32 v16  }
0x1da: {  	[tilespmem:s20+$0xFFFFFFF0] =	vst v32;
	v25 =	vld [tilespmem:s19+$0xFFFFFFF0];
	v16 =	vbroadcast v15, $0x5;
	v17 =	vbroadcast v15, $0x6  }
0x1db: {  	[tilespmem:s20+$0xFFFFFFE0] =	vst v29;
	v12 =	vbroadcast v15, $0x7;
	v29 =	vunpack.i.u.bf16.f32 v31;
	v31 =	vunpack.i.l.bf16.f32 v31  }
0x1dc: {  	s22 =	simm.s32 $0x21B0;
	s13 =	simm.s32 $0x200;
	s1 =	simm.s32 $0x200;
	[tilespmem:s26+$0x10] =	vst v62;
	vm0 =	vge.f32 v28, $0.0e+00;
	v29 =	vmul.f32 v29, v22;
	v22 =	vld [tilespmem:s28+$0x0];
	v20 =	vmul.f32 v31, v20  }
.LBB2_8:
0x1dd: {  	v31 =	vunpack.i.u.bf16.f32 v26;
	v26 =	vunpack.i.l.bf16.f32 v26;
	v32 =	vbroadcast v6, $0x2;
	v33 =	vmovc v1;
	v1 =	vmovc v0  }
0x1de: {  	s2 =	sshra.s32 s1, $0x2;
	p0 =	sne.s32 s1, $0x13C0;
	s1 =	sadd.s32 $0x40, s1;
	[tilespmem:s25+$0x30] =	vst v29;
	v0 =	vmovc v3;
	v3 =	vmovc v17;
	v29 =	vmov v14;
	v14 =	vmov v5;
	v5 =	vmov v2  }
0x1df: {  	v34 =	vld [tilespmem:s2+$0x19A0];
	v28 =	vsel vm0, v28, v30;
	v17 =	vmul.f32 v19, v26;
	v26 =	vunpack.i.u.bf16.f32 v25;
	[tilespmem:s26+$0x0] =	vst v27;
	v19 =	vmovc v23  }
0x1e0: {  	v2 =	vmovc v4;
	v27 =	vmul.f32 v18, v31;
	v18 =	vmovc v21;
	v23 =	vsub.f32 $0.0e+00, v28;
	v28 =	vunpack.i.l.bf16.f32 v25;
	v30 =	vld [tilespmem:s4+$0x10];
	[tilespmem:s25+$0x20] =	vst v20;
	s25 =	smov.u32 s26;
	s26 =	smov.u32 s20;
	s20 =	smov.u32 s0  }
0x1e1: {  	v4 =	vmov v12;
	v24 =	vmul.f32 v26, v24;
	s0 =	smov.u32 s10;
	s4 =	smov.u32 s28;
	v20 =	vld [tilespmem:s2+$0x14A0];
	[tilespmem:s10+$0xFFFFFFC0] =	vst v17;
	v17 =	vmul.f32 v28, v32;
	s10 =	smov.u32 s22  }
0x1e2: {  	v31 =	vbroadcast v10, $0x4;
	v10 =	vmov v6;
	s28 =	smov.u32 s19;
	s19 =	smov.u32 s12;
	s12 =	smov.u32 s13;
	v12 =	vmul.f32 $1.442695020e+00, v23;
	v25 =	vpop (erf);
	[tilespmem:s22+$0x40] =	vst v15  }
0x1e3: {  	v6 =	vmovc v7;
	v7 =	vmovc v15;
	v32 =	vunpack.i.u.bf16.f32 v22;
	v23 =	vbroadcast v25, $0x0;
	v21 =	vbroadcast v25, $0x1;
	[tilespmem:s20+$0xFFFFFFE0] =	vst v17  }
.Ltmp3:
0x1e4: {  	v35 =	vbroadcast v25, $0x5;
	v15 =	vmovc v25;
	(erf) = vpow2.f32 v12;
	v26 =	vld [tilespmem:s13+$0xFFFFFFE0];
	[tilespmem:s0+$0xFFFFFFD0] =	vst v27;
	v27 =	vunpack.i.l.bf16.f32 v22;
	(pc) =	sbr.rel @p0 .LBB2_8-.Ltmp3, $4  }
0x1e5: {  	s22 =	sadd.s32 $0x90, s22;
	v17 =	vbroadcast v15, $0x6;
	v12 =	vbroadcast v15, $0x7;
	v25 =	vld [tilespmem:s19+$0xFFFFFFF0];
	[tilespmem:s20+$0xFFFFFFF0] =	vst v24;
	v36 =	vunpack.i.u.bf16.f32 v30  }
0x1e6: {  	s13 =	sadd.s32 $0x40, s13;
	v27 =	vmul.f32 v27, v31;
	v28 =	vadd.f32 v34, v20;
	v22 =	vld [tilespmem:s28+$0x0];
	v20 =	vmul.f32 v32, v11;
	v11 =	vmovc v9  }
0x1e7: {  	v24 =	vbroadcast v6, $0x3;
	v31 =	vunpack.i.l.bf16.f32 v30;
	v29 =	vmul.f32 v36, v29;
	v9 =	vmovc v8;
	v8 =	vmovc v16  }
0x1e8: {  	v16 =	vmovc v35;
	vm0 =	vge.f32 v28, $0.0e+00;
	v30 =	vmul.f32 $2.000000030e-01, v28;
	[tilespmem:s26+$0x10] =	vst v20;
	v20 =	vmul.f32 v31, v13;
	v13 =	vmovc v33  }
0x1e9: {  	_ = 	snop  }
0x1ea: {  	v28 =	vsel vm0, v28, v30  }
0x1eb: {  	v28 =	vsub.f32 $0.0e+00, v28;
	_ =	sdelay $0x1  }
0x1ec: {  	[tilespmem:s26+$0x0] =	vst v27;
	v39 =	vmul.f32 $1.442695020e+00, v28  }
0x1ed: {  	v40 =	vld [tilespmem:s4+$0x10]  }
0x1ee: {  	(erf) = vpow2.f32 v39;
	_ =	sdelay $0x1  }
0x1ef: {  	v41 =	vunpack.i.l.bf16.f32 v26;
	[tilespmem:s25+$0x30] =	vst v29  }
0x1f0: {  	[tilespmem:s22+$0x40] =	vst v15;
	v48 =	vunpack.i.u.bf16.f32 v26;
	v19 =	vmul.f32 v19, v41  }
0x1f1: {  	[tilespmem:s25+$0x20] =	vst v20;
	v18 =	vmul.f32 v18, v48;
	v51 =	vunpack.i.u.bf16.f32 v22;
	v46 =	vunpack.i.l.bf16.f32 v40  }
0x1f2: {  	v47 =	vld [tilespmem:s13+$0xFFFFFFE0];
	[tilespmem:s10+$0xFFFFFFC0] =	vst v19;
	v11 =	vmul.f32 v51, v11;
	v13 =	vmul.f32 v46, v13  }
0x1f3: {  	[tilespmem:s10+$0xFFFFFFD0] =	vst v18;
	v45 =	vunpack.i.u.bf16.f32 v40  }
0x1f4: {  	v10 =	vbroadcast v10, $0x4;
	s25 =	sadd.s32 $0x90, s22;
	[tilespmem:s20+$0x10] =	vst v11;
	v20 =	vmul.f32 v45, v14;
	v14 =	vpop (erf)  }
0x1f5: {  	s1 =	sadd.s32 $0x40, s13;
	v52 =	vunpack.i.l.bf16.f32 v22;
	[tilespmem:s25+$0x40] =	vst v14  }
0x1f6: {  	s30 =	sadd.s32 $0x90, s25;
	v10 =	vmul.f32 v52, v10;
	[tilespmem:s26+$0x20] =	vst v13;
	v50 =	vld [tilespmem:s1+$0xFFFFFFE0];
	v13 =	vpop (erf)  }
0x1f7: {  	s2 =	sadd.s32 $0x40, s1;
	v54 =	vunpack.i.l.bf16.f32 v47;
	[tilespmem:s30+$0x40] =	vst v13  }
0x1f8: {  	v42 =	vbroadcast v6, $0x2;
	[tilespmem:s20+$0x0] =	vst v10;
	v57 =	vunpack.i.u.bf16.f32 v47;
	v18 =	vmul.f32 v23, v54;
	v53 =	vld [tilespmem:s2+$0xFFFFFFE0]  }
0x1f9: {  	v43 =	vunpack.i.l.bf16.f32 v25;
	v59 =	vmul.f32 v21, v57;
	[tilespmem:s26+$0x30] =	vst v20  }
0x1fa: {  	v49 =	vunpack.i.u.bf16.f32 v25;
	v44 =	vmul.f32 v43, v42;
	v56 =	vld [tilespmem:s12+$0xFFFFFFF0];
	v55 =	vbroadcast v14, $0x0;
	[tilespmem:s22+$0xFFFFFFC0] =	vst v18  }
0x1fb: {  	v28 =	vld [tilespmem:s28+$0x10];
	v58 =	vbroadcast v14, $0x1;
	v20 =	vmul.f32 v49, v24;
	[tilespmem:s22+$0xFFFFFFD0] =	vst v59;
	v60 =	vunpack.i.l.bf16.f32 v50  }
0x1fc: {  	[tilespmem:s0+$0xFFFFFFE0] =	vst v44;
	v33 =	vld [tilespmem:s13+$0xFFFFFFF0];
	v19 =	vunpack.i.u.bf16.f32 v50;
	v11 =	vmul.f32 v55, v60;
	v62 =	vbroadcast v13, $0x0  }
0x1fd: {  	[tilespmem:s0+$0xFFFFFFF0] =	vst v20;
	v30 =	vmul.f32 v58, v19;
	v29 =	vbroadcast v13, $0x1;
	v31 =	vunpack.i.l.bf16.f32 v53  }
0x1fe: {  	v32 =	vbroadcast v7, $0x2;
	[tilespmem:s25+$0xFFFFFFC0] =	vst v11;
	v34 =	vunpack.i.u.bf16.f32 v53;
	v18 =	vmul.f32 v62, v31  }
0x1ff: {  	v36 =	vunpack.i.l.bf16.f32 v56;
	v61 =	vld [tilespmem:s19+$0x0];
	[tilespmem:s25+$0xFFFFFFD0] =	vst v30;
	v37 =	vmul.f32 v29, v34  }
0x200: {  	v42 =	vbroadcast v15, $0x2;
	v22 =	vmul.f32 v36, v32;
	v41 =	vunpack.i.u.bf16.f32 v28;
	v39 =	vld [tilespmem:s1+$0xFFFFFFF0];
	[tilespmem:s30+$0xFFFFFFC0] =	vst v18  }
0x201: {  	v44 =	vbroadcast v15, $0x3;
	v5 =	vmul.f32 v41, v5;
	v45 =	vunpack.i.l.bf16.f32 v33;
	[tilespmem:s30+$0xFFFFFFD0] =	vst v37  }
0x202: {  	v35 =	vbroadcast v7, $0x3;
	[tilespmem:s10+$0xFFFFFFE0] =	vst v22;
	v46 =	vunpack.i.u.bf16.f32 v33;
	v10 =	vmul.f32 v45, v42;
	v43 =	vld [tilespmem:s2+$0xFFFFFFF0]  }
0x203: {  	v25 =	vbroadcast v15, $0x4;
	v38 =	vunpack.i.u.bf16.f32 v56;
	[tilespmem:s20+$0x30] =	vst v5;
	v48 =	vmul.f32 v46, v44  }
0x204: {  	v47 =	vbroadcast v14, $0x2;
	v11 =	vmul.f32 v38, v35;
	v40 =	vunpack.i.u.bf16.f32 v61;
	[tilespmem:s22+$0xFFFFFFE0] =	vst v10  }
0x205: {  	v49 =	vbroadcast v14, $0x3;
	v9 =	vmul.f32 v40, v9;
	[tilespmem:s22+$0xFFFFFFF0] =	vst v48;
	v50 =	vunpack.i.l.bf16.f32 v39  }
0x206: {  	v52 =	vbroadcast v13, $0x2;
	[tilespmem:s10+$0xFFFFFFF0] =	vst v11;
	v57 =	vld [tilespmem:s13+$0x0];
	v51 =	vunpack.i.u.bf16.f32 v39;
	v11 =	vmul.f32 v50, v47  }
0x207: {  	v54 =	vbroadcast v13, $0x3;
	[tilespmem:s0+$0x10] =	vst v9;
	v22 =	vld [tilespmem:s12+$0x0];
	v53 =	vmul.f32 v51, v49;
	v55 =	vunpack.i.l.bf16.f32 v43  }
0x208: {  	v56 =	vbroadcast v6, $0x4;
	[tilespmem:s25+$0xFFFFFFE0] =	vst v11;
	v58 =	vunpack.i.u.bf16.f32 v43;
	v10 =	vmul.f32 v55, v52  }
0x209: {  	v59 =	vunpack.i.l.bf16.f32 v61;
	v61 =	vunpack.i.l.bf16.f32 v28;
	[tilespmem:s25+$0xFFFFFFF0] =	vst v53;
	v60 =	vmul.f32 v58, v54  }
0x20a: {  	v6 =	vmul.f32 v59, v56;
	v1 =	vmul.f32 v61, v1;
	v62 =	vld [tilespmem:s1+$0x0];
	[tilespmem:s30+$0xFFFFFFE0] =	vst v10  }
0x20b: {  	v26 =	vunpack.i.u.bf16.f32 v57;
	v29 =	vunpack.i.l.bf16.f32 v57;
	v18 =	vbroadcast v7, $0x4;
	[tilespmem:s30+$0xFFFFFFF0] =	vst v60  }
0x20c: {  	[tilespmem:s0+$0x0] =	vst v6;
	v19 =	vunpack.i.u.bf16.f32 v22;
	v20 =	vunpack.i.l.bf16.f32 v22;
	v7 =	vmul.f32 v26, v16;
	v22 =	vld [tilespmem:s2+$0x0]  }
0x20d: {  	[tilespmem:s20+$0x20] =	vst v1;
	v30 =	vmul.f32 v29, v25  }
0x20e: {  	v27 =	vbroadcast v14, $0x5;
	v28 =	vld [tilespmem:s19+$0x10];
	v21 =	vmul.f32 v19, v8;
	[tilespmem:s22+$0x10] =	vst v7  }
0x20f: {  	v31 =	vbroadcast v14, $0x4;
	v24 =	vmul.f32 v20, v18;
	[tilespmem:s22+$0x0] =	vst v30;
	v32 =	vunpack.i.u.bf16.f32 v62  }
0x210: {  	v33 =	vbroadcast v13, $0x5;
	[tilespmem:s10+$0x10] =	vst v21;
	v39 =	vld [tilespmem:s13+$0x10];
	v35 =	vunpack.i.l.bf16.f32 v62;
	v6 =	vmul.f32 v32, v27  }
0x211: {  	v37 =	vbroadcast v13, $0x4;
	[tilespmem:s10+$0x0] =	vst v24;
	v36 =	vmul.f32 v35, v31;
	v38 =	vunpack.i.u.bf16.f32 v22  }
0x212: {  	v34 =	vld [tilespmem:s12+$0x10];
	[tilespmem:s25+$0x10] =	vst v6;
	v40 =	vunpack.i.l.bf16.f32 v22;
	v7 =	vmul.f32 v38, v33  }
0x213: {  	v41 =	vunpack.i.u.bf16.f32 v28;
	[tilespmem:s25+$0x0] =	vst v36;
	v42 =	vmul.f32 v40, v37  }
0x214: {  	v2 =	vmul.f32 v41, v2;
	v43 =	vunpack.i.l.bf16.f32 v28;
	v44 =	vld [tilespmem:s1+$0x10];
	[tilespmem:s30+$0x10] =	vst v7  }
0x215: {  	v0 =	vmul.f32 v43, v0;
	v50 =	vunpack.i.u.bf16.f32 v39;
	[tilespmem:s30+$0x0] =	vst v42  }
0x216: {  	[tilespmem:s0+$0x30] =	vst v2;
	v52 =	vunpack.i.l.bf16.f32 v39;
	v1 =	vmul.f32 v50, v12;
	v48 =	vld [tilespmem:s2+$0x10]  }
0x217: {  	[tilespmem:s0+$0x20] =	vst v0;
	v54 =	vmul.f32 v52, v17;
	v45 =	vunpack.i.u.bf16.f32 v34  }
0x218: {  	v51 =	vbroadcast v14, $0x7;
	v46 =	vunpack.i.l.bf16.f32 v34;
	v47 =	vmul.f32 v45, v4;
	[tilespmem:s22+$0x30] =	vst v1  }
0x219: {  	v53 =	vbroadcast v14, $0x6;
	v49 =	vmul.f32 v46, v3;
	[tilespmem:s22+$0x20] =	vst v54;
	v55 =	vunpack.i.u.bf16.f32 v44  }
0x21a: {  	v56 =	vbroadcast v13, $0x7;
	[tilespmem:s10+$0x30] =	vst v47;
	v57 =	vunpack.i.l.bf16.f32 v44;
	v2 =	vmul.f32 v55, v51  }
0x21b: {  	v58 =	vbroadcast v13, $0x6;
	[tilespmem:s10+$0x20] =	vst v49;
	v59 =	vmul.f32 v57, v53;
	v60 =	vunpack.i.u.bf16.f32 v48  }
0x21c: {  	[tilespmem:s25+$0x30] =	vst v2;
	v61 =	vunpack.i.l.bf16.f32 v48;
	v1 =	vmul.f32 v60, v56  }
0x21d: {  	[tilespmem:s25+$0x20] =	vst v59;
	v62 =	vmul.f32 v61, v58  }
0x21e: {  	[tilespmem:s30+$0x30] =	vst v1  }
0x21f: {  	s20 =	simm.s32 $0x4BA0;
	s22 =	simm.s32 $0x1EA0;
	[tilespmem:s30+$0x20] =	vst v62  }
0x220: {  	[spmem:s16] =	stream.indirect.scatter.add.f32 [tilespmem:s22], [sflag:$0x5], $0x90, s20, s21, $0xb8;
	v63 =	vld [tilespmem:$0x0]  }
0x221: {  	_ =	swait.ge [sflag:s15], $0x2D00  }
0x222: {  	[sflag:s15] =	ssyncset.done $0x0  }
0x223: {  	s25 =	simm.s32 $0xA;
	[sflag:s15] =	ssyncadd.s32 $0xFFFFD300  }
0x224: {  	_ =	swait.ge [sflag:s25], $0x2D00  }
0x225: {  	[sflag:s25] =	ssyncset.done $0x0  }
0x226: {  	[sflag:s25] =	ssyncadd.s32 $0xFFFFD300  }
0x227: {  	[bflag:$0x0] =	sbarrier.arrive $0xFFFF  }
0x228: {  	s2 =	rddreg [dreg:$0x5]  }
0x229: {  	s26 =	rddreg [dreg:$0xc]  }
0x22a: {  	s4 =	simm.s32 $0xB;
	s1 =	rddreg [dreg:$0xe]  }
0x22b: {  	[hbm:s26], [sflag:s2] =	dma.local [spmem:s1], $0x2D00  }
0x22c: {  	_ =	swait.ge [sflag:s4], $0x2D00  }
0x22d: {  	s28 =	rddreg [dreg:$0xf]  }
0x22e: {  	s30 =	rddreg [dreg:$0xd];
	s10 =	sadd.s32 $0x1, s28  }
0x22f: {  	p0 =	sne.s32 s10, s30  }
.Ltmp4:
0x230: {  	_ = 	snop;
	(pc) =	sbr.rel @p0 .LBB2_1-.Ltmp4, $3  }
0x231: {  	_ =	sdelay $0x1  }
0x232: {  	[sflag:s4] =	ssyncset.done $0x0  }
0x233: {  	[sflag:s4] =	ssyncadd.s32 $0xFFFFD300  }
0x234: {  	_ =	sfence.sel $0x180000  }
0x235: {  	[bflag:$0x0] =	sbarrier.arrive $0xFFFF  }
0x236: {  	_ =	strace $0x9000004A  }
0x237: {  	s0 =	stileid.u32;
	[bflag:$0x2] =	sbarrier.arrive $0xFFFF  }
0x238: {  	p0 =	sne.s32 s0, $0x0;
	s0 =	rddreg [dreg:$0x3]  }
0x239: {  	s0 =	sadd.s32 @!p0 $0x100000, s0  }
0x23a: {  	[sflag:s0] =	ssyncadd.tile.s32 @!p0 $0x1;
	_ =	shalt  }
.Lfunc_end2:
_tile_overlayer_lowered:
.L_overlay_start_2:
0x23b: {  	(tag) =	ssettag $0x2  }
0x23c: {  	s0 =	rddreg [dreg:$0x0];
	s2 =	stileid.u32  }
0x23d: {  	s1 =	rddreg [dreg:$0x1];
	p0 =	sne.s32 s2, $0x0  }
0x23e: {  	s3 =	rddreg [dreg:$0x2];
	[bflag:$0x3] =	sbarrier.arrive $0xFFFF;
	s2 =	simm.s32 @!p0 $0x1C0B  }
0x23f: {  	[timem:s3], [sflag:s2] =	dma.local @!p0 [hbm:s0], s1  }
0x240: {  	s0 =	simm.s32 @!p0 $0xB  }
0x241: {  	_ =	swait.ge @!p0 [sflag:s0], s1  }
0x242: {  	s1 =	ssub.s32 @!p0 $0x0, s1;
	[sflag:s0] =	ssyncset.done @!p0 $0x0  }
0x243: {  	[sflag:s0] =	ssyncadd.s32 @!p0 s1  }
0x244: {  	[bflag:$0x3] =	sbarrier.arrive $0xFFFF  }
0x245: {  	_ =	shalt  }

// kernel: kernel.7.cloned.1.call-start
scs
__scs_entry_jumppad:
0x0: {  	(pc) =	sbr.rel $0x88, $3  }
0x1: {  	(tag) =	ssettag $0x0;
	lr =	simm.s32 $0x1  }
0x2: {  	[smem:$0x3F9D] =	sst lr;
	_ =	strace $0xD0000000  }
0x3: {  	_ = 	snop  }
0x4: {  	_ = 	snop  }
0x5: {  	_ = 	snop  }
0x6: {  	_ = 	snop  }
0x7: {  	_ = 	snop  }
__scs_overlays_trampoline_lowered:
0x8: {  	[smem:$0x3FAC] =	sst s0  }
0x9: {  	[smem:$0x3FAD] =	sst s1  }
0xa: {  	[smem:$0x3FAE] =	sst s2  }
0xb: {  	[smem:$0x3FAF] =	sst s3  }
0xc: {  	[smem:$0x3FB0] =	sst s4  }
0xd: {  	[smem:$0x3FB1] =	sst s5  }
0xe: {  	[smem:$0x3FB2] =	sst s6  }
0xf: {  	[smem:$0x3FB3] =	sst s7  }
0x10: {  	[smem:$0x3FB4] =	sst s8  }
0x11: {  	[smem:$0x3FB5] =	sst s9;
	s0 =	simm.s32 @!p0 $0x0  }
0x12: {  	s1 =	sld [smem:$0x3F9B];
	s0 =	simm.s32 @p0 $0x1  }
0x13: {  	[smem:$0x3FB6] =	sst s0;
	s0 =	simm.s32 @!p1 $0x0  }
0x14: {  	s2 =	sld [smem:$0x3F9A];
	s0 =	simm.s32 @p1 $0x1  }
0x15: {  	[smem:$0x3FB7] =	sst s0;
	s0 =	simm.s32 @!p2 $0x0  }
0x16: {  	s3 =	sld [smem:$0x3FDB];
	s0 =	simm.s32 @p2 $0x1  }
0x17: {  	s4 =	simm.s32 $0x1BF5;
	[smem:$0x3FB9] =	sst s0  }
0x18: {  	s0 =	sld [smem:$0x3F9C];
	_ =	swait.ge [sflag:s4], $0x0  }
0x19: {  	s7 =	sld [smem:$0x3F9D]  }
0x1a: {  	s8 =	sadd.s32 $0xFFFFE003, lr  }
0x1b: {  	s9 =	sadd.s32 $0xFFFFFEF7, lr;
	s5 =	simm.s32 $0xFFFFFFFF;
	p2 =	slt.u32 s8, $0xFFFFF086  }
0x1c: {  	p1 =	slt.u32 s9, $0xF7A;
	s5 =	simm.s32 @!p2 $0x0  }
0x1d: {  	s5 =	simm.s32 @p1 $0x1;
	p0 =	seq.s32 s7, s2  }
0x1e: {  	s7 =	smul.u32 @!p0 $0xF7A, s2;
	p2 =	seq.s32 @!p0 s5, $0x0  }
0x1f: {  	s9 =	smul.u32 $0xF7A, s1;
	s8 =	simm.s32 @!p0 $0x1BF5;
	p2 =	por !p2, p0  }
0x20: {  	[sflag:s8] =	ssyncset.s32 @!p0 $0xFFFFF086;
	s6 =	sadd.s32 @!p0 s3, s7;
	s7 =	simm.s32 @!p0 $0x108  }
0x21: {  	s3 =	sadd.s32 s3, s9;
	s6 =	sadd.s32 @!p0 $0x88, s6;
	s7 =	simm.s32 @p2 $0x1082  }
0x22: {  	[simem:s7], [sflag:s8] =	dma.local @!p0 [hbm:s6], $0xF7A  }
0x23: {  	s9 =	sor.u32 $0xD0000000, s2;
	s6 =	simm.s32 $0x108;
	_ =	swait.ge @!p0 [sflag:s8], $0x0  }
0x24: {  	s3 =	sadd.s32 $0x88, s3;
	s6 =	simm.s32 @!p1 $0x1082;
	[sflag:s4] =	ssyncset.s32 $0xFFFFF086  }
0x25: {  	[simem:s6], [sflag:s4] =	dma.local [hbm:s3], $0xF7A  }
0x26: {  	[smem:$0x3F9D] =	sst s1;
	(tag) =	ssettag s2;
	_ =	strace s9  }
0x27: {  	s1 =	sld [smem:$0x3FAD]  }
0x28: {  	s2 =	sld [smem:$0x3FAE]  }
0x29: {  	s4 =	sld [smem:$0x3FB0]  }
0x2a: {  	p0 =	seq.s32 s5, $0x0;
	s5 =	sld [smem:$0x3FB1]  }
0x2b: {  	s6 =	sld [smem:$0x3FB2]  }
0x2c: {  	s7 =	sld [smem:$0x3FB3]  }
0x2d: {  	s3 =	simm.s32 $0x108;
	s8 =	sld [smem:$0x3FB4]  }
0x2e: {  	s3 =	simm.s32 @!p0 $0x1082;
	s9 =	sld [smem:$0x3FB5]  }
0x2f: {  	lr =	sadd.s32 s0, s3;
	s0 =	sld [smem:$0x3FAC]  }
0x30: {  	s3 =	sld [smem:$0x3FAF]  }
0x31: {  	[smem:$0x3FB8] =	sst s10  }
0x32: {  	s10 =	sld [smem:$0x3FB6];
	_ =	sdelay $0x3  }
0x33: {  	p0 =	seq.s32 s10, $0x1;
	s10 =	sld [smem:$0x3FB8];
	_ =	sdelay $0x3  }
0x34: {  	[smem:$0x3FB8] =	sst s10  }
0x35: {  	s10 =	sld [smem:$0x3FB7];
	_ =	sdelay $0x3  }
0x36: {  	p1 =	seq.s32 s10, $0x1;
	s10 =	sld [smem:$0x3FB8];
	_ =	sdelay $0x3  }
0x37: {  	[smem:$0x3FB8] =	sst s10  }
0x38: {  	s10 =	sld [smem:$0x3FB9]  }
0x39: {  	_ = 	snop;
	(pc) =	sbr.ind lr, $3  }
0x3a: {  	_ = 	snop  }
0x3b: {  	_ = 	snop  }
0x3c: {  	p2 =	seq.s32 s10, $0x1;
	s10 =	sld [smem:$0x3FB8]  }
0x3d: {  	_ =	shalt  }
0x3e: {  	_ =	shalt  }
0x3f: {  	_ =	shalt  }
0x40: {  	_ =	shalt  }
0x41: {  	_ =	shalt  }
0x42: {  	_ =	shalt  }
0x43: {  	_ =	shalt  }
0x44: {  	_ =	shalt  }
0x45: {  	_ =	shalt  }
0x46: {  	_ =	shalt  }
0x47: {  	_ =	shalt  }
0x48: {  	_ =	shalt  }
0x49: {  	_ =	shalt  }
0x4a: {  	_ =	shalt  }
0x4b: {  	_ =	shalt  }
0x4c: {  	_ =	shalt  }
0x4d: {  	_ =	shalt  }
0x4e: {  	_ =	shalt  }
0x4f: {  	_ =	shalt  }
0x50: {  	_ =	shalt  }
0x51: {  	_ =	shalt  }
0x52: {  	_ =	shalt  }
0x53: {  	_ =	shalt  }
0x54: {  	_ =	shalt  }
0x55: {  	_ =	shalt  }
0x56: {  	_ =	shalt  }
0x57: {  	_ =	shalt  }
0x58: {  	_ =	shalt  }
0x59: {  	_ =	shalt  }
0x5a: {  	_ =	shalt  }
0x5b: {  	_ =	shalt  }
0x5c: {  	_ =	shalt  }
0x5d: {  	_ =	shalt  }
0x5e: {  	_ =	shalt  }
0x5f: {  	_ =	shalt  }
0x60: {  	_ =	shalt  }
0x61: {  	_ =	shalt  }
0x62: {  	_ =	shalt  }
0x63: {  	_ =	shalt  }
0x64: {  	_ =	shalt  }
0x65: {  	_ =	shalt  }
0x66: {  	_ =	shalt  }
0x67: {  	_ =	shalt  }
0x68: {  	_ =	shalt  }
0x69: {  	_ =	shalt  }
0x6a: {  	_ =	shalt  }
0x6b: {  	_ =	shalt  }
0x6c: {  	_ =	shalt  }
0x6d: {  	_ =	shalt  }
0x6e: {  	_ =	shalt  }
0x6f: {  	_ =	shalt  }
0x70: {  	_ =	shalt  }
0x71: {  	_ =	shalt  }
0x72: {  	_ =	shalt  }
0x73: {  	_ =	shalt  }
0x74: {  	_ =	shalt  }
0x75: {  	_ =	shalt  }
0x76: {  	_ =	shalt  }
0x77: {  	_ =	shalt  }
0x78: {  	_ =	shalt  }
0x79: {  	_ =	shalt  }
0x7a: {  	_ =	shalt  }
0x7b: {  	_ =	shalt  }
0x7c: {  	_ =	shalt  }
0x7d: {  	_ =	shalt  }
0x7e: {  	_ =	shalt  }
0x7f: {  	_ =	shalt  }
0x80: {  	_ =	shalt  }
0x81: {  	_ =	shalt  }
0x82: {  	_ =	shalt  }
0x83: {  	_ =	shalt  }
0x84: {  	_ =	shalt  }
0x85: {  	_ =	shalt  }
0x86: {  	_ =	shalt  }
0x87: {  	_ =	shalt  }
.Lfunc_end0:
.L_simem_size_0:
called_computation_lowered:
.L_overlay_start_0:
0x88: {  	s2 =	sld [smem:$0x3FD9]  }
0x89: {  	s3 =	sld [smem:$0x3FFE];
	_ =	sdelay $0x1  }
0x8a: {  	s1 =	srdreg.scid  }
0x8b: {  	s0 =	sand.u32 $0x1, s1  }
0x8c: {  	s17 =	sshll.u32 s0, $0xA;
	s2 =	sadd.s32 s3, s2  }
0x8d: {  	s2 =	sadd.s32 s2, s17  }
0x8e: {  	[smem:$0x3FC4] =	sst s2  }
0x8f: {  	_ = 	snop  }
0x90: {  	s2 =	sld [smem:$0x3FD0];
	(tm) =	ssettm $0x1  }
0x91: {  	s18 =	sld [smem:$0x3FFB];
	_ =	sdelay $0x3  }
0x92: {  	_ =	strace s18  }
0x93: {  	s3 =	sld [smem:$0x3FFC];
	_ =	sdelay $0x3  }
0x94: {  	_ =	strace s3  }
0x95: {  	s3 =	sld [smem:$0x3FFD];
	_ =	sdelay $0x3  }
0x96: {  	_ =	strace s3  }
0x97: {  	_ =	strace $0x8FFFFFFF  }
0x98: {  	s19 =	sld [smem:$0x3FDB];
	_ =	sdelay $0x1  }
0x99: {  	s4 =	simm.s32 $_scs_section_size  }
0x9a: {  	s5 =	simm.s32 $_size__tile_overlayer_lowered;
	s6 =	simm.s32 $_tile_overlayer_lowered  }
0x9b: {  	s22 =	simm.s32 $0x1BFF;
	s21 =	sshll.u32 s6, $0x1;
	s3 =	sadd.s32 s4, s19  }
0x9c: {  	s7 =	simm.s32 $0x0;
	s20 =	sshll.u32 s5, $0x1;
	s5 =	sadd.s32 s21, s3  }
0x9d: {  	[timem:s7], [sflag:s22] =	dma.local [hbm:s5], s20  }
0x9e: {  	_ =	swait.ge [sflag:s22], s20  }
0x9f: {  	s4 =	ssub.s32 $0x0, s20;
	[sflag:s22] =	ssyncset.done $0x0  }
0xa0: {  	[sflag:s22] =	ssyncadd.s32 s4;
	_ =	sdelay $0x1  }
0xa1: {  	s23 =	simm.s32 $0x1B8B  }
0xa2: {  	_ =	swait.ge [sflag:s23], $0x1  }
0xa3: {  	[sflag:s23] =	ssyncset.done $0x0  }
0xa4: {  	s25 =	simm.s32 $0x1B8E;
	s24 =	sld [smem:$0x3FFE];
	[sflag:s23] =	ssyncadd.s32 $0xFFFFFFFF  }
0xa5: {  	s26 =	simm.s32 $execute0_lowered;
	[smem:$0x3FD2] =	sst s25  }
0xa6: {  	s5 =	sshll.u32 s26, $0x1;
	_ =	strace $0x80000046;
	[dreg:$0x1] =	wrdreg $0xFFFFFFFF  }
0xa7: {  	s28 =	simm.s32 $_size_execute0_lowered;
	s3 =	sadd.s32 s3, s5;
	[dreg:$0x0] =	wrdreg $0x0  }
0xa8: {  	s5 =	sshll.u32 s28, $0x1;
	[dreg:$0x2] =	wrdreg s3  }
0xa9: {  	[dreg:$0x3] =	wrdreg s5  }
0xaa: {  	[dreg:$0x4] =	wrdreg $0xC0  }
0xab: {  	_ =	task [dreg:s7], $0x5FFFF  }
0xac: {  	[dreg:$0x1] =	wrdreg $0xFFFFFFFF  }
0xad: {  	[dreg:$0x0] =	wrdreg $0x60  }
0xae: {  	[dreg:$0x2] =	wrdreg s24  }
0xaf: {  	[dreg:$0x3] =	wrdreg s2  }
0xb0: {  	[dreg:$0x4] =	wrdreg $0x97E00  }
0xb1: {  	[dreg:$0x5] =	wrdreg $0x9  }
0xb2: {  	_ =	task.clear_ibuf [dreg:s7], $0x6FFFF;
	_ =	strace $0x90000046  }
0xb3: {  	s29 =	simm.s32 $0x9;
	_ =	strace $0x80000048  }
0xb4: {  	_ =	swait.ge [sflag:s29], $0x1  }
0xb5: {  	[sflag:s29] =	ssyncadd.s32 $0xFFFFFFFF  }
0xb6: {  	_ =	strace $0x90000048  }
0xb7: {  	_ =	sfence  }
0xb8: {  	s30 =	sld [smem:$0x0];
	_ =	sdelay $0x2  }
0xb9: {  	s31 =	sshll.u32 s1, $0xD;
	s1 =	sshrl.u32 s1, $0x2  }
0xba: {  	s3 =	sand.u32 $0x4000, s31;
	s1 =	sadd.s32 s1, s30  }
0xbb: {  	s0 =	sor.u32 s3, s0;
	s1 =	sshll.u32 s1, $0x11  }
0xbc: {  	s0 =	sor.u32 s1, s0  }
0xbd: {  	s0 =	sadd.s32 $0x8F2B, s0  }
0xbe: {  	[sflag:s0] =	ssyncadd.remote.s32 $0x1  }
0xbf: {  	_ =	sfence.sel $0xFFFF  }
0xc0: {  	[dreg:$0x0] =	wrdreg $0xFFFFFFFF;
	(pc) =	sbr.abs _section_cstart, $3  }
0xc1: {  	[dreg:$0x1] =	wrdreg $0xFFFFFFFF  }
0xc2: {  	_ =	task.clear_ibuf [dreg:s7], $0x2FFFF;
	_ =	strace $0x9FFFFFFF  }
0xc3: {  	(tm) =	ssettm $0x7FFFFFFF  }
tec
execute0_lowered:
.L_overlay_start_1:
0x0: {  	(tag) =	ssettag $0x1  }
0x1: {  	s0 =	rddreg [dreg:$0x0]  }
0x2: {  	s31 =	rddreg [dreg:$0x1]  }
0x3: {  	s2 =	rddreg [dreg:$0x2]  }
0x4: {  	s1 =	simm.s32 $0x0;
	s20 =	srdreg.scid;
	s11 =	stileid.u32  }
0x5: {  	s29 =	simm.s32 $0x6;
	s14 =	simm.s32 $0x7;
	s17 =	simm.s32 $0x8  }
0x6: {  	s18 =	simm.s32 $0x9;
	[smem:$0x7FF] =	sst s1;
	s1 =	sand.u32 $0x1, s20  }
0x7: {  	s3 =	smul.u32 $0x16800, s11;
	s5 =	sadd.s32 $0xAC00, s0;
	s6 =	sadd.s32 $0xE00, s0  }
0x8: {  	s7 =	sadd.s32 $0x14A00, s0;
	s8 =	sadd.s32 $0x19A00, s0;
	s12 =	sadd.s32 $0x1EA00, s0  }
0x9: {  	s16 =	smov.u32 s2;
	s21 =	sshll.u32 s11, $0x6;
	_ =	strace $0x80000047  }
0xa: {  	s4 =	smul.u32 $0x168000, s1;
	s9 =	sshll.u32 s1, $0x4;
	s1 =	ssub.s32 $0x2, s1  }
0xb: {  	[dreg:$0x4] =	wrdreg s12;
	s9 =	sor.u32 s11, s9;
	s10 =	sshrl.u32 s1, $0x1  }
0xc: {  	s11 =	simm.s32 $0x4;
	s4 =	sadd.s32 s3, s4;
	s9 =	smul.u32 $0x2710, s9  }
0xd: {  	s1 =	ssub.s32 s1, s10;
	s3 =	sadd.s32 s3, s2;
	s2 =	sor.u32 $0x1C0B, s21  }
0xe: {  	s21 =	simm.s32 $0x50;
	s30 =	smax.u32 s1, $0x1;
	[dreg:$0x5] =	wrdreg s2  }
0xf: {  	s4 =	sshrl.u32 s4, $0x3;
	s1 =	sshrl.u32 s3, $0x3;
	[dreg:$0xd] =	wrdreg s30  }
0x10: {  	s3 =	simm.s32 $0x2;
	s26 =	sadd.s32 $0xA0, s9;
	[dreg:$0xe] =	wrdreg s1  }
0x11: {  	s22 =	sshrl.u32 s9, $0x3;
	s28 =	sadd.s32 $0xF0, s9;
	[dreg:$0xa] =	wrdreg s26  }
0x12: {  	s0 =	sadd.s32 s4, s0;
	s23 =	sadd.s32 s5, s22;
	[dreg:$0xb] =	wrdreg s28  }
0x13: {  	s9 =	simm.s32 $0x3;
	s10 =	sadd.s32 s6, s22;
	[dreg:$0x6] =	wrdreg s23  }
0x14: {  	s24 =	sadd.s32 $0xA, s22;
	s0 =	sadd.s32 $0x21800, s0;
	[dreg:$0x7] =	wrdreg s10  }
0x15: {  	s25 =	sadd.s32 s5, s24;
	s4 =	sadd.s32 s6, s24;
	[dreg:$0xc] =	wrdreg s0  }
0x16: {  	s23 =	simm.s32 $0x4C40;
	s24 =	simm.s32 $0x1;
	[dreg:$0x8] =	wrdreg s25  }
0x17: {  	s10 =	simm.s32 $0x0;
	[dreg:$0x9] =	wrdreg s4;
	s4 =	simm.s32 $0xB  }
.LBB2_1:
0x18: {  	[dreg:$0xf] =	wrdreg s10  }
0x19: {  	s0 =	rddreg [dreg:$0x4]  }
0x1a: {  	[spmem:s1], [sflag:s2] =	dma.local [hbm:s0], $0x2D00  }
0x1b: {  	_ =	swait.ge [sflag:s4], $0x2D00  }
0x1c: {  	[sflag:s4] =	ssyncset.done $0x0  }
0x1d: {  	[sflag:s4] =	ssyncadd.s32 $0xFFFFD300  }
0x1e: {  	[bflag:$0x0] =	sbarrier.arrive $0xFFFF  }
0x1f: {  	s13 =	simm.s32 $0x0;
	s15 =	rddreg [dreg:$0x6]  }
0x20: {  	[tilespmem:s13], [sflag:$0x1] =	stream.linear.gather [hbm4b:s15+s13], $0x50, $0x38;
	v63 =	vld [tilespmem:$0x0]  }
0x21: {  	s19 =	rddreg [dreg:$0x7]  }
0x22: {  	[tilespmem:s21], [sflag:$0x1] =	stream.linear.gather [hbm4b:s19+s13], $0x50, $0x38;
	v63 =	vld [tilespmem:$0x0]  }
0x23: {  	s22 =	simm.s32 $0x4BF0;
	s20 =	rddreg [dreg:$0x8]  }
0x24: {  	[tilespmem:s22], [sflag:$0x6] =	stream.linear.gather [hbm4b:s20+s13], $0x50, $0x38;
	v63 =	vld [tilespmem:$0x0]  }
0x25: {  	s25 =	rddreg [dreg:$0x9]  }
0x26: {  	[tilespmem:s23], [sflag:$0x6] =	stream.linear.gather [hbm4b:s25+s13], $0x50, $0x38;
	v63 =	vld [tilespmem:$0x0]  }
0x27: {  	_ =	swait.ge [sflag:s24], $0x50  }
0x28: {  	[sflag:s24] =	ssyncset.done $0x0  }
0x29: {  	[sflag:s24] =	ssyncadd.s32 $0xFFFFFFB0  }
0x2a: {  	_ =	swait.ge [sflag:s24], $0x50  }
0x2b: {  	[sflag:s24] =	ssyncset.done $0x0  }
0x2c: {  	s26 =	simm.s32 $0xA0;
	[sflag:s24] =	ssyncadd.s32 $0xFFFFFFB0  }
0x2d: {  	[tilespmem:s26], [sflag:$0x2] =	stream.indirect.gather [hbm4b:s31+s21], $0x40, s21, s21, $0xb8;
	v63 =	vld [tilespmem:$0x0]  }
0x2e: {  	s28 =	simm.s32 $0x14A0  }
0x2f: {  	[tilespmem:s28], [sflag:$0x3] =	stream.indirect.gather [hbm4b:s7+s21], $0x10, s13, s21, $0xb8;
	v63 =	vld [tilespmem:$0x0]  }
0x30: {  	s30 =	simm.s32 $0x19A0;
	s20 =	simm.s32 $0x0  }
0x31: {  	[tilespmem:s30], [sflag:$0x4] =	stream.indirect.gather [hbm4b:s8+s21], $0x10, s21, s21, $0xb8;
	v63 =	vld [tilespmem:$0x0]  }
.LBB2_2:
0x32: {  	_ =	swait.ge [sflag:s29], $0x50  }
0x33: {  	[sflag:s29] =	ssyncset.done $0x0  }
0x34: {  	[sflag:s29] =	ssyncadd.s32 $0xFFFFFFB0  }
0x35: {  	_ =	swait.ge [sflag:s29], $0x50  }
0x36: {  	[sflag:s29] =	ssyncset.done $0x0  }
0x37: {  	s0 =	simm.s32 $0x4C90;
	[sflag:s29] =	ssyncadd.s32 $0xFFFFFFB0  }
0x38: {  	[tilespmem:s0], [sflag:$0x7] =	stream.indirect.gather [hbm4b:s31+s21], $0x40, s23, s21, $0xb8;
	v63 =	vld [tilespmem:$0x0]  }
0x39: {  	s19 =	simm.s32 $0x4BF0;
	s1 =	simm.s32 $0x6090  }
0x3a: {  	[tilespmem:s1], [sflag:$0x8] =	stream.indirect.gather [hbm4b:s7+s21], $0x10, s19, s21, $0xb8;
	v63 =	vld [tilespmem:$0x0]  }
0x3b: {  	s22 =	simm.s32 $0x6590  }
0x3c: {  	[tilespmem:s22], [sflag:$0x9] =	stream.indirect.gather [hbm4b:s8+s21], $0x10, s23, s21, $0xb8;
	v63 =	vld [tilespmem:$0x0]  }
0x3d: {  	_ =	swait.ge [sflag:s3], $0x1400  }
0x3e: {  	[sflag:s3] =	ssyncset.done $0x0  }
0x3f: {  	[sflag:s3] =	ssyncadd.s32 $0xFFFFEC00  }
0x40: {  	_ =	swait.ge [sflag:s9], $0x500  }
0x41: {  	[sflag:s9] =	ssyncset.done $0x0  }
0x42: {  	[sflag:s9] =	ssyncadd.s32 $0xFFFFFB00  }
0x43: {  	_ =	swait.ge [sflag:s11], $0x500  }
0x44: {  	p0 =	seq.s32 s20, $0x0;
	[sflag:s11] =	ssyncset.done $0x0  }
0x45: {  	s0 =	simm.s32 @!p0 $0x5;
	[sflag:s11] =	ssyncadd.s32 $0xFFFFFB00  }
0x46: {  	_ =	swait.ge @!p0 [sflag:s0], $0x2D00  }
0x47: {  	[sflag:s0] =	ssyncset.done @!p0 $0x0  }
0x48: {  	[sflag:s0] =	ssyncadd.s32 @!p0 $0xFFFFD300  }
0x49: {  	v0 =	vld [tilespmem:$0x0]  }
0x4a: {  	v1 =	vld [tilespmem:$0x10]  }
0x4b: {  	v2 =	vld [tilespmem:$0x20]  }
0x4c: {  	v3 =	vld [tilespmem:$0x30]  }
0x4d: {  	v4 =	vld [tilespmem:$0x40]  }
0x4e: {  	s30 =	smul.u32 $0xA0, s20;
	[tilespmem:$0x4BA0] =	vst v0  }
0x4f: {  	s25 =	rddreg [dreg:$0xa];
	[tilespmem:$0x4BB0] =	vst v1  }
0x50: {  	s0 =	sadd.s32 s30, s25;
	[tilespmem:$0x4BC0] =	vst v2  }
0x51: {  	s0 =	sshrl.u32 s0, $0x3;
	[tilespmem:$0x4BD0] =	vst v3  }
0x52: {  	s4 =	simm.s32 $0x0;
	s26 =	sadd.s32 s5, s0;
	[tilespmem:$0x4BE0] =	vst v4  }
0x53: {  	[tilespmem:s4], [sflag:$0x1] =	stream.linear.gather [hbm4b:s26+s4], $0x50, $0x38;
	v63 =	vld [tilespmem:$0x0]  }
0x54: {  	s1 =	simm.s32 $0x0;
	s0 =	sadd.s32 s6, s0  }
0x55: {  	[tilespmem:s21], [sflag:$0x1] =	stream.linear.gather [hbm4b:s0+s4], $0x50, $0x38;
	v63 =	vld [tilespmem:$0x0]  }
0x56: {  	v0 =	vld [tilespmem:s1+$0x19A0]  }
0x57: {  	v1 =	vld [tilespmem:s1+$0x14A0];
	_ =	sdelay $0x3  }
0x58: {  	s2 =	simm.s32 $0x10  }
0x59: {  	v2 =	vld [tilespmem:s2+$0x14A0];
	v0 =	vadd.f32 v0, v1  }
0x5a: {  	v1 =	vld [tilespmem:s2+$0x19A0]  }
0x5b: {  	v3 =	vmul.f32 $2.000000030e-01, v0  }
0x5c: {  	vm0 =	vge.f32 v0, $0.0e+00  }
0x5d: {  	s4 =	simm.s32 $0x20;
	v0 =	vsel vm0, v0, v3  }
0x5e: {  	v3 =	vld [tilespmem:s4+$0x14A0];
	v0 =	vsub.f32 $0.0e+00, v0  }
0x5f: {  	v1 =	vadd.f32 v1, v2;
	v2 =	vld [tilespmem:s4+$0x19A0]  }
0x60: {  	v0 =	vmul.f32 $1.442695020e+00, v0  }
0x61: {  	v4 =	vmul.f32 $2.000000030e-01, v1  }
0x62: {  	vm0 =	vge.f32 v1, $0.0e+00;
	(erf) = vpow2.f32 v0  }
0x63: {  	v0 =	vsel vm0, v1, v4  }
0x64: {  	s10 =	simm.s32 $0x30;
	v0 =	vsub.f32 $0.0e+00, v0;
	v1 =	vadd.f32 v2, v3  }
0x65: {  	v4 =	vld [tilespmem:s10+$0x14A0]  }
0x66: {  	s13 =	simm.s32 $0x50;
	v2 =	vld [tilespmem:s10+$0x19A0];
	v0 =	vmul.f32 $1.442695020e+00, v0;
	v3 =	vmul.f32 $2.000000030e-01, v1  }
0x67: {  	v17 =	vld [tilespmem:s13+$0x19A0];
	vm0 =	vge.f32 v1, $0.0e+00  }
0x68: {  	v19 =	vld [tilespmem:s13+$0x14A0];
	(erf) = vpow2.f32 v0;
	v0 =	vsel vm0, v1, v3  }
0x69: {  	v0 =	vsub.f32 $0.0e+00, v0;
	_ =	sdelay $0x1  }
0x6a: {  	s25 =	simm.s32 $0x1EE0;
	v1 =	vadd.f32 v2, v4;
	v0 =	vmul.f32 $1.442695020e+00, v0;
	v3 =	vpop (erf)  }
0x6b: {  	s10 =	simm.s32 $0xC0;
	[tilespmem:s25+$0x40] =	vst v3  }
0x6c: {  	s12 =	simm.s32 $0x40;
	v17 =	vadd.f32 v17, v19;
	(erf) = vpow2.f32 v0;
	v0 =	vmul.f32 $2.000000030e-01, v1;
	v2 =	vld [tilespmem:s10+$0xFFFFFFE0]  }
0x6d: {  	v5 =	vld [tilespmem:s12+$0x14A0];
	vm0 =	vge.f32 v1, $0.0e+00  }
0x6e: {  	v19 =	vmul.f32 $2.000000030e-01, v17;
	v4 =	vld [tilespmem:s12+$0x19A0];
	v6 =	vbroadcast v3, $0x0;
	v0 =	vsel vm0, v1, v0  }
0x6f: {  	v7 =	vbroadcast v3, $0x1;
	v15 =	vbroadcast v3, $0x5;
	v0 =	vsub.f32 $0.0e+00, v0  }
0x70: {  	v20 =	vbroadcast v3, $0x6;
	v22 =	vbroadcast v3, $0x7  }
0x71: {  	s26 =	simm.s32 $0x1F70;
	v18 =	vbroadcast v3, $0x3;
	v12 =	vpop (erf);
	v0 =	vmul.f32 $1.442695020e+00, v0;
	v1 =	vunpack.i.l.bf16.f32 v2  }
0x72: {  	s4 =	simm.s32 $0x100;
	v29 =	vbroadcast v3, $0x4;
	[tilespmem:s26+$0x40] =	vst v12;
	v2 =	vunpack.i.u.bf16.f32 v2;
	v1 =	vmul.f32 v6, v1  }
0x73: {  	v4 =	vadd.f32 v4, v5;
	v2 =	vmul.f32 v7, v2;
	(erf) = vpow2.f32 v0;
	v0 =	vld [tilespmem:s4+$0xFFFFFFE0]  }
0x74: {  	v8 =	vbroadcast v12, $0x0;
	v9 =	vbroadcast v12, $0x1;
	[tilespmem:s25+$0xFFFFFFC0] =	vst v1  }
0x75: {  	v24 =	vbroadcast v12, $0x5;
	v1 =	vmul.f32 $2.000000030e-01, v4;
	[tilespmem:s25+$0xFFFFFFD0] =	vst v2  }
0x76: {  	vm0 =	vge.f32 v4, $0.0e+00;
	v13 =	vbroadcast v12, $0x6;
	v14 =	vbroadcast v12, $0x7;
	v2 =	vld [tilespmem:s10+$0xFFFFFFF0]  }
0x77: {  	v27 =	vbroadcast v12, $0x2;
	v33 =	vbroadcast v12, $0x4;
	v10 =	vpop (erf);
	v4 =	vsel vm0, v4, v1  }
0x78: {  	v7 =	vbroadcast v10, $0x0;
	v4 =	vsub.f32 $0.0e+00, v4;
	v6 =	vunpack.i.l.bf16.f32 v0  }
0x79: {  	v16 =	vbroadcast v10, $0x1;
	v6 =	vmul.f32 v8, v6  }
0x7a: {  	s15 =	smov.u32 s31;
	s31 =	simm.s32 $0x2000;
	v0 =	vunpack.i.u.bf16.f32 v0;
	v8 =	vbroadcast v3, $0x2;
	v4 =	vmul.f32 $1.442695020e+00, v4  }
0x7b: {  	s28 =	simm.s32 $0x140;
	[tilespmem:s31+$0x40] =	vst v10;
	v0 =	vmul.f32 v9, v0;
	v9 =	vunpack.i.u.bf16.f32 v2;
	v2 =	vunpack.i.l.bf16.f32 v2  }
0x7c: {  	[tilespmem:s26+$0xFFFFFFC0] =	vst v6;
	(erf) = vpow2.f32 v4;
	v4 =	vld [tilespmem:s28+$0xFFFFFFE0];
	v2 =	vmul.f32 v2, v8  }
0x7d: {  	v11 =	vbroadcast v10, $0x5;
	[tilespmem:s26+$0xFFFFFFD0] =	vst v0;
	v8 =	vmul.f32 v9, v18  }
0x7e: {  	v5 =	vbroadcast v10, $0x7;
	v1 =	vbroadcast v10, $0x6;
	v18 =	vld [tilespmem:s4+$0xFFFFFFF0];
	v6 =	vpop (erf);
	[tilespmem:s25+$0xFFFFFFE0] =	vst v2  }
0x7f: {  	vm0 =	vge.f32 v17, $0.0e+00;
	v21 =	vbroadcast v6, $0x0;
	v23 =	vbroadcast v6, $0x1;
	[tilespmem:s25+$0xFFFFFFF0] =	vst v8  }
0x80: {  	v17 =	vsel vm0, v17, v19;
	v9 =	vbroadcast v6, $0x5;
	v0 =	vbroadcast v6, $0x6;
	v26 =	vld [tilespmem:s10+$0x0]  }
0x81: {  	s19 =	simm.s32 $0x60;
	v2 =	vbroadcast v6, $0x7;
	v25 =	vunpack.i.u.bf16.f32 v4;
	v4 =	vunpack.i.l.bf16.f32 v4  }
0x82: {  	s0 =	simm.s32 $0x2090;
	v28 =	vld [tilespmem:s19+$0x19A0];
	v8 =	vbroadcast v12, $0x3;
	v4 =	vmul.f32 v7, v4;
	v7 =	vsub.f32 $0.0e+00, v17  }
0x83: {  	[tilespmem:s0+$0x40] =	vst v6;
	v17 =	vunpack.i.l.bf16.f32 v18;
	v18 =	vunpack.i.u.bf16.f32 v18;
	v16 =	vmul.f32 v16, v25;
	v25 =	vld [tilespmem:s19+$0x14A0]  }
0x84: {  	v17 =	vmul.f32 v17, v27;
	v27 =	vmul.f32 v18, v8;
	[tilespmem:s31+$0xFFFFFFC0] =	vst v4  }
0x85: {  	s19 =	simm.s32 $0x180;
	v4 =	vmul.f32 $1.442695020e+00, v7;
	[tilespmem:s31+$0xFFFFFFD0] =	vst v16;
	v16 =	vunpack.i.u.bf16.f32 v26;
	v26 =	vunpack.i.l.bf16.f32 v26  }
0x86: {  	v30 =	vld [tilespmem:s19+$0xFFFFFFE0];
	[tilespmem:s26+$0xFFFFFFE0] =	vst v17;
	v17 =	vmul.f32 v26, v29;
	v15 =	vmul.f32 v16, v15  }
0x87: {  	v31 =	vld [tilespmem:s28+$0xFFFFFFF0];
	[tilespmem:s26+$0xFFFFFFF0] =	vst v27;
	v16 =	vbroadcast v10, $0x3;
	v29 =	vbroadcast v10, $0x2;
	v7 =	vpop (erf)  }
0x88: {  	(erf) = vpow2.f32 v4;
	v27 =	vld [tilespmem:s4+$0x0];
	v19 =	vbroadcast v7, $0x0;
	v25 =	vadd.f32 v28, v25  }
0x89: {  	v18 =	vbroadcast v7, $0x1;
	v8 =	vbroadcast v7, $0x5  }
0x8a: {  	v3 =	vbroadcast v7, $0x6;
	v26 =	vmul.f32 $2.000000030e-01, v25  }
0x8b: {  	v4 =	vbroadcast v7, $0x7;
	v28 =	vunpack.i.l.bf16.f32 v30;
	vm0 =	vge.f32 v25, $0.0e+00  }
0x8c: {  	s22 =	simm.s32 $0x70;
	[tilespmem:s25+$0x10] =	vst v15;
	v15 =	vunpack.i.u.bf16.f32 v30;
	v21 =	vmul.f32 v21, v28;
	v25 =	vsel vm0, v25, v26  }
0x8d: {  	v30 =	vld [tilespmem:s22+$0x19A0];
	v26 =	vunpack.i.u.bf16.f32 v31;
	v34 =	vunpack.i.u.bf16.f32 v27;
	v27 =	vunpack.i.l.bf16.f32 v27  }
0x8e: {  	[tilespmem:s25+$0x0] =	vst v17;
	v28 =	vld [tilespmem:s22+$0x14A0];
	v17 =	vsub.f32 $0.0e+00, v25;
	v25 =	vmul.f32 v23, v15;
	v15 =	vunpack.i.l.bf16.f32 v31  }
0x8f: {  	v32 =	vmul.f32 v26, v16;
	v27 =	vmul.f32 v27, v33  }
0x90: {  	v31 =	vld [tilespmem:s10+$0x10];
	s10 =	simm.s32 $0x2120;
	v62 =	vmul.f32 v34, v24;
	v24 =	vbroadcast v6, $0x3  }
0x91: {  	s12 =	simm.s32 $0x1C0;
	v29 =	vmul.f32 v15, v29;
	[tilespmem:s10+$0x40] =	vst v7;
	v16 =	vmul.f32 $1.442695020e+00, v17;
	v15 =	vpop (erf)  }
0x92: {  	[tilespmem:s0+$0xFFFFFFC0] =	vst v21;
	v26 =	vld [tilespmem:s12+$0xFFFFFFE0];
	v23 =	vbroadcast v15, $0x0;
	v21 =	vbroadcast v15, $0x1  }
0x93: {  	[tilespmem:s0+$0xFFFFFFD0] =	vst v25;
	v28 =	vadd.f32 v30, v28;
	(erf) = vpow2.f32 v16;
	v16 =	vbroadcast v15, $0x5  }
0x94: {  	[tilespmem:s31+$0xFFFFFFF0] =	vst v32;
	v25 =	vld [tilespmem:s19+$0xFFFFFFF0];
	v17 =	vbroadcast v15, $0x6;
	v12 =	vbroadcast v15, $0x7  }
0x95: {  	[tilespmem:s31+$0xFFFFFFE0] =	vst v29;
	v30 =	vmul.f32 $2.000000030e-01, v28;
	v29 =	vunpack.i.u.bf16.f32 v31;
	v31 =	vunpack.i.l.bf16.f32 v31  }
0x96: {  	s1 =	simm.s32 $0x200;
	s13 =	simm.s32 $0x200;
	s22 =	simm.s32 $0x21B0;
	[tilespmem:s26+$0x10] =	vst v62;
	vm0 =	vge.f32 v28, $0.0e+00;
	v29 =	vmul.f32 v29, v22;
	v22 =	vld [tilespmem:s28+$0x0];
	v20 =	vmul.f32 v31, v20  }
.LBB2_3:
0x97: {  	v31 =	vunpack.i.u.bf16.f32 v26;
	v26 =	vunpack.i.l.bf16.f32 v26;
	v32 =	vbroadcast v6, $0x2;
	v33 =	vmovc v1;
	v1 =	vmovc v0  }
0x98: {  	s2 =	sshra.s32 s1, $0x2;
	p1 =	sne.s32 s1, $0x13C0;
	s1 =	sadd.s32 $0x40, s1;
	[tilespmem:s25+$0x30] =	vst v29;
	v0 =	vmovc v3;
	v3 =	vmovc v17;
	v29 =	vmov v14;
	v14 =	vmov v5;
	v5 =	vmov v2  }
0x99: {  	v34 =	vld [tilespmem:s2+$0x19A0];
	v28 =	vsel vm0, v28, v30;
	v17 =	vmul.f32 v19, v26;
	v26 =	vunpack.i.u.bf16.f32 v25;
	[tilespmem:s26+$0x0] =	vst v27;
	v19 =	vmovc v23  }
0x9a: {  	v2 =	vmovc v4;
	v27 =	vmul.f32 v18, v31;
	v18 =	vmovc v21;
	v23 =	vsub.f32 $0.0e+00, v28;
	v28 =	vunpack.i.l.bf16.f32 v25;
	v30 =	vld [tilespmem:s4+$0x10];
	[tilespmem:s25+$0x20] =	vst v20;
	s25 =	smov.u32 s26;
	s26 =	smov.u32 s31;
	s31 =	smov.u32 s0  }
0x9b: {  	v4 =	vmov v12;
	v24 =	vmul.f32 v26, v24;
	s0 =	smov.u32 s10;
	s4 =	smov.u32 s28;
	v20 =	vld [tilespmem:s2+$0x14A0];
	[tilespmem:s10+$0xFFFFFFC0] =	vst v17;
	v17 =	vmul.f32 v28, v32;
	s10 =	smov.u32 s22  }
0x9c: {  	v31 =	vbroadcast v10, $0x4;
	v10 =	vmov v6;
	s28 =	smov.u32 s19;
	s19 =	smov.u32 s12;
	s12 =	smov.u32 s13;
	v12 =	vmul.f32 $1.442695020e+00, v23;
	v25 =	vpop (erf);
	[tilespmem:s22+$0x40] =	vst v15  }
0x9d: {  	v6 =	vmovc v7;
	v7 =	vmovc v15;
	v32 =	vunpack.i.u.bf16.f32 v22;
	v23 =	vbroadcast v25, $0x0;
	v21 =	vbroadcast v25, $0x1;
	[tilespmem:s31+$0xFFFFFFE0] =	vst v17  }
.Ltmp0:
0x9e: {  	v35 =	vbroadcast v25, $0x5;
	v15 =	vmovc v25;
	(erf) = vpow2.f32 v12;
	v26 =	vld [tilespmem:s13+$0xFFFFFFE0];
	[tilespmem:s0+$0xFFFFFFD0] =	vst v27;
	v27 =	vunpack.i.l.bf16.f32 v22;
	(pc) =	sbr.rel @p1 .LBB2_3-.Ltmp0, $4  }
0x9f: {  	s22 =	sadd.s32 $0x90, s22;
	v17 =	vbroadcast v15, $0x6;
	v12 =	vbroadcast v15, $0x7;
	v25 =	vld [tilespmem:s19+$0xFFFFFFF0];
	[tilespmem:s31+$0xFFFFFFF0] =	vst v24;
	v36 =	vunpack.i.u.bf16.f32 v30  }
0xa0: {  	s13 =	sadd.s32 $0x40, s13;
	v27 =	vmul.f32 v27, v31;
	v28 =	vadd.f32 v34, v20;
	v22 =	vld [tilespmem:s28+$0x0];
	v20 =	vmul.f32 v32, v11;
	v11 =	vmovc v9  }
0xa1: {  	v24 =	vbroadcast v6, $0x3;
	v31 =	vunpack.i.l.bf16.f32 v30;
	v29 =	vmul.f32 v36, v29;
	v9 =	vmovc v8;
	v8 =	vmovc v16  }
0xa2: {  	v16 =	vmovc v35;
	vm0 =	vge.f32 v28, $0.0e+00;
	v30 =	vmul.f32 $2.000000030e-01, v28;
	[tilespmem:s26+$0x10] =	vst v20;
	v20 =	vmul.f32 v31, v13;
	v13 =	vmovc v33  }
0xa3: {  	_ = 	snop  }
0xa4: {  	v28 =	vsel vm0, v28, v30  }
0xa5: {  	v28 =	vsub.f32 $0.0e+00, v28;
	_ =	sdelay $0x1  }
0xa6: {  	[tilespmem:s26+$0x0] =	vst v27;
	v27 =	vmul.f32 $1.442695020e+00, v28;
	_ =	sdelay $0x1  }
0xa7: {  	v28 =	vld [tilespmem:s4+$0x10];
	(erf) = vpow2.f32 v27;
	v27 =	vunpack.i.l.bf16.f32 v26  }
0xa8: {  	v30 =	vbroadcast v6, $0x2;
	v19 =	vmul.f32 v19, v27  }
0xa9: {  	v27 =	vunpack.i.l.bf16.f32 v25  }
0xaa: {  	[tilespmem:s10+$0xFFFFFFC0] =	vst v19;
	v19 =	vmul.f32 v27, v30  }
0xab: {  	[tilespmem:s25+$0x30] =	vst v29  }
0xac: {  	[tilespmem:s0+$0xFFFFFFE0] =	vst v19;
	v19 =	vunpack.i.l.bf16.f32 v28  }
0xad: {  	[tilespmem:s25+$0x20] =	vst v20;
	v20 =	vunpack.i.u.bf16.f32 v28;
	v13 =	vmul.f32 v19, v13  }
0xae: {  	[tilespmem:s22+$0x40] =	vst v15;
	s4 =	sadd.s32 $0x90, s22;
	v20 =	vmul.f32 v20, v14;
	v14 =	vpop (erf)  }
0xaf: {  	v27 =	vld [tilespmem:s13+$0xFFFFFFE0];
	[tilespmem:s4+$0x40] =	vst v14  }
0xb0: {  	s1 =	sadd.s32 $0x40, s13;
	[tilespmem:s26+$0x30] =	vst v20;
	v19 =	vunpack.i.u.bf16.f32 v26  }
0xb1: {  	s25 =	sadd.s32 $0x90, s4;
	v20 =	vunpack.i.u.bf16.f32 v25;
	v18 =	vmul.f32 v18, v19;
	v19 =	vld [tilespmem:s1+$0xFFFFFFE0];
	[tilespmem:s26+$0x20] =	vst v13;
	v13 =	vpop (erf)  }
0xb2: {  	v10 =	vbroadcast v10, $0x4;
	s2 =	sadd.s32 $0x40, s1;
	v20 =	vmul.f32 v20, v24;
	v24 =	vunpack.i.u.bf16.f32 v22;
	[tilespmem:s25+$0x40] =	vst v13  }
0xb3: {  	v11 =	vmul.f32 v24, v11;
	[tilespmem:s10+$0xFFFFFFD0] =	vst v18;
	v18 =	vunpack.i.l.bf16.f32 v22;
	v22 =	vld [tilespmem:s2+$0xFFFFFFE0]  }
0xb4: {  	[tilespmem:s0+$0xFFFFFFF0] =	vst v20;
	v10 =	vmul.f32 v18, v10;
	v18 =	vunpack.i.l.bf16.f32 v27  }
0xb5: {  	v20 =	vbroadcast v14, $0x0;
	v24 =	vld [tilespmem:s12+$0xFFFFFFF0];
	[tilespmem:s31+$0x10] =	vst v11;
	v11 =	vunpack.i.u.bf16.f32 v27;
	v18 =	vmul.f32 v23, v18  }
0xb6: {  	v23 =	vbroadcast v14, $0x1;
	[tilespmem:s31+$0x0] =	vst v10;
	v10 =	vmul.f32 v21, v11;
	v11 =	vunpack.i.l.bf16.f32 v19  }
0xb7: {  	v21 =	vld [tilespmem:s19+$0x0];
	v19 =	vunpack.i.u.bf16.f32 v19;
	[tilespmem:s22+$0xFFFFFFC0] =	vst v18;
	v18 =	vbroadcast v13, $0x0;
	v11 =	vmul.f32 v20, v11  }
0xb8: {  	v25 =	vbroadcast v13, $0x1;
	v20 =	vld [tilespmem:s28+$0x10];
	[tilespmem:s22+$0xFFFFFFD0] =	vst v10;
	v10 =	vmul.f32 v23, v19;
	v19 =	vunpack.i.l.bf16.f32 v22  }
0xb9: {  	v23 =	vbroadcast v7, $0x2;
	v26 =	vld [tilespmem:s13+$0xFFFFFFF0];
	[tilespmem:s4+$0xFFFFFFC0] =	vst v11;
	v11 =	vunpack.i.u.bf16.f32 v22;
	v18 =	vmul.f32 v18, v19  }
0xba: {  	[tilespmem:s4+$0xFFFFFFD0] =	vst v10;
	v22 =	vunpack.i.l.bf16.f32 v24;
	v19 =	vbroadcast v7, $0x3;
	v10 =	vmul.f32 v25, v11  }
0xbb: {  	v11 =	vunpack.i.u.bf16.f32 v24;
	v22 =	vmul.f32 v22, v23;
	v23 =	vld [tilespmem:s1+$0xFFFFFFF0];
	[tilespmem:s25+$0xFFFFFFC0] =	vst v18  }
0xbc: {  	v11 =	vmul.f32 v11, v19;
	v18 =	vunpack.i.u.bf16.f32 v21;
	[tilespmem:s25+$0xFFFFFFD0] =	vst v10  }
0xbd: {  	[tilespmem:s10+$0xFFFFFFE0] =	vst v22;
	v10 =	vunpack.i.u.bf16.f32 v20;
	v9 =	vmul.f32 v18, v9;
	v18 =	vbroadcast v15, $0x2;
	v19 =	vld [tilespmem:s2+$0xFFFFFFF0]  }
0xbe: {  	v5 =	vmul.f32 v10, v5;
	v10 =	vunpack.i.l.bf16.f32 v26;
	[tilespmem:s10+$0xFFFFFFF0] =	vst v11;
	v11 =	vbroadcast v15, $0x3  }
0xbf: {  	[tilespmem:s0+$0x10] =	vst v9;
	v9 =	vunpack.i.u.bf16.f32 v26;
	v10 =	vmul.f32 v10, v18;
	v18 =	vbroadcast v14, $0x2  }
0xc0: {  	[tilespmem:s31+$0x30] =	vst v5;
	v5 =	vmul.f32 v9, v11;
	v9 =	vbroadcast v14, $0x3;
	v11 =	vunpack.i.l.bf16.f32 v23  }
0xc1: {  	v22 =	vld [tilespmem:s12+$0x0];
	[tilespmem:s22+$0xFFFFFFE0] =	vst v10;
	v10 =	vunpack.i.u.bf16.f32 v23;
	v11 =	vmul.f32 v11, v18;
	v18 =	vbroadcast v13, $0x2  }
0xc2: {  	[tilespmem:s22+$0xFFFFFFF0] =	vst v5;
	v5 =	vmul.f32 v10, v9;
	v9 =	vbroadcast v13, $0x3;
	v10 =	vunpack.i.l.bf16.f32 v19  }
0xc3: {  	v6 =	vbroadcast v6, $0x4;
	v23 =	vld [tilespmem:s13+$0x0];
	[tilespmem:s4+$0xFFFFFFE0] =	vst v11;
	v11 =	vunpack.i.u.bf16.f32 v19;
	v10 =	vmul.f32 v10, v18  }
0xc4: {  	v18 =	vunpack.i.l.bf16.f32 v21;
	[tilespmem:s4+$0xFFFFFFF0] =	vst v5;
	v5 =	vmul.f32 v11, v9  }
0xc5: {  	v6 =	vmul.f32 v18, v6;
	v9 =	vunpack.i.l.bf16.f32 v20;
	v11 =	vld [tilespmem:s1+$0x0];
	[tilespmem:s25+$0xFFFFFFE0] =	vst v10  }
0xc6: {  	v7 =	vbroadcast v7, $0x4;
	v1 =	vmul.f32 v9, v1;
	v9 =	vunpack.i.u.bf16.f32 v22;
	[tilespmem:s25+$0xFFFFFFF0] =	vst v5  }
0xc7: {  	[tilespmem:s0+$0x0] =	vst v6;
	v5 =	vunpack.i.l.bf16.f32 v22;
	v6 =	vmul.f32 v9, v8;
	v8 =	vld [tilespmem:s2+$0x0]  }
0xc8: {  	[tilespmem:s31+$0x20] =	vst v1;
	v1 =	vmul.f32 v5, v7;
	v5 =	vbroadcast v15, $0x4;
	v7 =	vunpack.i.u.bf16.f32 v23  }
0xc9: {  	v9 =	vbroadcast v14, $0x5;
	v10 =	vld [tilespmem:s19+$0x10];
	[tilespmem:s10+$0x10] =	vst v6;
	v6 =	vunpack.i.l.bf16.f32 v23;
	v7 =	vmul.f32 v7, v16  }
0xca: {  	[tilespmem:s10+$0x0] =	vst v1;
	v1 =	vmul.f32 v6, v5;
	v5 =	vbroadcast v14, $0x4;
	v6 =	vunpack.i.u.bf16.f32 v11  }
0xcb: {  	v15 =	vbroadcast v13, $0x5;
	v16 =	vld [tilespmem:s12+$0x10];
	[tilespmem:s22+$0x10] =	vst v7;
	v7 =	vunpack.i.l.bf16.f32 v11;
	v6 =	vmul.f32 v6, v9  }
0xcc: {  	[tilespmem:s22+$0x0] =	vst v1;
	v1 =	vmul.f32 v7, v5;
	v5 =	vbroadcast v13, $0x4;
	v7 =	vunpack.i.u.bf16.f32 v8  }
0xcd: {  	v9 =	vld [tilespmem:s13+$0x10];
	[tilespmem:s4+$0x10] =	vst v6;
	v6 =	vunpack.i.l.bf16.f32 v8;
	v7 =	vmul.f32 v7, v15  }
0xce: {  	v8 =	vunpack.i.u.bf16.f32 v10;
	[tilespmem:s4+$0x0] =	vst v1;
	v1 =	vmul.f32 v6, v5  }
0xcf: {  	v5 =	vunpack.i.l.bf16.f32 v10;
	v2 =	vmul.f32 v8, v2;
	v6 =	vld [tilespmem:s1+$0x10];
	[tilespmem:s25+$0x10] =	vst v7  }
0xd0: {  	v0 =	vmul.f32 v5, v0;
	v5 =	vunpack.i.u.bf16.f32 v16;
	[tilespmem:s25+$0x0] =	vst v1  }
0xd1: {  	[tilespmem:s0+$0x30] =	vst v2;
	v1 =	vunpack.i.l.bf16.f32 v16;
	v2 =	vmul.f32 v5, v4;
	v4 =	vld [tilespmem:s2+$0x10]  }
0xd2: {  	[tilespmem:s0+$0x20] =	vst v0;
	v0 =	vmul.f32 v1, v3;
	v1 =	vunpack.i.u.bf16.f32 v9  }
0xd3: {  	v3 =	vbroadcast v14, $0x7;
	[tilespmem:s10+$0x30] =	vst v2;
	v2 =	vunpack.i.l.bf16.f32 v9;
	v1 =	vmul.f32 v1, v12  }
0xd4: {  	v5 =	vbroadcast v14, $0x6;
	[tilespmem:s10+$0x20] =	vst v0;
	v0 =	vmul.f32 v2, v17;
	v2 =	vunpack.i.u.bf16.f32 v6  }
0xd5: {  	v7 =	vbroadcast v13, $0x7;
	[tilespmem:s22+$0x30] =	vst v1;
	v1 =	vunpack.i.l.bf16.f32 v6;
	v2 =	vmul.f32 v2, v3  }
0xd6: {  	v3 =	vbroadcast v13, $0x6;
	[tilespmem:s22+$0x20] =	vst v0;
	v0 =	vmul.f32 v1, v5;
	v1 =	vunpack.i.u.bf16.f32 v4  }
0xd7: {  	[tilespmem:s4+$0x30] =	vst v2;
	v2 =	vunpack.i.l.bf16.f32 v4;
	v1 =	vmul.f32 v1, v7  }
0xd8: {  	[tilespmem:s4+$0x20] =	vst v0;
	v0 =	vmul.f32 v2, v3  }
0xd9: {  	[tilespmem:s25+$0x30] =	vst v1  }
0xda: {  	s12 =	simm.s32 $0x4BA0;
	s13 =	simm.s32 $0x1EA0;
	[tilespmem:s25+$0x20] =	vst v0  }
0xdb: {  	[spmem:s16] =	stream.indirect.scatter.add.f32 [tilespmem:s13], [sflag:$0x5], $0x90, s12, s21, $0xb8;
	v63 =	vld [tilespmem:$0x0]  }
0xdc: {  	_ =	swait.ge [sflag:s24], $0x50  }
0xdd: {  	[sflag:s24] =	ssyncset.done $0x0  }
0xde: {  	[sflag:s24] =	ssyncadd.s32 $0xFFFFFFB0  }
0xdf: {  	_ =	swait.ge [sflag:s24], $0x50  }
0xe0: {  	[sflag:s24] =	ssyncset.done $0x0  }
0xe1: {  	s19 =	simm.s32 $0xA0;
	[sflag:s24] =	ssyncadd.s32 $0xFFFFFFB0  }
0xe2: {  	[tilespmem:s19], [sflag:$0x2] =	stream.indirect.gather [hbm4b:s15+s21], $0x40, s21, s21, $0xb8;
	v63 =	vld [tilespmem:$0x0]  }
0xe3: {  	s22 =	simm.s32 $0x0;
	s25 =	simm.s32 $0x14A0  }
0xe4: {  	[tilespmem:s25], [sflag:$0x3] =	stream.indirect.gather [hbm4b:s7+s21], $0x10, s22, s21, $0xb8;
	v63 =	vld [tilespmem:$0x0]  }
0xe5: {  	s26 =	simm.s32 $0x19A0  }
0xe6: {  	[tilespmem:s26], [sflag:$0x4] =	stream.indirect.gather [hbm4b:s8+s21], $0x10, s21, s21, $0xb8;
	v63 =	vld [tilespmem:$0x0]  }
0xe7: {  	_ =	swait.ge [sflag:s14], $0x1400  }
0xe8: {  	[sflag:s14] =	ssyncset.done $0x0  }
0xe9: {  	[sflag:s14] =	ssyncadd.s32 $0xFFFFEC00  }
0xea: {  	_ =	swait.ge [sflag:s17], $0x500  }
0xeb: {  	[sflag:s17] =	ssyncset.done $0x0  }
0xec: {  	[sflag:s17] =	ssyncadd.s32 $0xFFFFFB00  }
0xed: {  	_ =	swait.ge [sflag:s18], $0x500  }
0xee: {  	[sflag:s18] =	ssyncset.done $0x0  }
0xef: {  	s0 =	simm.s32 @!p0 $0xA;
	[sflag:s18] =	ssyncadd.s32 $0xFFFFFB00  }
0xf0: {  	_ =	swait.ge @!p0 [sflag:s0], $0x2D00  }
0xf1: {  	[sflag:s0] =	ssyncset.done @!p0 $0x0  }
0xf2: {  	[sflag:s0] =	ssyncadd.s32 @!p0 $0xFFFFD300  }
0xf3: {  	v0 =	vld [tilespmem:$0x4BF0]  }
0xf4: {  	v1 =	vld [tilespmem:$0x4C00]  }
0xf5: {  	v2 =	vld [tilespmem:$0x4C10]  }
0xf6: {  	v3 =	vld [tilespmem:$0x4C20]  }
0xf7: {  	v4 =	vld [tilespmem:$0x4C30]  }
0xf8: {  	[tilespmem:$0x9790] =	vst v0  }
0xf9: {  	p0 =	seq.s32 s20, $0x3D;
	s0 =	rddreg [dreg:$0xb];
	[tilespmem:$0x97A0] =	vst v1  }
0xfa: {  	s0 =	sadd.s32 @!p0 s30, s0;
	[tilespmem:$0x97B0] =	vst v2  }
0xfb: {  	s0 =	sshrl.u32 @!p0 s0, $0x3;
	[tilespmem:$0x97C0] =	vst v3  }
0xfc: {  	s2 =	simm.s32 @!p0 $0x0;
	s4 =	simm.s32 @!p0 $0x4BF0;
	s1 =	sadd.s32 @!p0 s5, s0;
	[tilespmem:$0x97D0] =	vst v4  }
0xfd: {  	[tilespmem:s4], [sflag:$0x6] =	stream.linear.gather @!p0 [hbm4b:s1+s2], $0x50, $0x38;
	v63 =	vld [tilespmem:$0x0]  }
0xfe: {  	s0 =	sadd.s32 @!p0 s6, s0;
	s1 =	simm.s32 @!p0 $0x4C40  }
0xff: {  	[tilespmem:s1], [sflag:$0x6] =	stream.linear.gather @!p0 [hbm4b:s0+s2], $0x50, $0x38;
	v63 =	vld [tilespmem:$0x0]  }
0x100: {  	s1 =	simm.s32 $0x0  }
0x101: {  	v0 =	vld [tilespmem:s1+$0x6590]  }
0x102: {  	v1 =	vld [tilespmem:s1+$0x6090];
	_ =	sdelay $0x3  }
0x103: {  	s2 =	simm.s32 $0x10  }
0x104: {  	v2 =	vld [tilespmem:s2+$0x6090];
	v0 =	vadd.f32 v0, v1  }
0x105: {  	v1 =	vld [tilespmem:s2+$0x6590]  }
0x106: {  	v3 =	vmul.f32 $2.000000030e-01, v0  }
0x107: {  	vm0 =	vge.f32 v0, $0.0e+00  }
0x108: {  	s4 =	simm.s32 $0x20;
	v0 =	vsel vm0, v0, v3  }
0x109: {  	v3 =	vld [tilespmem:s4+$0x6090];
	v0 =	vsub.f32 $0.0e+00, v0  }
0x10a: {  	v1 =	vadd.f32 v1, v2;
	v2 =	vld [tilespmem:s4+$0x6590]  }
0x10b: {  	v0 =	vmul.f32 $1.442695020e+00, v0  }
0x10c: {  	v4 =	vmul.f32 $2.000000030e-01, v1  }
0x10d: {  	vm0 =	vge.f32 v1, $0.0e+00;
	(erf) = vpow2.f32 v0  }
0x10e: {  	v0 =	vsel vm0, v1, v4  }
0x10f: {  	s10 =	simm.s32 $0x30;
	v0 =	vsub.f32 $0.0e+00, v0;
	v1 =	vadd.f32 v2, v3  }
0x110: {  	v4 =	vld [tilespmem:s10+$0x6090]  }
0x111: {  	s31 =	smov.u32 s15;
	s15 =	simm.s32 $0x50;
	v2 =	vld [tilespmem:s10+$0x6590];
	v0 =	vmul.f32 $1.442695020e+00, v0;
	v3 =	vmul.f32 $2.000000030e-01, v1  }
0x112: {  	v17 =	vld [tilespmem:s15+$0x6590];
	vm0 =	vge.f32 v1, $0.0e+00  }
0x113: {  	v19 =	vld [tilespmem:s15+$0x6090];
	(erf) = vpow2.f32 v0;
	v0 =	vsel vm0, v1, v3  }
0x114: {  	v0 =	vsub.f32 $0.0e+00, v0;
	_ =	sdelay $0x1  }
0x115: {  	s25 =	simm.s32 $0x6AD0;
	v1 =	vadd.f32 v2, v4;
	v0 =	vmul.f32 $1.442695020e+00, v0;
	v3 =	vpop (erf)  }
0x116: {  	s12 =	simm.s32 $0x4CB0;
	[tilespmem:s25+$0x40] =	vst v3  }
0x117: {  	s13 =	simm.s32 $0x40;
	v17 =	vadd.f32 v17, v19;
	(erf) = vpow2.f32 v0;
	v0 =	vmul.f32 $2.000000030e-01, v1;
	v2 =	vld [tilespmem:s12+$0xFFFFFFE0]  }
0x118: {  	v5 =	vld [tilespmem:s13+$0x6090];
	vm0 =	vge.f32 v1, $0.0e+00  }
0x119: {  	v19 =	vmul.f32 $2.000000030e-01, v17;
	v4 =	vld [tilespmem:s13+$0x6590];
	v6 =	vbroadcast v3, $0x0;
	v0 =	vsel vm0, v1, v0  }
0x11a: {  	v7 =	vbroadcast v3, $0x1;
	v15 =	vbroadcast v3, $0x5;
	v0 =	vsub.f32 $0.0e+00, v0  }
0x11b: {  	v20 =	vbroadcast v3, $0x6;
	v22 =	vbroadcast v3, $0x7  }
0x11c: {  	s26 =	simm.s32 $0x6B60;
	v18 =	vbroadcast v3, $0x3;
	v12 =	vpop (erf);
	v0 =	vmul.f32 $1.442695020e+00, v0;
	v1 =	vunpack.i.l.bf16.f32 v2  }
0x11d: {  	s4 =	simm.s32 $0x4CF0;
	v29 =	vbroadcast v3, $0x4;
	[tilespmem:s26+$0x40] =	vst v12;
	v2 =	vunpack.i.u.bf16.f32 v2;
	v1 =	vmul.f32 v6, v1  }
0x11e: {  	v4 =	vadd.f32 v4, v5;
	v2 =	vmul.f32 v7, v2;
	(erf) = vpow2.f32 v0;
	v0 =	vld [tilespmem:s4+$0xFFFFFFE0]  }
0x11f: {  	v8 =	vbroadcast v12, $0x0;
	v9 =	vbroadcast v12, $0x1;
	[tilespmem:s25+$0xFFFFFFC0] =	vst v1  }
0x120: {  	v24 =	vbroadcast v12, $0x5;
	v1 =	vmul.f32 $2.000000030e-01, v4;
	[tilespmem:s25+$0xFFFFFFD0] =	vst v2  }
0x121: {  	vm0 =	vge.f32 v4, $0.0e+00;
	v13 =	vbroadcast v12, $0x6;
	v14 =	vbroadcast v12, $0x7;
	v2 =	vld [tilespmem:s12+$0xFFFFFFF0]  }
0x122: {  	v27 =	vbroadcast v12, $0x2;
	v33 =	vbroadcast v12, $0x4;
	v10 =	vpop (erf);
	v4 =	vsel vm0, v4, v1  }
0x123: {  	v7 =	vbroadcast v10, $0x0;
	v4 =	vsub.f32 $0.0e+00, v4;
	v6 =	vunpack.i.l.bf16.f32 v0  }
0x124: {  	v16 =	vbroadcast v10, $0x1;
	v6 =	vmul.f32 v8, v6  }
0x125: {  	s30 =	simm.s32 $0x6BF0;
	v0 =	vunpack.i.u.bf16.f32 v0;
	v8 =	vbroadcast v3, $0x2;
	v4 =	vmul.f32 $1.442695020e+00, v4  }
0x126: {  	s28 =	simm.s32 $0x4D30;
	[tilespmem:s30+$0x40] =	vst v10;
	v0 =	vmul.f32 v9, v0;
	v9 =	vunpack.i.u.bf16.f32 v2;
	v2 =	vunpack.i.l.bf16.f32 v2  }
0x127: {  	[tilespmem:s26+$0xFFFFFFC0] =	vst v6;
	(erf) = vpow2.f32 v4;
	v4 =	vld [tilespmem:s28+$0xFFFFFFE0];
	v2 =	vmul.f32 v2, v8  }
0x128: {  	v11 =	vbroadcast v10, $0x5;
	[tilespmem:s26+$0xFFFFFFD0] =	vst v0;
	v8 =	vmul.f32 v9, v18  }
0x129: {  	v5 =	vbroadcast v10, $0x7;
	v1 =	vbroadcast v10, $0x6;
	v18 =	vld [tilespmem:s4+$0xFFFFFFF0];
	v6 =	vpop (erf);
	[tilespmem:s25+$0xFFFFFFE0] =	vst v2  }
0x12a: {  	vm0 =	vge.f32 v17, $0.0e+00;
	v21 =	vbroadcast v6, $0x0;
	v23 =	vbroadcast v6, $0x1;
	[tilespmem:s25+$0xFFFFFFF0] =	vst v8  }
0x12b: {  	v17 =	vsel vm0, v17, v19;
	v9 =	vbroadcast v6, $0x5;
	v0 =	vbroadcast v6, $0x6;
	v26 =	vld [tilespmem:s12+$0x0]  }
0x12c: {  	s19 =	simm.s32 $0x60;
	v2 =	vbroadcast v6, $0x7;
	v25 =	vunpack.i.u.bf16.f32 v4;
	v4 =	vunpack.i.l.bf16.f32 v4  }
0x12d: {  	s0 =	simm.s32 $0x6C80;
	v28 =	vld [tilespmem:s19+$0x6590];
	v8 =	vbroadcast v12, $0x3;
	v4 =	vmul.f32 v7, v4;
	v7 =	vsub.f32 $0.0e+00, v17  }
0x12e: {  	[tilespmem:s0+$0x40] =	vst v6;
	v17 =	vunpack.i.l.bf16.f32 v18;
	v18 =	vunpack.i.u.bf16.f32 v18;
	v16 =	vmul.f32 v16, v25;
	v25 =	vld [tilespmem:s19+$0x6090]  }
0x12f: {  	v17 =	vmul.f32 v17, v27;
	v27 =	vmul.f32 v18, v8;
	[tilespmem:s30+$0xFFFFFFC0] =	vst v4  }
0x130: {  	s19 =	simm.s32 $0x4D70;
	v4 =	vmul.f32 $1.442695020e+00, v7;
	[tilespmem:s30+$0xFFFFFFD0] =	vst v16;
	v16 =	vunpack.i.u.bf16.f32 v26;
	v26 =	vunpack.i.l.bf16.f32 v26  }
0x131: {  	v30 =	vld [tilespmem:s19+$0xFFFFFFE0];
	[tilespmem:s26+$0xFFFFFFE0] =	vst v17;
	v17 =	vmul.f32 v26, v29;
	v15 =	vmul.f32 v16, v15  }
0x132: {  	v31 =	vld [tilespmem:s28+$0xFFFFFFF0];
	[tilespmem:s26+$0xFFFFFFF0] =	vst v27;
	v16 =	vbroadcast v10, $0x3;
	v29 =	vbroadcast v10, $0x2;
	v7 =	vpop (erf)  }
0x133: {  	(erf) = vpow2.f32 v4;
	v27 =	vld [tilespmem:s4+$0x0];
	v19 =	vbroadcast v7, $0x0;
	v25 =	vadd.f32 v28, v25  }
0x134: {  	v18 =	vbroadcast v7, $0x1;
	v8 =	vbroadcast v7, $0x5  }
0x135: {  	v3 =	vbroadcast v7, $0x6;
	v26 =	vmul.f32 $2.000000030e-01, v25  }
0x136: {  	v4 =	vbroadcast v7, $0x7;
	v28 =	vunpack.i.l.bf16.f32 v30;
	vm0 =	vge.f32 v25, $0.0e+00  }
0x137: {  	s22 =	simm.s32 $0x70;
	[tilespmem:s25+$0x10] =	vst v15;
	v15 =	vunpack.i.u.bf16.f32 v30;
	v21 =	vmul.f32 v21, v28;
	v25 =	vsel vm0, v25, v26  }
0x138: {  	v30 =	vld [tilespmem:s22+$0x6590];
	v26 =	vunpack.i.u.bf16.f32 v31;
	v34 =	vunpack.i.u.bf16.f32 v27;
	v27 =	vunpack.i.l.bf16.f32 v27  }
0x139: {  	[tilespmem:s25+$0x0] =	vst v17;
	v28 =	vld [tilespmem:s22+$0x6090];
	v17 =	vsub.f32 $0.0e+00, v25;
	v25 =	vmul.f32 v23, v15;
	v15 =	vunpack.i.l.bf16.f32 v31  }
0x13a: {  	v32 =	vmul.f32 v26, v16;
	v27 =	vmul.f32 v27, v33  }
0x13b: {  	s10 =	simm.s32 $0x6D10;
	v31 =	vld [tilespmem:s12+$0x10];
	v62 =	vmul.f32 v34, v24;
	v24 =	vbroadcast v6, $0x3  }
0x13c: {  	[tilespmem:s10+$0x40] =	vst v7;
	s12 =	simm.s32 $0x4DB0;
	v29 =	vmul.f32 v15, v29;
	v16 =	vmul.f32 $1.442695020e+00, v17;
	v15 =	vpop (erf)  }
0x13d: {  	[tilespmem:s0+$0xFFFFFFC0] =	vst v21;
	v26 =	vld [tilespmem:s12+$0xFFFFFFE0];
	v23 =	vbroadcast v15, $0x0;
	v21 =	vbroadcast v15, $0x1  }
0x13e: {  	[tilespmem:s0+$0xFFFFFFD0] =	vst v25;
	v28 =	vadd.f32 v30, v28;
	(erf) = vpow2.f32 v16;
	v16 =	vbroadcast v15, $0x5  }
0x13f: {  	[tilespmem:s30+$0xFFFFFFF0] =	vst v32;
	v25 =	vld [tilespmem:s19+$0xFFFFFFF0];
	v17 =	vbroadcast v15, $0x6;
	v12 =	vbroadcast v15, $0x7  }
0x140: {  	[tilespmem:s30+$0xFFFFFFE0] =	vst v29;
	v30 =	vmul.f32 $2.000000030e-01, v28;
	v29 =	vunpack.i.u.bf16.f32 v31;
	v31 =	vunpack.i.l.bf16.f32 v31  }
0x141: {  	s1 =	simm.s32 $0x200;
	s13 =	simm.s32 $0x4DF0;
	s22 =	simm.s32 $0x6DA0;
	[tilespmem:s26+$0x10] =	vst v62;
	vm0 =	vge.f32 v28, $0.0e+00;
	v29 =	vmul.f32 v29, v22;
	v22 =	vld [tilespmem:s28+$0x0];
	v20 =	vmul.f32 v31, v20  }
.LBB2_5:
0x142: {  	v31 =	vunpack.i.u.bf16.f32 v26;
	v26 =	vunpack.i.l.bf16.f32 v26;
	v32 =	vbroadcast v6, $0x2;
	v33 =	vmovc v1;
	v1 =	vmovc v0  }
0x143: {  	s2 =	sshra.s32 s1, $0x2;
	p0 =	sne.s32 s1, $0x13C0;
	s1 =	sadd.s32 $0x40, s1;
	[tilespmem:s25+$0x30] =	vst v29;
	v0 =	vmovc v3;
	v3 =	vmovc v17;
	v29 =	vmov v14;
	v14 =	vmov v5;
	v5 =	vmov v2  }
0x144: {  	v34 =	vld [tilespmem:s2+$0x6590];
	v28 =	vsel vm0, v28, v30;
	v17 =	vmul.f32 v19, v26;
	v26 =	vunpack.i.u.bf16.f32 v25;
	[tilespmem:s26+$0x0] =	vst v27;
	v19 =	vmovc v23  }
0x145: {  	v2 =	vmovc v4;
	v27 =	vmul.f32 v18, v31;
	v18 =	vmovc v21;
	v23 =	vsub.f32 $0.0e+00, v28;
	v28 =	vunpack.i.l.bf16.f32 v25;
	v30 =	vld [tilespmem:s4+$0x10];
	[tilespmem:s25+$0x20] =	vst v20;
	s25 =	smov.u32 s26;
	s26 =	smov.u32 s30;
	s30 =	smov.u32 s0  }
0x146: {  	v4 =	vmov v12;
	v24 =	vmul.f32 v26, v24;
	s0 =	smov.u32 s10;
	s4 =	smov.u32 s28;
	v20 =	vld [tilespmem:s2+$0x6090];
	[tilespmem:s10+$0xFFFFFFC0] =	vst v17;
	v17 =	vmul.f32 v28, v32;
	s10 =	smov.u32 s22  }
0x147: {  	v31 =	vbroadcast v10, $0x4;
	v10 =	vmov v6;
	s28 =	smov.u32 s19;
	s19 =	smov.u32 s12;
	s12 =	smov.u32 s13;
	v12 =	vmul.f32 $1.442695020e+00, v23;
	v25 =	vpop (erf);
	[tilespmem:s22+$0x40] =	vst v15  }
0x148: {  	v6 =	vmovc v7;
	v7 =	vmovc v15;
	v32 =	vunpack.i.u.bf16.f32 v22;
	v23 =	vbroadcast v25, $0x0;
	v21 =	vbroadcast v25, $0x1;
	[tilespmem:s30+$0xFFFFFFE0] =	vst v17  }
.Ltmp1:
0x149: {  	v35 =	vbroadcast v25, $0x5;
	v15 =	vmovc v25;
	(erf) = vpow2.f32 v12;
	v26 =	vld [tilespmem:s13+$0xFFFFFFE0];
	[tilespmem:s0+$0xFFFFFFD0] =	vst v27;
	v27 =	vunpack.i.l.bf16.f32 v22;
	(pc) =	sbr.rel @p0 .LBB2_5-.Ltmp1, $4  }
0x14a: {  	s22 =	sadd.s32 $0x90, s22;
	v17 =	vbroadcast v15, $0x6;
	v12 =	vbroadcast v15, $0x7;
	v25 =	vld [tilespmem:s19+$0xFFFFFFF0];
	[tilespmem:s30+$0xFFFFFFF0] =	vst v24;
	v36 =	vunpack.i.u.bf16.f32 v30  }
0x14b: {  	s13 =	sadd.s32 $0x40, s13;
	v27 =	vmul.f32 v27, v31;
	v28 =	vadd.f32 v34, v20;
	v22 =	vld [tilespmem:s28+$0x0];
	v20 =	vmul.f32 v32, v11;
	v11 =	vmovc v9  }
0x14c: {  	v24 =	vbroadcast v6, $0x3;
	v31 =	vunpack.i.l.bf16.f32 v30;
	v29 =	vmul.f32 v36, v29;
	v9 =	vmovc v8;
	v8 =	vmovc v16  }
0x14d: {  	v16 =	vmovc v35;
	vm0 =	vge.f32 v28, $0.0e+00;
	v30 =	vmul.f32 $2.000000030e-01, v28;
	[tilespmem:s26+$0x10] =	vst v20;
	v20 =	vmul.f32 v31, v13;
	v13 =	vmovc v33  }
0x14e: {  	_ = 	snop  }
0x14f: {  	v28 =	vsel vm0, v28, v30  }
0x150: {  	v28 =	vsub.f32 $0.0e+00, v28;
	_ =	sdelay $0x1  }
0x151: {  	[tilespmem:s26+$0x0] =	vst v27;
	v39 =	vmul.f32 $1.442695020e+00, v28  }
0x152: {  	v40 =	vld [tilespmem:s4+$0x10]  }
0x153: {  	(erf) = vpow2.f32 v39;
	_ =	sdelay $0x1  }
0x154: {  	v41 =	vunpack.i.l.bf16.f32 v26;
	[tilespmem:s25+$0x30] =	vst v29  }
0x155: {  	[tilespmem:s22+$0x40] =	vst v15;
	v48 =	vunpack.i.u.bf16.f32 v26;
	v19 =	vmul.f32 v19, v41  }
0x156: {  	[tilespmem:s25+$0x20] =	vst v20;
	v18 =	vmul.f32 v18, v48;
	v51 =	vunpack.i.u.bf16.f32 v22;
	v46 =	vunpack.i.l.bf16.f32 v40  }
0x157: {  	v47 =	vld [tilespmem:s13+$0xFFFFFFE0];
	[tilespmem:s10+$0xFFFFFFC0] =	vst v19;
	v11 =	vmul.f32 v51, v11;
	v13 =	vmul.f32 v46, v13  }
0x158: {  	[tilespmem:s10+$0xFFFFFFD0] =	vst v18;
	v45 =	vunpack.i.u.bf16.f32 v40  }
0x159: {  	v10 =	vbroadcast v10, $0x4;
	s25 =	sadd.s32 $0x90, s22;
	[tilespmem:s30+$0x10] =	vst v11;
	v20 =	vmul.f32 v45, v14;
	v14 =	vpop (erf)  }
0x15a: {  	s1 =	sadd.s32 $0x40, s13;
	v52 =	vunpack.i.l.bf16.f32 v22;
	[tilespmem:s25+$0x40] =	vst v14  }
0x15b: {  	s2 =	sadd.s32 $0x90, s25;
	v10 =	vmul.f32 v52, v10;
	[tilespmem:s26+$0x20] =	vst v13;
	v50 =	vld [tilespmem:s1+$0xFFFFFFE0];
	v13 =	vpop (erf)  }
0x15c: {  	s15 =	sadd.s32 $0x40, s1;
	v54 =	vunpack.i.l.bf16.f32 v47;
	[tilespmem:s2+$0x40] =	vst v13  }
0x15d: {  	v42 =	vbroadcast v6, $0x2;
	[tilespmem:s30+$0x0] =	vst v10;
	v57 =	vunpack.i.u.bf16.f32 v47;
	v18 =	vmul.f32 v23, v54;
	v53 =	vld [tilespmem:s15+$0xFFFFFFE0]  }
0x15e: {  	v43 =	vunpack.i.l.bf16.f32 v25;
	v59 =	vmul.f32 v21, v57;
	[tilespmem:s26+$0x30] =	vst v20  }
0x15f: {  	v49 =	vunpack.i.u.bf16.f32 v25;
	v44 =	vmul.f32 v43, v42;
	v56 =	vld [tilespmem:s12+$0xFFFFFFF0];
	v55 =	vbroadcast v14, $0x0;
	[tilespmem:s22+$0xFFFFFFC0] =	vst v18  }
0x160: {  	v28 =	vld [tilespmem:s28+$0x10];
	v58 =	vbroadcast v14, $0x1;
	v20 =	vmul.f32 v49, v24;
	[tilespmem:s22+$0xFFFFFFD0] =	vst v59;
	v60 =	vunpack.i.l.bf16.f32 v50  }
0x161: {  	[tilespmem:s0+$0xFFFFFFE0] =	vst v44;
	v33 =	vld [tilespmem:s13+$0xFFFFFFF0];
	v19 =	vunpack.i.u.bf16.f32 v50;
	v11 =	vmul.f32 v55, v60;
	v62 =	vbroadcast v13, $0x0  }
0x162: {  	[tilespmem:s0+$0xFFFFFFF0] =	vst v20;
	v30 =	vmul.f32 v58, v19;
	v29 =	vbroadcast v13, $0x1;
	v31 =	vunpack.i.l.bf16.f32 v53  }
0x163: {  	v32 =	vbroadcast v7, $0x2;
	[tilespmem:s25+$0xFFFFFFC0] =	vst v11;
	v34 =	vunpack.i.u.bf16.f32 v53;
	v18 =	vmul.f32 v62, v31  }
0x164: {  	v36 =	vunpack.i.l.bf16.f32 v56;
	v61 =	vld [tilespmem:s19+$0x0];
	[tilespmem:s25+$0xFFFFFFD0] =	vst v30;
	v37 =	vmul.f32 v29, v34  }
0x165: {  	v42 =	vbroadcast v15, $0x2;
	v22 =	vmul.f32 v36, v32;
	v41 =	vunpack.i.u.bf16.f32 v28;
	v39 =	vld [tilespmem:s1+$0xFFFFFFF0];
	[tilespmem:s2+$0xFFFFFFC0] =	vst v18  }
0x166: {  	v44 =	vbroadcast v15, $0x3;
	v5 =	vmul.f32 v41, v5;
	v45 =	vunpack.i.l.bf16.f32 v33;
	[tilespmem:s2+$0xFFFFFFD0] =	vst v37  }
0x167: {  	v35 =	vbroadcast v7, $0x3;
	[tilespmem:s10+$0xFFFFFFE0] =	vst v22;
	v46 =	vunpack.i.u.bf16.f32 v33;
	v10 =	vmul.f32 v45, v42;
	v43 =	vld [tilespmem:s15+$0xFFFFFFF0]  }
0x168: {  	v25 =	vbroadcast v15, $0x4;
	v38 =	vunpack.i.u.bf16.f32 v56;
	[tilespmem:s30+$0x30] =	vst v5;
	v48 =	vmul.f32 v46, v44  }
0x169: {  	v47 =	vbroadcast v14, $0x2;
	v11 =	vmul.f32 v38, v35;
	v40 =	vunpack.i.u.bf16.f32 v61;
	[tilespmem:s22+$0xFFFFFFE0] =	vst v10  }
0x16a: {  	v49 =	vbroadcast v14, $0x3;
	v9 =	vmul.f32 v40, v9;
	[tilespmem:s22+$0xFFFFFFF0] =	vst v48;
	v50 =	vunpack.i.l.bf16.f32 v39  }
0x16b: {  	v52 =	vbroadcast v13, $0x2;
	[tilespmem:s10+$0xFFFFFFF0] =	vst v11;
	v57 =	vld [tilespmem:s13+$0x0];
	v51 =	vunpack.i.u.bf16.f32 v39;
	v11 =	vmul.f32 v50, v47  }
0x16c: {  	v54 =	vbroadcast v13, $0x3;
	[tilespmem:s0+$0x10] =	vst v9;
	v22 =	vld [tilespmem:s12+$0x0];
	v53 =	vmul.f32 v51, v49;
	v55 =	vunpack.i.l.bf16.f32 v43  }
0x16d: {  	v56 =	vbroadcast v6, $0x4;
	[tilespmem:s25+$0xFFFFFFE0] =	vst v11;
	v58 =	vunpack.i.u.bf16.f32 v43;
	v10 =	vmul.f32 v55, v52  }
0x16e: {  	v59 =	vunpack.i.l.bf16.f32 v61;
	v61 =	vunpack.i.l.bf16.f32 v28;
	[tilespmem:s25+$0xFFFFFFF0] =	vst v53;
	v60 =	vmul.f32 v58, v54  }
0x16f: {  	v6 =	vmul.f32 v59, v56;
	v1 =	vmul.f32 v61, v1;
	v62 =	vld [tilespmem:s1+$0x0];
	[tilespmem:s2+$0xFFFFFFE0] =	vst v10  }
0x170: {  	v26 =	vunpack.i.u.bf16.f32 v57;
	v29 =	vunpack.i.l.bf16.f32 v57;
	v18 =	vbroadcast v7, $0x4;
	[tilespmem:s2+$0xFFFFFFF0] =	vst v60  }
0x171: {  	[tilespmem:s0+$0x0] =	vst v6;
	v19 =	vunpack.i.u.bf16.f32 v22;
	v20 =	vunpack.i.l.bf16.f32 v22;
	v7 =	vmul.f32 v26, v16;
	v22 =	vld [tilespmem:s15+$0x0]  }
0x172: {  	[tilespmem:s30+$0x20] =	vst v1;
	v30 =	vmul.f32 v29, v25  }
0x173: {  	v27 =	vbroadcast v14, $0x5;
	v28 =	vld [tilespmem:s19+$0x10];
	v21 =	vmul.f32 v19, v8;
	[tilespmem:s22+$0x10] =	vst v7  }
0x174: {  	v31 =	vbroadcast v14, $0x4;
	v24 =	vmul.f32 v20, v18;
	[tilespmem:s22+$0x0] =	vst v30;
	v32 =	vunpack.i.u.bf16.f32 v62  }
0x175: {  	v33 =	vbroadcast v13, $0x5;
	[tilespmem:s10+$0x10] =	vst v21;
	v39 =	vld [tilespmem:s13+$0x10];
	v35 =	vunpack.i.l.bf16.f32 v62;
	v6 =	vmul.f32 v32, v27  }
0x176: {  	v37 =	vbroadcast v13, $0x4;
	[tilespmem:s10+$0x0] =	vst v24;
	v36 =	vmul.f32 v35, v31;
	v38 =	vunpack.i.u.bf16.f32 v22  }
0x177: {  	v34 =	vld [tilespmem:s12+$0x10];
	[tilespmem:s25+$0x10] =	vst v6;
	v40 =	vunpack.i.l.bf16.f32 v22;
	v7 =	vmul.f32 v38, v33  }
0x178: {  	v41 =	vunpack.i.u.bf16.f32 v28;
	[tilespmem:s25+$0x0] =	vst v36;
	v42 =	vmul.f32 v40, v37  }
0x179: {  	v2 =	vmul.f32 v41, v2;
	v43 =	vunpack.i.l.bf16.f32 v28;
	v44 =	vld [tilespmem:s1+$0x10];
	[tilespmem:s2+$0x10] =	vst v7  }
0x17a: {  	v0 =	vmul.f32 v43, v0;
	v50 =	vunpack.i.u.bf16.f32 v39;
	[tilespmem:s2+$0x0] =	vst v42  }
0x17b: {  	[tilespmem:s0+$0x30] =	vst v2;
	v52 =	vunpack.i.l.bf16.f32 v39;
	v1 =	vmul.f32 v50, v12;
	v48 =	vld [tilespmem:s15+$0x10]  }
0x17c: {  	[tilespmem:s0+$0x20] =	vst v0;
	v54 =	vmul.f32 v52, v17;
	v45 =	vunpack.i.u.bf16.f32 v34  }
0x17d: {  	v51 =	vbroadcast v14, $0x7;
	v46 =	vunpack.i.l.bf16.f32 v34;
	v47 =	vmul.f32 v45, v4;
	[tilespmem:s22+$0x30] =	vst v1  }
0x17e: {  	v53 =	vbroadcast v14, $0x6;
	v49 =	vmul.f32 v46, v3;
	[tilespmem:s22+$0x20] =	vst v54;
	v55 =	vunpack.i.u.bf16.f32 v44  }
0x17f: {  	s20 =	sadd.s32 $0x1, s20;
	v56 =	vbroadcast v13, $0x7;
	[tilespmem:s10+$0x30] =	vst v47;
	v57 =	vunpack.i.l.bf16.f32 v44;
	v2 =	vmul.f32 v55, v51  }
0x180: {  	p0 =	sne.s32 s20, $0x3E;
	v58 =	vbroadcast v13, $0x6;
	[tilespmem:s10+$0x20] =	vst v49;
	v59 =	vmul.f32 v57, v53;
	v60 =	vunpack.i.u.bf16.f32 v48  }
.Ltmp2:
0x181: {  	[tilespmem:s25+$0x30] =	vst v2;
	v61 =	vunpack.i.l.bf16.f32 v48;
	v1 =	vmul.f32 v60, v56;
	(pc) =	sbr.rel @p0 .LBB2_2-.Ltmp2, $4  }
0x182: {  	[tilespmem:s25+$0x20] =	vst v59;
	v62 =	vmul.f32 v61, v58  }
0x183: {  	[tilespmem:s2+$0x30] =	vst v1  }
0x184: {  	s28 =	simm.s32 $0x9790;
	s30 =	simm.s32 $0x6A90;
	[tilespmem:s2+$0x20] =	vst v62  }
0x185: {  	[spmem:s16] =	stream.indirect.scatter.add.f32 [tilespmem:s30], [sflag:$0xA], $0x90, s28, s21, $0xb8;
	v63 =	vld [tilespmem:$0x0]  }
0x186: {  	_ =	swait.ge [sflag:s3], $0x1400  }
0x187: {  	[sflag:s3] =	ssyncset.done $0x0  }
0x188: {  	[sflag:s3] =	ssyncadd.s32 $0xFFFFEC00  }
0x189: {  	_ =	swait.ge [sflag:s9], $0x500  }
0x18a: {  	[sflag:s9] =	ssyncset.done $0x0  }
0x18b: {  	[sflag:s9] =	ssyncadd.s32 $0xFFFFFB00  }
0x18c: {  	_ =	swait.ge [sflag:s11], $0x500  }
0x18d: {  	[sflag:s11] =	ssyncset.done $0x0  }
0x18e: {  	s15 =	simm.s32 $0x5;
	[sflag:s11] =	ssyncadd.s32 $0xFFFFFB00  }
0x18f: {  	_ =	swait.ge [sflag:s15], $0x2D00  }
0x190: {  	[sflag:s15] =	ssyncset.done $0x0  }
0x191: {  	[sflag:s15] =	ssyncadd.s32 $0xFFFFD300  }
0x192: {  	v0 =	vld [tilespmem:$0x0]  }
0x193: {  	v1 =	vld [tilespmem:$0x10]  }
0x194: {  	v2 =	vld [tilespmem:$0x20]  }
0x195: {  	v3 =	vld [tilespmem:$0x30]  }
0x196: {  	v4 =	vld [tilespmem:$0x40]  }
0x197: {  	[tilespmem:$0x4BA0] =	vst v0  }
0x198: {  	[tilespmem:$0x4BB0] =	vst v1  }
0x199: {  	[tilespmem:$0x4BC0] =	vst v2  }
0x19a: {  	[tilespmem:$0x4BD0] =	vst v3  }
0x19b: {  	s0 =	simm.s32 $0x0;
	[tilespmem:$0x4BE0] =	vst v4  }
0x19c: {  	v0 =	vld [tilespmem:s0+$0x19A0]  }
0x19d: {  	v1 =	vld [tilespmem:s0+$0x14A0];
	_ =	sdelay $0x3  }
0x19e: {  	s12 =	simm.s32 $0x10  }
0x19f: {  	v2 =	vld [tilespmem:s12+$0x14A0];
	v0 =	vadd.f32 v0, v1  }
0x1a0: {  	v1 =	vld [tilespmem:s12+$0x19A0]  }
0x1a1: {  	v3 =	vmul.f32 $2.000000030e-01, v0  }
0x1a2: {  	vm0 =	vge.f32 v0, $0.0e+00  }
0x1a3: {  	s13 =	simm.s32 $0x20;
	v0 =	vsel vm0, v0, v3  }
0x1a4: {  	v3 =	vld [tilespmem:s13+$0x14A0];
	v0 =	vsub.f32 $0.0e+00, v0  }
0x1a5: {  	v1 =	vadd.f32 v1, v2;
	v2 =	vld [tilespmem:s13+$0x19A0]  }
0x1a6: {  	v0 =	vmul.f32 $1.442695020e+00, v0  }
0x1a7: {  	v4 =	vmul.f32 $2.000000030e-01, v1  }
0x1a8: {  	vm0 =	vge.f32 v1, $0.0e+00;
	(erf) = vpow2.f32 v0  }
0x1a9: {  	v0 =	vsel vm0, v1, v4  }
0x1aa: {  	s19 =	simm.s32 $0x30;
	v0 =	vsub.f32 $0.0e+00, v0;
	v1 =	vadd.f32 v2, v3  }
0x1ab: {  	v4 =	vld [tilespmem:s19+$0x14A0]  }
0x1ac: {  	s22 =	simm.s32 $0x50;
	v2 =	vld [tilespmem:s19+$0x19A0];
	v0 =	vmul.f32 $1.442695020e+00, v0;
	v3 =	vmul.f32 $2.000000030e-01, v1  }
0x1ad: {  	v17 =	vld [tilespmem:s22+$0x19A0];
	vm0 =	vge.f32 v1, $0.0e+00  }
0x1ae: {  	v19 =	vld [tilespmem:s22+$0x14A0];
	(erf) = vpow2.f32 v0;
	v0 =	vsel vm0, v1, v3  }
0x1af: {  	v0 =	vsub.f32 $0.0e+00, v0;
	_ =	sdelay $0x1  }
0x1b0: {  	s25 =	simm.s32 $0x1EE0;
	v1 =	vadd.f32 v2, v4;
	v0 =	vmul.f32 $1.442695020e+00, v0;
	v3 =	vpop (erf)  }
0x1b1: {  	s10 =	simm.s32 $0xC0;
	[tilespmem:s25+$0x40] =	vst v3  }
0x1b2: {  	s20 =	simm.s32 $0x40;
	v17 =	vadd.f32 v17, v19;
	(erf) = vpow2.f32 v0;
	v0 =	vmul.f32 $2.000000030e-01, v1;
	v2 =	vld [tilespmem:s10+$0xFFFFFFE0]  }
0x1b3: {  	v5 =	vld [tilespmem:s20+$0x14A0];
	vm0 =	vge.f32 v1, $0.0e+00  }
0x1b4: {  	v19 =	vmul.f32 $2.000000030e-01, v17;
	v4 =	vld [tilespmem:s20+$0x19A0];
	v0 =	vsel vm0, v1, v0  }
0x1b5: {  	v6 =	vbroadcast v3, $0x0;
	v7 =	vbroadcast v3, $0x1;
	v0 =	vsub.f32 $0.0e+00, v0  }
0x1b6: {  	v15 =	vbroadcast v3, $0x5;
	v20 =	vbroadcast v3, $0x6  }
0x1b7: {  	s26 =	simm.s32 $0x1F70;
	v22 =	vbroadcast v3, $0x7;
	v12 =	vpop (erf);
	v0 =	vmul.f32 $1.442695020e+00, v0;
	v1 =	vunpack.i.l.bf16.f32 v2  }
0x1b8: {  	s4 =	simm.s32 $0x100;
	v18 =	vbroadcast v3, $0x3;
	[tilespmem:s26+$0x40] =	vst v12;
	v2 =	vunpack.i.u.bf16.f32 v2;
	v1 =	vmul.f32 v6, v1  }
0x1b9: {  	v4 =	vadd.f32 v4, v5;
	v2 =	vmul.f32 v7, v2;
	(erf) = vpow2.f32 v0;
	v0 =	vld [tilespmem:s4+$0xFFFFFFE0]  }
0x1ba: {  	v29 =	vbroadcast v3, $0x4;
	v8 =	vbroadcast v12, $0x0;
	[tilespmem:s25+$0xFFFFFFC0] =	vst v1  }
0x1bb: {  	v9 =	vbroadcast v12, $0x1;
	v1 =	vmul.f32 $2.000000030e-01, v4;
	[tilespmem:s25+$0xFFFFFFD0] =	vst v2  }
0x1bc: {  	vm0 =	vge.f32 v4, $0.0e+00;
	v24 =	vbroadcast v12, $0x5;
	v13 =	vbroadcast v12, $0x6;
	v2 =	vld [tilespmem:s10+$0xFFFFFFF0]  }
0x1bd: {  	v14 =	vbroadcast v12, $0x7;
	v27 =	vbroadcast v12, $0x2;
	v4 =	vsel vm0, v4, v1  }
0x1be: {  	v33 =	vbroadcast v12, $0x4;
	v10 =	vpop (erf);
	v4 =	vsub.f32 $0.0e+00, v4;
	v6 =	vunpack.i.l.bf16.f32 v0  }
0x1bf: {  	v7 =	vbroadcast v10, $0x0;
	v6 =	vmul.f32 v8, v6  }
0x1c0: {  	s20 =	simm.s32 $0x2000;
	v0 =	vunpack.i.u.bf16.f32 v0;
	v8 =	vbroadcast v3, $0x2;
	v4 =	vmul.f32 $1.442695020e+00, v4  }
0x1c1: {  	s28 =	simm.s32 $0x140;
	[tilespmem:s20+$0x40] =	vst v10;
	v0 =	vmul.f32 v9, v0;
	v9 =	vunpack.i.u.bf16.f32 v2;
	v2 =	vunpack.i.l.bf16.f32 v2  }
0x1c2: {  	[tilespmem:s26+$0xFFFFFFC0] =	vst v6;
	(erf) = vpow2.f32 v4;
	v4 =	vld [tilespmem:s28+$0xFFFFFFE0];
	v2 =	vmul.f32 v2, v8  }
0x1c3: {  	v16 =	vbroadcast v10, $0x1;
	[tilespmem:s26+$0xFFFFFFD0] =	vst v0;
	v8 =	vmul.f32 v9, v18  }
0x1c4: {  	v11 =	vbroadcast v10, $0x5;
	v5 =	vbroadcast v10, $0x7;
	v18 =	vld [tilespmem:s4+$0xFFFFFFF0];
	v6 =	vpop (erf);
	[tilespmem:s25+$0xFFFFFFE0] =	vst v2  }
0x1c5: {  	v1 =	vbroadcast v10, $0x6;
	v21 =	vbroadcast v6, $0x0;
	[tilespmem:s25+$0xFFFFFFF0] =	vst v8  }
0x1c6: {  	vm0 =	vge.f32 v17, $0.0e+00;
	v23 =	vbroadcast v6, $0x1;
	v9 =	vbroadcast v6, $0x5;
	v26 =	vld [tilespmem:s10+$0x0]  }
0x1c7: {  	s30 =	simm.s32 $0x60;
	v0 =	vbroadcast v6, $0x6;
	v25 =	vunpack.i.u.bf16.f32 v4;
	v4 =	vunpack.i.l.bf16.f32 v4  }
0x1c8: {  	v28 =	vld [tilespmem:s30+$0x19A0];
	s0 =	simm.s32 $0x2090;
	v17 =	vsel vm0, v17, v19;
	v8 =	vbroadcast v12, $0x3;
	v4 =	vmul.f32 v7, v4  }
0x1c9: {  	[tilespmem:s0+$0x40] =	vst v6;
	v7 =	vsub.f32 $0.0e+00, v17;
	v17 =	vunpack.i.l.bf16.f32 v18;
	v16 =	vmul.f32 v16, v25;
	v25 =	vld [tilespmem:s30+$0x14A0]  }
0x1ca: {  	s19 =	simm.s32 $0x180;
	v2 =	vbroadcast v6, $0x7;
	v18 =	vunpack.i.u.bf16.f32 v18;
	v17 =	vmul.f32 v17, v27;
	[tilespmem:s20+$0xFFFFFFC0] =	vst v4  }
0x1cb: {  	v30 =	vld [tilespmem:s19+$0xFFFFFFE0];
	v27 =	vmul.f32 v18, v8;
	[tilespmem:s20+$0xFFFFFFD0] =	vst v16;
	v16 =	vunpack.i.u.bf16.f32 v26;
	v26 =	vunpack.i.l.bf16.f32 v26  }
0x1cc: {  	v4 =	vmul.f32 $1.442695020e+00, v7;
	[tilespmem:s26+$0xFFFFFFE0] =	vst v17;
	v17 =	vmul.f32 v26, v29  }
0x1cd: {  	v31 =	vld [tilespmem:s28+$0xFFFFFFF0];
	v15 =	vmul.f32 v16, v15;
	[tilespmem:s26+$0xFFFFFFF0] =	vst v27;
	v16 =	vbroadcast v10, $0x3  }
0x1ce: {  	v29 =	vbroadcast v10, $0x2;
	v7 =	vpop (erf);
	(erf) = vpow2.f32 v4;
	v27 =	vld [tilespmem:s4+$0x0];
	v25 =	vadd.f32 v28, v25  }
0x1cf: {  	s1 =	simm.s32 $0x70;
	v19 =	vbroadcast v7, $0x0;
	v18 =	vbroadcast v7, $0x1  }
0x1d0: {  	[tilespmem:s25+$0x10] =	vst v15;
	v15 =	vunpack.i.u.bf16.f32 v30;
	v28 =	vunpack.i.l.bf16.f32 v30;
	v30 =	vld [tilespmem:s1+$0x19A0];
	v26 =	vmul.f32 $2.000000030e-01, v25  }
0x1d1: {  	v8 =	vbroadcast v7, $0x5;
	v21 =	vmul.f32 v21, v28;
	v28 =	vld [tilespmem:s1+$0x14A0];
	vm0 =	vge.f32 v25, $0.0e+00  }
0x1d2: {  	v3 =	vbroadcast v7, $0x6;
	v4 =	vbroadcast v7, $0x7;
	v25 =	vsel vm0, v25, v26  }
0x1d3: {  	v26 =	vunpack.i.u.bf16.f32 v31;
	v34 =	vunpack.i.u.bf16.f32 v27;
	v27 =	vunpack.i.l.bf16.f32 v27  }
0x1d4: {  	[tilespmem:s25+$0x0] =	vst v17;
	v17 =	vsub.f32 $0.0e+00, v25;
	v25 =	vmul.f32 v23, v15;
	v15 =	vunpack.i.l.bf16.f32 v31  }
0x1d5: {  	v32 =	vmul.f32 v26, v16;
	v27 =	vmul.f32 v27, v33  }
0x1d6: {  	v31 =	vld [tilespmem:s10+$0x10];
	s10 =	simm.s32 $0x2120;
	v62 =	vmul.f32 v34, v24;
	v24 =	vbroadcast v6, $0x3;
	v28 =	vadd.f32 v30, v28  }
0x1d7: {  	s12 =	simm.s32 $0x1C0;
	v29 =	vmul.f32 v15, v29;
	[tilespmem:s10+$0x40] =	vst v7;
	v16 =	vmul.f32 $1.442695020e+00, v17;
	v15 =	vpop (erf)  }
0x1d8: {  	[tilespmem:s0+$0xFFFFFFC0] =	vst v21;
	v26 =	vld [tilespmem:s12+$0xFFFFFFE0];
	v30 =	vmul.f32 $2.000000030e-01, v28;
	v23 =	vbroadcast v15, $0x0  }
0x1d9: {  	[tilespmem:s0+$0xFFFFFFD0] =	vst v25;
	v21 =	vbroadcast v15, $0x1;
	(erf) = vpow2.f32 v16  }
0x1da: {  	[tilespmem:s20+$0xFFFFFFF0] =	vst v32;
	v25 =	vld [tilespmem:s19+$0xFFFFFFF0];
	v16 =	vbroadcast v15, $0x5;
	v17 =	vbroadcast v15, $0x6  }
0x1db: {  	[tilespmem:s20+$0xFFFFFFE0] =	vst v29;
	v12 =	vbroadcast v15, $0x7;
	v29 =	vunpack.i.u.bf16.f32 v31;
	v31 =	vunpack.i.l.bf16.f32 v31  }
0x1dc: {  	s22 =	simm.s32 $0x21B0;
	s13 =	simm.s32 $0x200;
	s1 =	simm.s32 $0x200;
	[tilespmem:s26+$0x10] =	vst v62;
	vm0 =	vge.f32 v28, $0.0e+00;
	v29 =	vmul.f32 v29, v22;
	v22 =	vld [tilespmem:s28+$0x0];
	v20 =	vmul.f32 v31, v20  }
.LBB2_8:
0x1dd: {  	v31 =	vunpack.i.u.bf16.f32 v26;
	v26 =	vunpack.i.l.bf16.f32 v26;
	v32 =	vbroadcast v6, $0x2;
	v33 =	vmovc v1;
	v1 =	vmovc v0  }
0x1de: {  	s2 =	sshra.s32 s1, $0x2;
	p0 =	sne.s32 s1, $0x13C0;
	s1 =	sadd.s32 $0x40, s1;
	[tilespmem:s25+$0x30] =	vst v29;
	v0 =	vmovc v3;
	v3 =	vmovc v17;
	v29 =	vmov v14;
	v14 =	vmov v5;
	v5 =	vmov v2  }
0x1df: {  	v34 =	vld [tilespmem:s2+$0x19A0];
	v28 =	vsel vm0, v28, v30;
	v17 =	vmul.f32 v19, v26;
	v26 =	vunpack.i.u.bf16.f32 v25;
	[tilespmem:s26+$0x0] =	vst v27;
	v19 =	vmovc v23  }
0x1e0: {  	v2 =	vmovc v4;
	v27 =	vmul.f32 v18, v31;
	v18 =	vmovc v21;
	v23 =	vsub.f32 $0.0e+00, v28;
	v28 =	vunpack.i.l.bf16.f32 v25;
	v30 =	vld [tilespmem:s4+$0x10];
	[tilespmem:s25+$0x20] =	vst v20;
	s25 =	smov.u32 s26;
	s26 =	smov.u32 s20;
	s20 =	smov.u32 s0  }
0x1e1: {  	v4 =	vmov v12;
	v24 =	vmul.f32 v26, v24;
	s0 =	smov.u32 s10;
	s4 =	smov.u32 s28;
	v20 =	vld [tilespmem:s2+$0x14A0];
	[tilespmem:s10+$0xFFFFFFC0] =	vst v17;
	v17 =	vmul.f32 v28, v32;
	s10 =	smov.u32 s22  }
0x1e2: {  	v31 =	vbroadcast v10, $0x4;
	v10 =	vmov v6;
	s28 =	smov.u32 s19;
	s19 =	smov.u32 s12;
	s12 =	smov.u32 s13;
	v12 =	vmul.f32 $1.442695020e+00, v23;
	v25 =	vpop (erf);
	[tilespmem:s22+$0x40] =	vst v15  }
0x1e3: {  	v6 =	vmovc v7;
	v7 =	vmovc v15;
	v32 =	vunpack.i.u.bf16.f32 v22;
	v23 =	vbroadcast v25, $0x0;
	v21 =	vbroadcast v25, $0x1;
	[tilespmem:s20+$0xFFFFFFE0] =	vst v17  }
.Ltmp3:
0x1e4: {  	v35 =	vbroadcast v25, $0x5;
	v15 =	vmovc v25;
	(erf) = vpow2.f32 v12;
	v26 =	vld [tilespmem:s13+$0xFFFFFFE0];
	[tilespmem:s0+$0xFFFFFFD0] =	vst v27;
	v27 =	vunpack.i.l.bf16.f32 v22;
	(pc) =	sbr.rel @p0 .LBB2_8-.Ltmp3, $4  }
0x1e5: {  	s22 =	sadd.s32 $0x90, s22;
	v17 =	vbroadcast v15, $0x6;
	v12 =	vbroadcast v15, $0x7;
	v25 =	vld [tilespmem:s19+$0xFFFFFFF0];
	[tilespmem:s20+$0xFFFFFFF0] =	vst v24;
	v36 =	vunpack.i.u.bf16.f32 v30  }
0x1e6: {  	s13 =	sadd.s32 $0x40, s13;
	v27 =	vmul.f32 v27, v31;
	v28 =	vadd.f32 v34, v20;
	v22 =	vld [tilespmem:s28+$0x0];
	v20 =	vmul.f32 v32, v11;
	v11 =	vmovc v9  }
0x1e7: {  	v24 =	vbroadcast v6, $0x3;
	v31 =	vunpack.i.l.bf16.f32 v30;
	v29 =	vmul.f32 v36, v29;
	v9 =	vmovc v8;
	v8 =	vmovc v16  }
0x1e8: {  	v16 =	vmovc v35;
	vm0 =	vge.f32 v28, $0.0e+00;
	v30 =	vmul.f32 $2.000000030e-01, v28;
	[tilespmem:s26+$0x10] =	vst v20;
	v20 =	vmul.f32 v31, v13;
	v13 =	vmovc v33  }
0x1e9: {  	_ = 	snop  }
0x1ea: {  	v28 =	vsel vm0, v28, v30  }
0x1eb: {  	v28 =	vsub.f32 $0.0e+00, v28;
	_ =	sdelay $0x1  }
0x1ec: {  	[tilespmem:s26+$0x0] =	vst v27;
	v39 =	vmul.f32 $1.442695020e+00, v28  }
0x1ed: {  	v40 =	vld [tilespmem:s4+$0x10]  }
0x1ee: {  	(erf) = vpow2.f32 v39;
	_ =	sdelay $0x1  }
0x1ef: {  	v41 =	vunpack.i.l.bf16.f32 v26;
	[tilespmem:s25+$0x30] =	vst v29  }
0x1f0: {  	[tilespmem:s22+$0x40] =	vst v15;
	v48 =	vunpack.i.u.bf16.f32 v26;
	v19 =	vmul.f32 v19, v41  }
0x1f1: {  	[tilespmem:s25+$0x20] =	vst v20;
	v18 =	vmul.f32 v18, v48;
	v51 =	vunpack.i.u.bf16.f32 v22;
	v46 =	vunpack.i.l.bf16.f32 v40  }
0x1f2: {  	v47 =	vld [tilespmem:s13+$0xFFFFFFE0];
	[tilespmem:s10+$0xFFFFFFC0] =	vst v19;
	v11 =	vmul.f32 v51, v11;
	v13 =	vmul.f32 v46, v13  }
0x1f3: {  	[tilespmem:s10+$0xFFFFFFD0] =	vst v18;
	v45 =	vunpack.i.u.bf16.f32 v40  }
0x1f4: {  	v10 =	vbroadcast v10, $0x4;
	s25 =	sadd.s32 $0x90, s22;
	[tilespmem:s20+$0x10] =	vst v11;
	v20 =	vmul.f32 v45, v14;
	v14 =	vpop (erf)  }
0x1f5: {  	s1 =	sadd.s32 $0x40, s13;
	v52 =	vunpack.i.l.bf16.f32 v22;
	[tilespmem:s25+$0x40] =	vst v14  }
0x1f6: {  	s30 =	sadd.s32 $0x90, s25;
	v10 =	vmul.f32 v52, v10;
	[tilespmem:s26+$0x20] =	vst v13;
	v50 =	vld [tilespmem:s1+$0xFFFFFFE0];
	v13 =	vpop (erf)  }
0x1f7: {  	s2 =	sadd.s32 $0x40, s1;
	v54 =	vunpack.i.l.bf16.f32 v47;
	[tilespmem:s30+$0x40] =	vst v13  }
0x1f8: {  	v42 =	vbroadcast v6, $0x2;
	[tilespmem:s20+$0x0] =	vst v10;
	v57 =	vunpack.i.u.bf16.f32 v47;
	v18 =	vmul.f32 v23, v54;
	v53 =	vld [tilespmem:s2+$0xFFFFFFE0]  }
0x1f9: {  	v43 =	vunpack.i.l.bf16.f32 v25;
	v59 =	vmul.f32 v21, v57;
	[tilespmem:s26+$0x30] =	vst v20  }
0x1fa: {  	v49 =	vunpack.i.u.bf16.f32 v25;
	v44 =	vmul.f32 v43, v42;
	v56 =	vld [tilespmem:s12+$0xFFFFFFF0];
	v55 =	vbroadcast v14, $0x0;
	[tilespmem:s22+$0xFFFFFFC0] =	vst v18  }
0x1fb: {  	v28 =	vld [tilespmem:s28+$0x10];
	v58 =	vbroadcast v14, $0x1;
	v20 =	vmul.f32 v49, v24;
	[tilespmem:s22+$0xFFFFFFD0] =	vst v59;
	v60 =	vunpack.i.l.bf16.f32 v50  }
0x1fc: {  	[tilespmem:s0+$0xFFFFFFE0] =	vst v44;
	v33 =	vld [tilespmem:s13+$0xFFFFFFF0];
	v19 =	vunpack.i.u.bf16.f32 v50;
	v11 =	vmul.f32 v55, v60;
	v62 =	vbroadcast v13, $0x0  }
0x1fd: {  	[tilespmem:s0+$0xFFFFFFF0] =	vst v20;
	v30 =	vmul.f32 v58, v19;
	v29 =	vbroadcast v13, $0x1;
	v31 =	vunpack.i.l.bf16.f32 v53  }
0x1fe: {  	v32 =	vbroadcast v7, $0x2;
	[tilespmem:s25+$0xFFFFFFC0] =	vst v11;
	v34 =	vunpack.i.u.bf16.f32 v53;
	v18 =	vmul.f32 v62, v31  }
0x1ff: {  	v36 =	vunpack.i.l.bf16.f32 v56;
	v61 =	vld [tilespmem:s19+$0x0];
	[tilespmem:s25+$0xFFFFFFD0] =	vst v30;
	v37 =	vmul.f32 v29, v34  }
0x200: {  	v42 =	vbroadcast v15, $0x2;
	v22 =	vmul.f32 v36, v32;
	v41 =	vunpack.i.u.bf16.f32 v28;
	v39 =	vld [tilespmem:s1+$0xFFFFFFF0];
	[tilespmem:s30+$0xFFFFFFC0] =	vst v18  }
0x201: {  	v44 =	vbroadcast v15, $0x3;
	v5 =	vmul.f32 v41, v5;
	v45 =	vunpack.i.l.bf16.f32 v33;
	[tilespmem:s30+$0xFFFFFFD0] =	vst v37  }
0x202: {  	v35 =	vbroadcast v7, $0x3;
	[tilespmem:s10+$0xFFFFFFE0] =	vst v22;
	v46 =	vunpack.i.u.bf16.f32 v33;
	v10 =	vmul.f32 v45, v42;
	v43 =	vld [tilespmem:s2+$0xFFFFFFF0]  }
0x203: {  	v25 =	vbroadcast v15, $0x4;
	v38 =	vunpack.i.u.bf16.f32 v56;
	[tilespmem:s20+$0x30] =	vst v5;
	v48 =	vmul.f32 v46, v44  }
0x204: {  	v47 =	vbroadcast v14, $0x2;
	v11 =	vmul.f32 v38, v35;
	v40 =	vunpack.i.u.bf16.f32 v61;
	[tilespmem:s22+$0xFFFFFFE0] =	vst v10  }
0x205: {  	v49 =	vbroadcast v14, $0x3;
	v9 =	vmul.f32 v40, v9;
	[tilespmem:s22+$0xFFFFFFF0] =	vst v48;
	v50 =	vunpack.i.l.bf16.f32 v39  }
0x206: {  	v52 =	vbroadcast v13, $0x2;
	[tilespmem:s10+$0xFFFFFFF0] =	vst v11;
	v57 =	vld [tilespmem:s13+$0x0];
	v51 =	vunpack.i.u.bf16.f32 v39;
	v11 =	vmul.f32 v50, v47  }
0x207: {  	v54 =	vbroadcast v13, $0x3;
	[tilespmem:s0+$0x10] =	vst v9;
	v22 =	vld [tilespmem:s12+$0x0];
	v53 =	vmul.f32 v51, v49;
	v55 =	vunpack.i.l.bf16.f32 v43  }
0x208: {  	v56 =	vbroadcast v6, $0x4;
	[tilespmem:s25+$0xFFFFFFE0] =	vst v11;
	v58 =	vunpack.i.u.bf16.f32 v43;
	v10 =	vmul.f32 v55, v52  }
0x209: {  	v59 =	vunpack.i.l.bf16.f32 v61;
	v61 =	vunpack.i.l.bf16.f32 v28;
	[tilespmem:s25+$0xFFFFFFF0] =	vst v53;
	v60 =	vmul.f32 v58, v54  }
0x20a: {  	v6 =	vmul.f32 v59, v56;
	v1 =	vmul.f32 v61, v1;
	v62 =	vld [tilespmem:s1+$0x0];
	[tilespmem:s30+$0xFFFFFFE0] =	vst v10  }
0x20b: {  	v26 =	vunpack.i.u.bf16.f32 v57;
	v29 =	vunpack.i.l.bf16.f32 v57;
	v18 =	vbroadcast v7, $0x4;
	[tilespmem:s30+$0xFFFFFFF0] =	vst v60  }
0x20c: {  	[tilespmem:s0+$0x0] =	vst v6;
	v19 =	vunpack.i.u.bf16.f32 v22;
	v20 =	vunpack.i.l.bf16.f32 v22;
	v7 =	vmul.f32 v26, v16;
	v22 =	vld [tilespmem:s2+$0x0]  }
0x20d: {  	[tilespmem:s20+$0x20] =	vst v1;
	v30 =	vmul.f32 v29, v25  }
0x20e: {  	v27 =	vbroadcast v14, $0x5;
	v28 =	vld [tilespmem:s19+$0x10];
	v21 =	vmul.f32 v19, v8;
	[tilespmem:s22+$0x10] =	vst v7  }
0x20f: {  	v31 =	vbroadcast v14, $0x4;
	v24 =	vmul.f32 v20, v18;
	[tilespmem:s22+$0x0] =	vst v30;
	v32 =	vunpack.i.u.bf16.f32 v62  }
0x210: {  	v33 =	vbroadcast v13, $0x5;
	[tilespmem:s10+$0x10] =	vst v21;
	v39 =	vld [tilespmem:s13+$0x10];
	v35 =	vunpack.i.l.bf16.f32 v62;
	v6 =	vmul.f32 v32, v27  }
0x211: {  	v37 =	vbroadcast v13, $0x4;
	[tilespmem:s10+$0x0] =	vst v24;
	v36 =	vmul.f32 v35, v31;
	v38 =	vunpack.i.u.bf16.f32 v22  }
0x212: {  	v34 =	vld [tilespmem:s12+$0x10];
	[tilespmem:s25+$0x10] =	vst v6;
	v40 =	vunpack.i.l.bf16.f32 v22;
	v7 =	vmul.f32 v38, v33  }
0x213: {  	v41 =	vunpack.i.u.bf16.f32 v28;
	[tilespmem:s25+$0x0] =	vst v36;
	v42 =	vmul.f32 v40, v37  }
0x214: {  	v2 =	vmul.f32 v41, v2;
	v43 =	vunpack.i.l.bf16.f32 v28;
	v44 =	vld [tilespmem:s1+$0x10];
	[tilespmem:s30+$0x10] =	vst v7  }
0x215: {  	v0 =	vmul.f32 v43, v0;
	v50 =	vunpack.i.u.bf16.f32 v39;
	[tilespmem:s30+$0x0] =	vst v42  }
0x216: {  	[tilespmem:s0+$0x30] =	vst v2;
	v52 =	vunpack.i.l.bf16.f32 v39;
	v1 =	vmul.f32 v50, v12;
	v48 =	vld [tilespmem:s2+$0x10]  }
0x217: {  	[tilespmem:s0+$0x20] =	vst v0;
	v54 =	vmul.f32 v52, v17;
	v45 =	vunpack.i.u.bf16.f32 v34  }
0x218: {  	v51 =	vbroadcast v14, $0x7;
	v46 =	vunpack.i.l.bf16.f32 v34;
	v47 =	vmul.f32 v45, v4;
	[tilespmem:s22+$0x30] =	vst v1  }
0x219: {  	v53 =	vbroadcast v14, $0x6;
	v49 =	vmul.f32 v46, v3;
	[tilespmem:s22+$0x20] =	vst v54;
	v55 =	vunpack.i.u.bf16.f32 v44  }
0x21a: {  	v56 =	vbroadcast v13, $0x7;
	[tilespmem:s10+$0x30] =	vst v47;
	v57 =	vunpack.i.l.bf16.f32 v44;
	v2 =	vmul.f32 v55, v51  }
0x21b: {  	v58 =	vbroadcast v13, $0x6;
	[tilespmem:s10+$0x20] =	vst v49;
	v59 =	vmul.f32 v57, v53;
	v60 =	vunpack.i.u.bf16.f32 v48  }
0x21c: {  	[tilespmem:s25+$0x30] =	vst v2;
	v61 =	vunpack.i.l.bf16.f32 v48;
	v1 =	vmul.f32 v60, v56  }
0x21d: {  	[tilespmem:s25+$0x20] =	vst v59;
	v62 =	vmul.f32 v61, v58  }
0x21e: {  	[tilespmem:s30+$0x30] =	vst v1  }
0x21f: {  	s20 =	simm.s32 $0x4BA0;
	s22 =	simm.s32 $0x1EA0;
	[tilespmem:s30+$0x20] =	vst v62  }
0x220: {  	[spmem:s16] =	stream.indirect.scatter.add.f32 [tilespmem:s22], [sflag:$0x5], $0x90, s20, s21, $0xb8;
	v63 =	vld [tilespmem:$0x0]  }
0x221: {  	_ =	swait.ge [sflag:s15], $0x2D00  }
0x222: {  	[sflag:s15] =	ssyncset.done $0x0  }
0x223: {  	s25 =	simm.s32 $0xA;
	[sflag:s15] =	ssyncadd.s32 $0xFFFFD300  }
0x224: {  	_ =	swait.ge [sflag:s25], $0x2D00  }
0x225: {  	[sflag:s25] =	ssyncset.done $0x0  }
0x226: {  	[sflag:s25] =	ssyncadd.s32 $0xFFFFD300  }
0x227: {  	[bflag:$0x0] =	sbarrier.arrive $0xFFFF  }
0x228: {  	s2 =	rddreg [dreg:$0x5]  }
0x229: {  	s26 =	rddreg [dreg:$0xc]  }
0x22a: {  	s4 =	simm.s32 $0xB;
	s1 =	rddreg [dreg:$0xe]  }
0x22b: {  	[hbm:s26], [sflag:s2] =	dma.local [spmem:s1], $0x2D00  }
0x22c: {  	_ =	swait.ge [sflag:s4], $0x2D00  }
0x22d: {  	s28 =	rddreg [dreg:$0xf]  }
0x22e: {  	s30 =	rddreg [dreg:$0xd];
	s10 =	sadd.s32 $0x1, s28  }
0x22f: {  	p0 =	sne.s32 s10, s30  }
.Ltmp4:
0x230: {  	_ = 	snop;
	(pc) =	sbr.rel @p0 .LBB2_1-.Ltmp4, $3  }
0x231: {  	_ =	sdelay $0x1  }
0x232: {  	[sflag:s4] =	ssyncset.done $0x0  }
0x233: {  	[sflag:s4] =	ssyncadd.s32 $0xFFFFD300  }
0x234: {  	_ =	sfence.sel $0x180000  }
0x235: {  	[bflag:$0x0] =	sbarrier.arrive $0xFFFF  }
0x236: {  	_ =	strace $0x90000047  }
0x237: {  	s0 =	stileid.u32;
	[bflag:$0x2] =	sbarrier.arrive $0xFFFF  }
0x238: {  	p0 =	sne.s32 s0, $0x0;
	s0 =	rddreg [dreg:$0x3]  }
0x239: {  	s0 =	sadd.s32 @!p0 $0x100000, s0  }
0x23a: {  	[sflag:s0] =	ssyncadd.tile.s32 @!p0 $0x1;
	_ =	shalt  }
.Lfunc_end2:
_tile_overlayer_lowered:
.L_overlay_start_2:
0x23b: {  	(tag) =	ssettag $0x2  }
0x23c: {  	s0 =	rddreg [dreg:$0x0];
	s2 =	stileid.u32  }
0x23d: {  	s1 =	rddreg [dreg:$0x1];
	p0 =	sne.s32 s2, $0x0  }
0x23e: {  	s3 =	rddreg [dreg:$0x2];
	[bflag:$0x3] =	sbarrier.arrive $0xFFFF;
	s2 =	simm.s32 @!p0 $0x1C0B  }
0x23f: {  	[timem:s3], [sflag:s2] =	dma.local @!p0 [hbm:s0], s1  }
0x240: {  	s0 =	simm.s32 @!p0 $0xB  }
0x241: {  	_ =	swait.ge @!p0 [sflag:s0], s1  }
0x242: {  	s1 =	ssub.s32 @!p0 $0x0, s1;
	[sflag:s0] =	ssyncset.done @!p0 $0x0  }
0x243: {  	[sflag:s0] =	ssyncadd.s32 @!p0 s1  }
0x244: {  	[bflag:$0x3] =	sbarrier.arrive $0xFFFF  }
0x245: {  	_ =	shalt  }

</sc_bundles>
